<compile_context>
chip_gen: v7x
topology: tpu7x:2x2x1
jax: 0.10.2.dev20260603
libtpu: 0.0.44.dev20260713+nightly
codegen_flags: <defaults>
</compile_context>

<pallas_src>
import functools

import jax
import jax.numpy as jnp
from jax import lax
from jax.experimental import pallas as pl
from jax.experimental.pallas import tpu as pltpu
from jax.experimental.pallas import tpu_sc as plsc

B = 16384
D = 64
NC = 2
NS = 16
NW = NC * NS
L = 16
BPW = B // NW
C = 8
NPAIR = BPW // (2 * C)


def _fast_sqrt(x):
    xm = jnp.maximum(x, jnp.float32(1e-30))
    i = plsc.bitcast(xm, jnp.int32)
    i = jnp.int32(0x5F3759DF) - (i >> 1)
    y = plsc.bitcast(i, jnp.float32)
    for _ in range(3):
        y = y * (jnp.float32(1.5) - jnp.float32(0.5) * xm * y * y)
    return xm * y


def _make_sc_call():
    mesh = plsc.VectorSubcoreMesh(core_axis_name="c", subcore_axis_name="s")

    @functools.partial(
        pl.kernel,
        out_type=jax.ShapeDtypeStruct((B,), jnp.float32),
        mesh=mesh,
        compiler_params=pltpu.CompilerParams(
            needs_layout_passes=False, use_tc_tiling_on_sc=True),
        scratch_types=[
            pltpu.VMEM((BPW + 2 * C,), jnp.int32),
            pltpu.VMEM((BPW + 2 * C,), jnp.int32),
            pltpu.VMEM((BPW + 2 * C,), jnp.int32),
            pltpu.VMEM((8 * C, D), jnp.float32),
            pltpu.VMEM((8 * C, D), jnp.float32),
            pltpu.VMEM((8 * C, D), jnp.float32),
            pltpu.VMEM((8 * C, D), jnp.float32),
            pltpu.VMEM((8 * C, 2 * D), jnp.float32),
            pltpu.VMEM((8 * C, 2 * D), jnp.float32),
            pltpu.VMEM((BPW,), jnp.float32),
            pltpu.SemaphoreType.DMA,
            pltpu.SemaphoreType.DMA,
            pltpu.SemaphoreType.DMA,
        ],
    )
    def trans_h(head_hbm, tail_hbm, rel_hbm, ent_hbm, rn_hbm,
                out_hbm, idx_h, idx_t, idx_r, bh0, bh1, bt0, bt1, brn0, brn1,
                score_v, sem0, sem1, semm):
        wid = lax.axis_index("s") * NC + lax.axis_index("c")
        base = pl.multiple_of(wid * BPW, 128)

        cp1 = pltpu.async_copy(head_hbm.at[pl.ds(base, BPW)],
                               idx_h.at[pl.ds(0, BPW)], semm)
        cp2 = pltpu.async_copy(tail_hbm.at[pl.ds(base, BPW)],
                               idx_t.at[pl.ds(0, BPW)], semm)
        cp3 = pltpu.async_copy(rel_hbm.at[pl.ds(base, BPW)],
                               idx_r.at[pl.ds(0, BPW)], semm)
        zpad = jnp.zeros((L,), jnp.int32)
        idx_h[pl.ds(BPW, L)] = zpad
        idx_t[pl.ds(BPW, L)] = zpad
        idx_r[pl.ds(BPW, L)] = zpad
        cp1.wait()
        cp2.wait()
        cp3.wait()

        sets = ((bh0, bt0, brn0, sem0), (bh1, bt1, brn1, sem1))
        lane = lax.iota(jnp.int32, L)
        two = jnp.float32(2.0)
        emax = jnp.int32(1000000 - 1)
        zero = jnp.int32(0)

        def fire(jj, setidx):
            bh, bt, brn, sem = sets[setidx]
            eh = jnp.clip(idx_h[pl.ds(jj * C, L)], zero, emax)
            et = jnp.clip(idx_t[pl.ds(jj * C, L)], zero, emax)
            er = jnp.clip(idx_r[pl.ds(jj * C, L)], zero, jnp.int32(999))
            for l in range(C):
                r0 = pl.multiple_of((eh[l] >> 3) * 8, 8)
                pltpu.async_copy(ent_hbm.at[pl.ds(r0, 8), :],
                                 bh.at[pl.ds(l * 8, 8), :], sem)
                r1 = pl.multiple_of((et[l] >> 3) * 8, 8)
                pltpu.async_copy(ent_hbm.at[pl.ds(r1, 8), :],
                                 bt.at[pl.ds(l * 8, 8), :], sem)
                r2 = pl.multiple_of((er[l] >> 3) * 8, 8)
                pltpu.async_copy(rn_hbm.at[pl.ds(r2, 8), :],
                                 brn.at[pl.ds(l * 8, 8), :], sem)

        def drain(setidx):
            bh, bt, brn, sem = sets[setidx]
            for buf in (bh, bt):
                pltpu.make_async_copy(
                    ent_hbm.at[pl.ds(0, 8 * C), :], buf, sem).wait()
            pltpu.make_async_copy(
                rn_hbm.at[pl.ds(0, 8 * C), :], brn, sem).wait()

        def compute(jj, setidx, lane_off, ev3, sqv):
            bh, bt, brn, _ = sets[setidx]
            eh, et, er = ev3
            for l in range(C):
                ll = lane_off + l
                rh = l * 8 + (eh[ll] & 7)
                rt = l * 8 + (et[ll] & 7)
                rr = l * 8 + (er[ll] & 7)
                pv = jnp.zeros((L,), jnp.float32)
                av = jnp.zeros((L,), jnp.float32)
                cv = jnp.zeros((L,), jnp.float32)
                qv = jnp.zeros((L,), jnp.float32)
                for kk in range(D // L):
                    sl = pl.ds(L * kk, L)
                    h = bh[rh, sl]
                    t = bt[rt, sl]
                    r = brn[rr, sl]
                    n = brn[rr, pl.ds(D + L * kk, L)]
                    u = h - t + r
                    pv = pv + u * u
                    av = av + u * n
                    cv = cv + n * r
                    qv = qv + n * n
                p = jnp.sum(pv)
                a = jnp.sum(av)
                c = jnp.sum(cv)
                q = jnp.sum(qv)
                s = a - c
                sq = p - two * s * a + s * s * q
                sqv = jnp.where(lane == ll, sq, sqv)
            return sqv

        fire(jnp.int32(0), 0)

        def pair(m, _):
            j0 = m * 2
            j1 = j0 + 1
            gbase = m * L
            eh = idx_h[pl.ds(gbase, L)]
            et = idx_t[pl.ds(gbase, L)]
            er = idx_r[pl.ds(gbase, L)]
            ev3 = (eh, et, er)
            fire(j1, 1)
            drain(0)
            sqv = compute(j0, 0, 0, ev3, jnp.zeros((L,), jnp.float32))
            fire(j0 + 2, 0)
            drain(1)
            sqv = compute(j1, 1, C, ev3, sqv)
            score_v[pl.ds(gbase, L)] = sqv
            return 0

        lax.fori_loop(0, NPAIR, pair, 0)
        drain(0)

        def sqrt_pass(g, _):
            score_v[pl.ds(g * L, L)] = _fast_sqrt(score_v[pl.ds(g * L, L)])
            return 0

        lax.fori_loop(0, BPW // L, sqrt_pass, 0)
        pltpu.sync_copy(score_v, out_hbm.at[pl.ds(base, BPW)])

    return trans_h


_sc_call = _make_sc_call()


@jax.jit
def kernel(head, relation, tail, entity_embedding, relation_embedding,
           normal_vector):
    rel_nv = jnp.concatenate([relation_embedding, normal_vector], axis=1)
    return _sc_call(head, tail, relation, entity_embedding, rel_nv)

# --- scband reference (transcript-rebuilt; emitter-appended) ---
"""Pipeline reference for scband-trans-h-84490596646913 (READ-ONLY COPY).

The authoritative reference and input builder live on the scoring server;
editing this copy changes nothing except your own understanding.
"""

import jax, jax.numpy as jnp
import numpy as np
import math

ENTITY_NUM = 1000000
RELATION_NUM = 1000
HIDDEN_DIM = 64
BATCH = 16384

def _xavier_uniform(key, shape):
    fan_in, fan_out = shape[0], shape[1]
    a = math.sqrt(6.0 / (fan_in + fan_out))
    return jax.random.uniform(key, shape, dtype=jnp.float32, minval=-a, maxval=a)

def setup_inputs(seed: int = 0) -> dict:
    key = jax.random.key(seed)
    k1, k2, k3, k4, k5, k6 = jax.random.split(key, 6)
    head = jax.random.randint(k1, (BATCH,), 0, ENTITY_NUM, dtype=jnp.int64 if jax.config.jax_enable_x64 else jnp.int32).astype(jnp.int32)
    relation = jax.random.randint(k2, (BATCH,), 0, RELATION_NUM).astype(jnp.int32)
    tail = jax.random.randint(k3, (BATCH,), 0, ENTITY_NUM).astype(jnp.int32)
    entity_embedding = _xavier_uniform(k4, (ENTITY_NUM, HIDDEN_DIM))
    relation_embedding = _xavier_uniform(k5, (RELATION_NUM, HIDDEN_DIM))
    normal_vector = _xavier_uniform(k6, (RELATION_NUM, HIDDEN_DIM))
    return {
        "head": head,
        "relation": relation,
        "tail": tail,
        "entity_embedding": entity_embedding,
        "relation_embedding": relation_embedding,
        "normal_vector": normal_vector,
    }

def reference(head, relation, tail, entity_embedding, relation_embedding, normal_vector):
    head_emb = jnp.take(entity_embedding, head, axis=0)
    tail_emb = jnp.take(entity_embedding, tail, axis=0)
    rel_emb = jnp.take(relation_embedding, relation, axis=0)
    nv = jnp.take(normal_vector, relation, axis=0)
    head_proj = head_emb - jnp.sum(head_emb * nv, axis=-1, keepdims=True) * nv
    tail_proj = tail_emb - jnp.sum(tail_emb * nv, axis=-1, keepdims=True) * nv
    diff = head_proj + rel_emb - tail_proj
    score = jnp.linalg.norm(diff, ord=2, axis=-1)
    return score

if __name__ == "__main__":
    import jax
    _d = setup_inputs()
    print(jax.jit(kernel)(*tuple(_d.values())))

</pallas_src>

<mosaic_0001>
#map = affine_map<(d0, d1) -> (0)>
#map1 = affine_map<(d0, d1) -> (0, 0)>
module attributes {stable_mosaic.version = 14 : i64} {
  func.func @trans_h(%arg0: i32, %arg1: i32, %arg2: memref<16384xi32, #tpu.memory_space<hbm>>, %arg3: memref<16384xi32, #tpu.memory_space<hbm>>, %arg4: memref<16384xi32, #tpu.memory_space<hbm>>, %arg5: memref<1000000x64xf32, #tpu.memory_space<hbm>>, %arg6: memref<1000x128xf32, #tpu.memory_space<hbm>>, %arg7: memref<16384xf32, #tpu.memory_space<hbm>>, %arg8: memref<528xi32, #tpu.memory_space<vmem>>, %arg9: memref<528xi32, #tpu.memory_space<vmem>>, %arg10: memref<528xi32, #tpu.memory_space<vmem>>, %arg11: memref<64x64xf32, #tpu.memory_space<vmem>>, %arg12: memref<64x64xf32, #tpu.memory_space<vmem>>, %arg13: memref<64x64xf32, #tpu.memory_space<vmem>>, %arg14: memref<64x64xf32, #tpu.memory_space<vmem>>, %arg15: memref<64x128xf32, #tpu.memory_space<vmem>>, %arg16: memref<64x128xf32, #tpu.memory_space<vmem>>, %arg17: memref<512xf32, #tpu.memory_space<vmem>>, %arg18: memref<!tpu.dma_semaphore, #tpu.memory_space<semaphore_mem>>, %arg19: memref<!tpu.dma_semaphore, #tpu.memory_space<semaphore_mem>>, %arg20: memref<!tpu.dma_semaphore, #tpu.memory_space<semaphore_mem>>) attributes {dimension_semantics = [#tpu.dimension_semantics<core_parallel>, #tpu.dimension_semantics<subcore_parallel>], iteration_bounds = array<i64: 2, 16>, scalar_prefetch = 0 : i64, scratch_operands = 13 : i64, tpu.core_type = #tpu.core_type<sc_vector_subcore>, window_params = [{transform_indices = #map}, {transform_indices = #map}, {transform_indices = #map}, {transform_indices = #map1}, {transform_indices = #map1}, {transform_indices = #map}]} {
    %mul3A = arith.constant 2 : i32
    %mul3A_0 = arith.muli %arg1, %mul3A : i32
    %add3A = arith.addi %mul3A_0, %arg0 : i32
    %mul3A_1 = arith.constant 512 : i32
    %mul3A_2 = arith.muli %add3A, %mul3A_1 : i32
    %multiple_of3A = tpu.assume_multiple %mul3A_2, 128 : i32
    %dma_start3A = arith.constant 0 : i32
    %dma_start3A_3 = tpu.memref_slice %arg8[%dma_start3A] : memref<528xi32, #tpu.memory_space<vmem>> -> memref<512xi32, #tpu.memory_space<vmem>>
    %dma_start3A_4 = tpu.memref_slice %arg2[%multiple_of3A] : memref<16384xi32, #tpu.memory_space<hbm>> -> memref<512xi32, #tpu.memory_space<hbm>>
    %dma_start3A_5 = arith.constant 0 : i32
    %dma_start3A_6 = tpu.memref_slice %arg8[%dma_start3A_5] : memref<528xi32, #tpu.memory_space<vmem>> -> memref<512xi32, #tpu.memory_space<vmem>>
    %dma_start3A_7 = tpu.memref_slice %arg2[%multiple_of3A] : memref<16384xi32, #tpu.memory_space<hbm>> -> memref<512xi32, #tpu.memory_space<hbm>>
    tpu.enqueue_dma source(%dma_start3A_7 : memref<512xi32, #tpu.memory_space<hbm>>) target(%dma_start3A_6 : memref<512xi32, #tpu.memory_space<vmem>>) target_semaphore(%arg20 : memref<!tpu.dma_semaphore, #tpu.memory_space<semaphore_mem>>)
    %dma_start3A_8 = arith.constant 0 : i32
    %dma_start3A_9 = tpu.memref_slice %arg9[%dma_start3A_8] : memref<528xi32, #tpu.memory_space<vmem>> -> memref<512xi32, #tpu.memory_space<vmem>>
    %dma_start3A_10 = tpu.memref_slice %arg3[%multiple_of3A] : memref<16384xi32, #tpu.memory_space<hbm>> -> memref<512xi32, #tpu.memory_space<hbm>>
    %dma_start3A_11 = arith.constant 0 : i32
    %dma_start3A_12 = tpu.memref_slice %arg9[%dma_start3A_11] : memref<528xi32, #tpu.memory_space<vmem>> -> memref<512xi32, #tpu.memory_space<vmem>>
    %dma_start3A_13 = tpu.memref_slice %arg3[%multiple_of3A] : memref<16384xi32, #tpu.memory_space<hbm>> -> memref<512xi32, #tpu.memory_space<hbm>>
    tpu.enqueue_dma source(%dma_start3A_13 : memref<512xi32, #tpu.memory_space<hbm>>) target(%dma_start3A_12 : memref<512xi32, #tpu.memory_space<vmem>>) target_semaphore(%arg20 : memref<!tpu.dma_semaphore, #tpu.memory_space<semaphore_mem>>)
    %dma_start3A_14 = arith.constant 0 : i32
    %dma_start3A_15 = tpu.memref_slice %arg10[%dma_start3A_14] : memref<528xi32, #tpu.memory_space<vmem>> -> memref<512xi32, #tpu.memory_space<vmem>>
    %dma_start3A_16 = tpu.memref_slice %arg4[%multiple_of3A] : memref<16384xi32, #tpu.memory_space<hbm>> -> memref<512xi32, #tpu.memory_space<hbm>>
    %dma_start3A_17 = arith.constant 0 : i32
    %dma_start3A_18 = tpu.memref_slice %arg10[%dma_start3A_17] : memref<528xi32, #tpu.memory_space<vmem>> -> memref<512xi32, #tpu.memory_space<vmem>>
    %dma_start3A_19 = tpu.memref_slice %arg4[%multiple_of3A] : memref<16384xi32, #tpu.memory_space<hbm>> -> memref<512xi32, #tpu.memory_space<hbm>>
    tpu.enqueue_dma source(%dma_start3A_19 : memref<512xi32, #tpu.memory_space<hbm>>) target(%dma_start3A_18 : memref<512xi32, #tpu.memory_space<vmem>>) target_semaphore(%arg20 : memref<!tpu.dma_semaphore, #tpu.memory_space<semaphore_mem>>)
    %broadcast_in_dim3A = arith.constant 0 : i32
    %broadcast_in_dim3A_20 = vector.broadcast %broadcast_in_dim3A : i32 to vector<16xi32>
    %swap3A = arith.constant 512 : index
    %swap3A_21 = tpu.vector_load %arg8[%swap3A] {strides = array<i32>} : memref<528xi32, #tpu.memory_space<vmem>>, vector<16xi32>,
    tpu.vector_store %arg8[%swap3A], %broadcast_in_dim3A_20 {strides = array<i32>} : memref<528xi32, #tpu.memory_space<vmem>>, vector<16xi32>,
    %swap3A_22 = arith.constant 512 : index
    %swap3A_23 = tpu.vector_load %arg9[%swap3A_22] {strides = array<i32>} : memref<528xi32, #tpu.memory_space<vmem>>, vector<16xi32>,
    tpu.vector_store %arg9[%swap3A_22], %broadcast_in_dim3A_20 {strides = array<i32>} : memref<528xi32, #tpu.memory_space<vmem>>, vector<16xi32>,
    %swap3A_24 = arith.constant 512 : index
    %swap3A_25 = tpu.vector_load %arg10[%swap3A_24] {strides = array<i32>} : memref<528xi32, #tpu.memory_space<vmem>>, vector<16xi32>,
    tpu.vector_store %arg10[%swap3A_24], %broadcast_in_dim3A_20 {strides = array<i32>} : memref<528xi32, #tpu.memory_space<vmem>>, vector<16xi32>,
    %dma_wait3A = arith.constant 0 : i32
    %dma_wait3A_26 = tpu.memref_slice %arg8[%dma_wait3A] : memref<528xi32, #tpu.memory_space<vmem>> -> memref<512xi32, #tpu.memory_space<vmem>>
    %dma_wait3A_27 = tpu.memref_slice %arg2[%multiple_of3A] : memref<16384xi32, #tpu.memory_space<hbm>> -> memref<512xi32, #tpu.memory_space<hbm>>
    %dma_wait3A_28 = arith.constant 0 : i32
    %dma_wait3A_29 = tpu.memref_slice %arg8[%dma_wait3A_28] : memref<528xi32, #tpu.memory_space<vmem>> -> memref<512xi32, #tpu.memory_space<vmem>>
    %dma_wait3A_30 = tpu.memref_slice %arg2[%multiple_of3A] : memref<16384xi32, #tpu.memory_space<hbm>> -> memref<512xi32, #tpu.memory_space<hbm>>
    tpu.wait_dma2 semaphore(%arg20 : memref<!tpu.dma_semaphore, #tpu.memory_space<semaphore_mem>>) src(%dma_wait3A_30 : memref<512xi32, #tpu.memory_space<hbm>>) dst(%dma_wait3A_29 : memref<512xi32, #tpu.memory_space<vmem>>)
    %dma_wait3A_31 = arith.constant 0 : i32
    %dma_wait3A_32 = tpu.memref_slice %arg9[%dma_wait3A_31] : memref<528xi32, #tpu.memory_space<vmem>> -> memref<512xi32, #tpu.memory_space<vmem>>
    %dma_wait3A_33 = tpu.memref_slice %arg3[%multiple_of3A] : memref<16384xi32, #tpu.memory_space<hbm>> -> memref<512xi32, #tpu.memory_space<hbm>>
    %dma_wait3A_34 = arith.constant 0 : i32
    %dma_wait3A_35 = tpu.memref_slice %arg9[%dma_wait3A_34] : memref<528xi32, #tpu.memory_space<vmem>> -> memref<512xi32, #tpu.memory_space<vmem>>
    %dma_wait3A_36 = tpu.memref_slice %arg3[%multiple_of3A] : memref<16384xi32, #tpu.memory_space<hbm>> -> memref<512xi32, #tpu.memory_space<hbm>>
    tpu.wait_dma2 semaphore(%arg20 : memref<!tpu.dma_semaphore, #tpu.memory_space<semaphore_mem>>) src(%dma_wait3A_36 : memref<512xi32, #tpu.memory_space<hbm>>) dst(%dma_wait3A_35 : memref<512xi32, #tpu.memory_space<vmem>>)
    %dma_wait3A_37 = arith.constant 0 : i32
    %dma_wait3A_38 = tpu.memref_slice %arg10[%dma_wait3A_37] : memref<528xi32, #tpu.memory_space<vmem>> -> memref<512xi32, #tpu.memory_space<vmem>>
    %dma_wait3A_39 = tpu.memref_slice %arg4[%multiple_of3A] : memref<16384xi32, #tpu.memory_space<hbm>> -> memref<512xi32, #tpu.memory_space<hbm>>
    %dma_wait3A_40 = arith.constant 0 : i32
    %dma_wait3A_41 = tpu.memref_slice %arg10[%dma_wait3A_40] : memref<528xi32, #tpu.memory_space<vmem>> -> memref<512xi32, #tpu.memory_space<vmem>>
    %dma_wait3A_42 = tpu.memref_slice %arg4[%multiple_of3A] : memref<16384xi32, #tpu.memory_space<hbm>> -> memref<512xi32, #tpu.memory_space<hbm>>
    tpu.wait_dma2 semaphore(%arg20 : memref<!tpu.dma_semaphore, #tpu.memory_space<semaphore_mem>>) src(%dma_wait3A_42 : memref<512xi32, #tpu.memory_space<hbm>>) dst(%dma_wait3A_41 : memref<512xi32, #tpu.memory_space<vmem>>)
    %iota3A = tpu.iota {dimensions = array<i32: 0>} : vector<16xi32>
    %mul3A_43 = arith.constant 0 : i32
    %mul3A_44 = arith.constant 8 : i32
    %mul3A_45 = arith.muli %mul3A_43, %mul3A_44 : i32
    %get3A = arith.index_cast %mul3A_45 : i32 to index
    %get3A_46 = tpu.vector_load %arg8[%get3A] {strides = array<i32>} : memref<528xi32, #tpu.memory_space<vmem>>, vector<16xi32>,
    %jit3A = arith.constant 0 : i32
    %jit3A_47 = arith.constant 999999 : i32
    %max3A = vector.broadcast %jit3A : i32 to vector<16xi32>
    %max3A_48 = arith.maxsi %max3A, %get3A_46 : vector<16xi32>
    %min3A = vector.broadcast %jit3A_47 : i32 to vector<16xi32>
    %min3A_49 = arith.minsi %min3A, %max3A_48 : vector<16xi32>
    %mul3A_50 = arith.constant 0 : i32
    %mul3A_51 = arith.constant 8 : i32
    %mul3A_52 = arith.muli %mul3A_50, %mul3A_51 : i32
    %get3A_53 = arith.index_cast %mul3A_52 : i32 to index
    %get3A_54 = tpu.vector_load %arg9[%get3A_53] {strides = array<i32>} : memref<528xi32, #tpu.memory_space<vmem>>, vector<16xi32>,
    %jit3A_55 = arith.constant 0 : i32
    %jit3A_56 = arith.constant 999999 : i32
    %max3A_57 = vector.broadcast %jit3A_55 : i32 to vector<16xi32>
    %max3A_58 = arith.maxsi %max3A_57, %get3A_54 : vector<16xi32>
    %min3A_59 = vector.broadcast %jit3A_56 : i32 to vector<16xi32>
    %min3A_60 = arith.minsi %min3A_59, %max3A_58 : vector<16xi32>
    %mul3A_61 = arith.constant 0 : i32
    %mul3A_62 = arith.constant 8 : i32
    %mul3A_63 = arith.muli %mul3A_61, %mul3A_62 : i32
    %get3A_64 = arith.index_cast %mul3A_63 : i32 to index
    %get3A_65 = tpu.vector_load %arg10[%get3A_64] {strides = array<i32>} : memref<528xi32, #tpu.memory_space<vmem>>, vector<16xi32>,
    %jit3A_66 = arith.constant 0 : i32
    %jit3A_67 = arith.constant 999 : i32
    %max3A_68 = vector.broadcast %jit3A_66 : i32 to vector<16xi32>
    %max3A_69 = arith.maxsi %max3A_68, %get3A_65 : vector<16xi32>
    %min3A_70 = vector.broadcast %jit3A_67 : i32 to vector<16xi32>
    %min3A_71 = arith.minsi %min3A_70, %max3A_69 : vector<16xi32>
    %slice3A = vector.extract_strided_slice %min3A_49 {offsets = [0], sizes = [1], strides = [1]} : vector<16xi32> to vector<1xi32>
    %squeeze3A = vector.extract %slice3A[0] : i32 from vector<1xi32>
    %shift_right_arithmetic3A = arith.constant 3 : i32
    %shift_right_arithmetic3A_72 = arith.shrsi %squeeze3A, %shift_right_arithmetic3A : i32
    %mul3A_73 = arith.constant 8 : i32
    %mul3A_74 = arith.muli %shift_right_arithmetic3A_72, %mul3A_73 : i32
    %multiple_of3A_75 = tpu.assume_multiple %mul3A_74, 8 : i32
    %dma_start3A_76 = arith.constant 0 : i32
    %dma_start3A_77 = arith.constant 0 : i32
    %dma_start3A_78 = tpu.memref_slice %arg11[%dma_start3A_76, %dma_start3A_77] : memref<64x64xf32, #tpu.memory_space<vmem>> -> memref<8x64xf32, #tpu.memory_space<vmem>>
    %dma_start3A_79 = arith.constant 0 : i32
    %dma_start3A_80 = tpu.memref_slice %arg5[%multiple_of3A_75, %dma_start3A_79] : memref<1000000x64xf32, #tpu.memory_space<hbm>> -> memref<8x64xf32, #tpu.memory_space<hbm>>
    %dma_start3A_81 = arith.constant 0 : i32
    %dma_start3A_82 = arith.constant 0 : i32
    %dma_start3A_83 = tpu.memref_slice %arg11[%dma_start3A_81, %dma_start3A_82] : memref<64x64xf32, #tpu.memory_space<vmem>> -> memref<8x64xf32, #tpu.memory_space<vmem>>
    %dma_start3A_84 = arith.constant 0 : i32
    %dma_start3A_85 = tpu.memref_slice %arg5[%multiple_of3A_75, %dma_start3A_84] : memref<1000000x64xf32, #tpu.memory_space<hbm>> -> memref<8x64xf32, #tpu.memory_space<hbm>>
    tpu.enqueue_dma source(%dma_start3A_85 : memref<8x64xf32, #tpu.memory_space<hbm>>) target(%dma_start3A_83 : memref<8x64xf32, #tpu.memory_space<vmem>>) target_semaphore(%arg18 : memref<!tpu.dma_semaphore, #tpu.memory_space<semaphore_mem>>)
    %slice3A_86 = vector.extract_strided_slice %min3A_60 {offsets = [0], sizes = [1], strides = [1]} : vector<16xi32> to vector<1xi32>
    %squeeze3A_87 = vector.extract %slice3A_86[0] : i32 from vector<1xi32>
    %shift_right_arithmetic3A_88 = arith.constant 3 : i32
    %shift_right_arithmetic3A_89 = arith.shrsi %squeeze3A_87, %shift_right_arithmetic3A_88 : i32
    %mul3A_90 = arith.constant 8 : i32
    %mul3A_91 = arith.muli %shift_right_arithmetic3A_89, %mul3A_90 : i32
    %multiple_of3A_92 = tpu.assume_multiple %mul3A_91, 8 : i32
    %dma_start3A_93 = arith.constant 0 : i32
    %dma_start3A_94 = arith.constant 0 : i32
    %dma_start3A_95 = tpu.memref_slice %arg13[%dma_start3A_93, %dma_start3A_94] : memref<64x64xf32, #tpu.memory_space<vmem>> -> memref<8x64xf32, #tpu.memory_space<vmem>>
    %dma_start3A_96 = arith.constant 0 : i32
    %dma_start3A_97 = tpu.memref_slice %arg5[%multiple_of3A_92, %dma_start3A_96] : memref<1000000x64xf32, #tpu.memory_space<hbm>> -> memref<8x64xf32, #tpu.memory_space<hbm>>
    %dma_start3A_98 = arith.constant 0 : i32
    %dma_start3A_99 = arith.constant 0 : i32
    %dma_start3A_100 = tpu.memref_slice %arg13[%dma_start3A_98, %dma_start3A_99] : memref<64x64xf32, #tpu.memory_space<vmem>> -> memref<8x64xf32, #tpu.memory_space<vmem>>
    %dma_start3A_101 = arith.constant 0 : i32
    %dma_start3A_102 = tpu.memref_slice %arg5[%multiple_of3A_92, %dma_start3A_101] : memref<1000000x64xf32, #tpu.memory_space<hbm>> -> memref<8x64xf32, #tpu.memory_space<hbm>>
    tpu.enqueue_dma source(%dma_start3A_102 : memref<8x64xf32, #tpu.memory_space<hbm>>) target(%dma_start3A_100 : memref<8x64xf32, #tpu.memory_space<vmem>>) target_semaphore(%arg18 : memref<!tpu.dma_semaphore, #tpu.memory_space<semaphore_mem>>)
    %slice3A_103 = vector.extract_strided_slice %min3A_71 {offsets = [0], sizes = [1], strides = [1]} : vector<16xi32> to vector<1xi32>
    %squeeze3A_104 = vector.extract %slice3A_103[0] : i32 from vector<1xi32>
    %shift_right_arithmetic3A_105 = arith.constant 3 : i32
    %shift_right_arithmetic3A_106 = arith.shrsi %squeeze3A_104, %shift_right_arithmetic3A_105 : i32
    %mul3A_107 = arith.constant 8 : i32
    %mul3A_108 = arith.muli %shift_right_arithmetic3A_106, %mul3A_107 : i32
    %multiple_of3A_109 = tpu.assume_multiple %mul3A_108, 8 : i32
    %dma_start3A_110 = arith.constant 0 : i32
    %dma_start3A_111 = arith.constant 0 : i32
    %dma_start3A_112 = tpu.memref_slice %arg15[%dma_start3A_110, %dma_start3A_111] : memref<64x128xf32, #tpu.memory_space<vmem>> -> memref<8x128xf32, #tpu.memory_space<vmem>>
    %dma_start3A_113 = arith.constant 0 : i32
    %dma_start3A_114 = tpu.memref_slice %arg6[%multiple_of3A_109, %dma_start3A_113] : memref<1000x128xf32, #tpu.memory_space<hbm>> -> memref<8x128xf32, #tpu.memory_space<hbm>>
    %dma_start3A_115 = arith.constant 0 : i32
    %dma_start3A_116 = arith.constant 0 : i32
    %dma_start3A_117 = tpu.memref_slice %arg15[%dma_start3A_115, %dma_start3A_116] : memref<64x128xf32, #tpu.memory_space<vmem>> -> memref<8x128xf32, #tpu.memory_space<vmem>>
    %dma_start3A_118 = arith.constant 0 : i32
    %dma_start3A_119 = tpu.memref_slice %arg6[%multiple_of3A_109, %dma_start3A_118] : memref<1000x128xf32, #tpu.memory_space<hbm>> -> memref<8x128xf32, #tpu.memory_space<hbm>>
    tpu.enqueue_dma source(%dma_start3A_119 : memref<8x128xf32, #tpu.memory_space<hbm>>) target(%dma_start3A_117 : memref<8x128xf32, #tpu.memory_space<vmem>>) target_semaphore(%arg18 : memref<!tpu.dma_semaphore, #tpu.memory_space<semaphore_mem>>)
    %slice3A_120 = vector.extract_strided_slice %min3A_49 {offsets = [1], sizes = [1], strides = [1]} : vector<16xi32> to vector<1xi32>
    %squeeze3A_121 = vector.extract %slice3A_120[0] : i32 from vector<1xi32>
    %shift_right_arithmetic3A_122 = arith.constant 3 : i32
    %shift_right_arithmetic3A_123 = arith.shrsi %squeeze3A_121, %shift_right_arithmetic3A_122 : i32
    %mul3A_124 = arith.constant 8 : i32
    %mul3A_125 = arith.muli %shift_right_arithmetic3A_123, %mul3A_124 : i32
    %multiple_of3A_126 = tpu.assume_multiple %mul3A_125, 8 : i32
    %dma_start3A_127 = arith.constant 8 : i32
    %dma_start3A_128 = arith.constant 0 : i32
    %dma_start3A_129 = tpu.memref_slice %arg11[%dma_start3A_127, %dma_start3A_128] : memref<64x64xf32, #tpu.memory_space<vmem>> -> memref<8x64xf32, #tpu.memory_space<vmem>>
    %dma_start3A_130 = arith.constant 0 : i32
    %dma_start3A_131 = tpu.memref_slice %arg5[%multiple_of3A_126, %dma_start3A_130] : memref<1000000x64xf32, #tpu.memory_space<hbm>> -> memref<8x64xf32, #tpu.memory_space<hbm>>
    %dma_start3A_132 = arith.constant 8 : i32
    %dma_start3A_133 = arith.constant 0 : i32
    %dma_start3A_134 = tpu.memref_slice %arg11[%dma_start3A_132, %dma_start3A_133] : memref<64x64xf32, #tpu.memory_space<vmem>> -> memref<8x64xf32, #tpu.memory_space<vmem>>
    %dma_start3A_135 = arith.constant 0 : i32
    %dma_start3A_136 = tpu.memref_slice %arg5[%multiple_of3A_126, %dma_start3A_135] : memref<1000000x64xf32, #tpu.memory_space<hbm>> -> memref<8x64xf32, #tpu.memory_space<hbm>>
    tpu.enqueue_dma source(%dma_start3A_136 : memref<8x64xf32, #tpu.memory_space<hbm>>) target(%dma_start3A_134 : memref<8x64xf32, #tpu.memory_space<vmem>>) target_semaphore(%arg18 : memref<!tpu.dma_semaphore, #tpu.memory_space<semaphore_mem>>)
    %slice3A_137 = vector.extract_strided_slice %min3A_60 {offsets = [1], sizes = [1], strides = [1]} : vector<16xi32> to vector<1xi32>
    %squeeze3A_138 = vector.extract %slice3A_137[0] : i32 from vector<1xi32>
    %shift_right_arithmetic3A_139 = arith.constant 3 : i32
    %shift_right_arithmetic3A_140 = arith.shrsi %squeeze3A_138, %shift_right_arithmetic3A_139 : i32
    %mul3A_141 = arith.constant 8 : i32
    %mul3A_142 = arith.muli %shift_right_arithmetic3A_140, %mul3A_141 : i32
    %multiple_of3A_143 = tpu.assume_multiple %mul3A_142, 8 : i32
    %dma_start3A_144 = arith.constant 8 : i32
    %dma_start3A_145 = arith.constant 0 : i32
    %dma_start3A_146 = tpu.memref_slice %arg13[%dma_start3A_144, %dma_start3A_145] : memref<64x64xf32, #tpu.memory_space<vmem>> -> memref<8x64xf32, #tpu.memory_space<vmem>>
    %dma_start3A_147 = arith.constant 0 : i32
    %dma_start3A_148 = tpu.memref_slice %arg5[%multiple_of3A_143, %dma_start3A_147] : memref<1000000x64xf32, #tpu.memory_space<hbm>> -> memref<8x64xf32, #tpu.memory_space<hbm>>
    %dma_start3A_149 = arith.constant 8 : i32
    %dma_start3A_150 = arith.constant 0 : i32
    %dma_start3A_151 = tpu.memref_slice %arg13[%dma_start3A_149, %dma_start3A_150] : memref<64x64xf32, #tpu.memory_space<vmem>> -> memref<8x64xf32, #tpu.memory_space<vmem>>
    %dma_start3A_152 = arith.constant 0 : i32
    %dma_start3A_153 = tpu.memref_slice %arg5[%multiple_of3A_143, %dma_start3A_152] : memref<1000000x64xf32, #tpu.memory_space<hbm>> -> memref<8x64xf32, #tpu.memory_space<hbm>>
    tpu.enqueue_dma source(%dma_start3A_153 : memref<8x64xf32, #tpu.memory_space<hbm>>) target(%dma_start3A_151 : memref<8x64xf32, #tpu.memory_space<vmem>>) target_semaphore(%arg18 : memref<!tpu.dma_semaphore, #tpu.memory_space<semaphore_mem>>)
    %slice3A_154 = vector.extract_strided_slice %min3A_71 {offsets = [1], sizes = [1], strides = [1]} : vector<16xi32> to vector<1xi32>
    %squeeze3A_155 = vector.extract %slice3A_154[0] : i32 from vector<1xi32>
    %shift_right_arithmetic3A_156 = arith.constant 3 : i32
    %shift_right_arithmetic3A_157 = arith.shrsi %squeeze3A_155, %shift_right_arithmetic3A_156 : i32
    %mul3A_158 = arith.constant 8 : i32
    %mul3A_159 = arith.muli %shift_right_arithmetic3A_157, %mul3A_158 : i32
    %multiple_of3A_160 = tpu.assume_multiple %mul3A_159, 8 : i32
    %dma_start3A_161 = arith.constant 8 : i32
    %dma_start3A_162 = arith.constant 0 : i32
    %dma_start3A_163 = tpu.memref_slice %arg15[%dma_start3A_161, %dma_start3A_162] : memref<64x128xf32, #tpu.memory_space<vmem>> -> memref<8x128xf32, #tpu.memory_space<vmem>>
    %dma_start3A_164 = arith.constant 0 : i32
    %dma_start3A_165 = tpu.memref_slice %arg6[%multiple_of3A_160, %dma_start3A_164] : memref<1000x128xf32, #tpu.memory_space<hbm>> -> memref<8x128xf32, #tpu.memory_space<hbm>>
    %dma_start3A_166 = arith.constant 8 : i32
    %dma_start3A_167 = arith.constant 0 : i32
    %dma_start3A_168 = tpu.memref_slice %arg15[%dma_start3A_166, %dma_start3A_167] : memref<64x128xf32, #tpu.memory_space<vmem>> -> memref<8x128xf32, #tpu.memory_space<vmem>>
    %dma_start3A_169 = arith.constant 0 : i32
    %dma_start3A_170 = tpu.memref_slice %arg6[%multiple_of3A_160, %dma_start3A_169] : memref<1000x128xf32, #tpu.memory_space<hbm>> -> memref<8x128xf32, #tpu.memory_space<hbm>>
    tpu.enqueue_dma source(%dma_start3A_170 : memref<8x128xf32, #tpu.memory_space<hbm>>) target(%dma_start3A_168 : memref<8x128xf32, #tpu.memory_space<vmem>>) target_semaphore(%arg18 : memref<!tpu.dma_semaphore, #tpu.memory_space<semaphore_mem>>)
    %slice3A_171 = vector.extract_strided_slice %min3A_49 {offsets = [2], sizes = [1], strides = [1]} : vector<16xi32> to vector<1xi32>
    %squeeze3A_172 = vector.extract %slice3A_171[0] : i32 from vector<1xi32>
    %shift_right_arithmetic3A_173 = arith.constant 3 : i32
    %shift_right_arithmetic3A_174 = arith.shrsi %squeeze3A_172, %shift_right_arithmetic3A_173 : i32
    %mul3A_175 = arith.constant 8 : i32
    %mul3A_176 = arith.muli %shift_right_arithmetic3A_174, %mul3A_175 : i32
    %multiple_of3A_177 = tpu.assume_multiple %mul3A_176, 8 : i32
    %dma_start3A_178 = arith.constant 16 : i32
    %dma_start3A_179 = arith.constant 0 : i32
    %dma_start3A_180 = tpu.memref_slice %arg11[%dma_start3A_178, %dma_start3A_179] : memref<64x64xf32, #tpu.memory_space<vmem>> -> memref<8x64xf32, #tpu.memory_space<vmem>>
    %dma_start3A_181 = arith.constant 0 : i32
    %dma_start3A_182 = tpu.memref_slice %arg5[%multiple_of3A_177, %dma_start3A_181] : memref<1000000x64xf32, #tpu.memory_space<hbm>> -> memref<8x64xf32, #tpu.memory_space<hbm>>
    %dma_start3A_183 = arith.constant 16 : i32
    %dma_start3A_184 = arith.constant 0 : i32
    %dma_start3A_185 = tpu.memref_slice %arg11[%dma_start3A_183, %dma_start3A_184] : memref<64x64xf32, #tpu.memory_space<vmem>> -> memref<8x64xf32, #tpu.memory_space<vmem>>
    %dma_start3A_186 = arith.constant 0 : i32
    %dma_start3A_187 = tpu.memref_slice %arg5[%multiple_of3A_177, %dma_start3A_186] : memref<1000000x64xf32, #tpu.memory_space<hbm>> -> memref<8x64xf32, #tpu.memory_space<hbm>>
    tpu.enqueue_dma source(%dma_start3A_187 : memref<8x64xf32, #tpu.memory_space<hbm>>) target(%dma_start3A_185 : memref<8x64xf32, #tpu.memory_space<vmem>>) target_semaphore(%arg18 : memref<!tpu.dma_semaphore, #tpu.memory_space<semaphore_mem>>)
    %slice3A_188 = vector.extract_strided_slice %min3A_60 {offsets = [2], sizes = [1], strides = [1]} : vector<16xi32> to vector<1xi32>
    %squeeze3A_189 = vector.extract %slice3A_188[0] : i32 from vector<1xi32>
    %shift_right_arithmetic3A_190 = arith.constant 3 : i32
    %shift_right_arithmetic3A_191 = arith.shrsi %squeeze3A_189, %shift_right_arithmetic3A_190 : i32
    %mul3A_192 = arith.constant 8 : i32
    %mul3A_193 = arith.muli %shift_right_arithmetic3A_191, %mul3A_192 : i32
    %multiple_of3A_194 = tpu.assume_multiple %mul3A_193, 8 : i32
    %dma_start3A_195 = arith.constant 16 : i32
    %dma_start3A_196 = arith.constant 0 : i32
    %dma_start3A_197 = tpu.memref_slice %arg13[%dma_start3A_195, %dma_start3A_196] : memref<64x64xf32, #tpu.memory_space<vmem>> -> memref<8x64xf32, #tpu.memory_space<vmem>>
    %dma_start3A_198 = arith.constant 0 : i32
    %dma_start3A_199 = tpu.memref_slice %arg5[%multiple_of3A_194, %dma_start3A_198] : memref<1000000x64xf32, #tpu.memory_space<hbm>> -> memref<8x64xf32, #tpu.memory_space<hbm>>
    %dma_start3A_200 = arith.constant 16 : i32
    %dma_start3A_201 = arith.constant 0 : i32
    %dma_start3A_202 = tpu.memref_slice %arg13[%dma_start3A_200, %dma_start3A_201] : memref<64x64xf32, #tpu.memory_space<vmem>> -> memref<8x64xf32, #tpu.memory_space<vmem>>
    %dma_start3A_203 = arith.constant 0 : i32
    %dma_start3A_204 = tpu.memref_slice %arg5[%multiple_of3A_194, %dma_start3A_203] : memref<1000000x64xf32, #tpu.memory_space<hbm>> -> memref<8x64xf32, #tpu.memory_space<hbm>>
    tpu.enqueue_dma source(%dma_start3A_204 : memref<8x64xf32, #tpu.memory_space<hbm>>) target(%dma_start3A_202 : memref<8x64xf32, #tpu.memory_space<vmem>>) target_semaphore(%arg18 : memref<!tpu.dma_semaphore, #tpu.memory_space<semaphore_mem>>)
    %slice3A_205 = vector.extract_strided_slice %min3A_71 {offsets = [2], sizes = [1], strides = [1]} : vector<16xi32> to vector<1xi32>
    %squeeze3A_206 = vector.extract %slice3A_205[0] : i32 from vector<1xi32>
    %shift_right_arithmetic3A_207 = arith.constant 3 : i32
    %shift_right_arithmetic3A_208 = arith.shrsi %squeeze3A_206, %shift_right_arithmetic3A_207 : i32
    %mul3A_209 = arith.constant 8 : i32
    %mul3A_210 = arith.muli %shift_right_arithmetic3A_208, %mul3A_209 : i32
    %multiple_of3A_211 = tpu.assume_multiple %mul3A_210, 8 : i32
    %dma_start3A_212 = arith.constant 16 : i32
    %dma_start3A_213 = arith.constant 0 : i32
    %dma_start3A_214 = tpu.memref_slice %arg15[%dma_start3A_212, %dma_start3A_213] : memref<64x128xf32, #tpu.memory_space<vmem>> -> memref<8x128xf32, #tpu.memory_space<vmem>>
    %dma_start3A_215 = arith.constant 0 : i32
    %dma_start3A_216 = tpu.memref_slice %arg6[%multiple_of3A_211, %dma_start3A_215] : memref<1000x128xf32, #tpu.memory_space<hbm>> -> memref<8x128xf32, #tpu.memory_space<hbm>>
    %dma_start3A_217 = arith.constant 16 : i32
    %dma_start3A_218 = arith.constant 0 : i32
    %dma_start3A_219 = tpu.memref_slice %arg15[%dma_start3A_217, %dma_start3A_218] : memref<64x128xf32, #tpu.memory_space<vmem>> -> memref<8x128xf32, #tpu.memory_space<vmem>>
    %dma_start3A_220 = arith.constant 0 : i32
    %dma_start3A_221 = tpu.memref_slice %arg6[%multiple_of3A_211, %dma_start3A_220] : memref<1000x128xf32, #tpu.memory_space<hbm>> -> memref<8x128xf32, #tpu.memory_space<hbm>>
    tpu.enqueue_dma source(%dma_start3A_221 : memref<8x128xf32, #tpu.memory_space<hbm>>) target(%dma_start3A_219 : memref<8x128xf32, #tpu.memory_space<vmem>>) target_semaphore(%arg18 : memref<!tpu.dma_semaphore, #tpu.memory_space<semaphore_mem>>)
    %slice3A_222 = vector.extract_strided_slice %min3A_49 {offsets = [3], sizes = [1], strides = [1]} : vector<16xi32> to vector<1xi32>
    %squeeze3A_223 = vector.extract %slice3A_222[0] : i32 from vector<1xi32>
    %shift_right_arithmetic3A_224 = arith.constant 3 : i32
    %shift_right_arithmetic3A_225 = arith.shrsi %squeeze3A_223, %shift_right_arithmetic3A_224 : i32
    %mul3A_226 = arith.constant 8 : i32
    %mul3A_227 = arith.muli %shift_right_arithmetic3A_225, %mul3A_226 : i32
    %multiple_of3A_228 = tpu.assume_multiple %mul3A_227, 8 : i32
    %dma_start3A_229 = arith.constant 24 : i32
    %dma_start3A_230 = arith.constant 0 : i32
    %dma_start3A_231 = tpu.memref_slice %arg11[%dma_start3A_229, %dma_start3A_230] : memref<64x64xf32, #tpu.memory_space<vmem>> -> memref<8x64xf32, #tpu.memory_space<vmem>>
    %dma_start3A_232 = arith.constant 0 : i32
    %dma_start3A_233 = tpu.memref_slice %arg5[%multiple_of3A_228, %dma_start3A_232] : memref<1000000x64xf32, #tpu.memory_space<hbm>> -> memref<8x64xf32, #tpu.memory_space<hbm>>
    %dma_start3A_234 = arith.constant 24 : i32
    %dma_start3A_235 = arith.constant 0 : i32
    %dma_start3A_236 = tpu.memref_slice %arg11[%dma_start3A_234, %dma_start3A_235] : memref<64x64xf32, #tpu.memory_space<vmem>> -> memref<8x64xf32, #tpu.memory_space<vmem>>
    %dma_start3A_237 = arith.constant 0 : i32
    %dma_start3A_238 = tpu.memref_slice %arg5[%multiple_of3A_228, %dma_start3A_237] : memref<1000000x64xf32, #tpu.memory_space<hbm>> -> memref<8x64xf32, #tpu.memory_space<hbm>>
    tpu.enqueue_dma source(%dma_start3A_238 : memref<8x64xf32, #tpu.memory_space<hbm>>) target(%dma_start3A_236 : memref<8x64xf32, #tpu.memory_space<vmem>>) target_semaphore(%arg18 : memref<!tpu.dma_semaphore, #tpu.memory_space<semaphore_mem>>)
    %slice3A_239 = vector.extract_strided_slice %min3A_60 {offsets = [3], sizes = [1], strides = [1]} : vector<16xi32> to vector<1xi32>
    %squeeze3A_240 = vector.extract %slice3A_239[0] : i32 from vector<1xi32>
    %shift_right_arithmetic3A_241 = arith.constant 3 : i32
    %shift_right_arithmetic3A_242 = arith.shrsi %squeeze3A_240, %shift_right_arithmetic3A_241 : i32
    %mul3A_243 = arith.constant 8 : i32
    %mul3A_244 = arith.muli %shift_right_arithmetic3A_242, %mul3A_243 : i32
    %multiple_of3A_245 = tpu.assume_multiple %mul3A_244, 8 : i32
    %dma_start3A_246 = arith.constant 24 : i32
    %dma_start3A_247 = arith.constant 0 : i32
    %dma_start3A_248 = tpu.memref_slice %arg13[%dma_start3A_246, %dma_start3A_247] : memref<64x64xf32, #tpu.memory_space<vmem>> -> memref<8x64xf32, #tpu.memory_space<vmem>>
    %dma_start3A_249 = arith.constant 0 : i32
    %dma_start3A_250 = tpu.memref_slice %arg5[%multiple_of3A_245, %dma_start3A_249] : memref<1000000x64xf32, #tpu.memory_space<hbm>> -> memref<8x64xf32, #tpu.memory_space<hbm>>
    %dma_start3A_251 = arith.constant 24 : i32
    %dma_start3A_252 = arith.constant 0 : i32
    %dma_start3A_253 = tpu.memref_slice %arg13[%dma_start3A_251, %dma_start3A_252] : memref<64x64xf32, #tpu.memory_space<vmem>> -> memref<8x64xf32, #tpu.memory_space<vmem>>
    %dma_start3A_254 = arith.constant 0 : i32
    %dma_start3A_255 = tpu.memref_slice %arg5[%multiple_of3A_245, %dma_start3A_254] : memref<1000000x64xf32, #tpu.memory_space<hbm>> -> memref<8x64xf32, #tpu.memory_space<hbm>>
    tpu.enqueue_dma source(%dma_start3A_255 : memref<8x64xf32, #tpu.memory_space<hbm>>) target(%dma_start3A_253 : memref<8x64xf32, #tpu.memory_space<vmem>>) target_semaphore(%arg18 : memref<!tpu.dma_semaphore, #tpu.memory_space<semaphore_mem>>)
    %slice3A_256 = vector.extract_strided_slice %min3A_71 {offsets = [3], sizes = [1], strides = [1]} : vector<16xi32> to vector<1xi32>
    %squeeze3A_257 = vector.extract %slice3A_256[0] : i32 from vector<1xi32>
    %shift_right_arithmetic3A_258 = arith.constant 3 : i32
    %shift_right_arithmetic3A_259 = arith.shrsi %squeeze3A_257, %shift_right_arithmetic3A_258 : i32
    %mul3A_260 = arith.constant 8 : i32
    %mul3A_261 = arith.muli %shift_right_arithmetic3A_259, %mul3A_260 : i32
    %multiple_of3A_262 = tpu.assume_multiple %mul3A_261, 8 : i32
    %dma_start3A_263 = arith.constant 24 : i32
    %dma_start3A_264 = arith.constant 0 : i32
    %dma_start3A_265 = tpu.memref_slice %arg15[%dma_start3A_263, %dma_start3A_264] : memref<64x128xf32, #tpu.memory_space<vmem>> -> memref<8x128xf32, #tpu.memory_space<vmem>>
    %dma_start3A_266 = arith.constant 0 : i32
    %dma_start3A_267 = tpu.memref_slice %arg6[%multiple_of3A_262, %dma_start3A_266] : memref<1000x128xf32, #tpu.memory_space<hbm>> -> memref<8x128xf32, #tpu.memory_space<hbm>>
    %dma_start3A_268 = arith.constant 24 : i32
    %dma_start3A_269 = arith.constant 0 : i32
    %dma_start3A_270 = tpu.memref_slice %arg15[%dma_start3A_268, %dma_start3A_269] : memref<64x128xf32, #tpu.memory_space<vmem>> -> memref<8x128xf32, #tpu.memory_space<vmem>>
    %dma_start3A_271 = arith.constant 0 : i32
    %dma_start3A_272 = tpu.memref_slice %arg6[%multiple_of3A_262, %dma_start3A_271] : memref<1000x128xf32, #tpu.memory_space<hbm>> -> memref<8x128xf32, #tpu.memory_space<hbm>>
    tpu.enqueue_dma source(%dma_start3A_272 : memref<8x128xf32, #tpu.memory_space<hbm>>) target(%dma_start3A_270 : memref<8x128xf32, #tpu.memory_space<vmem>>) target_semaphore(%arg18 : memref<!tpu.dma_semaphore, #tpu.memory_space<semaphore_mem>>)
    %slice3A_273 = vector.extract_strided_slice %min3A_49 {offsets = [4], sizes = [1], strides = [1]} : vector<16xi32> to vector<1xi32>
    %squeeze3A_274 = vector.extract %slice3A_273[0] : i32 from vector<1xi32>
    %shift_right_arithmetic3A_275 = arith.constant 3 : i32
    %shift_right_arithmetic3A_276 = arith.shrsi %squeeze3A_274, %shift_right_arithmetic3A_275 : i32
    %mul3A_277 = arith.constant 8 : i32
    %mul3A_278 = arith.muli %shift_right_arithmetic3A_276, %mul3A_277 : i32
    %multiple_of3A_279 = tpu.assume_multiple %mul3A_278, 8 : i32
    %dma_start3A_280 = arith.constant 32 : i32
    %dma_start3A_281 = arith.constant 0 : i32
    %dma_start3A_282 = tpu.memref_slice %arg11[%dma_start3A_280, %dma_start3A_281] : memref<64x64xf32, #tpu.memory_space<vmem>> -> memref<8x64xf32, #tpu.memory_space<vmem>>
    %dma_start3A_283 = arith.constant 0 : i32
    %dma_start3A_284 = tpu.memref_slice %arg5[%multiple_of3A_279, %dma_start3A_283] : memref<1000000x64xf32, #tpu.memory_space<hbm>> -> memref<8x64xf32, #tpu.memory_space<hbm>>
    %dma_start3A_285 = arith.constant 32 : i32
    %dma_start3A_286 = arith.constant 0 : i32
    %dma_start3A_287 = tpu.memref_slice %arg11[%dma_start3A_285, %dma_start3A_286] : memref<64x64xf32, #tpu.memory_space<vmem>> -> memref<8x64xf32, #tpu.memory_space<vmem>>
    %dma_start3A_288 = arith.constant 0 : i32
    %dma_start3A_289 = tpu.memref_slice %arg5[%multiple_of3A_279, %dma_start3A_288] : memref<1000000x64xf32, #tpu.memory_space<hbm>> -> memref<8x64xf32, #tpu.memory_space<hbm>>
    tpu.enqueue_dma source(%dma_start3A_289 : memref<8x64xf32, #tpu.memory_space<hbm>>) target(%dma_start3A_287 : memref<8x64xf32, #tpu.memory_space<vmem>>) target_semaphore(%arg18 : memref<!tpu.dma_semaphore, #tpu.memory_space<semaphore_mem>>)
    %slice3A_290 = vector.extract_strided_slice %min3A_60 {offsets = [4], sizes = [1], strides = [1]} : vector<16xi32> to vector<1xi32>
    %squeeze3A_291 = vector.extract %slice3A_290[0] : i32 from vector<1xi32>
    %shift_right_arithmetic3A_292 = arith.constant 3 : i32
    %shift_right_arithmetic3A_293 = arith.shrsi %squeeze3A_291, %shift_right_arithmetic3A_292 : i32
    %mul3A_294 = arith.constant 8 : i32
    %mul3A_295 = arith.muli %shift_right_arithmetic3A_293, %mul3A_294 : i32
    %multiple_of3A_296 = tpu.assume_multiple %mul3A_295, 8 : i32
    %dma_start3A_297 = arith.constant 32 : i32
    %dma_start3A_298 = arith.constant 0 : i32
    %dma_start3A_299 = tpu.memref_slice %arg13[%dma_start3A_297, %dma_start3A_298] : memref<64x64xf32, #tpu.memory_space<vmem>> -> memref<8x64xf32, #tpu.memory_space<vmem>>
    %dma_start3A_300 = arith.constant 0 : i32
    %dma_start3A_301 = tpu.memref_slice %arg5[%multiple_of3A_296, %dma_start3A_300] : memref<1000000x64xf32, #tpu.memory_space<hbm>> -> memref<8x64xf32, #tpu.memory_space<hbm>>
    %dma_start3A_302 = arith.constant 32 : i32
    %dma_start3A_303 = arith.constant 0 : i32
    %dma_start3A_304 = tpu.memref_slice %arg13[%dma_start3A_302, %dma_start3A_303] : memref<64x64xf32, #tpu.memory_space<vmem>> -> memref<8x64xf32, #tpu.memory_space<vmem>>
    %dma_start3A_305 = arith.constant 0 : i32
    %dma_start3A_306 = tpu.memref_slice %arg5[%multiple_of3A_296, %dma_start3A_305] : memref<1000000x64xf32, #tpu.memory_space<hbm>> -> memref<8x64xf32, #tpu.memory_space<hbm>>
    tpu.enqueue_dma source(%dma_start3A_306 : memref<8x64xf32, #tpu.memory_space<hbm>>) target(%dma_start3A_304 : memref<8x64xf32, #tpu.memory_space<vmem>>) target_semaphore(%arg18 : memref<!tpu.dma_semaphore, #tpu.memory_space<semaphore_mem>>)
    %slice3A_307 = vector.extract_strided_slice %min3A_71 {offsets = [4], sizes = [1], strides = [1]} : vector<16xi32> to vector<1xi32>
    %squeeze3A_308 = vector.extract %slice3A_307[0] : i32 from vector<1xi32>
    %shift_right_arithmetic3A_309 = arith.constant 3 : i32
    %shift_right_arithmetic3A_310 = arith.shrsi %squeeze3A_308, %shift_right_arithmetic3A_309 : i32
    %mul3A_311 = arith.constant 8 : i32
    %mul3A_312 = arith.muli %shift_right_arithmetic3A_310, %mul3A_311 : i32
    %multiple_of3A_313 = tpu.assume_multiple %mul3A_312, 8 : i32
    %dma_start3A_314 = arith.constant 32 : i32
    %dma_start3A_315 = arith.constant 0 : i32
    %dma_start3A_316 = tpu.memref_slice %arg15[%dma_start3A_314, %dma_start3A_315] : memref<64x128xf32, #tpu.memory_space<vmem>> -> memref<8x128xf32, #tpu.memory_space<vmem>>
    %dma_start3A_317 = arith.constant 0 : i32
    %dma_start3A_318 = tpu.memref_slice %arg6[%multiple_of3A_313, %dma_start3A_317] : memref<1000x128xf32, #tpu.memory_space<hbm>> -> memref<8x128xf32, #tpu.memory_space<hbm>>
    %dma_start3A_319 = arith.constant 32 : i32
    %dma_start3A_320 = arith.constant 0 : i32
    %dma_start3A_321 = tpu.memref_slice %arg15[%dma_start3A_319, %dma_start3A_320] : memref<64x128xf32, #tpu.memory_space<vmem>> -> memref<8x128xf32, #tpu.memory_space<vmem>>
    %dma_start3A_322 = arith.constant 0 : i32
    %dma_start3A_323 = tpu.memref_slice %arg6[%multiple_of3A_313, %dma_start3A_322] : memref<1000x128xf32, #tpu.memory_space<hbm>> -> memref<8x128xf32, #tpu.memory_space<hbm>>
    tpu.enqueue_dma source(%dma_start3A_323 : memref<8x128xf32, #tpu.memory_space<hbm>>) target(%dma_start3A_321 : memref<8x128xf32, #tpu.memory_space<vmem>>) target_semaphore(%arg18 : memref<!tpu.dma_semaphore, #tpu.memory_space<semaphore_mem>>)
    %slice3A_324 = vector.extract_strided_slice %min3A_49 {offsets = [5], sizes = [1], strides = [1]} : vector<16xi32> to vector<1xi32>
    %squeeze3A_325 = vector.extract %slice3A_324[0] : i32 from vector<1xi32>
    %shift_right_arithmetic3A_326 = arith.constant 3 : i32
    %shift_right_arithmetic3A_327 = arith.shrsi %squeeze3A_325, %shift_right_arithmetic3A_326 : i32
    %mul3A_328 = arith.constant 8 : i32
    %mul3A_329 = arith.muli %shift_right_arithmetic3A_327, %mul3A_328 : i32
    %multiple_of3A_330 = tpu.assume_multiple %mul3A_329, 8 : i32
    %dma_start3A_331 = arith.constant 40 : i32
    %dma_start3A_332 = arith.constant 0 : i32
    %dma_start3A_333 = tpu.memref_slice %arg11[%dma_start3A_331, %dma_start3A_332] : memref<64x64xf32, #tpu.memory_space<vmem>> -> memref<8x64xf32, #tpu.memory_space<vmem>>
    %dma_start3A_334 = arith.constant 0 : i32
    %dma_start3A_335 = tpu.memref_slice %arg5[%multiple_of3A_330, %dma_start3A_334] : memref<1000000x64xf32, #tpu.memory_space<hbm>> -> memref<8x64xf32, #tpu.memory_space<hbm>>
    %dma_start3A_336 = arith.constant 40 : i32
    %dma_start3A_337 = arith.constant 0 : i32
    %dma_start3A_338 = tpu.memref_slice %arg11[%dma_start3A_336, %dma_start3A_337] : memref<64x64xf32, #tpu.memory_space<vmem>> -> memref<8x64xf32, #tpu.memory_space<vmem>>
    %dma_start3A_339 = arith.constant 0 : i32
    %dma_start3A_340 = tpu.memref_slice %arg5[%multiple_of3A_330, %dma_start3A_339] : memref<1000000x64xf32, #tpu.memory_space<hbm>> -> memref<8x64xf32, #tpu.memory_space<hbm>>
    tpu.enqueue_dma source(%dma_start3A_340 : memref<8x64xf32, #tpu.memory_space<hbm>>) target(%dma_start3A_338 : memref<8x64xf32, #tpu.memory_space<vmem>>) target_semaphore(%arg18 : memref<!tpu.dma_semaphore, #tpu.memory_space<semaphore_mem>>)
    %slice3A_341 = vector.extract_strided_slice %min3A_60 {offsets = [5], sizes = [1], strides = [1]} : vector<16xi32> to vector<1xi32>
    %squeeze3A_342 = vector.extract %slice3A_341[0] : i32 from vector<1xi32>
    %shift_right_arithmetic3A_343 = arith.constant 3 : i32
    %shift_right_arithmetic3A_344 = arith.shrsi %squeeze3A_342, %shift_right_arithmetic3A_343 : i32
    %mul3A_345 = arith.constant 8 : i32
    %mul3A_346 = arith.muli %shift_right_arithmetic3A_344, %mul3A_345 : i32
    %multiple_of3A_347 = tpu.assume_multiple %mul3A_346, 8 : i32
    %dma_start3A_348 = arith.constant 40 : i32
    %dma_start3A_349 = arith.constant 0 : i32
    %dma_start3A_350 = tpu.memref_slice %arg13[%dma_start3A_348, %dma_start3A_349] : memref<64x64xf32, #tpu.memory_space<vmem>> -> memref<8x64xf32, #tpu.memory_space<vmem>>
    %dma_start3A_351 = arith.constant 0 : i32
    %dma_start3A_352 = tpu.memref_slice %arg5[%multiple_of3A_347, %dma_start3A_351] : memref<1000000x64xf32, #tpu.memory_space<hbm>> -> memref<8x64xf32, #tpu.memory_space<hbm>>
    %dma_start3A_353 = arith.constant 40 : i32
    %dma_start3A_354 = arith.constant 0 : i32
    %dma_start3A_355 = tpu.memref_slice %arg13[%dma_start3A_353, %dma_start3A_354] : memref<64x64xf32, #tpu.memory_space<vmem>> -> memref<8x64xf32, #tpu.memory_space<vmem>>
    %dma_start3A_356 = arith.constant 0 : i32
    %dma_start3A_357 = tpu.memref_slice %arg5[%multiple_of3A_347, %dma_start3A_356] : memref<1000000x64xf32, #tpu.memory_space<hbm>> -> memref<8x64xf32, #tpu.memory_space<hbm>>
    tpu.enqueue_dma source(%dma_start3A_357 : memref<8x64xf32, #tpu.memory_space<hbm>>) target(%dma_start3A_355 : memref<8x64xf32, #tpu.memory_space<vmem>>) target_semaphore(%arg18 : memref<!tpu.dma_semaphore, #tpu.memory_space<semaphore_mem>>)
    %slice3A_358 = vector.extract_strided_slice %min3A_71 {offsets = [5], sizes = [1], strides = [1]} : vector<16xi32> to vector<1xi32>
    %squeeze3A_359 = vector.extract %slice3A_358[0] : i32 from vector<1xi32>
    %shift_right_arithmetic3A_360 = arith.constant 3 : i32
    %shift_right_arithmetic3A_361 = arith.shrsi %squeeze3A_359, %shift_right_arithmetic3A_360 : i32
    %mul3A_362 = arith.constant 8 : i32
    %mul3A_363 = arith.muli %shift_right_arithmetic3A_361, %mul3A_362 : i32
    %multiple_of3A_364 = tpu.assume_multiple %mul3A_363, 8 : i32
    %dma_start3A_365 = arith.constant 40 : i32
    %dma_start3A_366 = arith.constant 0 : i32
    %dma_start3A_367 = tpu.memref_slice %arg15[%dma_start3A_365, %dma_start3A_366] : memref<64x128xf32, #tpu.memory_space<vmem>> -> memref<8x128xf32, #tpu.memory_space<vmem>>
    %dma_start3A_368 = arith.constant 0 : i32
    %dma_start3A_369 = tpu.memref_slice %arg6[%multiple_of3A_364, %dma_start3A_368] : memref<1000x128xf32, #tpu.memory_space<hbm>> -> memref<8x128xf32, #tpu.memory_space<hbm>>
    %dma_start3A_370 = arith.constant 40 : i32
    %dma_start3A_371 = arith.constant 0 : i32
    %dma_start3A_372 = tpu.memref_slice %arg15[%dma_start3A_370, %dma_start3A_371] : memref<64x128xf32, #tpu.memory_space<vmem>> -> memref<8x128xf32, #tpu.memory_space<vmem>>
    %dma_start3A_373 = arith.constant 0 : i32
    %dma_start3A_374 = tpu.memref_slice %arg6[%multiple_of3A_364, %dma_start3A_373] : memref<1000x128xf32, #tpu.memory_space<hbm>> -> memref<8x128xf32, #tpu.memory_space<hbm>>
    tpu.enqueue_dma source(%dma_start3A_374 : memref<8x128xf32, #tpu.memory_space<hbm>>) target(%dma_start3A_372 : memref<8x128xf32, #tpu.memory_space<vmem>>) target_semaphore(%arg18 : memref<!tpu.dma_semaphore, #tpu.memory_space<semaphore_mem>>)
    %slice3A_375 = vector.extract_strided_slice %min3A_49 {offsets = [6], sizes = [1], strides = [1]} : vector<16xi32> to vector<1xi32>
    %squeeze3A_376 = vector.extract %slice3A_375[0] : i32 from vector<1xi32>
    %shift_right_arithmetic3A_377 = arith.constant 3 : i32
    %shift_right_arithmetic3A_378 = arith.shrsi %squeeze3A_376, %shift_right_arithmetic3A_377 : i32
    %mul3A_379 = arith.constant 8 : i32
    %mul3A_380 = arith.muli %shift_right_arithmetic3A_378, %mul3A_379 : i32
    %multiple_of3A_381 = tpu.assume_multiple %mul3A_380, 8 : i32
    %dma_start3A_382 = arith.constant 48 : i32
    %dma_start3A_383 = arith.constant 0 : i32
    %dma_start3A_384 = tpu.memref_slice %arg11[%dma_start3A_382, %dma_start3A_383] : memref<64x64xf32, #tpu.memory_space<vmem>> -> memref<8x64xf32, #tpu.memory_space<vmem>>
    %dma_start3A_385 = arith.constant 0 : i32
    %dma_start3A_386 = tpu.memref_slice %arg5[%multiple_of3A_381, %dma_start3A_385] : memref<1000000x64xf32, #tpu.memory_space<hbm>> -> memref<8x64xf32, #tpu.memory_space<hbm>>
    %dma_start3A_387 = arith.constant 48 : i32
    %dma_start3A_388 = arith.constant 0 : i32
    %dma_start3A_389 = tpu.memref_slice %arg11[%dma_start3A_387, %dma_start3A_388] : memref<64x64xf32, #tpu.memory_space<vmem>> -> memref<8x64xf32, #tpu.memory_space<vmem>>
    %dma_start3A_390 = arith.constant 0 : i32
    %dma_start3A_391 = tpu.memref_slice %arg5[%multiple_of3A_381, %dma_start3A_390] : memref<1000000x64xf32, #tpu.memory_space<hbm>> -> memref<8x64xf32, #tpu.memory_space<hbm>>
    tpu.enqueue_dma source(%dma_start3A_391 : memref<8x64xf32, #tpu.memory_space<hbm>>) target(%dma_start3A_389 : memref<8x64xf32, #tpu.memory_space<vmem>>) target_semaphore(%arg18 : memref<!tpu.dma_semaphore, #tpu.memory_space<semaphore_mem>>)
    %slice3A_392 = vector.extract_strided_slice %min3A_60 {offsets = [6], sizes = [1], strides = [1]} : vector<16xi32> to vector<1xi32>
    %squeeze3A_393 = vector.extract %slice3A_392[0] : i32 from vector<1xi32>
    %shift_right_arithmetic3A_394 = arith.constant 3 : i32
    %shift_right_arithmetic3A_395 = arith.shrsi %squeeze3A_393, %shift_right_arithmetic3A_394 : i32
    %mul3A_396 = arith.constant 8 : i32
    %mul3A_397 = arith.muli %shift_right_arithmetic3A_395, %mul3A_396 : i32
    %multiple_of3A_398 = tpu.assume_multiple %mul3A_397, 8 : i32
    %dma_start3A_399 = arith.constant 48 : i32
    %dma_start3A_400 = arith.constant 0 : i32
    %dma_start3A_401 = tpu.memref_slice %arg13[%dma_start3A_399, %dma_start3A_400] : memref<64x64xf32, #tpu.memory_space<vmem>> -> memref<8x64xf32, #tpu.memory_space<vmem>>
    %dma_start3A_402 = arith.constant 0 : i32
    %dma_start3A_403 = tpu.memref_slice %arg5[%multiple_of3A_398, %dma_start3A_402] : memref<1000000x64xf32, #tpu.memory_space<hbm>> -> memref<8x64xf32, #tpu.memory_space<hbm>>
    %dma_start3A_404 = arith.constant 48 : i32
    %dma_start3A_405 = arith.constant 0 : i32
    %dma_start3A_406 = tpu.memref_slice %arg13[%dma_start3A_404, %dma_start3A_405] : memref<64x64xf32, #tpu.memory_space<vmem>> -> memref<8x64xf32, #tpu.memory_space<vmem>>
    %dma_start3A_407 = arith.constant 0 : i32
    %dma_start3A_408 = tpu.memref_slice %arg5[%multiple_of3A_398, %dma_start3A_407] : memref<1000000x64xf32, #tpu.memory_space<hbm>> -> memref<8x64xf32, #tpu.memory_space<hbm>>
    tpu.enqueue_dma source(%dma_start3A_408 : memref<8x64xf32, #tpu.memory_space<hbm>>) target(%dma_start3A_406 : memref<8x64xf32, #tpu.memory_space<vmem>>) target_semaphore(%arg18 : memref<!tpu.dma_semaphore, #tpu.memory_space<semaphore_mem>>)
    %slice3A_409 = vector.extract_strided_slice %min3A_71 {offsets = [6], sizes = [1], strides = [1]} : vector<16xi32> to vector<1xi32>
    %squeeze3A_410 = vector.extract %slice3A_409[0] : i32 from vector<1xi32>
    %shift_right_arithmetic3A_411 = arith.constant 3 : i32
    %shift_right_arithmetic3A_412 = arith.shrsi %squeeze3A_410, %shift_right_arithmetic3A_411 : i32
    %mul3A_413 = arith.constant 8 : i32
    %mul3A_414 = arith.muli %shift_right_arithmetic3A_412, %mul3A_413 : i32
    %multiple_of3A_415 = tpu.assume_multiple %mul3A_414, 8 : i32
    %dma_start3A_416 = arith.constant 48 : i32
    %dma_start3A_417 = arith.constant 0 : i32
    %dma_start3A_418 = tpu.memref_slice %arg15[%dma_start3A_416, %dma_start3A_417] : memref<64x128xf32, #tpu.memory_space<vmem>> -> memref<8x128xf32, #tpu.memory_space<vmem>>
    %dma_start3A_419 = arith.constant 0 : i32
    %dma_start3A_420 = tpu.memref_slice %arg6[%multiple_of3A_415, %dma_start3A_419] : memref<1000x128xf32, #tpu.memory_space<hbm>> -> memref<8x128xf32, #tpu.memory_space<hbm>>
    %dma_start3A_421 = arith.constant 48 : i32
    %dma_start3A_422 = arith.constant 0 : i32
    %dma_start3A_423 = tpu.memref_slice %arg15[%dma_start3A_421, %dma_start3A_422] : memref<64x128xf32, #tpu.memory_space<vmem>> -> memref<8x128xf32, #tpu.memory_space<vmem>>
    %dma_start3A_424 = arith.constant 0 : i32
    %dma_start3A_425 = tpu.memref_slice %arg6[%multiple_of3A_415, %dma_start3A_424] : memref<1000x128xf32, #tpu.memory_space<hbm>> -> memref<8x128xf32, #tpu.memory_space<hbm>>
    tpu.enqueue_dma source(%dma_start3A_425 : memref<8x128xf32, #tpu.memory_space<hbm>>) target(%dma_start3A_423 : memref<8x128xf32, #tpu.memory_space<vmem>>) target_semaphore(%arg18 : memref<!tpu.dma_semaphore, #tpu.memory_space<semaphore_mem>>)
    %slice3A_426 = vector.extract_strided_slice %min3A_49 {offsets = [7], sizes = [1], strides = [1]} : vector<16xi32> to vector<1xi32>
    %squeeze3A_427 = vector.extract %slice3A_426[0] : i32 from vector<1xi32>
    %shift_right_arithmetic3A_428 = arith.constant 3 : i32
    %shift_right_arithmetic3A_429 = arith.shrsi %squeeze3A_427, %shift_right_arithmetic3A_428 : i32
    %mul3A_430 = arith.constant 8 : i32
    %mul3A_431 = arith.muli %shift_right_arithmetic3A_429, %mul3A_430 : i32
    %multiple_of3A_432 = tpu.assume_multiple %mul3A_431, 8 : i32
    %dma_start3A_433 = arith.constant 56 : i32
    %dma_start3A_434 = arith.constant 0 : i32
    %dma_start3A_435 = tpu.memref_slice %arg11[%dma_start3A_433, %dma_start3A_434] : memref<64x64xf32, #tpu.memory_space<vmem>> -> memref<8x64xf32, #tpu.memory_space<vmem>>
    %dma_start3A_436 = arith.constant 0 : i32
    %dma_start3A_437 = tpu.memref_slice %arg5[%multiple_of3A_432, %dma_start3A_436] : memref<1000000x64xf32, #tpu.memory_space<hbm>> -> memref<8x64xf32, #tpu.memory_space<hbm>>
    %dma_start3A_438 = arith.constant 56 : i32
    %dma_start3A_439 = arith.constant 0 : i32
    %dma_start3A_440 = tpu.memref_slice %arg11[%dma_start3A_438, %dma_start3A_439] : memref<64x64xf32, #tpu.memory_space<vmem>> -> memref<8x64xf32, #tpu.memory_space<vmem>>
    %dma_start3A_441 = arith.constant 0 : i32
    %dma_start3A_442 = tpu.memref_slice %arg5[%multiple_of3A_432, %dma_start3A_441] : memref<1000000x64xf32, #tpu.memory_space<hbm>> -> memref<8x64xf32, #tpu.memory_space<hbm>>
    tpu.enqueue_dma source(%dma_start3A_442 : memref<8x64xf32, #tpu.memory_space<hbm>>) target(%dma_start3A_440 : memref<8x64xf32, #tpu.memory_space<vmem>>) target_semaphore(%arg18 : memref<!tpu.dma_semaphore, #tpu.memory_space<semaphore_mem>>)
    %slice3A_443 = vector.extract_strided_slice %min3A_60 {offsets = [7], sizes = [1], strides = [1]} : vector<16xi32> to vector<1xi32>
    %squeeze3A_444 = vector.extract %slice3A_443[0] : i32 from vector<1xi32>
    %shift_right_arithmetic3A_445 = arith.constant 3 : i32
    %shift_right_arithmetic3A_446 = arith.shrsi %squeeze3A_444, %shift_right_arithmetic3A_445 : i32
    %mul3A_447 = arith.constant 8 : i32
    %mul3A_448 = arith.muli %shift_right_arithmetic3A_446, %mul3A_447 : i32
    %multiple_of3A_449 = tpu.assume_multiple %mul3A_448, 8 : i32
    %dma_start3A_450 = arith.constant 56 : i32
    %dma_start3A_451 = arith.constant 0 : i32
    %dma_start3A_452 = tpu.memref_slice %arg13[%dma_start3A_450, %dma_start3A_451] : memref<64x64xf32, #tpu.memory_space<vmem>> -> memref<8x64xf32, #tpu.memory_space<vmem>>
    %dma_start3A_453 = arith.constant 0 : i32
    %dma_start3A_454 = tpu.memref_slice %arg5[%multiple_of3A_449, %dma_start3A_453] : memref<1000000x64xf32, #tpu.memory_space<hbm>> -> memref<8x64xf32, #tpu.memory_space<hbm>>
    %dma_start3A_455 = arith.constant 56 : i32
    %dma_start3A_456 = arith.constant 0 : i32
    %dma_start3A_457 = tpu.memref_slice %arg13[%dma_start3A_455, %dma_start3A_456] : memref<64x64xf32, #tpu.memory_space<vmem>> -> memref<8x64xf32, #tpu.memory_space<vmem>>
    %dma_start3A_458 = arith.constant 0 : i32
    %dma_start3A_459 = tpu.memref_slice %arg5[%multiple_of3A_449, %dma_start3A_458] : memref<1000000x64xf32, #tpu.memory_space<hbm>> -> memref<8x64xf32, #tpu.memory_space<hbm>>
    tpu.enqueue_dma source(%dma_start3A_459 : memref<8x64xf32, #tpu.memory_space<hbm>>) target(%dma_start3A_457 : memref<8x64xf32, #tpu.memory_space<vmem>>) target_semaphore(%arg18 : memref<!tpu.dma_semaphore, #tpu.memory_space<semaphore_mem>>)
    %slice3A_460 = vector.extract_strided_slice %min3A_71 {offsets = [7], sizes = [1], strides = [1]} : vector<16xi32> to vector<1xi32>
    %squeeze3A_461 = vector.extract %slice3A_460[0] : i32 from vector<1xi32>
    %shift_right_arithmetic3A_462 = arith.constant 3 : i32
    %shift_right_arithmetic3A_463 = arith.shrsi %squeeze3A_461, %shift_right_arithmetic3A_462 : i32
    %mul3A_464 = arith.constant 8 : i32
    %mul3A_465 = arith.muli %shift_right_arithmetic3A_463, %mul3A_464 : i32
    %multiple_of3A_466 = tpu.assume_multiple %mul3A_465, 8 : i32
    %dma_start3A_467 = arith.constant 56 : i32
    %dma_start3A_468 = arith.constant 0 : i32
    %dma_start3A_469 = tpu.memref_slice %arg15[%dma_start3A_467, %dma_start3A_468] : memref<64x128xf32, #tpu.memory_space<vmem>> -> memref<8x128xf32, #tpu.memory_space<vmem>>
    %dma_start3A_470 = arith.constant 0 : i32
    %dma_start3A_471 = tpu.memref_slice %arg6[%multiple_of3A_466, %dma_start3A_470] : memref<1000x128xf32, #tpu.memory_space<hbm>> -> memref<8x128xf32, #tpu.memory_space<hbm>>
    %dma_start3A_472 = arith.constant 56 : i32
    %dma_start3A_473 = arith.constant 0 : i32
    %dma_start3A_474 = tpu.memref_slice %arg15[%dma_start3A_472, %dma_start3A_473] : memref<64x128xf32, #tpu.memory_space<vmem>> -> memref<8x128xf32, #tpu.memory_space<vmem>>
    %dma_start3A_475 = arith.constant 0 : i32
    %dma_start3A_476 = tpu.memref_slice %arg6[%multiple_of3A_466, %dma_start3A_475] : memref<1000x128xf32, #tpu.memory_space<hbm>> -> memref<8x128xf32, #tpu.memory_space<hbm>>
    tpu.enqueue_dma source(%dma_start3A_476 : memref<8x128xf32, #tpu.memory_space<hbm>>) target(%dma_start3A_474 : memref<8x128xf32, #tpu.memory_space<vmem>>) target_semaphore(%arg18 : memref<!tpu.dma_semaphore, #tpu.memory_space<semaphore_mem>>)
    %scan3A = arith.constant 0 : i32
    %scan3A_477 = arith.constant 999999 : i32
    %scan3A_478 = arith.constant 2.000000e+00 : f32
    %scan3A_479 = arith.constant 0 : i32
    %scan3A_480 = arith.constant 0 : i32
    %scan3A_481 = arith.constant 32 : i32
    %scan3A_482 = arith.addi %scan3A_480, %scan3A_481 : i32
    %scan3A_483 = arith.constant 1 : i32
    %scan3A_484 = scf.for %scan3A_511 = %scan3A_480 to %scan3A_482 step %scan3A_483 iter_args(%scan3A_512 = %scan3A_479) -> (i32)  : i32 {
      %mul3A_513 = arith.constant 2 : i32
      %mul3A_514 = arith.muli %scan3A_511, %mul3A_513 : i32
      %add3A_515 = arith.constant 1 : i32
      %add3A_516 = arith.addi %mul3A_514, %add3A_515 : i32
      %mul3A_517 = arith.constant 16 : i32
      %mul3A_518 = arith.muli %scan3A_511, %mul3A_517 : i32
      %get3A_519 = arith.index_cast %mul3A_518 : i32 to index
      %get3A_520 = tpu.vector_load %arg8[%get3A_519] {strides = array<i32>} : memref<528xi32, #tpu.memory_space<vmem>>, vector<16xi32>,
      %get3A_521 = arith.index_cast %mul3A_518 : i32 to index
      %get3A_522 = tpu.vector_load %arg9[%get3A_521] {strides = array<i32>} : memref<528xi32, #tpu.memory_space<vmem>>, vector<16xi32>,
      %get3A_523 = arith.index_cast %mul3A_518 : i32 to index
      %get3A_524 = tpu.vector_load %arg10[%get3A_523] {strides = array<i32>} : memref<528xi32, #tpu.memory_space<vmem>>, vector<16xi32>,
      %mul3A_525 = arith.constant 8 : i32
      %mul3A_526 = arith.muli %add3A_516, %mul3A_525 : i32
      %get3A_527 = arith.index_cast %mul3A_526 : i32 to index
      %get3A_528 = tpu.vector_load %arg8[%get3A_527] {strides = array<i32>} : memref<528xi32, #tpu.memory_space<vmem>>, vector<16xi32>,
      %max3A_529 = vector.broadcast %scan3A : i32 to vector<16xi32>
      %max3A_530 = arith.maxsi %max3A_529, %get3A_528 : vector<16xi32>
      %min3A_531 = vector.broadcast %scan3A_477 : i32 to vector<16xi32>
      %min3A_532 = arith.minsi %min3A_531, %max3A_530 : vector<16xi32>
      %mul3A_533 = arith.constant 8 : i32
      %mul3A_534 = arith.muli %add3A_516, %mul3A_533 : i32
      %get3A_535 = arith.index_cast %mul3A_534 : i32 to index
      %get3A_536 = tpu.vector_load %arg9[%get3A_535] {strides = array<i32>} : memref<528xi32, #tpu.memory_space<vmem>>, vector<16xi32>,
      %max3A_537 = vector.broadcast %scan3A : i32 to vector<16xi32>
      %max3A_538 = arith.maxsi %max3A_537, %get3A_536 : vector<16xi32>
      %min3A_539 = vector.broadcast %scan3A_477 : i32 to vector<16xi32>
      %min3A_540 = arith.minsi %min3A_539, %max3A_538 : vector<16xi32>
      %mul3A_541 = arith.constant 8 : i32
      %mul3A_542 = arith.muli %add3A_516, %mul3A_541 : i32
      %get3A_543 = arith.index_cast %mul3A_542 : i32 to index
      %get3A_544 = tpu.vector_load %arg10[%get3A_543] {strides = array<i32>} : memref<528xi32, #tpu.memory_space<vmem>>, vector<16xi32>,
      %jit3A_545 = arith.constant 999 : i32
      %max3A_546 = vector.broadcast %scan3A : i32 to vector<16xi32>
      %max3A_547 = arith.maxsi %max3A_546, %get3A_544 : vector<16xi32>
      %min3A_548 = vector.broadcast %jit3A_545 : i32 to vector<16xi32>
      %min3A_549 = arith.minsi %min3A_548, %max3A_547 : vector<16xi32>
      %slice3A_550 = vector.extract_strided_slice %min3A_532 {offsets = [0], sizes = [1], strides = [1]} : vector<16xi32> to vector<1xi32>
      %squeeze3A_551 = vector.extract %slice3A_550[0] : i32 from vector<1xi32>
      %shift_right_arithmetic3A_552 = arith.constant 3 : i32
      %shift_right_arithmetic3A_553 = arith.shrsi %squeeze3A_551, %shift_right_arithmetic3A_552 : i32
      %mul3A_554 = arith.constant 8 : i32
      %mul3A_555 = arith.muli %shift_right_arithmetic3A_553, %mul3A_554 : i32
      %multiple_of3A_556 = tpu.assume_multiple %mul3A_555, 8 : i32
      %dma_start3A_557 = arith.constant 0 : i32
      %dma_start3A_558 = arith.constant 0 : i32
      %dma_start3A_559 = tpu.memref_slice %arg12[%dma_start3A_557, %dma_start3A_558] : memref<64x64xf32, #tpu.memory_space<vmem>> -> memref<8x64xf32, #tpu.memory_space<vmem>>
      %dma_start3A_560 = arith.constant 0 : i32
      %dma_start3A_561 = tpu.memref_slice %arg5[%multiple_of3A_556, %dma_start3A_560] : memref<1000000x64xf32, #tpu.memory_space<hbm>> -> memref<8x64xf32, #tpu.memory_space<hbm>>
      %dma_start3A_562 = arith.constant 0 : i32
      %dma_start3A_563 = arith.constant 0 : i32
      %dma_start3A_564 = tpu.memref_slice %arg12[%dma_start3A_562, %dma_start3A_563] : memref<64x64xf32, #tpu.memory_space<vmem>> -> memref<8x64xf32, #tpu.memory_space<vmem>>
      %dma_start3A_565 = arith.constant 0 : i32
      %dma_start3A_566 = tpu.memref_slice %arg5[%multiple_of3A_556, %dma_start3A_565] : memref<1000000x64xf32, #tpu.memory_space<hbm>> -> memref<8x64xf32, #tpu.memory_space<hbm>>
      tpu.enqueue_dma source(%dma_start3A_566 : memref<8x64xf32, #tpu.memory_space<hbm>>) target(%dma_start3A_564 : memref<8x64xf32, #tpu.memory_space<vmem>>) target_semaphore(%arg19 : memref<!tpu.dma_semaphore, #tpu.memory_space<semaphore_mem>>)
      %slice3A_567 = vector.extract_strided_slice %min3A_540 {offsets = [0], sizes = [1], strides = [1]} : vector<16xi32> to vector<1xi32>
      %squeeze3A_568 = vector.extract %slice3A_567[0] : i32 from vector<1xi32>
      %shift_right_arithmetic3A_569 = arith.constant 3 : i32
      %shift_right_arithmetic3A_570 = arith.shrsi %squeeze3A_568, %shift_right_arithmetic3A_569 : i32
      %mul3A_571 = arith.constant 8 : i32
      %mul3A_572 = arith.muli %shift_right_arithmetic3A_570, %mul3A_571 : i32
      %multiple_of3A_573 = tpu.assume_multiple %mul3A_572, 8 : i32
      %dma_start3A_574 = arith.constant 0 : i32
      %dma_start3A_575 = arith.constant 0 : i32
      %dma_start3A_576 = tpu.memref_slice %arg14[%dma_start3A_574, %dma_start3A_575] : memref<64x64xf32, #tpu.memory_space<vmem>> -> memref<8x64xf32, #tpu.memory_space<vmem>>
      %dma_start3A_577 = arith.constant 0 : i32
      %dma_start3A_578 = tpu.memref_slice %arg5[%multiple_of3A_573, %dma_start3A_577] : memref<1000000x64xf32, #tpu.memory_space<hbm>> -> memref<8x64xf32, #tpu.memory_space<hbm>>
      %dma_start3A_579 = arith.constant 0 : i32
      %dma_start3A_580 = arith.constant 0 : i32
      %dma_start3A_581 = tpu.memref_slice %arg14[%dma_start3A_579, %dma_start3A_580] : memref<64x64xf32, #tpu.memory_space<vmem>> -> memref<8x64xf32, #tpu.memory_space<vmem>>
      %dma_start3A_582 = arith.constant 0 : i32
      %dma_start3A_583 = tpu.memref_slice %arg5[%multiple_of3A_573, %dma_start3A_582] : memref<1000000x64xf32, #tpu.memory_space<hbm>> -> memref<8x64xf32, #tpu.memory_space<hbm>>
      tpu.enqueue_dma source(%dma_start3A_583 : memref<8x64xf32, #tpu.memory_space<hbm>>) target(%dma_start3A_581 : memref<8x64xf32, #tpu.memory_space<vmem>>) target_semaphore(%arg19 : memref<!tpu.dma_semaphore, #tpu.memory_space<semaphore_mem>>)
      %slice3A_584 = vector.extract_strided_slice %min3A_549 {offsets = [0], sizes = [1], strides = [1]} : vector<16xi32> to vector<1xi32>
      %squeeze3A_585 = vector.extract %slice3A_584[0] : i32 from vector<1xi32>
      %shift_right_arithmetic3A_586 = arith.constant 3 : i32
      %shift_right_arithmetic3A_587 = arith.shrsi %squeeze3A_585, %shift_right_arithmetic3A_586 : i32
      %mul3A_588 = arith.constant 8 : i32
      %mul3A_589 = arith.muli %shift_right_arithmetic3A_587, %mul3A_588 : i32
      %multiple_of3A_590 = tpu.assume_multiple %mul3A_589, 8 : i32
      %dma_start3A_591 = arith.constant 0 : i32
      %dma_start3A_592 = arith.constant 0 : i32
      %dma_start3A_593 = tpu.memref_slice %arg16[%dma_start3A_591, %dma_start3A_592] : memref<64x128xf32, #tpu.memory_space<vmem>> -> memref<8x128xf32, #tpu.memory_space<vmem>>
      %dma_start3A_594 = arith.constant 0 : i32
      %dma_start3A_595 = tpu.memref_slice %arg6[%multiple_of3A_590, %dma_start3A_594] : memref<1000x128xf32, #tpu.memory_space<hbm>> -> memref<8x128xf32, #tpu.memory_space<hbm>>
      %dma_start3A_596 = arith.constant 0 : i32
      %dma_start3A_597 = arith.constant 0 : i32
      %dma_start3A_598 = tpu.memref_slice %arg16[%dma_start3A_596, %dma_start3A_597] : memref<64x128xf32, #tpu.memory_space<vmem>> -> memref<8x128xf32, #tpu.memory_space<vmem>>
      %dma_start3A_599 = arith.constant 0 : i32
      %dma_start3A_600 = tpu.memref_slice %arg6[%multiple_of3A_590, %dma_start3A_599] : memref<1000x128xf32, #tpu.memory_space<hbm>> -> memref<8x128xf32, #tpu.memory_space<hbm>>
      tpu.enqueue_dma source(%dma_start3A_600 : memref<8x128xf32, #tpu.memory_space<hbm>>) target(%dma_start3A_598 : memref<8x128xf32, #tpu.memory_space<vmem>>) target_semaphore(%arg19 : memref<!tpu.dma_semaphore, #tpu.memory_space<semaphore_mem>>)
      %slice3A_601 = vector.extract_strided_slice %min3A_532 {offsets = [1], sizes = [1], strides = [1]} : vector<16xi32> to vector<1xi32>
      %squeeze3A_602 = vector.extract %slice3A_601[0] : i32 from vector<1xi32>
      %shift_right_arithmetic3A_603 = arith.constant 3 : i32
      %shift_right_arithmetic3A_604 = arith.shrsi %squeeze3A_602, %shift_right_arithmetic3A_603 : i32
      %mul3A_605 = arith.constant 8 : i32
      %mul3A_606 = arith.muli %shift_right_arithmetic3A_604, %mul3A_605 : i32
      %multiple_of3A_607 = tpu.assume_multiple %mul3A_606, 8 : i32
      %dma_start3A_608 = arith.constant 8 : i32
      %dma_start3A_609 = arith.constant 0 : i32
      %dma_start3A_610 = tpu.memref_slice %arg12[%dma_start3A_608, %dma_start3A_609] : memref<64x64xf32, #tpu.memory_space<vmem>> -> memref<8x64xf32, #tpu.memory_space<vmem>>
      %dma_start3A_611 = arith.constant 0 : i32
      %dma_start3A_612 = tpu.memref_slice %arg5[%multiple_of3A_607, %dma_start3A_611] : memref<1000000x64xf32, #tpu.memory_space<hbm>> -> memref<8x64xf32, #tpu.memory_space<hbm>>
      %dma_start3A_613 = arith.constant 8 : i32
      %dma_start3A_614 = arith.constant 0 : i32
      %dma_start3A_615 = tpu.memref_slice %arg12[%dma_start3A_613, %dma_start3A_614] : memref<64x64xf32, #tpu.memory_space<vmem>> -> memref<8x64xf32, #tpu.memory_space<vmem>>
      %dma_start3A_616 = arith.constant 0 : i32
      %dma_start3A_617 = tpu.memref_slice %arg5[%multiple_of3A_607, %dma_start3A_616] : memref<1000000x64xf32, #tpu.memory_space<hbm>> -> memref<8x64xf32, #tpu.memory_space<hbm>>
      tpu.enqueue_dma source(%dma_start3A_617 : memref<8x64xf32, #tpu.memory_space<hbm>>) target(%dma_start3A_615 : memref<8x64xf32, #tpu.memory_space<vmem>>) target_semaphore(%arg19 : memref<!tpu.dma_semaphore, #tpu.memory_space<semaphore_mem>>)
      %slice3A_618 = vector.extract_strided_slice %min3A_540 {offsets = [1], sizes = [1], strides = [1]} : vector<16xi32> to vector<1xi32>
      %squeeze3A_619 = vector.extract %slice3A_618[0] : i32 from vector<1xi32>
      %shift_right_arithmetic3A_620 = arith.constant 3 : i32
      %shift_right_arithmetic3A_621 = arith.shrsi %squeeze3A_619, %shift_right_arithmetic3A_620 : i32
      %mul3A_622 = arith.constant 8 : i32
      %mul3A_623 = arith.muli %shift_right_arithmetic3A_621, %mul3A_622 : i32
      %multiple_of3A_624 = tpu.assume_multiple %mul3A_623, 8 : i32
      %dma_start3A_625 = arith.constant 8 : i32
      %dma_start3A_626 = arith.constant 0 : i32
      %dma_start3A_627 = tpu.memref_slice %arg14[%dma_start3A_625, %dma_start3A_626] : memref<64x64xf32, #tpu.memory_space<vmem>> -> memref<8x64xf32, #tpu.memory_space<vmem>>
      %dma_start3A_628 = arith.constant 0 : i32
      %dma_start3A_629 = tpu.memref_slice %arg5[%multiple_of3A_624, %dma_start3A_628] : memref<1000000x64xf32, #tpu.memory_space<hbm>> -> memref<8x64xf32, #tpu.memory_space<hbm>>
      %dma_start3A_630 = arith.constant 8 : i32
      %dma_start3A_631 = arith.constant 0 : i32
      %dma_start3A_632 = tpu.memref_slice %arg14[%dma_start3A_630, %dma_start3A_631] : memref<64x64xf32, #tpu.memory_space<vmem>> -> memref<8x64xf32, #tpu.memory_space<vmem>>
      %dma_start3A_633 = arith.constant 0 : i32
      %dma_start3A_634 = tpu.memref_slice %arg5[%multiple_of3A_624, %dma_start3A_633] : memref<1000000x64xf32, #tpu.memory_space<hbm>> -> memref<8x64xf32, #tpu.memory_space<hbm>>
      tpu.enqueue_dma source(%dma_start3A_634 : memref<8x64xf32, #tpu.memory_space<hbm>>) target(%dma_start3A_632 : memref<8x64xf32, #tpu.memory_space<vmem>>) target_semaphore(%arg19 : memref<!tpu.dma_semaphore, #tpu.memory_space<semaphore_mem>>)
      %slice3A_635 = vector.extract_strided_slice %min3A_549 {offsets = [1], sizes = [1], strides = [1]} : vector<16xi32> to vector<1xi32>
      %squeeze3A_636 = vector.extract %slice3A_635[0] : i32 from vector<1xi32>
      %shift_right_arithmetic3A_637 = arith.constant 3 : i32
      %shift_right_arithmetic3A_638 = arith.shrsi %squeeze3A_636, %shift_right_arithmetic3A_637 : i32
      %mul3A_639 = arith.constant 8 : i32
      %mul3A_640 = arith.muli %shift_right_arithmetic3A_638, %mul3A_639 : i32
      %multiple_of3A_641 = tpu.assume_multiple %mul3A_640, 8 : i32
      %dma_start3A_642 = arith.constant 8 : i32
      %dma_start3A_643 = arith.constant 0 : i32
      %dma_start3A_644 = tpu.memref_slice %arg16[%dma_start3A_642, %dma_start3A_643] : memref<64x128xf32, #tpu.memory_space<vmem>> -> memref<8x128xf32, #tpu.memory_space<vmem>>
      %dma_start3A_645 = arith.constant 0 : i32
      %dma_start3A_646 = tpu.memref_slice %arg6[%multiple_of3A_641, %dma_start3A_645] : memref<1000x128xf32, #tpu.memory_space<hbm>> -> memref<8x128xf32, #tpu.memory_space<hbm>>
      %dma_start3A_647 = arith.constant 8 : i32
      %dma_start3A_648 = arith.constant 0 : i32
      %dma_start3A_649 = tpu.memref_slice %arg16[%dma_start3A_647, %dma_start3A_648] : memref<64x128xf32, #tpu.memory_space<vmem>> -> memref<8x128xf32, #tpu.memory_space<vmem>>
      %dma_start3A_650 = arith.constant 0 : i32
      %dma_start3A_651 = tpu.memref_slice %arg6[%multiple_of3A_641, %dma_start3A_650] : memref<1000x128xf32, #tpu.memory_space<hbm>> -> memref<8x128xf32, #tpu.memory_space<hbm>>
      tpu.enqueue_dma source(%dma_start3A_651 : memref<8x128xf32, #tpu.memory_space<hbm>>) target(%dma_start3A_649 : memref<8x128xf32, #tpu.memory_space<vmem>>) target_semaphore(%arg19 : memref<!tpu.dma_semaphore, #tpu.memory_space<semaphore_mem>>)
      %slice3A_652 = vector.extract_strided_slice %min3A_532 {offsets = [2], sizes = [1], strides = [1]} : vector<16xi32> to vector<1xi32>
      %squeeze3A_653 = vector.extract %slice3A_652[0] : i32 from vector<1xi32>
      %shift_right_arithmetic3A_654 = arith.constant 3 : i32
      %shift_right_arithmetic3A_655 = arith.shrsi %squeeze3A_653, %shift_right_arithmetic3A_654 : i32
      %mul3A_656 = arith.constant 8 : i32
      %mul3A_657 = arith.muli %shift_right_arithmetic3A_655, %mul3A_656 : i32
      %multiple_of3A_658 = tpu.assume_multiple %mul3A_657, 8 : i32
      %dma_start3A_659 = arith.constant 16 : i32
      %dma_start3A_660 = arith.constant 0 : i32
      %dma_start3A_661 = tpu.memref_slice %arg12[%dma_start3A_659, %dma_start3A_660] : memref<64x64xf32, #tpu.memory_space<vmem>> -> memref<8x64xf32, #tpu.memory_space<vmem>>
      %dma_start3A_662 = arith.constant 0 : i32
      %dma_start3A_663 = tpu.memref_slice %arg5[%multiple_of3A_658, %dma_start3A_662] : memref<1000000x64xf32, #tpu.memory_space<hbm>> -> memref<8x64xf32, #tpu.memory_space<hbm>>
      %dma_start3A_664 = arith.constant 16 : i32
      %dma_start3A_665 = arith.constant 0 : i32
      %dma_start3A_666 = tpu.memref_slice %arg12[%dma_start3A_664, %dma_start3A_665] : memref<64x64xf32, #tpu.memory_space<vmem>> -> memref<8x64xf32, #tpu.memory_space<vmem>>
      %dma_start3A_667 = arith.constant 0 : i32
      %dma_start3A_668 = tpu.memref_slice %arg5[%multiple_of3A_658, %dma_start3A_667] : memref<1000000x64xf32, #tpu.memory_space<hbm>> -> memref<8x64xf32, #tpu.memory_space<hbm>>
      tpu.enqueue_dma source(%dma_start3A_668 : memref<8x64xf32, #tpu.memory_space<hbm>>) target(%dma_start3A_666 : memref<8x64xf32, #tpu.memory_space<vmem>>) target_semaphore(%arg19 : memref<!tpu.dma_semaphore, #tpu.memory_space<semaphore_mem>>)
      %slice3A_669 = vector.extract_strided_slice %min3A_540 {offsets = [2], sizes = [1], strides = [1]} : vector<16xi32> to vector<1xi32>
      %squeeze3A_670 = vector.extract %slice3A_669[0] : i32 from vector<1xi32>
      %shift_right_arithmetic3A_671 = arith.constant 3 : i32
      %shift_right_arithmetic3A_672 = arith.shrsi %squeeze3A_670, %shift_right_arithmetic3A_671 : i32
      %mul3A_673 = arith.constant 8 : i32
      %mul3A_674 = arith.muli %shift_right_arithmetic3A_672, %mul3A_673 : i32
      %multiple_of3A_675 = tpu.assume_multiple %mul3A_674, 8 : i32
      %dma_start3A_676 = arith.constant 16 : i32
      %dma_start3A_677 = arith.constant 0 : i32
      %dma_start3A_678 = tpu.memref_slice %arg14[%dma_start3A_676, %dma_start3A_677] : memref<64x64xf32, #tpu.memory_space<vmem>> -> memref<8x64xf32, #tpu.memory_space<vmem>>
      %dma_start3A_679 = arith.constant 0 : i32
      %dma_start3A_680 = tpu.memref_slice %arg5[%multiple_of3A_675, %dma_start3A_679] : memref<1000000x64xf32, #tpu.memory_space<hbm>> -> memref<8x64xf32, #tpu.memory_space<hbm>>
      %dma_start3A_681 = arith.constant 16 : i32
      %dma_start3A_682 = arith.constant 0 : i32
      %dma_start3A_683 = tpu.memref_slice %arg14[%dma_start3A_681, %dma_start3A_682] : memref<64x64xf32, #tpu.memory_space<vmem>> -> memref<8x64xf32, #tpu.memory_space<vmem>>
      %dma_start3A_684 = arith.constant 0 : i32
      %dma_start3A_685 = tpu.memref_slice %arg5[%multiple_of3A_675, %dma_start3A_684] : memref<1000000x64xf32, #tpu.memory_space<hbm>> -> memref<8x64xf32, #tpu.memory_space<hbm>>
      tpu.enqueue_dma source(%dma_start3A_685 : memref<8x64xf32, #tpu.memory_space<hbm>>) target(%dma_start3A_683 : memref<8x64xf32, #tpu.memory_space<vmem>>) target_semaphore(%arg19 : memref<!tpu.dma_semaphore, #tpu.memory_space<semaphore_mem>>)
      %slice3A_686 = vector.extract_strided_slice %min3A_549 {offsets = [2], sizes = [1], strides = [1]} : vector<16xi32> to vector<1xi32>
      %squeeze3A_687 = vector.extract %slice3A_686[0] : i32 from vector<1xi32>
      %shift_right_arithmetic3A_688 = arith.constant 3 : i32
      %shift_right_arithmetic3A_689 = arith.shrsi %squeeze3A_687, %shift_right_arithmetic3A_688 : i32
      %mul3A_690 = arith.constant 8 : i32
      %mul3A_691 = arith.muli %shift_right_arithmetic3A_689, %mul3A_690 : i32
      %multiple_of3A_692 = tpu.assume_multiple %mul3A_691, 8 : i32
      %dma_start3A_693 = arith.constant 16 : i32
      %dma_start3A_694 = arith.constant 0 : i32
      %dma_start3A_695 = tpu.memref_slice %arg16[%dma_start3A_693, %dma_start3A_694] : memref<64x128xf32, #tpu.memory_space<vmem>> -> memref<8x128xf32, #tpu.memory_space<vmem>>
      %dma_start3A_696 = arith.constant 0 : i32
      %dma_start3A_697 = tpu.memref_slice %arg6[%multiple_of3A_692, %dma_start3A_696] : memref<1000x128xf32, #tpu.memory_space<hbm>> -> memref<8x128xf32, #tpu.memory_space<hbm>>
      %dma_start3A_698 = arith.constant 16 : i32
      %dma_start3A_699 = arith.constant 0 : i32
      %dma_start3A_700 = tpu.memref_slice %arg16[%dma_start3A_698, %dma_start3A_699] : memref<64x128xf32, #tpu.memory_space<vmem>> -> memref<8x128xf32, #tpu.memory_space<vmem>>
      %dma_start3A_701 = arith.constant 0 : i32
      %dma_start3A_702 = tpu.memref_slice %arg6[%multiple_of3A_692, %dma_start3A_701] : memref<1000x128xf32, #tpu.memory_space<hbm>> -> memref<8x128xf32, #tpu.memory_space<hbm>>
      tpu.enqueue_dma source(%dma_start3A_702 : memref<8x128xf32, #tpu.memory_space<hbm>>) target(%dma_start3A_700 : memref<8x128xf32, #tpu.memory_space<vmem>>) target_semaphore(%arg19 : memref<!tpu.dma_semaphore, #tpu.memory_space<semaphore_mem>>)
      %slice3A_703 = vector.extract_strided_slice %min3A_532 {offsets = [3], sizes = [1], strides = [1]} : vector<16xi32> to vector<1xi32>
      %squeeze3A_704 = vector.extract %slice3A_703[0] : i32 from vector<1xi32>
      %shift_right_arithmetic3A_705 = arith.constant 3 : i32
      %shift_right_arithmetic3A_706 = arith.shrsi %squeeze3A_704, %shift_right_arithmetic3A_705 : i32
      %mul3A_707 = arith.constant 8 : i32
      %mul3A_708 = arith.muli %shift_right_arithmetic3A_706, %mul3A_707 : i32
      %multiple_of3A_709 = tpu.assume_multiple %mul3A_708, 8 : i32
      %dma_start3A_710 = arith.constant 24 : i32
      %dma_start3A_711 = arith.constant 0 : i32
      %dma_start3A_712 = tpu.memref_slice %arg12[%dma_start3A_710, %dma_start3A_711] : memref<64x64xf32, #tpu.memory_space<vmem>> -> memref<8x64xf32, #tpu.memory_space<vmem>>
      %dma_start3A_713 = arith.constant 0 : i32
      %dma_start3A_714 = tpu.memref_slice %arg5[%multiple_of3A_709, %dma_start3A_713] : memref<1000000x64xf32, #tpu.memory_space<hbm>> -> memref<8x64xf32, #tpu.memory_space<hbm>>
      %dma_start3A_715 = arith.constant 24 : i32
      %dma_start3A_716 = arith.constant 0 : i32
      %dma_start3A_717 = tpu.memref_slice %arg12[%dma_start3A_715, %dma_start3A_716] : memref<64x64xf32, #tpu.memory_space<vmem>> -> memref<8x64xf32, #tpu.memory_space<vmem>>
      %dma_start3A_718 = arith.constant 0 : i32
      %dma_start3A_719 = tpu.memref_slice %arg5[%multiple_of3A_709, %dma_start3A_718] : memref<1000000x64xf32, #tpu.memory_space<hbm>> -> memref<8x64xf32, #tpu.memory_space<hbm>>
      tpu.enqueue_dma source(%dma_start3A_719 : memref<8x64xf32, #tpu.memory_space<hbm>>) target(%dma_start3A_717 : memref<8x64xf32, #tpu.memory_space<vmem>>) target_semaphore(%arg19 : memref<!tpu.dma_semaphore, #tpu.memory_space<semaphore_mem>>)
      %slice3A_720 = vector.extract_strided_slice %min3A_540 {offsets = [3], sizes = [1], strides = [1]} : vector<16xi32> to vector<1xi32>
      %squeeze3A_721 = vector.extract %slice3A_720[0] : i32 from vector<1xi32>
      %shift_right_arithmetic3A_722 = arith.constant 3 : i32
      %shift_right_arithmetic3A_723 = arith.shrsi %squeeze3A_721, %shift_right_arithmetic3A_722 : i32
      %mul3A_724 = arith.constant 8 : i32
      %mul3A_725 = arith.muli %shift_right_arithmetic3A_723, %mul3A_724 : i32
      %multiple_of3A_726 = tpu.assume_multiple %mul3A_725, 8 : i32
      %dma_start3A_727 = arith.constant 24 : i32
      %dma_start3A_728 = arith.constant 0 : i32
      %dma_start3A_729 = tpu.memref_slice %arg14[%dma_start3A_727, %dma_start3A_728] : memref<64x64xf32, #tpu.memory_space<vmem>> -> memref<8x64xf32, #tpu.memory_space<vmem>>
      %dma_start3A_730 = arith.constant 0 : i32
      %dma_start3A_731 = tpu.memref_slice %arg5[%multiple_of3A_726, %dma_start3A_730] : memref<1000000x64xf32, #tpu.memory_space<hbm>> -> memref<8x64xf32, #tpu.memory_space<hbm>>
      %dma_start3A_732 = arith.constant 24 : i32
      %dma_start3A_733 = arith.constant 0 : i32
      %dma_start3A_734 = tpu.memref_slice %arg14[%dma_start3A_732, %dma_start3A_733] : memref<64x64xf32, #tpu.memory_space<vmem>> -> memref<8x64xf32, #tpu.memory_space<vmem>>
      %dma_start3A_735 = arith.constant 0 : i32
      %dma_start3A_736 = tpu.memref_slice %arg5[%multiple_of3A_726, %dma_start3A_735] : memref<1000000x64xf32, #tpu.memory_space<hbm>> -> memref<8x64xf32, #tpu.memory_space<hbm>>
      tpu.enqueue_dma source(%dma_start3A_736 : memref<8x64xf32, #tpu.memory_space<hbm>>) target(%dma_start3A_734 : memref<8x64xf32, #tpu.memory_space<vmem>>) target_semaphore(%arg19 : memref<!tpu.dma_semaphore, #tpu.memory_space<semaphore_mem>>)
      %slice3A_737 = vector.extract_strided_slice %min3A_549 {offsets = [3], sizes = [1], strides = [1]} : vector<16xi32> to vector<1xi32>
      %squeeze3A_738 = vector.extract %slice3A_737[0] : i32 from vector<1xi32>
      %shift_right_arithmetic3A_739 = arith.constant 3 : i32
      %shift_right_arithmetic3A_740 = arith.shrsi %squeeze3A_738, %shift_right_arithmetic3A_739 : i32
      %mul3A_741 = arith.constant 8 : i32
      %mul3A_742 = arith.muli %shift_right_arithmetic3A_740, %mul3A_741 : i32
      %multiple_of3A_743 = tpu.assume_multiple %mul3A_742, 8 : i32
      %dma_start3A_744 = arith.constant 24 : i32
      %dma_start3A_745 = arith.constant 0 : i32
      %dma_start3A_746 = tpu.memref_slice %arg16[%dma_start3A_744, %dma_start3A_745] : memref<64x128xf32, #tpu.memory_space<vmem>> -> memref<8x128xf32, #tpu.memory_space<vmem>>
      %dma_start3A_747 = arith.constant 0 : i32
      %dma_start3A_748 = tpu.memref_slice %arg6[%multiple_of3A_743, %dma_start3A_747] : memref<1000x128xf32, #tpu.memory_space<hbm>> -> memref<8x128xf32, #tpu.memory_space<hbm>>
      %dma_start3A_749 = arith.constant 24 : i32
      %dma_start3A_750 = arith.constant 0 : i32
      %dma_start3A_751 = tpu.memref_slice %arg16[%dma_start3A_749, %dma_start3A_750] : memref<64x128xf32, #tpu.memory_space<vmem>> -> memref<8x128xf32, #tpu.memory_space<vmem>>
      %dma_start3A_752 = arith.constant 0 : i32
      %dma_start3A_753 = tpu.memref_slice %arg6[%multiple_of3A_743, %dma_start3A_752] : memref<1000x128xf32, #tpu.memory_space<hbm>> -> memref<8x128xf32, #tpu.memory_space<hbm>>
      tpu.enqueue_dma source(%dma_start3A_753 : memref<8x128xf32, #tpu.memory_space<hbm>>) target(%dma_start3A_751 : memref<8x128xf32, #tpu.memory_space<vmem>>) target_semaphore(%arg19 : memref<!tpu.dma_semaphore, #tpu.memory_space<semaphore_mem>>)
      %slice3A_754 = vector.extract_strided_slice %min3A_532 {offsets = [4], sizes = [1], strides = [1]} : vector<16xi32> to vector<1xi32>
      %squeeze3A_755 = vector.extract %slice3A_754[0] : i32 from vector<1xi32>
      %shift_right_arithmetic3A_756 = arith.constant 3 : i32
      %shift_right_arithmetic3A_757 = arith.shrsi %squeeze3A_755, %shift_right_arithmetic3A_756 : i32
      %mul3A_758 = arith.constant 8 : i32
      %mul3A_759 = arith.muli %shift_right_arithmetic3A_757, %mul3A_758 : i32
      %multiple_of3A_760 = tpu.assume_multiple %mul3A_759, 8 : i32
      %dma_start3A_761 = arith.constant 32 : i32
      %dma_start3A_762 = arith.constant 0 : i32
      %dma_start3A_763 = tpu.memref_slice %arg12[%dma_start3A_761, %dma_start3A_762] : memref<64x64xf32, #tpu.memory_space<vmem>> -> memref<8x64xf32, #tpu.memory_space<vmem>>
      %dma_start3A_764 = arith.constant 0 : i32
      %dma_start3A_765 = tpu.memref_slice %arg5[%multiple_of3A_760, %dma_start3A_764] : memref<1000000x64xf32, #tpu.memory_space<hbm>> -> memref<8x64xf32, #tpu.memory_space<hbm>>
      %dma_start3A_766 = arith.constant 32 : i32
      %dma_start3A_767 = arith.constant 0 : i32
      %dma_start3A_768 = tpu.memref_slice %arg12[%dma_start3A_766, %dma_start3A_767] : memref<64x64xf32, #tpu.memory_space<vmem>> -> memref<8x64xf32, #tpu.memory_space<vmem>>
      %dma_start3A_769 = arith.constant 0 : i32
      %dma_start3A_770 = tpu.memref_slice %arg5[%multiple_of3A_760, %dma_start3A_769] : memref<1000000x64xf32, #tpu.memory_space<hbm>> -> memref<8x64xf32, #tpu.memory_space<hbm>>
      tpu.enqueue_dma source(%dma_start3A_770 : memref<8x64xf32, #tpu.memory_space<hbm>>) target(%dma_start3A_768 : memref<8x64xf32, #tpu.memory_space<vmem>>) target_semaphore(%arg19 : memref<!tpu.dma_semaphore, #tpu.memory_space<semaphore_mem>>)
      %slice3A_771 = vector.extract_strided_slice %min3A_540 {offsets = [4], sizes = [1], strides = [1]} : vector<16xi32> to vector<1xi32>
      %squeeze3A_772 = vector.extract %slice3A_771[0] : i32 from vector<1xi32>
      %shift_right_arithmetic3A_773 = arith.constant 3 : i32
      %shift_right_arithmetic3A_774 = arith.shrsi %squeeze3A_772, %shift_right_arithmetic3A_773 : i32
      %mul3A_775 = arith.constant 8 : i32
      %mul3A_776 = arith.muli %shift_right_arithmetic3A_774, %mul3A_775 : i32
      %multiple_of3A_777 = tpu.assume_multiple %mul3A_776, 8 : i32
      %dma_start3A_778 = arith.constant 32 : i32
      %dma_start3A_779 = arith.constant 0 : i32
      %dma_start3A_780 = tpu.memref_slice %arg14[%dma_start3A_778, %dma_start3A_779] : memref<64x64xf32, #tpu.memory_space<vmem>> -> memref<8x64xf32, #tpu.memory_space<vmem>>
      %dma_start3A_781 = arith.constant 0 : i32
      %dma_start3A_782 = tpu.memref_slice %arg5[%multiple_of3A_777, %dma_start3A_781] : memref<1000000x64xf32, #tpu.memory_space<hbm>> -> memref<8x64xf32, #tpu.memory_space<hbm>>
      %dma_start3A_783 = arith.constant 32 : i32
      %dma_start3A_784 = arith.constant 0 : i32
      %dma_start3A_785 = tpu.memref_slice %arg14[%dma_start3A_783, %dma_start3A_784] : memref<64x64xf32, #tpu.memory_space<vmem>> -> memref<8x64xf32, #tpu.memory_space<vmem>>
      %dma_start3A_786 = arith.constant 0 : i32
      %dma_start3A_787 = tpu.memref_slice %arg5[%multiple_of3A_777, %dma_start3A_786] : memref<1000000x64xf32, #tpu.memory_space<hbm>> -> memref<8x64xf32, #tpu.memory_space<hbm>>
      tpu.enqueue_dma source(%dma_start3A_787 : memref<8x64xf32, #tpu.memory_space<hbm>>) target(%dma_start3A_785 : memref<8x64xf32, #tpu.memory_space<vmem>>) target_semaphore(%arg19 : memref<!tpu.dma_semaphore, #tpu.memory_space<semaphore_mem>>)
      %slice3A_788 = vector.extract_strided_slice %min3A_549 {offsets = [4], sizes = [1], strides = [1]} : vector<16xi32> to vector<1xi32>
      %squeeze3A_789 = vector.extract %slice3A_788[0] : i32 from vector<1xi32>
      %shift_right_arithmetic3A_790 = arith.constant 3 : i32
      %shift_right_arithmetic3A_791 = arith.shrsi %squeeze3A_789, %shift_right_arithmetic3A_790 : i32
      %mul3A_792 = arith.constant 8 : i32
      %mul3A_793 = arith.muli %shift_right_arithmetic3A_791, %mul3A_792 : i32
      %multiple_of3A_794 = tpu.assume_multiple %mul3A_793, 8 : i32
      %dma_start3A_795 = arith.constant 32 : i32
      %dma_start3A_796 = arith.constant 0 : i32
      %dma_start3A_797 = tpu.memref_slice %arg16[%dma_start3A_795, %dma_start3A_796] : memref<64x128xf32, #tpu.memory_space<vmem>> -> memref<8x128xf32, #tpu.memory_space<vmem>>
      %dma_start3A_798 = arith.constant 0 : i32
      %dma_start3A_799 = tpu.memref_slice %arg6[%multiple_of3A_794, %dma_start3A_798] : memref<1000x128xf32, #tpu.memory_space<hbm>> -> memref<8x128xf32, #tpu.memory_space<hbm>>
      %dma_start3A_800 = arith.constant 32 : i32
      %dma_start3A_801 = arith.constant 0 : i32
      %dma_start3A_802 = tpu.memref_slice %arg16[%dma_start3A_800, %dma_start3A_801] : memref<64x128xf32, #tpu.memory_space<vmem>> -> memref<8x128xf32, #tpu.memory_space<vmem>>
      %dma_start3A_803 = arith.constant 0 : i32
      %dma_start3A_804 = tpu.memref_slice %arg6[%multiple_of3A_794, %dma_start3A_803] : memref<1000x128xf32, #tpu.memory_space<hbm>> -> memref<8x128xf32, #tpu.memory_space<hbm>>
      tpu.enqueue_dma source(%dma_start3A_804 : memref<8x128xf32, #tpu.memory_space<hbm>>) target(%dma_start3A_802 : memref<8x128xf32, #tpu.memory_space<vmem>>) target_semaphore(%arg19 : memref<!tpu.dma_semaphore, #tpu.memory_space<semaphore_mem>>)
      %slice3A_805 = vector.extract_strided_slice %min3A_532 {offsets = [5], sizes = [1], strides = [1]} : vector<16xi32> to vector<1xi32>
      %squeeze3A_806 = vector.extract %slice3A_805[0] : i32 from vector<1xi32>
      %shift_right_arithmetic3A_807 = arith.constant 3 : i32
      %shift_right_arithmetic3A_808 = arith.shrsi %squeeze3A_806, %shift_right_arithmetic3A_807 : i32
      %mul3A_809 = arith.constant 8 : i32
      %mul3A_810 = arith.muli %shift_right_arithmetic3A_808, %mul3A_809 : i32
      %multiple_of3A_811 = tpu.assume_multiple %mul3A_810, 8 : i32
      %dma_start3A_812 = arith.constant 40 : i32
      %dma_start3A_813 = arith.constant 0 : i32
      %dma_start3A_814 = tpu.memref_slice %arg12[%dma_start3A_812, %dma_start3A_813] : memref<64x64xf32, #tpu.memory_space<vmem>> -> memref<8x64xf32, #tpu.memory_space<vmem>>
      %dma_start3A_815 = arith.constant 0 : i32
      %dma_start3A_816 = tpu.memref_slice %arg5[%multiple_of3A_811, %dma_start3A_815] : memref<1000000x64xf32, #tpu.memory_space<hbm>> -> memref<8x64xf32, #tpu.memory_space<hbm>>
      %dma_start3A_817 = arith.constant 40 : i32
      %dma_start3A_818 = arith.constant 0 : i32
      %dma_start3A_819 = tpu.memref_slice %arg12[%dma_start3A_817, %dma_start3A_818] : memref<64x64xf32, #tpu.memory_space<vmem>> -> memref<8x64xf32, #tpu.memory_space<vmem>>
      %dma_start3A_820 = arith.constant 0 : i32
      %dma_start3A_821 = tpu.memref_slice %arg5[%multiple_of3A_811, %dma_start3A_820] : memref<1000000x64xf32, #tpu.memory_space<hbm>> -> memref<8x64xf32, #tpu.memory_space<hbm>>
      tpu.enqueue_dma source(%dma_start3A_821 : memref<8x64xf32, #tpu.memory_space<hbm>>) target(%dma_start3A_819 : memref<8x64xf32, #tpu.memory_space<vmem>>) target_semaphore(%arg19 : memref<!tpu.dma_semaphore, #tpu.memory_space<semaphore_mem>>)
      %slice3A_822 = vector.extract_strided_slice %min3A_540 {offsets = [5], sizes = [1], strides = [1]} : vector<16xi32> to vector<1xi32>
      %squeeze3A_823 = vector.extract %slice3A_822[0] : i32 from vector<1xi32>
      %shift_right_arithmetic3A_824 = arith.constant 3 : i32
      %shift_right_arithmetic3A_825 = arith.shrsi %squeeze3A_823, %shift_right_arithmetic3A_824 : i32
      %mul3A_826 = arith.constant 8 : i32
      %mul3A_827 = arith.muli %shift_right_arithmetic3A_825, %mul3A_826 : i32
      %multiple_of3A_828 = tpu.assume_multiple %mul3A_827, 8 : i32
      %dma_start3A_829 = arith.constant 40 : i32
      %dma_start3A_830 = arith.constant 0 : i32
      %dma_start3A_831 = tpu.memref_slice %arg14[%dma_start3A_829, %dma_start3A_830] : memref<64x64xf32, #tpu.memory_space<vmem>> -> memref<8x64xf32, #tpu.memory_space<vmem>>
      %dma_start3A_832 = arith.constant 0 : i32
      %dma_start3A_833 = tpu.memref_slice %arg5[%multiple_of3A_828, %dma_start3A_832] : memref<1000000x64xf32, #tpu.memory_space<hbm>> -> memref<8x64xf32, #tpu.memory_space<hbm>>
      %dma_start3A_834 = arith.constant 40 : i32
      %dma_start3A_835 = arith.constant 0 : i32
      %dma_start3A_836 = tpu.memref_slice %arg14[%dma_start3A_834, %dma_start3A_835] : memref<64x64xf32, #tpu.memory_space<vmem>> -> memref<8x64xf32, #tpu.memory_space<vmem>>
      %dma_start3A_837 = arith.constant 0 : i32
      %dma_start3A_838 = tpu.memref_slice %arg5[%multiple_of3A_828, %dma_start3A_837] : memref<1000000x64xf32, #tpu.memory_space<hbm>> -> memref<8x64xf32, #tpu.memory_space<hbm>>
      tpu.enqueue_dma source(%dma_start3A_838 : memref<8x64xf32, #tpu.memory_space<hbm>>) target(%dma_start3A_836 : memref<8x64xf32, #tpu.memory_space<vmem>>) target_semaphore(%arg19 : memref<!tpu.dma_semaphore, #tpu.memory_space<semaphore_mem>>)
      %slice3A_839 = vector.extract_strided_slice %min3A_549 {offsets = [5], sizes = [1], strides = [1]} : vector<16xi32> to vector<1xi32>
      %squeeze3A_840 = vector.extract %slice3A_839[0] : i32 from vector<1xi32>
      %shift_right_arithmetic3A_841 = arith.constant 3 : i32
      %shift_right_arithmetic3A_842 = arith.shrsi %squeeze3A_840, %shift_right_arithmetic3A_841 : i32
      %mul3A_843 = arith.constant 8 : i32
      %mul3A_844 = arith.muli %shift_right_arithmetic3A_842, %mul3A_843 : i32
      %multiple_of3A_845 = tpu.assume_multiple %mul3A_844, 8 : i32
      %dma_start3A_846 = arith.constant 40 : i32
      %dma_start3A_847 = arith.constant 0 : i32
      %dma_start3A_848 = tpu.memref_slice %arg16[%dma_start3A_846, %dma_start3A_847] : memref<64x128xf32, #tpu.memory_space<vmem>> -> memref<8x128xf32, #tpu.memory_space<vmem>>
      %dma_start3A_849 = arith.constant 0 : i32
      %dma_start3A_850 = tpu.memref_slice %arg6[%multiple_of3A_845, %dma_start3A_849] : memref<1000x128xf32, #tpu.memory_space<hbm>> -> memref<8x128xf32, #tpu.memory_space<hbm>>
      %dma_start3A_851 = arith.constant 40 : i32
      %dma_start3A_852 = arith.constant 0 : i32
      %dma_start3A_853 = tpu.memref_slice %arg16[%dma_start3A_851, %dma_start3A_852] : memref<64x128xf32, #tpu.memory_space<vmem>> -> memref<8x128xf32, #tpu.memory_space<vmem>>
      %dma_start3A_854 = arith.constant 0 : i32
      %dma_start3A_855 = tpu.memref_slice %arg6[%multiple_of3A_845, %dma_start3A_854] : memref<1000x128xf32, #tpu.memory_space<hbm>> -> memref<8x128xf32, #tpu.memory_space<hbm>>
      tpu.enqueue_dma source(%dma_start3A_855 : memref<8x128xf32, #tpu.memory_space<hbm>>) target(%dma_start3A_853 : memref<8x128xf32, #tpu.memory_space<vmem>>) target_semaphore(%arg19 : memref<!tpu.dma_semaphore, #tpu.memory_space<semaphore_mem>>)
      %slice3A_856 = vector.extract_strided_slice %min3A_532 {offsets = [6], sizes = [1], strides = [1]} : vector<16xi32> to vector<1xi32>
      %squeeze3A_857 = vector.extract %slice3A_856[0] : i32 from vector<1xi32>
      %shift_right_arithmetic3A_858 = arith.constant 3 : i32
      %shift_right_arithmetic3A_859 = arith.shrsi %squeeze3A_857, %shift_right_arithmetic3A_858 : i32
      %mul3A_860 = arith.constant 8 : i32
      %mul3A_861 = arith.muli %shift_right_arithmetic3A_859, %mul3A_860 : i32
      %multiple_of3A_862 = tpu.assume_multiple %mul3A_861, 8 : i32
      %dma_start3A_863 = arith.constant 48 : i32
      %dma_start3A_864 = arith.constant 0 : i32
      %dma_start3A_865 = tpu.memref_slice %arg12[%dma_start3A_863, %dma_start3A_864] : memref<64x64xf32, #tpu.memory_space<vmem>> -> memref<8x64xf32, #tpu.memory_space<vmem>>
      %dma_start3A_866 = arith.constant 0 : i32
      %dma_start3A_867 = tpu.memref_slice %arg5[%multiple_of3A_862, %dma_start3A_866] : memref<1000000x64xf32, #tpu.memory_space<hbm>> -> memref<8x64xf32, #tpu.memory_space<hbm>>
      %dma_start3A_868 = arith.constant 48 : i32
      %dma_start3A_869 = arith.constant 0 : i32
      %dma_start3A_870 = tpu.memref_slice %arg12[%dma_start3A_868, %dma_start3A_869] : memref<64x64xf32, #tpu.memory_space<vmem>> -> memref<8x64xf32, #tpu.memory_space<vmem>>
      %dma_start3A_871 = arith.constant 0 : i32
      %dma_start3A_872 = tpu.memref_slice %arg5[%multiple_of3A_862, %dma_start3A_871] : memref<1000000x64xf32, #tpu.memory_space<hbm>> -> memref<8x64xf32, #tpu.memory_space<hbm>>
      tpu.enqueue_dma source(%dma_start3A_872 : memref<8x64xf32, #tpu.memory_space<hbm>>) target(%dma_start3A_870 : memref<8x64xf32, #tpu.memory_space<vmem>>) target_semaphore(%arg19 : memref<!tpu.dma_semaphore, #tpu.memory_space<semaphore_mem>>)
      %slice3A_873 = vector.extract_strided_slice %min3A_540 {offsets = [6], sizes = [1], strides = [1]} : vector<16xi32> to vector<1xi32>
      %squeeze3A_874 = vector.extract %slice3A_873[0] : i32 from vector<1xi32>
      %shift_right_arithmetic3A_875 = arith.constant 3 : i32
      %shift_right_arithmetic3A_876 = arith.shrsi %squeeze3A_874, %shift_right_arithmetic3A_875 : i32
      %mul3A_877 = arith.constant 8 : i32
      %mul3A_878 = arith.muli %shift_right_arithmetic3A_876, %mul3A_877 : i32
      %multiple_of3A_879 = tpu.assume_multiple %mul3A_878, 8 : i32
      %dma_start3A_880 = arith.constant 48 : i32
      %dma_start3A_881 = arith.constant 0 : i32
      %dma_start3A_882 = tpu.memref_slice %arg14[%dma_start3A_880, %dma_start3A_881] : memref<64x64xf32, #tpu.memory_space<vmem>> -> memref<8x64xf32, #tpu.memory_space<vmem>>
      %dma_start3A_883 = arith.constant 0 : i32
      %dma_start3A_884 = tpu.memref_slice %arg5[%multiple_of3A_879, %dma_start3A_883] : memref<1000000x64xf32, #tpu.memory_space<hbm>> -> memref<8x64xf32, #tpu.memory_space<hbm>>
      %dma_start3A_885 = arith.constant 48 : i32
      %dma_start3A_886 = arith.constant 0 : i32
      %dma_start3A_887 = tpu.memref_slice %arg14[%dma_start3A_885, %dma_start3A_886] : memref<64x64xf32, #tpu.memory_space<vmem>> -> memref<8x64xf32, #tpu.memory_space<vmem>>
      %dma_start3A_888 = arith.constant 0 : i32
      %dma_start3A_889 = tpu.memref_slice %arg5[%multiple_of3A_879, %dma_start3A_888] : memref<1000000x64xf32, #tpu.memory_space<hbm>> -> memref<8x64xf32, #tpu.memory_space<hbm>>
      tpu.enqueue_dma source(%dma_start3A_889 : memref<8x64xf32, #tpu.memory_space<hbm>>) target(%dma_start3A_887 : memref<8x64xf32, #tpu.memory_space<vmem>>) target_semaphore(%arg19 : memref<!tpu.dma_semaphore, #tpu.memory_space<semaphore_mem>>)
      %slice3A_890 = vector.extract_strided_slice %min3A_549 {offsets = [6], sizes = [1], strides = [1]} : vector<16xi32> to vector<1xi32>
      %squeeze3A_891 = vector.extract %slice3A_890[0] : i32 from vector<1xi32>
      %shift_right_arithmetic3A_892 = arith.constant 3 : i32
      %shift_right_arithmetic3A_893 = arith.shrsi %squeeze3A_891, %shift_right_arithmetic3A_892 : i32
      %mul3A_894 = arith.constant 8 : i32
      %mul3A_895 = arith.muli %shift_right_arithmetic3A_893, %mul3A_894 : i32
      %multiple_of3A_896 = tpu.assume_multiple %mul3A_895, 8 : i32
      %dma_start3A_897 = arith.constant 48 : i32
      %dma_start3A_898 = arith.constant 0 : i32
      %dma_start3A_899 = tpu.memref_slice %arg16[%dma_start3A_897, %dma_start3A_898] : memref<64x128xf32, #tpu.memory_space<vmem>> -> memref<8x128xf32, #tpu.memory_space<vmem>>
      %dma_start3A_900 = arith.constant 0 : i32
      %dma_start3A_901 = tpu.memref_slice %arg6[%multiple_of3A_896, %dma_start3A_900] : memref<1000x128xf32, #tpu.memory_space<hbm>> -> memref<8x128xf32, #tpu.memory_space<hbm>>
      %dma_start3A_902 = arith.constant 48 : i32
      %dma_start3A_903 = arith.constant 0 : i32
      %dma_start3A_904 = tpu.memref_slice %arg16[%dma_start3A_902, %dma_start3A_903] : memref<64x128xf32, #tpu.memory_space<vmem>> -> memref<8x128xf32, #tpu.memory_space<vmem>>
      %dma_start3A_905 = arith.constant 0 : i32
      %dma_start3A_906 = tpu.memref_slice %arg6[%multiple_of3A_896, %dma_start3A_905] : memref<1000x128xf32, #tpu.memory_space<hbm>> -> memref<8x128xf32, #tpu.memory_space<hbm>>
      tpu.enqueue_dma source(%dma_start3A_906 : memref<8x128xf32, #tpu.memory_space<hbm>>) target(%dma_start3A_904 : memref<8x128xf32, #tpu.memory_space<vmem>>) target_semaphore(%arg19 : memref<!tpu.dma_semaphore, #tpu.memory_space<semaphore_mem>>)
      %slice3A_907 = vector.extract_strided_slice %min3A_532 {offsets = [7], sizes = [1], strides = [1]} : vector<16xi32> to vector<1xi32>
      %squeeze3A_908 = vector.extract %slice3A_907[0] : i32 from vector<1xi32>
      %shift_right_arithmetic3A_909 = arith.constant 3 : i32
      %shift_right_arithmetic3A_910 = arith.shrsi %squeeze3A_908, %shift_right_arithmetic3A_909 : i32
      %mul3A_911 = arith.constant 8 : i32
      %mul3A_912 = arith.muli %shift_right_arithmetic3A_910, %mul3A_911 : i32
      %multiple_of3A_913 = tpu.assume_multiple %mul3A_912, 8 : i32
      %dma_start3A_914 = arith.constant 56 : i32
      %dma_start3A_915 = arith.constant 0 : i32
      %dma_start3A_916 = tpu.memref_slice %arg12[%dma_start3A_914, %dma_start3A_915] : memref<64x64xf32, #tpu.memory_space<vmem>> -> memref<8x64xf32, #tpu.memory_space<vmem>>
      %dma_start3A_917 = arith.constant 0 : i32
      %dma_start3A_918 = tpu.memref_slice %arg5[%multiple_of3A_913, %dma_start3A_917] : memref<1000000x64xf32, #tpu.memory_space<hbm>> -> memref<8x64xf32, #tpu.memory_space<hbm>>
      %dma_start3A_919 = arith.constant 56 : i32
      %dma_start3A_920 = arith.constant 0 : i32
      %dma_start3A_921 = tpu.memref_slice %arg12[%dma_start3A_919, %dma_start3A_920] : memref<64x64xf32, #tpu.memory_space<vmem>> -> memref<8x64xf32, #tpu.memory_space<vmem>>
      %dma_start3A_922 = arith.constant 0 : i32
      %dma_start3A_923 = tpu.memref_slice %arg5[%multiple_of3A_913, %dma_start3A_922] : memref<1000000x64xf32, #tpu.memory_space<hbm>> -> memref<8x64xf32, #tpu.memory_space<hbm>>
      tpu.enqueue_dma source(%dma_start3A_923 : memref<8x64xf32, #tpu.memory_space<hbm>>) target(%dma_start3A_921 : memref<8x64xf32, #tpu.memory_space<vmem>>) target_semaphore(%arg19 : memref<!tpu.dma_semaphore, #tpu.memory_space<semaphore_mem>>)
      %slice3A_924 = vector.extract_strided_slice %min3A_540 {offsets = [7], sizes = [1], strides = [1]} : vector<16xi32> to vector<1xi32>
      %squeeze3A_925 = vector.extract %slice3A_924[0] : i32 from vector<1xi32>
      %shift_right_arithmetic3A_926 = arith.constant 3 : i32
      %shift_right_arithmetic3A_927 = arith.shrsi %squeeze3A_925, %shift_right_arithmetic3A_926 : i32
      %mul3A_928 = arith.constant 8 : i32
      %mul3A_929 = arith.muli %shift_right_arithmetic3A_927, %mul3A_928 : i32
      %multiple_of3A_930 = tpu.assume_multiple %mul3A_929, 8 : i32
      %dma_start3A_931 = arith.constant 56 : i32
      %dma_start3A_932 = arith.constant 0 : i32
      %dma_start3A_933 = tpu.memref_slice %arg14[%dma_start3A_931, %dma_start3A_932] : memref<64x64xf32, #tpu.memory_space<vmem>> -> memref<8x64xf32, #tpu.memory_space<vmem>>
      %dma_start3A_934 = arith.constant 0 : i32
      %dma_start3A_935 = tpu.memref_slice %arg5[%multiple_of3A_930, %dma_start3A_934] : memref<1000000x64xf32, #tpu.memory_space<hbm>> -> memref<8x64xf32, #tpu.memory_space<hbm>>
      %dma_start3A_936 = arith.constant 56 : i32
      %dma_start3A_937 = arith.constant 0 : i32
      %dma_start3A_938 = tpu.memref_slice %arg14[%dma_start3A_936, %dma_start3A_937] : memref<64x64xf32, #tpu.memory_space<vmem>> -> memref<8x64xf32, #tpu.memory_space<vmem>>
      %dma_start3A_939 = arith.constant 0 : i32
      %dma_start3A_940 = tpu.memref_slice %arg5[%multiple_of3A_930, %dma_start3A_939] : memref<1000000x64xf32, #tpu.memory_space<hbm>> -> memref<8x64xf32, #tpu.memory_space<hbm>>
      tpu.enqueue_dma source(%dma_start3A_940 : memref<8x64xf32, #tpu.memory_space<hbm>>) target(%dma_start3A_938 : memref<8x64xf32, #tpu.memory_space<vmem>>) target_semaphore(%arg19 : memref<!tpu.dma_semaphore, #tpu.memory_space<semaphore_mem>>)
      %slice3A_941 = vector.extract_strided_slice %min3A_549 {offsets = [7], sizes = [1], strides = [1]} : vector<16xi32> to vector<1xi32>
      %squeeze3A_942 = vector.extract %slice3A_941[0] : i32 from vector<1xi32>
      %shift_right_arithmetic3A_943 = arith.constant 3 : i32
      %shift_right_arithmetic3A_944 = arith.shrsi %squeeze3A_942, %shift_right_arithmetic3A_943 : i32
      %mul3A_945 = arith.constant 8 : i32
      %mul3A_946 = arith.muli %shift_right_arithmetic3A_944, %mul3A_945 : i32
      %multiple_of3A_947 = tpu.assume_multiple %mul3A_946, 8 : i32
      %dma_start3A_948 = arith.constant 56 : i32
      %dma_start3A_949 = arith.constant 0 : i32
      %dma_start3A_950 = tpu.memref_slice %arg16[%dma_start3A_948, %dma_start3A_949] : memref<64x128xf32, #tpu.memory_space<vmem>> -> memref<8x128xf32, #tpu.memory_space<vmem>>
      %dma_start3A_951 = arith.constant 0 : i32
      %dma_start3A_952 = tpu.memref_slice %arg6[%multiple_of3A_947, %dma_start3A_951] : memref<1000x128xf32, #tpu.memory_space<hbm>> -> memref<8x128xf32, #tpu.memory_space<hbm>>
      %dma_start3A_953 = arith.constant 56 : i32
      %dma_start3A_954 = arith.constant 0 : i32
      %dma_start3A_955 = tpu.memref_slice %arg16[%dma_start3A_953, %dma_start3A_954] : memref<64x128xf32, #tpu.memory_space<vmem>> -> memref<8x128xf32, #tpu.memory_space<vmem>>
      %dma_start3A_956 = arith.constant 0 : i32
      %dma_start3A_957 = tpu.memref_slice %arg6[%multiple_of3A_947, %dma_start3A_956] : memref<1000x128xf32, #tpu.memory_space<hbm>> -> memref<8x128xf32, #tpu.memory_space<hbm>>
      tpu.enqueue_dma source(%dma_start3A_957 : memref<8x128xf32, #tpu.memory_space<hbm>>) target(%dma_start3A_955 : memref<8x128xf32, #tpu.memory_space<vmem>>) target_semaphore(%arg19 : memref<!tpu.dma_semaphore, #tpu.memory_space<semaphore_mem>>)
      %dma_wait3A_958 = arith.constant 0 : i32
      %dma_wait3A_959 = arith.constant 0 : i32
      %dma_wait3A_960 = tpu.memref_slice %arg5[%dma_wait3A_958, %dma_wait3A_959] : memref<1000000x64xf32, #tpu.memory_space<hbm>> -> memref<64x64xf32, #tpu.memory_space<hbm>>
      %dma_wait3A_961 = arith.constant 0 : i32
      %dma_wait3A_962 = arith.constant 0 : i32
      %dma_wait3A_963 = tpu.memref_slice %arg5[%dma_wait3A_961, %dma_wait3A_962] : memref<1000000x64xf32, #tpu.memory_space<hbm>> -> memref<64x64xf32, #tpu.memory_space<hbm>>
      tpu.wait_dma2 semaphore(%arg18 : memref<!tpu.dma_semaphore, #tpu.memory_space<semaphore_mem>>) src(%dma_wait3A_963 : memref<64x64xf32, #tpu.memory_space<hbm>>) dst(%arg11 : memref<64x64xf32, #tpu.memory_space<vmem>>)
      %dma_wait3A_964 = arith.constant 0 : i32
      %dma_wait3A_965 = arith.constant 0 : i32
      %dma_wait3A_966 = tpu.memref_slice %arg5[%dma_wait3A_964, %dma_wait3A_965] : memref<1000000x64xf32, #tpu.memory_space<hbm>> -> memref<64x64xf32, #tpu.memory_space<hbm>>
      %dma_wait3A_967 = arith.constant 0 : i32
      %dma_wait3A_968 = arith.constant 0 : i32
      %dma_wait3A_969 = tpu.memref_slice %arg5[%dma_wait3A_967, %dma_wait3A_968] : memref<1000000x64xf32, #tpu.memory_space<hbm>> -> memref<64x64xf32, #tpu.memory_space<hbm>>
      tpu.wait_dma2 semaphore(%arg18 : memref<!tpu.dma_semaphore, #tpu.memory_space<semaphore_mem>>) src(%dma_wait3A_969 : memref<64x64xf32, #tpu.memory_space<hbm>>) dst(%arg13 : memref<64x64xf32, #tpu.memory_space<vmem>>)
      %dma_wait3A_970 = arith.constant 0 : i32
      %dma_wait3A_971 = arith.constant 0 : i32
      %dma_wait3A_972 = tpu.memref_slice %arg6[%dma_wait3A_970, %dma_wait3A_971] : memref<1000x128xf32, #tpu.memory_space<hbm>> -> memref<64x128xf32, #tpu.memory_space<hbm>>
      %dma_wait3A_973 = arith.constant 0 : i32
      %dma_wait3A_974 = arith.constant 0 : i32
      %dma_wait3A_975 = tpu.memref_slice %arg6[%dma_wait3A_973, %dma_wait3A_974] : memref<1000x128xf32, #tpu.memory_space<hbm>> -> memref<64x128xf32, #tpu.memory_space<hbm>>
      tpu.wait_dma2 semaphore(%arg18 : memref<!tpu.dma_semaphore, #tpu.memory_space<semaphore_mem>>) src(%dma_wait3A_975 : memref<64x128xf32, #tpu.memory_space<hbm>>) dst(%arg15 : memref<64x128xf32, #tpu.memory_space<vmem>>)
      %broadcast_in_dim3A_976 = arith.constant 0.000000e+00 : f32
      %broadcast_in_dim3A_977 = vector.broadcast %broadcast_in_dim3A_976 : f32 to vector<16xf32>
      %slice3A_978 = vector.extract_strided_slice %get3A_520 {offsets = [0], sizes = [1], strides = [1]} : vector<16xi32> to vector<1xi32>
      %squeeze3A_979 = vector.extract %slice3A_978[0] : i32 from vector<1xi32>
      %and3A = arith.constant 7 : i32
      %and3A_980 = arith.andi %squeeze3A_979, %and3A : i32
      %add3A_981 = arith.constant 0 : i32
      %add3A_982 = arith.addi %add3A_981, %and3A_980 : i32
      %slice3A_983 = vector.extract_strided_slice %get3A_522 {offsets = [0], sizes = [1], strides = [1]} : vector<16xi32> to vector<1xi32>
      %squeeze3A_984 = vector.extract %slice3A_983[0] : i32 from vector<1xi32>
      %and3A_985 = arith.constant 7 : i32
      %and3A_986 = arith.andi %squeeze3A_984, %and3A_985 : i32
      %add3A_987 = arith.constant 0 : i32
      %add3A_988 = arith.addi %add3A_987, %and3A_986 : i32
      %slice3A_989 = vector.extract_strided_slice %get3A_524 {offsets = [0], sizes = [1], strides = [1]} : vector<16xi32> to vector<1xi32>
      %squeeze3A_990 = vector.extract %slice3A_989[0] : i32 from vector<1xi32>
      %and3A_991 = arith.constant 7 : i32
      %and3A_992 = arith.andi %squeeze3A_990, %and3A_991 : i32
      %add3A_993 = arith.constant 0 : i32
      %add3A_994 = arith.addi %add3A_993, %and3A_992 : i32
      %broadcast_in_dim3A_995 = arith.constant 0.000000e+00 : f32
      %broadcast_in_dim3A_996 = vector.broadcast %broadcast_in_dim3A_995 : f32 to vector<16xf32>
      %broadcast_in_dim3A_997 = arith.constant 0.000000e+00 : f32
      %broadcast_in_dim3A_998 = vector.broadcast %broadcast_in_dim3A_997 : f32 to vector<16xf32>
      %broadcast_in_dim3A_999 = arith.constant 0.000000e+00 : f32
      %broadcast_in_dim3A_1000 = vector.broadcast %broadcast_in_dim3A_999 : f32 to vector<16xf32>
      %broadcast_in_dim3A_1001 = arith.constant 0.000000e+00 : f32
      %broadcast_in_dim3A_1002 = vector.broadcast %broadcast_in_dim3A_1001 : f32 to vector<16xf32>
      %get3A_1003 = arith.index_cast %add3A_982 : i32 to index
      %get3A_1004 = arith.constant 0 : index
      %get3A_1005 = tpu.vector_load %arg11[%get3A_1003, %get3A_1004] {strides = array<i32>} : memref<64x64xf32, #tpu.memory_space<vmem>>, vector<16xf32>,
      %get3A_1006 = arith.index_cast %add3A_988 : i32 to index
      %get3A_1007 = arith.constant 0 : index
      %get3A_1008 = tpu.vector_load %arg13[%get3A_1006, %get3A_1007] {strides = array<i32>} : memref<64x64xf32, #tpu.memory_space<vmem>>, vector<16xf32>,
      %get3A_1009 = arith.index_cast %add3A_994 : i32 to index
      %get3A_1010 = arith.constant 0 : index
      %get3A_1011 = tpu.vector_load %arg15[%get3A_1009, %get3A_1010] {strides = array<i32>} : memref<64x128xf32, #tpu.memory_space<vmem>>, vector<16xf32>,
      %get3A_1012 = arith.index_cast %add3A_994 : i32 to index
      %get3A_1013 = arith.constant 64 : index
      %get3A_1014 = tpu.vector_load %arg15[%get3A_1012, %get3A_1013] {strides = array<i32>} : memref<64x128xf32, #tpu.memory_space<vmem>>, vector<16xf32>,
      %sub3A = arith.subf %get3A_1005, %get3A_1008 : vector<16xf32>
      %add3A_1015 = arith.addf %sub3A, %get3A_1011 : vector<16xf32>
      %mul3A_1016 = arith.mulf %add3A_1015, %add3A_1015 : vector<16xf32>
      %add3A_1017 = arith.addf %broadcast_in_dim3A_996, %mul3A_1016 : vector<16xf32>
      %mul3A_1018 = arith.mulf %add3A_1015, %get3A_1014 : vector<16xf32>
      %add3A_1019 = arith.addf %broadcast_in_dim3A_998, %mul3A_1018 : vector<16xf32>
      %mul3A_1020 = arith.mulf %get3A_1014, %get3A_1011 : vector<16xf32>
      %add3A_1021 = arith.addf %broadcast_in_dim3A_1000, %mul3A_1020 : vector<16xf32>
      %mul3A_1022 = arith.mulf %get3A_1014, %get3A_1014 : vector<16xf32>
      %add3A_1023 = arith.addf %broadcast_in_dim3A_1002, %mul3A_1022 : vector<16xf32>
      %get3A_1024 = arith.index_cast %add3A_982 : i32 to index
      %get3A_1025 = arith.constant 16 : index
      %get3A_1026 = tpu.vector_load %arg11[%get3A_1024, %get3A_1025] {strides = array<i32>} : memref<64x64xf32, #tpu.memory_space<vmem>>, vector<16xf32>,
      %get3A_1027 = arith.index_cast %add3A_988 : i32 to index
      %get3A_1028 = arith.constant 16 : index
      %get3A_1029 = tpu.vector_load %arg13[%get3A_1027, %get3A_1028] {strides = array<i32>} : memref<64x64xf32, #tpu.memory_space<vmem>>, vector<16xf32>,
      %get3A_1030 = arith.index_cast %add3A_994 : i32 to index
      %get3A_1031 = arith.constant 16 : index
      %get3A_1032 = tpu.vector_load %arg15[%get3A_1030, %get3A_1031] {strides = array<i32>} : memref<64x128xf32, #tpu.memory_space<vmem>>, vector<16xf32>,
      %get3A_1033 = arith.index_cast %add3A_994 : i32 to index
      %get3A_1034 = arith.constant 80 : index
      %get3A_1035 = tpu.vector_load %arg15[%get3A_1033, %get3A_1034] {strides = array<i32>} : memref<64x128xf32, #tpu.memory_space<vmem>>, vector<16xf32>,
      %sub3A_1036 = arith.subf %get3A_1026, %get3A_1029 : vector<16xf32>
      %add3A_1037 = arith.addf %sub3A_1036, %get3A_1032 : vector<16xf32>
      %mul3A_1038 = arith.mulf %add3A_1037, %add3A_1037 : vector<16xf32>
      %add3A_1039 = arith.addf %add3A_1017, %mul3A_1038 : vector<16xf32>
      %mul3A_1040 = arith.mulf %add3A_1037, %get3A_1035 : vector<16xf32>
      %add3A_1041 = arith.addf %add3A_1019, %mul3A_1040 : vector<16xf32>
      %mul3A_1042 = arith.mulf %get3A_1035, %get3A_1032 : vector<16xf32>
      %add3A_1043 = arith.addf %add3A_1021, %mul3A_1042 : vector<16xf32>
      %mul3A_1044 = arith.mulf %get3A_1035, %get3A_1035 : vector<16xf32>
      %add3A_1045 = arith.addf %add3A_1023, %mul3A_1044 : vector<16xf32>
      %get3A_1046 = arith.index_cast %add3A_982 : i32 to index
      %get3A_1047 = arith.constant 32 : index
      %get3A_1048 = tpu.vector_load %arg11[%get3A_1046, %get3A_1047] {strides = array<i32>} : memref<64x64xf32, #tpu.memory_space<vmem>>, vector<16xf32>,
      %get3A_1049 = arith.index_cast %add3A_988 : i32 to index
      %get3A_1050 = arith.constant 32 : index
      %get3A_1051 = tpu.vector_load %arg13[%get3A_1049, %get3A_1050] {strides = array<i32>} : memref<64x64xf32, #tpu.memory_space<vmem>>, vector<16xf32>,
      %get3A_1052 = arith.index_cast %add3A_994 : i32 to index
      %get3A_1053 = arith.constant 32 : index
      %get3A_1054 = tpu.vector_load %arg15[%get3A_1052, %get3A_1053] {strides = array<i32>} : memref<64x128xf32, #tpu.memory_space<vmem>>, vector<16xf32>,
      %get3A_1055 = arith.index_cast %add3A_994 : i32 to index
      %get3A_1056 = arith.constant 96 : index
      %get3A_1057 = tpu.vector_load %arg15[%get3A_1055, %get3A_1056] {strides = array<i32>} : memref<64x128xf32, #tpu.memory_space<vmem>>, vector<16xf32>,
      %sub3A_1058 = arith.subf %get3A_1048, %get3A_1051 : vector<16xf32>
      %add3A_1059 = arith.addf %sub3A_1058, %get3A_1054 : vector<16xf32>
      %mul3A_1060 = arith.mulf %add3A_1059, %add3A_1059 : vector<16xf32>
      %add3A_1061 = arith.addf %add3A_1039, %mul3A_1060 : vector<16xf32>
      %mul3A_1062 = arith.mulf %add3A_1059, %get3A_1057 : vector<16xf32>
      %add3A_1063 = arith.addf %add3A_1041, %mul3A_1062 : vector<16xf32>
      %mul3A_1064 = arith.mulf %get3A_1057, %get3A_1054 : vector<16xf32>
      %add3A_1065 = arith.addf %add3A_1043, %mul3A_1064 : vector<16xf32>
      %mul3A_1066 = arith.mulf %get3A_1057, %get3A_1057 : vector<16xf32>
      %add3A_1067 = arith.addf %add3A_1045, %mul3A_1066 : vector<16xf32>
      %get3A_1068 = arith.index_cast %add3A_982 : i32 to index
      %get3A_1069 = arith.constant 48 : index
      %get3A_1070 = tpu.vector_load %arg11[%get3A_1068, %get3A_1069] {strides = array<i32>} : memref<64x64xf32, #tpu.memory_space<vmem>>, vector<16xf32>,
      %get3A_1071 = arith.index_cast %add3A_988 : i32 to index
      %get3A_1072 = arith.constant 48 : index
      %get3A_1073 = tpu.vector_load %arg13[%get3A_1071, %get3A_1072] {strides = array<i32>} : memref<64x64xf32, #tpu.memory_space<vmem>>, vector<16xf32>,
      %get3A_1074 = arith.index_cast %add3A_994 : i32 to index
      %get3A_1075 = arith.constant 48 : index
      %get3A_1076 = tpu.vector_load %arg15[%get3A_1074, %get3A_1075] {strides = array<i32>} : memref<64x128xf32, #tpu.memory_space<vmem>>, vector<16xf32>,
      %get3A_1077 = arith.index_cast %add3A_994 : i32 to index
      %get3A_1078 = arith.constant 112 : index
      %get3A_1079 = tpu.vector_load %arg15[%get3A_1077, %get3A_1078] {strides = array<i32>} : memref<64x128xf32, #tpu.memory_space<vmem>>, vector<16xf32>,
      %sub3A_1080 = arith.subf %get3A_1070, %get3A_1073 : vector<16xf32>
      %add3A_1081 = arith.addf %sub3A_1080, %get3A_1076 : vector<16xf32>
      %mul3A_1082 = arith.mulf %add3A_1081, %add3A_1081 : vector<16xf32>
      %add3A_1083 = arith.addf %add3A_1061, %mul3A_1082 : vector<16xf32>
      %mul3A_1084 = arith.mulf %add3A_1081, %get3A_1079 : vector<16xf32>
      %add3A_1085 = arith.addf %add3A_1063, %mul3A_1084 : vector<16xf32>
      %mul3A_1086 = arith.mulf %get3A_1079, %get3A_1076 : vector<16xf32>
      %add3A_1087 = arith.addf %add3A_1065, %mul3A_1086 : vector<16xf32>
      %mul3A_1088 = arith.mulf %get3A_1079, %get3A_1079 : vector<16xf32>
      %add3A_1089 = arith.addf %add3A_1067, %mul3A_1088 : vector<16xf32>
      %reduce_sum3A = arith.constant true
      %reduce_sum3A_1090 = vector.broadcast %reduce_sum3A : i1 to vector<16xi1>
      %reduce_sum3A_1091 = tpu.scan <sum>, %add3A_1083 masked %reduce_sum3A_1090 : vector<16xf32>, vector<16xi1> -> vector<16xf32>
      %reduce_sum3A_1092 = vector.extract %reduce_sum3A_1091[15] : f32 from vector<16xf32>
      %reduce_sum3A_1093 = arith.constant true
      %reduce_sum3A_1094 = vector.broadcast %reduce_sum3A_1093 : i1 to vector<16xi1>
      %reduce_sum3A_1095 = tpu.scan <sum>, %add3A_1085 masked %reduce_sum3A_1094 : vector<16xf32>, vector<16xi1> -> vector<16xf32>
      %reduce_sum3A_1096 = vector.extract %reduce_sum3A_1095[15] : f32 from vector<16xf32>
      %reduce_sum3A_1097 = arith.constant true
      %reduce_sum3A_1098 = vector.broadcast %reduce_sum3A_1097 : i1 to vector<16xi1>
      %reduce_sum3A_1099 = tpu.scan <sum>, %add3A_1087 masked %reduce_sum3A_1098 : vector<16xf32>, vector<16xi1> -> vector<16xf32>
      %reduce_sum3A_1100 = vector.extract %reduce_sum3A_1099[15] : f32 from vector<16xf32>
      %reduce_sum3A_1101 = arith.constant true
      %reduce_sum3A_1102 = vector.broadcast %reduce_sum3A_1101 : i1 to vector<16xi1>
      %reduce_sum3A_1103 = tpu.scan <sum>, %add3A_1089 masked %reduce_sum3A_1102 : vector<16xf32>, vector<16xi1> -> vector<16xf32>
      %reduce_sum3A_1104 = vector.extract %reduce_sum3A_1103[15] : f32 from vector<16xf32>
      %sub3A_1105 = arith.subf %reduce_sum3A_1096, %reduce_sum3A_1100 : f32
      %mul3A_1106 = arith.mulf %scan3A_478, %sub3A_1105 : f32
      %mul3A_1107 = arith.mulf %mul3A_1106, %reduce_sum3A_1096 : f32
      %sub3A_1108 = arith.subf %reduce_sum3A_1092, %mul3A_1107 : f32
      %mul3A_1109 = arith.mulf %sub3A_1105, %sub3A_1105 : f32
      %mul3A_1110 = arith.mulf %mul3A_1109, %reduce_sum3A_1104 : f32
      %add3A_1111 = arith.addf %sub3A_1108, %mul3A_1110 : f32
      %eq3A = arith.constant 0 : i32
      %eq3A_1112 = vector.broadcast %eq3A : i32 to vector<16xi32>
      %eq3A_1113 = arith.cmpi eq, %iota3A, %eq3A_1112 : vector<16xi32>
      %broadcast_in_dim3A_1114 = vector.broadcast %add3A_1111 : f32 to vector<16xf32>
      %select_n3A = arith.select %eq3A_1113, %broadcast_in_dim3A_1114, %broadcast_in_dim3A_977 : vector<16xi1>, vector<16xf32>
      %slice3A_1115 = vector.extract_strided_slice %get3A_520 {offsets = [1], sizes = [1], strides = [1]} : vector<16xi32> to vector<1xi32>
      %squeeze3A_1116 = vector.extract %slice3A_1115[0] : i32 from vector<1xi32>
      %and3A_1117 = arith.constant 7 : i32
      %and3A_1118 = arith.andi %squeeze3A_1116, %and3A_1117 : i32
      %add3A_1119 = arith.constant 8 : i32
      %add3A_1120 = arith.addi %add3A_1119, %and3A_1118 : i32
      %slice3A_1121 = vector.extract_strided_slice %get3A_522 {offsets = [1], sizes = [1], strides = [1]} : vector<16xi32> to vector<1xi32>
      %squeeze3A_1122 = vector.extract %slice3A_1121[0] : i32 from vector<1xi32>
      %and3A_1123 = arith.constant 7 : i32
      %and3A_1124 = arith.andi %squeeze3A_1122, %and3A_1123 : i32
      %add3A_1125 = arith.constant 8 : i32
      %add3A_1126 = arith.addi %add3A_1125, %and3A_1124 : i32
      %slice3A_1127 = vector.extract_strided_slice %get3A_524 {offsets = [1], sizes = [1], strides = [1]} : vector<16xi32> to vector<1xi32>
      %squeeze3A_1128 = vector.extract %slice3A_1127[0] : i32 from vector<1xi32>
      %and3A_1129 = arith.constant 7 : i32
      %and3A_1130 = arith.andi %squeeze3A_1128, %and3A_1129 : i32
      %add3A_1131 = arith.constant 8 : i32
      %add3A_1132 = arith.addi %add3A_1131, %and3A_1130 : i32
      %broadcast_in_dim3A_1133 = arith.constant 0.000000e+00 : f32
      %broadcast_in_dim3A_1134 = vector.broadcast %broadcast_in_dim3A_1133 : f32 to vector<16xf32>
      %broadcast_in_dim3A_1135 = arith.constant 0.000000e+00 : f32
      %broadcast_in_dim3A_1136 = vector.broadcast %broadcast_in_dim3A_1135 : f32 to vector<16xf32>
      %broadcast_in_dim3A_1137 = arith.constant 0.000000e+00 : f32
      %broadcast_in_dim3A_1138 = vector.broadcast %broadcast_in_dim3A_1137 : f32 to vector<16xf32>
      %broadcast_in_dim3A_1139 = arith.constant 0.000000e+00 : f32
      %broadcast_in_dim3A_1140 = vector.broadcast %broadcast_in_dim3A_1139 : f32 to vector<16xf32>
      %get3A_1141 = arith.index_cast %add3A_1120 : i32 to index
      %get3A_1142 = arith.constant 0 : index
      %get3A_1143 = tpu.vector_load %arg11[%get3A_1141, %get3A_1142] {strides = array<i32>} : memref<64x64xf32, #tpu.memory_space<vmem>>, vector<16xf32>,
      %get3A_1144 = arith.index_cast %add3A_1126 : i32 to index
      %get3A_1145 = arith.constant 0 : index
      %get3A_1146 = tpu.vector_load %arg13[%get3A_1144, %get3A_1145] {strides = array<i32>} : memref<64x64xf32, #tpu.memory_space<vmem>>, vector<16xf32>,
      %get3A_1147 = arith.index_cast %add3A_1132 : i32 to index
      %get3A_1148 = arith.constant 0 : index
      %get3A_1149 = tpu.vector_load %arg15[%get3A_1147, %get3A_1148] {strides = array<i32>} : memref<64x128xf32, #tpu.memory_space<vmem>>, vector<16xf32>,
      %get3A_1150 = arith.index_cast %add3A_1132 : i32 to index
      %get3A_1151 = arith.constant 64 : index
      %get3A_1152 = tpu.vector_load %arg15[%get3A_1150, %get3A_1151] {strides = array<i32>} : memref<64x128xf32, #tpu.memory_space<vmem>>, vector<16xf32>,
      %sub3A_1153 = arith.subf %get3A_1143, %get3A_1146 : vector<16xf32>
      %add3A_1154 = arith.addf %sub3A_1153, %get3A_1149 : vector<16xf32>
      %mul3A_1155 = arith.mulf %add3A_1154, %add3A_1154 : vector<16xf32>
      %add3A_1156 = arith.addf %broadcast_in_dim3A_1134, %mul3A_1155 : vector<16xf32>
      %mul3A_1157 = arith.mulf %add3A_1154, %get3A_1152 : vector<16xf32>
      %add3A_1158 = arith.addf %broadcast_in_dim3A_1136, %mul3A_1157 : vector<16xf32>
      %mul3A_1159 = arith.mulf %get3A_1152, %get3A_1149 : vector<16xf32>
      %add3A_1160 = arith.addf %broadcast_in_dim3A_1138, %mul3A_1159 : vector<16xf32>
      %mul3A_1161 = arith.mulf %get3A_1152, %get3A_1152 : vector<16xf32>
      %add3A_1162 = arith.addf %broadcast_in_dim3A_1140, %mul3A_1161 : vector<16xf32>
      %get3A_1163 = arith.index_cast %add3A_1120 : i32 to index
      %get3A_1164 = arith.constant 16 : index
      %get3A_1165 = tpu.vector_load %arg11[%get3A_1163, %get3A_1164] {strides = array<i32>} : memref<64x64xf32, #tpu.memory_space<vmem>>, vector<16xf32>,
      %get3A_1166 = arith.index_cast %add3A_1126 : i32 to index
      %get3A_1167 = arith.constant 16 : index
      %get3A_1168 = tpu.vector_load %arg13[%get3A_1166, %get3A_1167] {strides = array<i32>} : memref<64x64xf32, #tpu.memory_space<vmem>>, vector<16xf32>,
      %get3A_1169 = arith.index_cast %add3A_1132 : i32 to index
      %get3A_1170 = arith.constant 16 : index
      %get3A_1171 = tpu.vector_load %arg15[%get3A_1169, %get3A_1170] {strides = array<i32>} : memref<64x128xf32, #tpu.memory_space<vmem>>, vector<16xf32>,
      %get3A_1172 = arith.index_cast %add3A_1132 : i32 to index
      %get3A_1173 = arith.constant 80 : index
      %get3A_1174 = tpu.vector_load %arg15[%get3A_1172, %get3A_1173] {strides = array<i32>} : memref<64x128xf32, #tpu.memory_space<vmem>>, vector<16xf32>,
      %sub3A_1175 = arith.subf %get3A_1165, %get3A_1168 : vector<16xf32>
      %add3A_1176 = arith.addf %sub3A_1175, %get3A_1171 : vector<16xf32>
      %mul3A_1177 = arith.mulf %add3A_1176, %add3A_1176 : vector<16xf32>
      %add3A_1178 = arith.addf %add3A_1156, %mul3A_1177 : vector<16xf32>
      %mul3A_1179 = arith.mulf %add3A_1176, %get3A_1174 : vector<16xf32>
      %add3A_1180 = arith.addf %add3A_1158, %mul3A_1179 : vector<16xf32>
      %mul3A_1181 = arith.mulf %get3A_1174, %get3A_1171 : vector<16xf32>
      %add3A_1182 = arith.addf %add3A_1160, %mul3A_1181 : vector<16xf32>
      %mul3A_1183 = arith.mulf %get3A_1174, %get3A_1174 : vector<16xf32>
      %add3A_1184 = arith.addf %add3A_1162, %mul3A_1183 : vector<16xf32>
      %get3A_1185 = arith.index_cast %add3A_1120 : i32 to index
      %get3A_1186 = arith.constant 32 : index
      %get3A_1187 = tpu.vector_load %arg11[%get3A_1185, %get3A_1186] {strides = array<i32>} : memref<64x64xf32, #tpu.memory_space<vmem>>, vector<16xf32>,
      %get3A_1188 = arith.index_cast %add3A_1126 : i32 to index
      %get3A_1189 = arith.constant 32 : index
      %get3A_1190 = tpu.vector_load %arg13[%get3A_1188, %get3A_1189] {strides = array<i32>} : memref<64x64xf32, #tpu.memory_space<vmem>>, vector<16xf32>,
      %get3A_1191 = arith.index_cast %add3A_1132 : i32 to index
      %get3A_1192 = arith.constant 32 : index
      %get3A_1193 = tpu.vector_load %arg15[%get3A_1191, %get3A_1192] {strides = array<i32>} : memref<64x128xf32, #tpu.memory_space<vmem>>, vector<16xf32>,
      %get3A_1194 = arith.index_cast %add3A_1132 : i32 to index
      %get3A_1195 = arith.constant 96 : index
      %get3A_1196 = tpu.vector_load %arg15[%get3A_1194, %get3A_1195] {strides = array<i32>} : memref<64x128xf32, #tpu.memory_space<vmem>>, vector<16xf32>,
      %sub3A_1197 = arith.subf %get3A_1187, %get3A_1190 : vector<16xf32>
      %add3A_1198 = arith.addf %sub3A_1197, %get3A_1193 : vector<16xf32>
      %mul3A_1199 = arith.mulf %add3A_1198, %add3A_1198 : vector<16xf32>
      %add3A_1200 = arith.addf %add3A_1178, %mul3A_1199 : vector<16xf32>
      %mul3A_1201 = arith.mulf %add3A_1198, %get3A_1196 : vector<16xf32>
      %add3A_1202 = arith.addf %add3A_1180, %mul3A_1201 : vector<16xf32>
      %mul3A_1203 = arith.mulf %get3A_1196, %get3A_1193 : vector<16xf32>
      %add3A_1204 = arith.addf %add3A_1182, %mul3A_1203 : vector<16xf32>
      %mul3A_1205 = arith.mulf %get3A_1196, %get3A_1196 : vector<16xf32>
      %add3A_1206 = arith.addf %add3A_1184, %mul3A_1205 : vector<16xf32>
      %get3A_1207 = arith.index_cast %add3A_1120 : i32 to index
      %get3A_1208 = arith.constant 48 : index
      %get3A_1209 = tpu.vector_load %arg11[%get3A_1207, %get3A_1208] {strides = array<i32>} : memref<64x64xf32, #tpu.memory_space<vmem>>, vector<16xf32>,
      %get3A_1210 = arith.index_cast %add3A_1126 : i32 to index
      %get3A_1211 = arith.constant 48 : index
      %get3A_1212 = tpu.vector_load %arg13[%get3A_1210, %get3A_1211] {strides = array<i32>} : memref<64x64xf32, #tpu.memory_space<vmem>>, vector<16xf32>,
      %get3A_1213 = arith.index_cast %add3A_1132 : i32 to index
      %get3A_1214 = arith.constant 48 : index
      %get3A_1215 = tpu.vector_load %arg15[%get3A_1213, %get3A_1214] {strides = array<i32>} : memref<64x128xf32, #tpu.memory_space<vmem>>, vector<16xf32>,
      %get3A_1216 = arith.index_cast %add3A_1132 : i32 to index
      %get3A_1217 = arith.constant 112 : index
      %get3A_1218 = tpu.vector_load %arg15[%get3A_1216, %get3A_1217] {strides = array<i32>} : memref<64x128xf32, #tpu.memory_space<vmem>>, vector<16xf32>,
      %sub3A_1219 = arith.subf %get3A_1209, %get3A_1212 : vector<16xf32>
      %add3A_1220 = arith.addf %sub3A_1219, %get3A_1215 : vector<16xf32>
      %mul3A_1221 = arith.mulf %add3A_1220, %add3A_1220 : vector<16xf32>
      %add3A_1222 = arith.addf %add3A_1200, %mul3A_1221 : vector<16xf32>
      %mul3A_1223 = arith.mulf %add3A_1220, %get3A_1218 : vector<16xf32>
      %add3A_1224 = arith.addf %add3A_1202, %mul3A_1223 : vector<16xf32>
      %mul3A_1225 = arith.mulf %get3A_1218, %get3A_1215 : vector<16xf32>
      %add3A_1226 = arith.addf %add3A_1204, %mul3A_1225 : vector<16xf32>
      %mul3A_1227 = arith.mulf %get3A_1218, %get3A_1218 : vector<16xf32>
      %add3A_1228 = arith.addf %add3A_1206, %mul3A_1227 : vector<16xf32>
      %reduce_sum3A_1229 = arith.constant true
      %reduce_sum3A_1230 = vector.broadcast %reduce_sum3A_1229 : i1 to vector<16xi1>
      %reduce_sum3A_1231 = tpu.scan <sum>, %add3A_1222 masked %reduce_sum3A_1230 : vector<16xf32>, vector<16xi1> -> vector<16xf32>
      %reduce_sum3A_1232 = vector.extract %reduce_sum3A_1231[15] : f32 from vector<16xf32>
      %reduce_sum3A_1233 = arith.constant true
      %reduce_sum3A_1234 = vector.broadcast %reduce_sum3A_1233 : i1 to vector<16xi1>
      %reduce_sum3A_1235 = tpu.scan <sum>, %add3A_1224 masked %reduce_sum3A_1234 : vector<16xf32>, vector<16xi1> -> vector<16xf32>
      %reduce_sum3A_1236 = vector.extract %reduce_sum3A_1235[15] : f32 from vector<16xf32>
      %reduce_sum3A_1237 = arith.constant true
      %reduce_sum3A_1238 = vector.broadcast %reduce_sum3A_1237 : i1 to vector<16xi1>
      %reduce_sum3A_1239 = tpu.scan <sum>, %add3A_1226 masked %reduce_sum3A_1238 : vector<16xf32>, vector<16xi1> -> vector<16xf32>
      %reduce_sum3A_1240 = vector.extract %reduce_sum3A_1239[15] : f32 from vector<16xf32>
      %reduce_sum3A_1241 = arith.constant true
      %reduce_sum3A_1242 = vector.broadcast %reduce_sum3A_1241 : i1 to vector<16xi1>
      %reduce_sum3A_1243 = tpu.scan <sum>, %add3A_1228 masked %reduce_sum3A_1242 : vector<16xf32>, vector<16xi1> -> vector<16xf32>
      %reduce_sum3A_1244 = vector.extract %reduce_sum3A_1243[15] : f32 from vector<16xf32>
      %sub3A_1245 = arith.subf %reduce_sum3A_1236, %reduce_sum3A_1240 : f32
      %mul3A_1246 = arith.mulf %scan3A_478, %sub3A_1245 : f32
      %mul3A_1247 = arith.mulf %mul3A_1246, %reduce_sum3A_1236 : f32
      %sub3A_1248 = arith.subf %reduce_sum3A_1232, %mul3A_1247 : f32
      %mul3A_1249 = arith.mulf %sub3A_1245, %sub3A_1245 : f32
      %mul3A_1250 = arith.mulf %mul3A_1249, %reduce_sum3A_1244 : f32
      %add3A_1251 = arith.addf %sub3A_1248, %mul3A_1250 : f32
      %eq3A_1252 = arith.constant 1 : i32
      %eq3A_1253 = vector.broadcast %eq3A_1252 : i32 to vector<16xi32>
      %eq3A_1254 = arith.cmpi eq, %iota3A, %eq3A_1253 : vector<16xi32>
      %broadcast_in_dim3A_1255 = vector.broadcast %add3A_1251 : f32 to vector<16xf32>
      %select_n3A_1256 = arith.select %eq3A_1254, %broadcast_in_dim3A_1255, %select_n3A : vector<16xi1>, vector<16xf32>
      %slice3A_1257 = vector.extract_strided_slice %get3A_520 {offsets = [2], sizes = [1], strides = [1]} : vector<16xi32> to vector<1xi32>
      %squeeze3A_1258 = vector.extract %slice3A_1257[0] : i32 from vector<1xi32>
      %and3A_1259 = arith.constant 7 : i32
      %and3A_1260 = arith.andi %squeeze3A_1258, %and3A_1259 : i32
      %add3A_1261 = arith.constant 16 : i32
      %add3A_1262 = arith.addi %add3A_1261, %and3A_1260 : i32
      %slice3A_1263 = vector.extract_strided_slice %get3A_522 {offsets = [2], sizes = [1], strides = [1]} : vector<16xi32> to vector<1xi32>
      %squeeze3A_1264 = vector.extract %slice3A_1263[0] : i32 from vector<1xi32>
      %and3A_1265 = arith.constant 7 : i32
      %and3A_1266 = arith.andi %squeeze3A_1264, %and3A_1265 : i32
      %add3A_1267 = arith.constant 16 : i32
      %add3A_1268 = arith.addi %add3A_1267, %and3A_1266 : i32
      %slice3A_1269 = vector.extract_strided_slice %get3A_524 {offsets = [2], sizes = [1], strides = [1]} : vector<16xi32> to vector<1xi32>
      %squeeze3A_1270 = vector.extract %slice3A_1269[0] : i32 from vector<1xi32>
      %and3A_1271 = arith.constant 7 : i32
      %and3A_1272 = arith.andi %squeeze3A_1270, %and3A_1271 : i32
      %add3A_1273 = arith.constant 16 : i32
      %add3A_1274 = arith.addi %add3A_1273, %and3A_1272 : i32
      %broadcast_in_dim3A_1275 = arith.constant 0.000000e+00 : f32
      %broadcast_in_dim3A_1276 = vector.broadcast %broadcast_in_dim3A_1275 : f32 to vector<16xf32>
      %broadcast_in_dim3A_1277 = arith.constant 0.000000e+00 : f32
      %broadcast_in_dim3A_1278 = vector.broadcast %broadcast_in_dim3A_1277 : f32 to vector<16xf32>
      %broadcast_in_dim3A_1279 = arith.constant 0.000000e+00 : f32
      %broadcast_in_dim3A_1280 = vector.broadcast %broadcast_in_dim3A_1279 : f32 to vector<16xf32>
      %broadcast_in_dim3A_1281 = arith.constant 0.000000e+00 : f32
      %broadcast_in_dim3A_1282 = vector.broadcast %broadcast_in_dim3A_1281 : f32 to vector<16xf32>
      %get3A_1283 = arith.index_cast %add3A_1262 : i32 to index
      %get3A_1284 = arith.constant 0 : index
      %get3A_1285 = tpu.vector_load %arg11[%get3A_1283, %get3A_1284] {strides = array<i32>} : memref<64x64xf32, #tpu.memory_space<vmem>>, vector<16xf32>,
      %get3A_1286 = arith.index_cast %add3A_1268 : i32 to index
      %get3A_1287 = arith.constant 0 : index
      %get3A_1288 = tpu.vector_load %arg13[%get3A_1286, %get3A_1287] {strides = array<i32>} : memref<64x64xf32, #tpu.memory_space<vmem>>, vector<16xf32>,
      %get3A_1289 = arith.index_cast %add3A_1274 : i32 to index
      %get3A_1290 = arith.constant 0 : index
      %get3A_1291 = tpu.vector_load %arg15[%get3A_1289, %get3A_1290] {strides = array<i32>} : memref<64x128xf32, #tpu.memory_space<vmem>>, vector<16xf32>,
      %get3A_1292 = arith.index_cast %add3A_1274 : i32 to index
      %get3A_1293 = arith.constant 64 : index
      %get3A_1294 = tpu.vector_load %arg15[%get3A_1292, %get3A_1293] {strides = array<i32>} : memref<64x128xf32, #tpu.memory_space<vmem>>, vector<16xf32>,
      %sub3A_1295 = arith.subf %get3A_1285, %get3A_1288 : vector<16xf32>
      %add3A_1296 = arith.addf %sub3A_1295, %get3A_1291 : vector<16xf32>
      %mul3A_1297 = arith.mulf %add3A_1296, %add3A_1296 : vector<16xf32>
      %add3A_1298 = arith.addf %broadcast_in_dim3A_1276, %mul3A_1297 : vector<16xf32>
      %mul3A_1299 = arith.mulf %add3A_1296, %get3A_1294 : vector<16xf32>
      %add3A_1300 = arith.addf %broadcast_in_dim3A_1278, %mul3A_1299 : vector<16xf32>
      %mul3A_1301 = arith.mulf %get3A_1294, %get3A_1291 : vector<16xf32>
      %add3A_1302 = arith.addf %broadcast_in_dim3A_1280, %mul3A_1301 : vector<16xf32>
      %mul3A_1303 = arith.mulf %get3A_1294, %get3A_1294 : vector<16xf32>
      %add3A_1304 = arith.addf %broadcast_in_dim3A_1282, %mul3A_1303 : vector<16xf32>
      %get3A_1305 = arith.index_cast %add3A_1262 : i32 to index
      %get3A_1306 = arith.constant 16 : index
      %get3A_1307 = tpu.vector_load %arg11[%get3A_1305, %get3A_1306] {strides = array<i32>} : memref<64x64xf32, #tpu.memory_space<vmem>>, vector<16xf32>,
      %get3A_1308 = arith.index_cast %add3A_1268 : i32 to index
      %get3A_1309 = arith.constant 16 : index
      %get3A_1310 = tpu.vector_load %arg13[%get3A_1308, %get3A_1309] {strides = array<i32>} : memref<64x64xf32, #tpu.memory_space<vmem>>, vector<16xf32>,
      %get3A_1311 = arith.index_cast %add3A_1274 : i32 to index
      %get3A_1312 = arith.constant 16 : index
      %get3A_1313 = tpu.vector_load %arg15[%get3A_1311, %get3A_1312] {strides = array<i32>} : memref<64x128xf32, #tpu.memory_space<vmem>>, vector<16xf32>,
      %get3A_1314 = arith.index_cast %add3A_1274 : i32 to index
      %get3A_1315 = arith.constant 80 : index
      %get3A_1316 = tpu.vector_load %arg15[%get3A_1314, %get3A_1315] {strides = array<i32>} : memref<64x128xf32, #tpu.memory_space<vmem>>, vector<16xf32>,
      %sub3A_1317 = arith.subf %get3A_1307, %get3A_1310 : vector<16xf32>
      %add3A_1318 = arith.addf %sub3A_1317, %get3A_1313 : vector<16xf32>
      %mul3A_1319 = arith.mulf %add3A_1318, %add3A_1318 : vector<16xf32>
      %add3A_1320 = arith.addf %add3A_1298, %mul3A_1319 : vector<16xf32>
      %mul3A_1321 = arith.mulf %add3A_1318, %get3A_1316 : vector<16xf32>
      %add3A_1322 = arith.addf %add3A_1300, %mul3A_1321 : vector<16xf32>
      %mul3A_1323 = arith.mulf %get3A_1316, %get3A_1313 : vector<16xf32>
      %add3A_1324 = arith.addf %add3A_1302, %mul3A_1323 : vector<16xf32>
      %mul3A_1325 = arith.mulf %get3A_1316, %get3A_1316 : vector<16xf32>
      %add3A_1326 = arith.addf %add3A_1304, %mul3A_1325 : vector<16xf32>
      %get3A_1327 = arith.index_cast %add3A_1262 : i32 to index
      %get3A_1328 = arith.constant 32 : index
      %get3A_1329 = tpu.vector_load %arg11[%get3A_1327, %get3A_1328] {strides = array<i32>} : memref<64x64xf32, #tpu.memory_space<vmem>>, vector<16xf32>,
      %get3A_1330 = arith.index_cast %add3A_1268 : i32 to index
      %get3A_1331 = arith.constant 32 : index
      %get3A_1332 = tpu.vector_load %arg13[%get3A_1330, %get3A_1331] {strides = array<i32>} : memref<64x64xf32, #tpu.memory_space<vmem>>, vector<16xf32>,
      %get3A_1333 = arith.index_cast %add3A_1274 : i32 to index
      %get3A_1334 = arith.constant 32 : index
      %get3A_1335 = tpu.vector_load %arg15[%get3A_1333, %get3A_1334] {strides = array<i32>} : memref<64x128xf32, #tpu.memory_space<vmem>>, vector<16xf32>,
      %get3A_1336 = arith.index_cast %add3A_1274 : i32 to index
      %get3A_1337 = arith.constant 96 : index
      %get3A_1338 = tpu.vector_load %arg15[%get3A_1336, %get3A_1337] {strides = array<i32>} : memref<64x128xf32, #tpu.memory_space<vmem>>, vector<16xf32>,
      %sub3A_1339 = arith.subf %get3A_1329, %get3A_1332 : vector<16xf32>
      %add3A_1340 = arith.addf %sub3A_1339, %get3A_1335 : vector<16xf32>
      %mul3A_1341 = arith.mulf %add3A_1340, %add3A_1340 : vector<16xf32>
      %add3A_1342 = arith.addf %add3A_1320, %mul3A_1341 : vector<16xf32>
      %mul3A_1343 = arith.mulf %add3A_1340, %get3A_1338 : vector<16xf32>
      %add3A_1344 = arith.addf %add3A_1322, %mul3A_1343 : vector<16xf32>
      %mul3A_1345 = arith.mulf %get3A_1338, %get3A_1335 : vector<16xf32>
      %add3A_1346 = arith.addf %add3A_1324, %mul3A_1345 : vector<16xf32>
      %mul3A_1347 = arith.mulf %get3A_1338, %get3A_1338 : vector<16xf32>
      %add3A_1348 = arith.addf %add3A_1326, %mul3A_1347 : vector<16xf32>
      %get3A_1349 = arith.index_cast %add3A_1262 : i32 to index
      %get3A_1350 = arith.constant 48 : index
      %get3A_1351 = tpu.vector_load %arg11[%get3A_1349, %get3A_1350] {strides = array<i32>} : memref<64x64xf32, #tpu.memory_space<vmem>>, vector<16xf32>,
      %get3A_1352 = arith.index_cast %add3A_1268 : i32 to index
      %get3A_1353 = arith.constant 48 : index
      %get3A_1354 = tpu.vector_load %arg13[%get3A_1352, %get3A_1353] {strides = array<i32>} : memref<64x64xf32, #tpu.memory_space<vmem>>, vector<16xf32>,
      %get3A_1355 = arith.index_cast %add3A_1274 : i32 to index
      %get3A_1356 = arith.constant 48 : index
      %get3A_1357 = tpu.vector_load %arg15[%get3A_1355, %get3A_1356] {strides = array<i32>} : memref<64x128xf32, #tpu.memory_space<vmem>>, vector<16xf32>,
      %get3A_1358 = arith.index_cast %add3A_1274 : i32 to index
      %get3A_1359 = arith.constant 112 : index
      %get3A_1360 = tpu.vector_load %arg15[%get3A_1358, %get3A_1359] {strides = array<i32>} : memref<64x128xf32, #tpu.memory_space<vmem>>, vector<16xf32>,
      %sub3A_1361 = arith.subf %get3A_1351, %get3A_1354 : vector<16xf32>
      %add3A_1362 = arith.addf %sub3A_1361, %get3A_1357 : vector<16xf32>
      %mul3A_1363 = arith.mulf %add3A_1362, %add3A_1362 : vector<16xf32>
      %add3A_1364 = arith.addf %add3A_1342, %mul3A_1363 : vector<16xf32>
      %mul3A_1365 = arith.mulf %add3A_1362, %get3A_1360 : vector<16xf32>
      %add3A_1366 = arith.addf %add3A_1344, %mul3A_1365 : vector<16xf32>
      %mul3A_1367 = arith.mulf %get3A_1360, %get3A_1357 : vector<16xf32>
      %add3A_1368 = arith.addf %add3A_1346, %mul3A_1367 : vector<16xf32>
      %mul3A_1369 = arith.mulf %get3A_1360, %get3A_1360 : vector<16xf32>
      %add3A_1370 = arith.addf %add3A_1348, %mul3A_1369 : vector<16xf32>
      %reduce_sum3A_1371 = arith.constant true
      %reduce_sum3A_1372 = vector.broadcast %reduce_sum3A_1371 : i1 to vector<16xi1>
      %reduce_sum3A_1373 = tpu.scan <sum>, %add3A_1364 masked %reduce_sum3A_1372 : vector<16xf32>, vector<16xi1> -> vector<16xf32>
      %reduce_sum3A_1374 = vector.extract %reduce_sum3A_1373[15] : f32 from vector<16xf32>
      %reduce_sum3A_1375 = arith.constant true
      %reduce_sum3A_1376 = vector.broadcast %reduce_sum3A_1375 : i1 to vector<16xi1>
      %reduce_sum3A_1377 = tpu.scan <sum>, %add3A_1366 masked %reduce_sum3A_1376 : vector<16xf32>, vector<16xi1> -> vector<16xf32>
      %reduce_sum3A_1378 = vector.extract %reduce_sum3A_1377[15] : f32 from vector<16xf32>
      %reduce_sum3A_1379 = arith.constant true
      %reduce_sum3A_1380 = vector.broadcast %reduce_sum3A_1379 : i1 to vector<16xi1>
      %reduce_sum3A_1381 = tpu.scan <sum>, %add3A_1368 masked %reduce_sum3A_1380 : vector<16xf32>, vector<16xi1> -> vector<16xf32>
      %reduce_sum3A_1382 = vector.extract %reduce_sum3A_1381[15] : f32 from vector<16xf32>
      %reduce_sum3A_1383 = arith.constant true
      %reduce_sum3A_1384 = vector.broadcast %reduce_sum3A_1383 : i1 to vector<16xi1>
      %reduce_sum3A_1385 = tpu.scan <sum>, %add3A_1370 masked %reduce_sum3A_1384 : vector<16xf32>, vector<16xi1> -> vector<16xf32>
      %reduce_sum3A_1386 = vector.extract %reduce_sum3A_1385[15] : f32 from vector<16xf32>
      %sub3A_1387 = arith.subf %reduce_sum3A_1378, %reduce_sum3A_1382 : f32
      %mul3A_1388 = arith.mulf %scan3A_478, %sub3A_1387 : f32
      %mul3A_1389 = arith.mulf %mul3A_1388, %reduce_sum3A_1378 : f32
      %sub3A_1390 = arith.subf %reduce_sum3A_1374, %mul3A_1389 : f32
      %mul3A_1391 = arith.mulf %sub3A_1387, %sub3A_1387 : f32
      %mul3A_1392 = arith.mulf %mul3A_1391, %reduce_sum3A_1386 : f32
      %add3A_1393 = arith.addf %sub3A_1390, %mul3A_1392 : f32
      %eq3A_1394 = arith.constant 2 : i32
      %eq3A_1395 = vector.broadcast %eq3A_1394 : i32 to vector<16xi32>
      %eq3A_1396 = arith.cmpi eq, %iota3A, %eq3A_1395 : vector<16xi32>
      %broadcast_in_dim3A_1397 = vector.broadcast %add3A_1393 : f32 to vector<16xf32>
      %select_n3A_1398 = arith.select %eq3A_1396, %broadcast_in_dim3A_1397, %select_n3A_1256 : vector<16xi1>, vector<16xf32>
      %slice3A_1399 = vector.extract_strided_slice %get3A_520 {offsets = [3], sizes = [1], strides = [1]} : vector<16xi32> to vector<1xi32>
      %squeeze3A_1400 = vector.extract %slice3A_1399[0] : i32 from vector<1xi32>
      %and3A_1401 = arith.constant 7 : i32
      %and3A_1402 = arith.andi %squeeze3A_1400, %and3A_1401 : i32
      %add3A_1403 = arith.constant 24 : i32
      %add3A_1404 = arith.addi %add3A_1403, %and3A_1402 : i32
      %slice3A_1405 = vector.extract_strided_slice %get3A_522 {offsets = [3], sizes = [1], strides = [1]} : vector<16xi32> to vector<1xi32>
      %squeeze3A_1406 = vector.extract %slice3A_1405[0] : i32 from vector<1xi32>
      %and3A_1407 = arith.constant 7 : i32
      %and3A_1408 = arith.andi %squeeze3A_1406, %and3A_1407 : i32
      %add3A_1409 = arith.constant 24 : i32
      %add3A_1410 = arith.addi %add3A_1409, %and3A_1408 : i32
      %slice3A_1411 = vector.extract_strided_slice %get3A_524 {offsets = [3], sizes = [1], strides = [1]} : vector<16xi32> to vector<1xi32>
      %squeeze3A_1412 = vector.extract %slice3A_1411[0] : i32 from vector<1xi32>
      %and3A_1413 = arith.constant 7 : i32
      %and3A_1414 = arith.andi %squeeze3A_1412, %and3A_1413 : i32
      %add3A_1415 = arith.constant 24 : i32
      %add3A_1416 = arith.addi %add3A_1415, %and3A_1414 : i32
      %broadcast_in_dim3A_1417 = arith.constant 0.000000e+00 : f32
      %broadcast_in_dim3A_1418 = vector.broadcast %broadcast_in_dim3A_1417 : f32 to vector<16xf32>
      %broadcast_in_dim3A_1419 = arith.constant 0.000000e+00 : f32
      %broadcast_in_dim3A_1420 = vector.broadcast %broadcast_in_dim3A_1419 : f32 to vector<16xf32>
      %broadcast_in_dim3A_1421 = arith.constant 0.000000e+00 : f32
      %broadcast_in_dim3A_1422 = vector.broadcast %broadcast_in_dim3A_1421 : f32 to vector<16xf32>
      %broadcast_in_dim3A_1423 = arith.constant 0.000000e+00 : f32
      %broadcast_in_dim3A_1424 = vector.broadcast %broadcast_in_dim3A_1423 : f32 to vector<16xf32>
      %get3A_1425 = arith.index_cast %add3A_1404 : i32 to index
      %get3A_1426 = arith.constant 0 : index
      %get3A_1427 = tpu.vector_load %arg11[%get3A_1425, %get3A_1426] {strides = array<i32>} : memref<64x64xf32, #tpu.memory_space<vmem>>, vector<16xf32>,
      %get3A_1428 = arith.index_cast %add3A_1410 : i32 to index
      %get3A_1429 = arith.constant 0 : index
      %get3A_1430 = tpu.vector_load %arg13[%get3A_1428, %get3A_1429] {strides = array<i32>} : memref<64x64xf32, #tpu.memory_space<vmem>>, vector<16xf32>,
      %get3A_1431 = arith.index_cast %add3A_1416 : i32 to index
      %get3A_1432 = arith.constant 0 : index
      %get3A_1433 = tpu.vector_load %arg15[%get3A_1431, %get3A_1432] {strides = array<i32>} : memref<64x128xf32, #tpu.memory_space<vmem>>, vector<16xf32>,
      %get3A_1434 = arith.index_cast %add3A_1416 : i32 to index
      %get3A_1435 = arith.constant 64 : index
      %get3A_1436 = tpu.vector_load %arg15[%get3A_1434, %get3A_1435] {strides = array<i32>} : memref<64x128xf32, #tpu.memory_space<vmem>>, vector<16xf32>,
      %sub3A_1437 = arith.subf %get3A_1427, %get3A_1430 : vector<16xf32>
      %add3A_1438 = arith.addf %sub3A_1437, %get3A_1433 : vector<16xf32>
      %mul3A_1439 = arith.mulf %add3A_1438, %add3A_1438 : vector<16xf32>
      %add3A_1440 = arith.addf %broadcast_in_dim3A_1418, %mul3A_1439 : vector<16xf32>
      %mul3A_1441 = arith.mulf %add3A_1438, %get3A_1436 : vector<16xf32>
      %add3A_1442 = arith.addf %broadcast_in_dim3A_1420, %mul3A_1441 : vector<16xf32>
      %mul3A_1443 = arith.mulf %get3A_1436, %get3A_1433 : vector<16xf32>
      %add3A_1444 = arith.addf %broadcast_in_dim3A_1422, %mul3A_1443 : vector<16xf32>
      %mul3A_1445 = arith.mulf %get3A_1436, %get3A_1436 : vector<16xf32>
      %add3A_1446 = arith.addf %broadcast_in_dim3A_1424, %mul3A_1445 : vector<16xf32>
      %get3A_1447 = arith.index_cast %add3A_1404 : i32 to index
      %get3A_1448 = arith.constant 16 : index
      %get3A_1449 = tpu.vector_load %arg11[%get3A_1447, %get3A_1448] {strides = array<i32>} : memref<64x64xf32, #tpu.memory_space<vmem>>, vector<16xf32>,
      %get3A_1450 = arith.index_cast %add3A_1410 : i32 to index
      %get3A_1451 = arith.constant 16 : index
      %get3A_1452 = tpu.vector_load %arg13[%get3A_1450, %get3A_1451] {strides = array<i32>} : memref<64x64xf32, #tpu.memory_space<vmem>>, vector<16xf32>,
      %get3A_1453 = arith.index_cast %add3A_1416 : i32 to index
      %get3A_1454 = arith.constant 16 : index
      %get3A_1455 = tpu.vector_load %arg15[%get3A_1453, %get3A_1454] {strides = array<i32>} : memref<64x128xf32, #tpu.memory_space<vmem>>, vector<16xf32>,
      %get3A_1456 = arith.index_cast %add3A_1416 : i32 to index
      %get3A_1457 = arith.constant 80 : index
      %get3A_1458 = tpu.vector_load %arg15[%get3A_1456, %get3A_1457] {strides = array<i32>} : memref<64x128xf32, #tpu.memory_space<vmem>>, vector<16xf32>,
      %sub3A_1459 = arith.subf %get3A_1449, %get3A_1452 : vector<16xf32>
      %add3A_1460 = arith.addf %sub3A_1459, %get3A_1455 : vector<16xf32>
      %mul3A_1461 = arith.mulf %add3A_1460, %add3A_1460 : vector<16xf32>
      %add3A_1462 = arith.addf %add3A_1440, %mul3A_1461 : vector<16xf32>
      %mul3A_1463 = arith.mulf %add3A_1460, %get3A_1458 : vector<16xf32>
      %add3A_1464 = arith.addf %add3A_1442, %mul3A_1463 : vector<16xf32>
      %mul3A_1465 = arith.mulf %get3A_1458, %get3A_1455 : vector<16xf32>
      %add3A_1466 = arith.addf %add3A_1444, %mul3A_1465 : vector<16xf32>
      %mul3A_1467 = arith.mulf %get3A_1458, %get3A_1458 : vector<16xf32>
      %add3A_1468 = arith.addf %add3A_1446, %mul3A_1467 : vector<16xf32>
      %get3A_1469 = arith.index_cast %add3A_1404 : i32 to index
      %get3A_1470 = arith.constant 32 : index
      %get3A_1471 = tpu.vector_load %arg11[%get3A_1469, %get3A_1470] {strides = array<i32>} : memref<64x64xf32, #tpu.memory_space<vmem>>, vector<16xf32>,
      %get3A_1472 = arith.index_cast %add3A_1410 : i32 to index
      %get3A_1473 = arith.constant 32 : index
      %get3A_1474 = tpu.vector_load %arg13[%get3A_1472, %get3A_1473] {strides = array<i32>} : memref<64x64xf32, #tpu.memory_space<vmem>>, vector<16xf32>,
      %get3A_1475 = arith.index_cast %add3A_1416 : i32 to index
      %get3A_1476 = arith.constant 32 : index
      %get3A_1477 = tpu.vector_load %arg15[%get3A_1475, %get3A_1476] {strides = array<i32>} : memref<64x128xf32, #tpu.memory_space<vmem>>, vector<16xf32>,
      %get3A_1478 = arith.index_cast %add3A_1416 : i32 to index
      %get3A_1479 = arith.constant 96 : index
      %get3A_1480 = tpu.vector_load %arg15[%get3A_1478, %get3A_1479] {strides = array<i32>} : memref<64x128xf32, #tpu.memory_space<vmem>>, vector<16xf32>,
      %sub3A_1481 = arith.subf %get3A_1471, %get3A_1474 : vector<16xf32>
      %add3A_1482 = arith.addf %sub3A_1481, %get3A_1477 : vector<16xf32>
      %mul3A_1483 = arith.mulf %add3A_1482, %add3A_1482 : vector<16xf32>
      %add3A_1484 = arith.addf %add3A_1462, %mul3A_1483 : vector<16xf32>
      %mul3A_1485 = arith.mulf %add3A_1482, %get3A_1480 : vector<16xf32>
      %add3A_1486 = arith.addf %add3A_1464, %mul3A_1485 : vector<16xf32>
      %mul3A_1487 = arith.mulf %get3A_1480, %get3A_1477 : vector<16xf32>
      %add3A_1488 = arith.addf %add3A_1466, %mul3A_1487 : vector<16xf32>
      %mul3A_1489 = arith.mulf %get3A_1480, %get3A_1480 : vector<16xf32>
      %add3A_1490 = arith.addf %add3A_1468, %mul3A_1489 : vector<16xf32>
      %get3A_1491 = arith.index_cast %add3A_1404 : i32 to index
      %get3A_1492 = arith.constant 48 : index
      %get3A_1493 = tpu.vector_load %arg11[%get3A_1491, %get3A_1492] {strides = array<i32>} : memref<64x64xf32, #tpu.memory_space<vmem>>, vector<16xf32>,
      %get3A_1494 = arith.index_cast %add3A_1410 : i32 to index
      %get3A_1495 = arith.constant 48 : index
      %get3A_1496 = tpu.vector_load %arg13[%get3A_1494, %get3A_1495] {strides = array<i32>} : memref<64x64xf32, #tpu.memory_space<vmem>>, vector<16xf32>,
      %get3A_1497 = arith.index_cast %add3A_1416 : i32 to index
      %get3A_1498 = arith.constant 48 : index
      %get3A_1499 = tpu.vector_load %arg15[%get3A_1497, %get3A_1498] {strides = array<i32>} : memref<64x128xf32, #tpu.memory_space<vmem>>, vector<16xf32>,
      %get3A_1500 = arith.index_cast %add3A_1416 : i32 to index
      %get3A_1501 = arith.constant 112 : index
      %get3A_1502 = tpu.vector_load %arg15[%get3A_1500, %get3A_1501] {strides = array<i32>} : memref<64x128xf32, #tpu.memory_space<vmem>>, vector<16xf32>,
      %sub3A_1503 = arith.subf %get3A_1493, %get3A_1496 : vector<16xf32>
      %add3A_1504 = arith.addf %sub3A_1503, %get3A_1499 : vector<16xf32>
      %mul3A_1505 = arith.mulf %add3A_1504, %add3A_1504 : vector<16xf32>
      %add3A_1506 = arith.addf %add3A_1484, %mul3A_1505 : vector<16xf32>
      %mul3A_1507 = arith.mulf %add3A_1504, %get3A_1502 : vector<16xf32>
      %add3A_1508 = arith.addf %add3A_1486, %mul3A_1507 : vector<16xf32>
      %mul3A_1509 = arith.mulf %get3A_1502, %get3A_1499 : vector<16xf32>
      %add3A_1510 = arith.addf %add3A_1488, %mul3A_1509 : vector<16xf32>
      %mul3A_1511 = arith.mulf %get3A_1502, %get3A_1502 : vector<16xf32>
      %add3A_1512 = arith.addf %add3A_1490, %mul3A_1511 : vector<16xf32>
      %reduce_sum3A_1513 = arith.constant true
      %reduce_sum3A_1514 = vector.broadcast %reduce_sum3A_1513 : i1 to vector<16xi1>
      %reduce_sum3A_1515 = tpu.scan <sum>, %add3A_1506 masked %reduce_sum3A_1514 : vector<16xf32>, vector<16xi1> -> vector<16xf32>
      %reduce_sum3A_1516 = vector.extract %reduce_sum3A_1515[15] : f32 from vector<16xf32>
      %reduce_sum3A_1517 = arith.constant true
      %reduce_sum3A_1518 = vector.broadcast %reduce_sum3A_1517 : i1 to vector<16xi1>
      %reduce_sum3A_1519 = tpu.scan <sum>, %add3A_1508 masked %reduce_sum3A_1518 : vector<16xf32>, vector<16xi1> -> vector<16xf32>
      %reduce_sum3A_1520 = vector.extract %reduce_sum3A_1519[15] : f32 from vector<16xf32>
      %reduce_sum3A_1521 = arith.constant true
      %reduce_sum3A_1522 = vector.broadcast %reduce_sum3A_1521 : i1 to vector<16xi1>
      %reduce_sum3A_1523 = tpu.scan <sum>, %add3A_1510 masked %reduce_sum3A_1522 : vector<16xf32>, vector<16xi1> -> vector<16xf32>
      %reduce_sum3A_1524 = vector.extract %reduce_sum3A_1523[15] : f32 from vector<16xf32>
      %reduce_sum3A_1525 = arith.constant true
      %reduce_sum3A_1526 = vector.broadcast %reduce_sum3A_1525 : i1 to vector<16xi1>
      %reduce_sum3A_1527 = tpu.scan <sum>, %add3A_1512 masked %reduce_sum3A_1526 : vector<16xf32>, vector<16xi1> -> vector<16xf32>
      %reduce_sum3A_1528 = vector.extract %reduce_sum3A_1527[15] : f32 from vector<16xf32>
      %sub3A_1529 = arith.subf %reduce_sum3A_1520, %reduce_sum3A_1524 : f32
      %mul3A_1530 = arith.mulf %scan3A_478, %sub3A_1529 : f32
      %mul3A_1531 = arith.mulf %mul3A_1530, %reduce_sum3A_1520 : f32
      %sub3A_1532 = arith.subf %reduce_sum3A_1516, %mul3A_1531 : f32
      %mul3A_1533 = arith.mulf %sub3A_1529, %sub3A_1529 : f32
      %mul3A_1534 = arith.mulf %mul3A_1533, %reduce_sum3A_1528 : f32
      %add3A_1535 = arith.addf %sub3A_1532, %mul3A_1534 : f32
      %eq3A_1536 = arith.constant 3 : i32
      %eq3A_1537 = vector.broadcast %eq3A_1536 : i32 to vector<16xi32>
      %eq3A_1538 = arith.cmpi eq, %iota3A, %eq3A_1537 : vector<16xi32>
      %broadcast_in_dim3A_1539 = vector.broadcast %add3A_1535 : f32 to vector<16xf32>
      %select_n3A_1540 = arith.select %eq3A_1538, %broadcast_in_dim3A_1539, %select_n3A_1398 : vector<16xi1>, vector<16xf32>
      %slice3A_1541 = vector.extract_strided_slice %get3A_520 {offsets = [4], sizes = [1], strides = [1]} : vector<16xi32> to vector<1xi32>
      %squeeze3A_1542 = vector.extract %slice3A_1541[0] : i32 from vector<1xi32>
      %and3A_1543 = arith.constant 7 : i32
      %and3A_1544 = arith.andi %squeeze3A_1542, %and3A_1543 : i32
      %add3A_1545 = arith.constant 32 : i32
      %add3A_1546 = arith.addi %add3A_1545, %and3A_1544 : i32
      %slice3A_1547 = vector.extract_strided_slice %get3A_522 {offsets = [4], sizes = [1], strides = [1]} : vector<16xi32> to vector<1xi32>
      %squeeze3A_1548 = vector.extract %slice3A_1547[0] : i32 from vector<1xi32>
      %and3A_1549 = arith.constant 7 : i32
      %and3A_1550 = arith.andi %squeeze3A_1548, %and3A_1549 : i32
      %add3A_1551 = arith.constant 32 : i32
      %add3A_1552 = arith.addi %add3A_1551, %and3A_1550 : i32
      %slice3A_1553 = vector.extract_strided_slice %get3A_524 {offsets = [4], sizes = [1], strides = [1]} : vector<16xi32> to vector<1xi32>
      %squeeze3A_1554 = vector.extract %slice3A_1553[0] : i32 from vector<1xi32>
      %and3A_1555 = arith.constant 7 : i32
      %and3A_1556 = arith.andi %squeeze3A_1554, %and3A_1555 : i32
      %add3A_1557 = arith.constant 32 : i32
      %add3A_1558 = arith.addi %add3A_1557, %and3A_1556 : i32
      %broadcast_in_dim3A_1559 = arith.constant 0.000000e+00 : f32
      %broadcast_in_dim3A_1560 = vector.broadcast %broadcast_in_dim3A_1559 : f32 to vector<16xf32>
      %broadcast_in_dim3A_1561 = arith.constant 0.000000e+00 : f32
      %broadcast_in_dim3A_1562 = vector.broadcast %broadcast_in_dim3A_1561 : f32 to vector<16xf32>
      %broadcast_in_dim3A_1563 = arith.constant 0.000000e+00 : f32
      %broadcast_in_dim3A_1564 = vector.broadcast %broadcast_in_dim3A_1563 : f32 to vector<16xf32>
      %broadcast_in_dim3A_1565 = arith.constant 0.000000e+00 : f32
      %broadcast_in_dim3A_1566 = vector.broadcast %broadcast_in_dim3A_1565 : f32 to vector<16xf32>
      %get3A_1567 = arith.index_cast %add3A_1546 : i32 to index
      %get3A_1568 = arith.constant 0 : index
      %get3A_1569 = tpu.vector_load %arg11[%get3A_1567, %get3A_1568] {strides = array<i32>} : memref<64x64xf32, #tpu.memory_space<vmem>>, vector<16xf32>,
      %get3A_1570 = arith.index_cast %add3A_1552 : i32 to index
      %get3A_1571 = arith.constant 0 : index
      %get3A_1572 = tpu.vector_load %arg13[%get3A_1570, %get3A_1571] {strides = array<i32>} : memref<64x64xf32, #tpu.memory_space<vmem>>, vector<16xf32>,
      %get3A_1573 = arith.index_cast %add3A_1558 : i32 to index
      %get3A_1574 = arith.constant 0 : index
      %get3A_1575 = tpu.vector_load %arg15[%get3A_1573, %get3A_1574] {strides = array<i32>} : memref<64x128xf32, #tpu.memory_space<vmem>>, vector<16xf32>,
      %get3A_1576 = arith.index_cast %add3A_1558 : i32 to index
      %get3A_1577 = arith.constant 64 : index
      %get3A_1578 = tpu.vector_load %arg15[%get3A_1576, %get3A_1577] {strides = array<i32>} : memref<64x128xf32, #tpu.memory_space<vmem>>, vector<16xf32>,
      %sub3A_1579 = arith.subf %get3A_1569, %get3A_1572 : vector<16xf32>
      %add3A_1580 = arith.addf %sub3A_1579, %get3A_1575 : vector<16xf32>
      %mul3A_1581 = arith.mulf %add3A_1580, %add3A_1580 : vector<16xf32>
      %add3A_1582 = arith.addf %broadcast_in_dim3A_1560, %mul3A_1581 : vector<16xf32>
      %mul3A_1583 = arith.mulf %add3A_1580, %get3A_1578 : vector<16xf32>
      %add3A_1584 = arith.addf %broadcast_in_dim3A_1562, %mul3A_1583 : vector<16xf32>
      %mul3A_1585 = arith.mulf %get3A_1578, %get3A_1575 : vector<16xf32>
      %add3A_1586 = arith.addf %broadcast_in_dim3A_1564, %mul3A_1585 : vector<16xf32>
      %mul3A_1587 = arith.mulf %get3A_1578, %get3A_1578 : vector<16xf32>
      %add3A_1588 = arith.addf %broadcast_in_dim3A_1566, %mul3A_1587 : vector<16xf32>
      %get3A_1589 = arith.index_cast %add3A_1546 : i32 to index
      %get3A_1590 = arith.constant 16 : index
      %get3A_1591 = tpu.vector_load %arg11[%get3A_1589, %get3A_1590] {strides = array<i32>} : memref<64x64xf32, #tpu.memory_space<vmem>>, vector<16xf32>,
      %get3A_1592 = arith.index_cast %add3A_1552 : i32 to index
      %get3A_1593 = arith.constant 16 : index
      %get3A_1594 = tpu.vector_load %arg13[%get3A_1592, %get3A_1593] {strides = array<i32>} : memref<64x64xf32, #tpu.memory_space<vmem>>, vector<16xf32>,
      %get3A_1595 = arith.index_cast %add3A_1558 : i32 to index
      %get3A_1596 = arith.constant 16 : index
      %get3A_1597 = tpu.vector_load %arg15[%get3A_1595, %get3A_1596] {strides = array<i32>} : memref<64x128xf32, #tpu.memory_space<vmem>>, vector<16xf32>,
      %get3A_1598 = arith.index_cast %add3A_1558 : i32 to index
      %get3A_1599 = arith.constant 80 : index
      %get3A_1600 = tpu.vector_load %arg15[%get3A_1598, %get3A_1599] {strides = array<i32>} : memref<64x128xf32, #tpu.memory_space<vmem>>, vector<16xf32>,
      %sub3A_1601 = arith.subf %get3A_1591, %get3A_1594 : vector<16xf32>
      %add3A_1602 = arith.addf %sub3A_1601, %get3A_1597 : vector<16xf32>
      %mul3A_1603 = arith.mulf %add3A_1602, %add3A_1602 : vector<16xf32>
      %add3A_1604 = arith.addf %add3A_1582, %mul3A_1603 : vector<16xf32>
      %mul3A_1605 = arith.mulf %add3A_1602, %get3A_1600 : vector<16xf32>
      %add3A_1606 = arith.addf %add3A_1584, %mul3A_1605 : vector<16xf32>
      %mul3A_1607 = arith.mulf %get3A_1600, %get3A_1597 : vector<16xf32>
      %add3A_1608 = arith.addf %add3A_1586, %mul3A_1607 : vector<16xf32>
      %mul3A_1609 = arith.mulf %get3A_1600, %get3A_1600 : vector<16xf32>
      %add3A_1610 = arith.addf %add3A_1588, %mul3A_1609 : vector<16xf32>
      %get3A_1611 = arith.index_cast %add3A_1546 : i32 to index
      %get3A_1612 = arith.constant 32 : index
      %get3A_1613 = tpu.vector_load %arg11[%get3A_1611, %get3A_1612] {strides = array<i32>} : memref<64x64xf32, #tpu.memory_space<vmem>>, vector<16xf32>,
      %get3A_1614 = arith.index_cast %add3A_1552 : i32 to index
      %get3A_1615 = arith.constant 32 : index
      %get3A_1616 = tpu.vector_load %arg13[%get3A_1614, %get3A_1615] {strides = array<i32>} : memref<64x64xf32, #tpu.memory_space<vmem>>, vector<16xf32>,
      %get3A_1617 = arith.index_cast %add3A_1558 : i32 to index
      %get3A_1618 = arith.constant 32 : index
      %get3A_1619 = tpu.vector_load %arg15[%get3A_1617, %get3A_1618] {strides = array<i32>} : memref<64x128xf32, #tpu.memory_space<vmem>>, vector<16xf32>,
      %get3A_1620 = arith.index_cast %add3A_1558 : i32 to index
      %get3A_1621 = arith.constant 96 : index
      %get3A_1622 = tpu.vector_load %arg15[%get3A_1620, %get3A_1621] {strides = array<i32>} : memref<64x128xf32, #tpu.memory_space<vmem>>, vector<16xf32>,
      %sub3A_1623 = arith.subf %get3A_1613, %get3A_1616 : vector<16xf32>
      %add3A_1624 = arith.addf %sub3A_1623, %get3A_1619 : vector<16xf32>
      %mul3A_1625 = arith.mulf %add3A_1624, %add3A_1624 : vector<16xf32>
      %add3A_1626 = arith.addf %add3A_1604, %mul3A_1625 : vector<16xf32>
      %mul3A_1627 = arith.mulf %add3A_1624, %get3A_1622 : vector<16xf32>
      %add3A_1628 = arith.addf %add3A_1606, %mul3A_1627 : vector<16xf32>
      %mul3A_1629 = arith.mulf %get3A_1622, %get3A_1619 : vector<16xf32>
      %add3A_1630 = arith.addf %add3A_1608, %mul3A_1629 : vector<16xf32>
      %mul3A_1631 = arith.mulf %get3A_1622, %get3A_1622 : vector<16xf32>
      %add3A_1632 = arith.addf %add3A_1610, %mul3A_1631 : vector<16xf32>
      %get3A_1633 = arith.index_cast %add3A_1546 : i32 to index
      %get3A_1634 = arith.constant 48 : index
      %get3A_1635 = tpu.vector_load %arg11[%get3A_1633, %get3A_1634] {strides = array<i32>} : memref<64x64xf32, #tpu.memory_space<vmem>>, vector<16xf32>,
      %get3A_1636 = arith.index_cast %add3A_1552 : i32 to index
      %get3A_1637 = arith.constant 48 : index
      %get3A_1638 = tpu.vector_load %arg13[%get3A_1636, %get3A_1637] {strides = array<i32>} : memref<64x64xf32, #tpu.memory_space<vmem>>, vector<16xf32>,
      %get3A_1639 = arith.index_cast %add3A_1558 : i32 to index
      %get3A_1640 = arith.constant 48 : index
      %get3A_1641 = tpu.vector_load %arg15[%get3A_1639, %get3A_1640] {strides = array<i32>} : memref<64x128xf32, #tpu.memory_space<vmem>>, vector<16xf32>,
      %get3A_1642 = arith.index_cast %add3A_1558 : i32 to index
      %get3A_1643 = arith.constant 112 : index
      %get3A_1644 = tpu.vector_load %arg15[%get3A_1642, %get3A_1643] {strides = array<i32>} : memref<64x128xf32, #tpu.memory_space<vmem>>, vector<16xf32>,
      %sub3A_1645 = arith.subf %get3A_1635, %get3A_1638 : vector<16xf32>
      %add3A_1646 = arith.addf %sub3A_1645, %get3A_1641 : vector<16xf32>
      %mul3A_1647 = arith.mulf %add3A_1646, %add3A_1646 : vector<16xf32>
      %add3A_1648 = arith.addf %add3A_1626, %mul3A_1647 : vector<16xf32>
      %mul3A_1649 = arith.mulf %add3A_1646, %get3A_1644 : vector<16xf32>
      %add3A_1650 = arith.addf %add3A_1628, %mul3A_1649 : vector<16xf32>
      %mul3A_1651 = arith.mulf %get3A_1644, %get3A_1641 : vector<16xf32>
      %add3A_1652 = arith.addf %add3A_1630, %mul3A_1651 : vector<16xf32>
      %mul3A_1653 = arith.mulf %get3A_1644, %get3A_1644 : vector<16xf32>
      %add3A_1654 = arith.addf %add3A_1632, %mul3A_1653 : vector<16xf32>
      %reduce_sum3A_1655 = arith.constant true
      %reduce_sum3A_1656 = vector.broadcast %reduce_sum3A_1655 : i1 to vector<16xi1>
      %reduce_sum3A_1657 = tpu.scan <sum>, %add3A_1648 masked %reduce_sum3A_1656 : vector<16xf32>, vector<16xi1> -> vector<16xf32>
      %reduce_sum3A_1658 = vector.extract %reduce_sum3A_1657[15] : f32 from vector<16xf32>
      %reduce_sum3A_1659 = arith.constant true
      %reduce_sum3A_1660 = vector.broadcast %reduce_sum3A_1659 : i1 to vector<16xi1>
      %reduce_sum3A_1661 = tpu.scan <sum>, %add3A_1650 masked %reduce_sum3A_1660 : vector<16xf32>, vector<16xi1> -> vector<16xf32>
      %reduce_sum3A_1662 = vector.extract %reduce_sum3A_1661[15] : f32 from vector<16xf32>
      %reduce_sum3A_1663 = arith.constant true
      %reduce_sum3A_1664 = vector.broadcast %reduce_sum3A_1663 : i1 to vector<16xi1>
      %reduce_sum3A_1665 = tpu.scan <sum>, %add3A_1652 masked %reduce_sum3A_1664 : vector<16xf32>, vector<16xi1> -> vector<16xf32>
      %reduce_sum3A_1666 = vector.extract %reduce_sum3A_1665[15] : f32 from vector<16xf32>
      %reduce_sum3A_1667 = arith.constant true
      %reduce_sum3A_1668 = vector.broadcast %reduce_sum3A_1667 : i1 to vector<16xi1>
      %reduce_sum3A_1669 = tpu.scan <sum>, %add3A_1654 masked %reduce_sum3A_1668 : vector<16xf32>, vector<16xi1> -> vector<16xf32>
      %reduce_sum3A_1670 = vector.extract %reduce_sum3A_1669[15] : f32 from vector<16xf32>
      %sub3A_1671 = arith.subf %reduce_sum3A_1662, %reduce_sum3A_1666 : f32
      %mul3A_1672 = arith.mulf %scan3A_478, %sub3A_1671 : f32
      %mul3A_1673 = arith.mulf %mul3A_1672, %reduce_sum3A_1662 : f32
      %sub3A_1674 = arith.subf %reduce_sum3A_1658, %mul3A_1673 : f32
      %mul3A_1675 = arith.mulf %sub3A_1671, %sub3A_1671 : f32
      %mul3A_1676 = arith.mulf %mul3A_1675, %reduce_sum3A_1670 : f32
      %add3A_1677 = arith.addf %sub3A_1674, %mul3A_1676 : f32
      %eq3A_1678 = arith.constant 4 : i32
      %eq3A_1679 = vector.broadcast %eq3A_1678 : i32 to vector<16xi32>
      %eq3A_1680 = arith.cmpi eq, %iota3A, %eq3A_1679 : vector<16xi32>
      %broadcast_in_dim3A_1681 = vector.broadcast %add3A_1677 : f32 to vector<16xf32>
      %select_n3A_1682 = arith.select %eq3A_1680, %broadcast_in_dim3A_1681, %select_n3A_1540 : vector<16xi1>, vector<16xf32>
      %slice3A_1683 = vector.extract_strided_slice %get3A_520 {offsets = [5], sizes = [1], strides = [1]} : vector<16xi32> to vector<1xi32>
      %squeeze3A_1684 = vector.extract %slice3A_1683[0] : i32 from vector<1xi32>
      %and3A_1685 = arith.constant 7 : i32
      %and3A_1686 = arith.andi %squeeze3A_1684, %and3A_1685 : i32
      %add3A_1687 = arith.constant 40 : i32
      %add3A_1688 = arith.addi %add3A_1687, %and3A_1686 : i32
      %slice3A_1689 = vector.extract_strided_slice %get3A_522 {offsets = [5], sizes = [1], strides = [1]} : vector<16xi32> to vector<1xi32>
      %squeeze3A_1690 = vector.extract %slice3A_1689[0] : i32 from vector<1xi32>
      %and3A_1691 = arith.constant 7 : i32
      %and3A_1692 = arith.andi %squeeze3A_1690, %and3A_1691 : i32
      %add3A_1693 = arith.constant 40 : i32
      %add3A_1694 = arith.addi %add3A_1693, %and3A_1692 : i32
      %slice3A_1695 = vector.extract_strided_slice %get3A_524 {offsets = [5], sizes = [1], strides = [1]} : vector<16xi32> to vector<1xi32>
      %squeeze3A_1696 = vector.extract %slice3A_1695[0] : i32 from vector<1xi32>
      %and3A_1697 = arith.constant 7 : i32
      %and3A_1698 = arith.andi %squeeze3A_1696, %and3A_1697 : i32
      %add3A_1699 = arith.constant 40 : i32
      %add3A_1700 = arith.addi %add3A_1699, %and3A_1698 : i32
      %broadcast_in_dim3A_1701 = arith.constant 0.000000e+00 : f32
      %broadcast_in_dim3A_1702 = vector.broadcast %broadcast_in_dim3A_1701 : f32 to vector<16xf32>
      %broadcast_in_dim3A_1703 = arith.constant 0.000000e+00 : f32
      %broadcast_in_dim3A_1704 = vector.broadcast %broadcast_in_dim3A_1703 : f32 to vector<16xf32>
      %broadcast_in_dim3A_1705 = arith.constant 0.000000e+00 : f32
      %broadcast_in_dim3A_1706 = vector.broadcast %broadcast_in_dim3A_1705 : f32 to vector<16xf32>
      %broadcast_in_dim3A_1707 = arith.constant 0.000000e+00 : f32
      %broadcast_in_dim3A_1708 = vector.broadcast %broadcast_in_dim3A_1707 : f32 to vector<16xf32>
      %get3A_1709 = arith.index_cast %add3A_1688 : i32 to index
      %get3A_1710 = arith.constant 0 : index
      %get3A_1711 = tpu.vector_load %arg11[%get3A_1709, %get3A_1710] {strides = array<i32>} : memref<64x64xf32, #tpu.memory_space<vmem>>, vector<16xf32>,
      %get3A_1712 = arith.index_cast %add3A_1694 : i32 to index
      %get3A_1713 = arith.constant 0 : index
      %get3A_1714 = tpu.vector_load %arg13[%get3A_1712, %get3A_1713] {strides = array<i32>} : memref<64x64xf32, #tpu.memory_space<vmem>>, vector<16xf32>,
      %get3A_1715 = arith.index_cast %add3A_1700 : i32 to index
      %get3A_1716 = arith.constant 0 : index
      %get3A_1717 = tpu.vector_load %arg15[%get3A_1715, %get3A_1716] {strides = array<i32>} : memref<64x128xf32, #tpu.memory_space<vmem>>, vector<16xf32>,
      %get3A_1718 = arith.index_cast %add3A_1700 : i32 to index
      %get3A_1719 = arith.constant 64 : index
      %get3A_1720 = tpu.vector_load %arg15[%get3A_1718, %get3A_1719] {strides = array<i32>} : memref<64x128xf32, #tpu.memory_space<vmem>>, vector<16xf32>,
      %sub3A_1721 = arith.subf %get3A_1711, %get3A_1714 : vector<16xf32>
      %add3A_1722 = arith.addf %sub3A_1721, %get3A_1717 : vector<16xf32>
      %mul3A_1723 = arith.mulf %add3A_1722, %add3A_1722 : vector<16xf32>
      %add3A_1724 = arith.addf %broadcast_in_dim3A_1702, %mul3A_1723 : vector<16xf32>
      %mul3A_1725 = arith.mulf %add3A_1722, %get3A_1720 : vector<16xf32>
      %add3A_1726 = arith.addf %broadcast_in_dim3A_1704, %mul3A_1725 : vector<16xf32>
      %mul3A_1727 = arith.mulf %get3A_1720, %get3A_1717 : vector<16xf32>
      %add3A_1728 = arith.addf %broadcast_in_dim3A_1706, %mul3A_1727 : vector<16xf32>
      %mul3A_1729 = arith.mulf %get3A_1720, %get3A_1720 : vector<16xf32>
      %add3A_1730 = arith.addf %broadcast_in_dim3A_1708, %mul3A_1729 : vector<16xf32>
      %get3A_1731 = arith.index_cast %add3A_1688 : i32 to index
      %get3A_1732 = arith.constant 16 : index
      %get3A_1733 = tpu.vector_load %arg11[%get3A_1731, %get3A_1732] {strides = array<i32>} : memref<64x64xf32, #tpu.memory_space<vmem>>, vector<16xf32>,
      %get3A_1734 = arith.index_cast %add3A_1694 : i32 to index
      %get3A_1735 = arith.constant 16 : index
      %get3A_1736 = tpu.vector_load %arg13[%get3A_1734, %get3A_1735] {strides = array<i32>} : memref<64x64xf32, #tpu.memory_space<vmem>>, vector<16xf32>,
      %get3A_1737 = arith.index_cast %add3A_1700 : i32 to index
      %get3A_1738 = arith.constant 16 : index
      %get3A_1739 = tpu.vector_load %arg15[%get3A_1737, %get3A_1738] {strides = array<i32>} : memref<64x128xf32, #tpu.memory_space<vmem>>, vector<16xf32>,
      %get3A_1740 = arith.index_cast %add3A_1700 : i32 to index
      %get3A_1741 = arith.constant 80 : index
      %get3A_1742 = tpu.vector_load %arg15[%get3A_1740, %get3A_1741] {strides = array<i32>} : memref<64x128xf32, #tpu.memory_space<vmem>>, vector<16xf32>,
      %sub3A_1743 = arith.subf %get3A_1733, %get3A_1736 : vector<16xf32>
      %add3A_1744 = arith.addf %sub3A_1743, %get3A_1739 : vector<16xf32>
      %mul3A_1745 = arith.mulf %add3A_1744, %add3A_1744 : vector<16xf32>
      %add3A_1746 = arith.addf %add3A_1724, %mul3A_1745 : vector<16xf32>
      %mul3A_1747 = arith.mulf %add3A_1744, %get3A_1742 : vector<16xf32>
      %add3A_1748 = arith.addf %add3A_1726, %mul3A_1747 : vector<16xf32>
      %mul3A_1749 = arith.mulf %get3A_1742, %get3A_1739 : vector<16xf32>
      %add3A_1750 = arith.addf %add3A_1728, %mul3A_1749 : vector<16xf32>
      %mul3A_1751 = arith.mulf %get3A_1742, %get3A_1742 : vector<16xf32>
      %add3A_1752 = arith.addf %add3A_1730, %mul3A_1751 : vector<16xf32>
      %get3A_1753 = arith.index_cast %add3A_1688 : i32 to index
      %get3A_1754 = arith.constant 32 : index
      %get3A_1755 = tpu.vector_load %arg11[%get3A_1753, %get3A_1754] {strides = array<i32>} : memref<64x64xf32, #tpu.memory_space<vmem>>, vector<16xf32>,
      %get3A_1756 = arith.index_cast %add3A_1694 : i32 to index
      %get3A_1757 = arith.constant 32 : index
      %get3A_1758 = tpu.vector_load %arg13[%get3A_1756, %get3A_1757] {strides = array<i32>} : memref<64x64xf32, #tpu.memory_space<vmem>>, vector<16xf32>,
      %get3A_1759 = arith.index_cast %add3A_1700 : i32 to index
      %get3A_1760 = arith.constant 32 : index
      %get3A_1761 = tpu.vector_load %arg15[%get3A_1759, %get3A_1760] {strides = array<i32>} : memref<64x128xf32, #tpu.memory_space<vmem>>, vector<16xf32>,
      %get3A_1762 = arith.index_cast %add3A_1700 : i32 to index
      %get3A_1763 = arith.constant 96 : index
      %get3A_1764 = tpu.vector_load %arg15[%get3A_1762, %get3A_1763] {strides = array<i32>} : memref<64x128xf32, #tpu.memory_space<vmem>>, vector<16xf32>,
      %sub3A_1765 = arith.subf %get3A_1755, %get3A_1758 : vector<16xf32>
      %add3A_1766 = arith.addf %sub3A_1765, %get3A_1761 : vector<16xf32>
      %mul3A_1767 = arith.mulf %add3A_1766, %add3A_1766 : vector<16xf32>
      %add3A_1768 = arith.addf %add3A_1746, %mul3A_1767 : vector<16xf32>
      %mul3A_1769 = arith.mulf %add3A_1766, %get3A_1764 : vector<16xf32>
      %add3A_1770 = arith.addf %add3A_1748, %mul3A_1769 : vector<16xf32>
      %mul3A_1771 = arith.mulf %get3A_1764, %get3A_1761 : vector<16xf32>
      %add3A_1772 = arith.addf %add3A_1750, %mul3A_1771 : vector<16xf32>
      %mul3A_1773 = arith.mulf %get3A_1764, %get3A_1764 : vector<16xf32>
      %add3A_1774 = arith.addf %add3A_1752, %mul3A_1773 : vector<16xf32>
      %get3A_1775 = arith.index_cast %add3A_1688 : i32 to index
      %get3A_1776 = arith.constant 48 : index
      %get3A_1777 = tpu.vector_load %arg11[%get3A_1775, %get3A_1776] {strides = array<i32>} : memref<64x64xf32, #tpu.memory_space<vmem>>, vector<16xf32>,
      %get3A_1778 = arith.index_cast %add3A_1694 : i32 to index
      %get3A_1779 = arith.constant 48 : index
      %get3A_1780 = tpu.vector_load %arg13[%get3A_1778, %get3A_1779] {strides = array<i32>} : memref<64x64xf32, #tpu.memory_space<vmem>>, vector<16xf32>,
      %get3A_1781 = arith.index_cast %add3A_1700 : i32 to index
      %get3A_1782 = arith.constant 48 : index
      %get3A_1783 = tpu.vector_load %arg15[%get3A_1781, %get3A_1782] {strides = array<i32>} : memref<64x128xf32, #tpu.memory_space<vmem>>, vector<16xf32>,
      %get3A_1784 = arith.index_cast %add3A_1700 : i32 to index
      %get3A_1785 = arith.constant 112 : index
      %get3A_1786 = tpu.vector_load %arg15[%get3A_1784, %get3A_1785] {strides = array<i32>} : memref<64x128xf32, #tpu.memory_space<vmem>>, vector<16xf32>,
      %sub3A_1787 = arith.subf %get3A_1777, %get3A_1780 : vector<16xf32>
      %add3A_1788 = arith.addf %sub3A_1787, %get3A_1783 : vector<16xf32>
      %mul3A_1789 = arith.mulf %add3A_1788, %add3A_1788 : vector<16xf32>
      %add3A_1790 = arith.addf %add3A_1768, %mul3A_1789 : vector<16xf32>
      %mul3A_1791 = arith.mulf %add3A_1788, %get3A_1786 : vector<16xf32>
      %add3A_1792 = arith.addf %add3A_1770, %mul3A_1791 : vector<16xf32>
      %mul3A_1793 = arith.mulf %get3A_1786, %get3A_1783 : vector<16xf32>
      %add3A_1794 = arith.addf %add3A_1772, %mul3A_1793 : vector<16xf32>
      %mul3A_1795 = arith.mulf %get3A_1786, %get3A_1786 : vector<16xf32>
      %add3A_1796 = arith.addf %add3A_1774, %mul3A_1795 : vector<16xf32>
      %reduce_sum3A_1797 = arith.constant true
      %reduce_sum3A_1798 = vector.broadcast %reduce_sum3A_1797 : i1 to vector<16xi1>
      %reduce_sum3A_1799 = tpu.scan <sum>, %add3A_1790 masked %reduce_sum3A_1798 : vector<16xf32>, vector<16xi1> -> vector<16xf32>
      %reduce_sum3A_1800 = vector.extract %reduce_sum3A_1799[15] : f32 from vector<16xf32>
      %reduce_sum3A_1801 = arith.constant true
      %reduce_sum3A_1802 = vector.broadcast %reduce_sum3A_1801 : i1 to vector<16xi1>
      %reduce_sum3A_1803 = tpu.scan <sum>, %add3A_1792 masked %reduce_sum3A_1802 : vector<16xf32>, vector<16xi1> -> vector<16xf32>
      %reduce_sum3A_1804 = vector.extract %reduce_sum3A_1803[15] : f32 from vector<16xf32>
      %reduce_sum3A_1805 = arith.constant true
      %reduce_sum3A_1806 = vector.broadcast %reduce_sum3A_1805 : i1 to vector<16xi1>
      %reduce_sum3A_1807 = tpu.scan <sum>, %add3A_1794 masked %reduce_sum3A_1806 : vector<16xf32>, vector<16xi1> -> vector<16xf32>
      %reduce_sum3A_1808 = vector.extract %reduce_sum3A_1807[15] : f32 from vector<16xf32>
      %reduce_sum3A_1809 = arith.constant true
      %reduce_sum3A_1810 = vector.broadcast %reduce_sum3A_1809 : i1 to vector<16xi1>
      %reduce_sum3A_1811 = tpu.scan <sum>, %add3A_1796 masked %reduce_sum3A_1810 : vector<16xf32>, vector<16xi1> -> vector<16xf32>
      %reduce_sum3A_1812 = vector.extract %reduce_sum3A_1811[15] : f32 from vector<16xf32>
      %sub3A_1813 = arith.subf %reduce_sum3A_1804, %reduce_sum3A_1808 : f32
      %mul3A_1814 = arith.mulf %scan3A_478, %sub3A_1813 : f32
      %mul3A_1815 = arith.mulf %mul3A_1814, %reduce_sum3A_1804 : f32
      %sub3A_1816 = arith.subf %reduce_sum3A_1800, %mul3A_1815 : f32
      %mul3A_1817 = arith.mulf %sub3A_1813, %sub3A_1813 : f32
      %mul3A_1818 = arith.mulf %mul3A_1817, %reduce_sum3A_1812 : f32
      %add3A_1819 = arith.addf %sub3A_1816, %mul3A_1818 : f32
      %eq3A_1820 = arith.constant 5 : i32
      %eq3A_1821 = vector.broadcast %eq3A_1820 : i32 to vector<16xi32>
      %eq3A_1822 = arith.cmpi eq, %iota3A, %eq3A_1821 : vector<16xi32>
      %broadcast_in_dim3A_1823 = vector.broadcast %add3A_1819 : f32 to vector<16xf32>
      %select_n3A_1824 = arith.select %eq3A_1822, %broadcast_in_dim3A_1823, %select_n3A_1682 : vector<16xi1>, vector<16xf32>
      %slice3A_1825 = vector.extract_strided_slice %get3A_520 {offsets = [6], sizes = [1], strides = [1]} : vector<16xi32> to vector<1xi32>
      %squeeze3A_1826 = vector.extract %slice3A_1825[0] : i32 from vector<1xi32>
      %and3A_1827 = arith.constant 7 : i32
      %and3A_1828 = arith.andi %squeeze3A_1826, %and3A_1827 : i32
      %add3A_1829 = arith.constant 48 : i32
      %add3A_1830 = arith.addi %add3A_1829, %and3A_1828 : i32
      %slice3A_1831 = vector.extract_strided_slice %get3A_522 {offsets = [6], sizes = [1], strides = [1]} : vector<16xi32> to vector<1xi32>
      %squeeze3A_1832 = vector.extract %slice3A_1831[0] : i32 from vector<1xi32>
      %and3A_1833 = arith.constant 7 : i32
      %and3A_1834 = arith.andi %squeeze3A_1832, %and3A_1833 : i32
      %add3A_1835 = arith.constant 48 : i32
      %add3A_1836 = arith.addi %add3A_1835, %and3A_1834 : i32
      %slice3A_1837 = vector.extract_strided_slice %get3A_524 {offsets = [6], sizes = [1], strides = [1]} : vector<16xi32> to vector<1xi32>
      %squeeze3A_1838 = vector.extract %slice3A_1837[0] : i32 from vector<1xi32>
      %and3A_1839 = arith.constant 7 : i32
      %and3A_1840 = arith.andi %squeeze3A_1838, %and3A_1839 : i32
      %add3A_1841 = arith.constant 48 : i32
      %add3A_1842 = arith.addi %add3A_1841, %and3A_1840 : i32
      %broadcast_in_dim3A_1843 = arith.constant 0.000000e+00 : f32
      %broadcast_in_dim3A_1844 = vector.broadcast %broadcast_in_dim3A_1843 : f32 to vector<16xf32>
      %broadcast_in_dim3A_1845 = arith.constant 0.000000e+00 : f32
      %broadcast_in_dim3A_1846 = vector.broadcast %broadcast_in_dim3A_1845 : f32 to vector<16xf32>
      %broadcast_in_dim3A_1847 = arith.constant 0.000000e+00 : f32
      %broadcast_in_dim3A_1848 = vector.broadcast %broadcast_in_dim3A_1847 : f32 to vector<16xf32>
      %broadcast_in_dim3A_1849 = arith.constant 0.000000e+00 : f32
      %broadcast_in_dim3A_1850 = vector.broadcast %broadcast_in_dim3A_1849 : f32 to vector<16xf32>
      %get3A_1851 = arith.index_cast %add3A_1830 : i32 to index
      %get3A_1852 = arith.constant 0 : index
      %get3A_1853 = tpu.vector_load %arg11[%get3A_1851, %get3A_1852] {strides = array<i32>} : memref<64x64xf32, #tpu.memory_space<vmem>>, vector<16xf32>,
      %get3A_1854 = arith.index_cast %add3A_1836 : i32 to index
      %get3A_1855 = arith.constant 0 : index
      %get3A_1856 = tpu.vector_load %arg13[%get3A_1854, %get3A_1855] {strides = array<i32>} : memref<64x64xf32, #tpu.memory_space<vmem>>, vector<16xf32>,
      %get3A_1857 = arith.index_cast %add3A_1842 : i32 to index
      %get3A_1858 = arith.constant 0 : index
      %get3A_1859 = tpu.vector_load %arg15[%get3A_1857, %get3A_1858] {strides = array<i32>} : memref<64x128xf32, #tpu.memory_space<vmem>>, vector<16xf32>,
      %get3A_1860 = arith.index_cast %add3A_1842 : i32 to index
      %get3A_1861 = arith.constant 64 : index
      %get3A_1862 = tpu.vector_load %arg15[%get3A_1860, %get3A_1861] {strides = array<i32>} : memref<64x128xf32, #tpu.memory_space<vmem>>, vector<16xf32>,
      %sub3A_1863 = arith.subf %get3A_1853, %get3A_1856 : vector<16xf32>
      %add3A_1864 = arith.addf %sub3A_1863, %get3A_1859 : vector<16xf32>
      %mul3A_1865 = arith.mulf %add3A_1864, %add3A_1864 : vector<16xf32>
      %add3A_1866 = arith.addf %broadcast_in_dim3A_1844, %mul3A_1865 : vector<16xf32>
      %mul3A_1867 = arith.mulf %add3A_1864, %get3A_1862 : vector<16xf32>
      %add3A_1868 = arith.addf %broadcast_in_dim3A_1846, %mul3A_1867 : vector<16xf32>
      %mul3A_1869 = arith.mulf %get3A_1862, %get3A_1859 : vector<16xf32>
      %add3A_1870 = arith.addf %broadcast_in_dim3A_1848, %mul3A_1869 : vector<16xf32>
      %mul3A_1871 = arith.mulf %get3A_1862, %get3A_1862 : vector<16xf32>
      %add3A_1872 = arith.addf %broadcast_in_dim3A_1850, %mul3A_1871 : vector<16xf32>
      %get3A_1873 = arith.index_cast %add3A_1830 : i32 to index
      %get3A_1874 = arith.constant 16 : index
      %get3A_1875 = tpu.vector_load %arg11[%get3A_1873, %get3A_1874] {strides = array<i32>} : memref<64x64xf32, #tpu.memory_space<vmem>>, vector<16xf32>,
      %get3A_1876 = arith.index_cast %add3A_1836 : i32 to index
      %get3A_1877 = arith.constant 16 : index
      %get3A_1878 = tpu.vector_load %arg13[%get3A_1876, %get3A_1877] {strides = array<i32>} : memref<64x64xf32, #tpu.memory_space<vmem>>, vector<16xf32>,
      %get3A_1879 = arith.index_cast %add3A_1842 : i32 to index
      %get3A_1880 = arith.constant 16 : index
      %get3A_1881 = tpu.vector_load %arg15[%get3A_1879, %get3A_1880] {strides = array<i32>} : memref<64x128xf32, #tpu.memory_space<vmem>>, vector<16xf32>,
      %get3A_1882 = arith.index_cast %add3A_1842 : i32 to index
      %get3A_1883 = arith.constant 80 : index
      %get3A_1884 = tpu.vector_load %arg15[%get3A_1882, %get3A_1883] {strides = array<i32>} : memref<64x128xf32, #tpu.memory_space<vmem>>, vector<16xf32>,
      %sub3A_1885 = arith.subf %get3A_1875, %get3A_1878 : vector<16xf32>
      %add3A_1886 = arith.addf %sub3A_1885, %get3A_1881 : vector<16xf32>
      %mul3A_1887 = arith.mulf %add3A_1886, %add3A_1886 : vector<16xf32>
      %add3A_1888 = arith.addf %add3A_1866, %mul3A_1887 : vector<16xf32>
      %mul3A_1889 = arith.mulf %add3A_1886, %get3A_1884 : vector<16xf32>
      %add3A_1890 = arith.addf %add3A_1868, %mul3A_1889 : vector<16xf32>
      %mul3A_1891 = arith.mulf %get3A_1884, %get3A_1881 : vector<16xf32>
      %add3A_1892 = arith.addf %add3A_1870, %mul3A_1891 : vector<16xf32>
      %mul3A_1893 = arith.mulf %get3A_1884, %get3A_1884 : vector<16xf32>
      %add3A_1894 = arith.addf %add3A_1872, %mul3A_1893 : vector<16xf32>
      %get3A_1895 = arith.index_cast %add3A_1830 : i32 to index
      %get3A_1896 = arith.constant 32 : index
      %get3A_1897 = tpu.vector_load %arg11[%get3A_1895, %get3A_1896] {strides = array<i32>} : memref<64x64xf32, #tpu.memory_space<vmem>>, vector<16xf32>,
      %get3A_1898 = arith.index_cast %add3A_1836 : i32 to index
      %get3A_1899 = arith.constant 32 : index
      %get3A_1900 = tpu.vector_load %arg13[%get3A_1898, %get3A_1899] {strides = array<i32>} : memref<64x64xf32, #tpu.memory_space<vmem>>, vector<16xf32>,
      %get3A_1901 = arith.index_cast %add3A_1842 : i32 to index
      %get3A_1902 = arith.constant 32 : index
      %get3A_1903 = tpu.vector_load %arg15[%get3A_1901, %get3A_1902] {strides = array<i32>} : memref<64x128xf32, #tpu.memory_space<vmem>>, vector<16xf32>,
      %get3A_1904 = arith.index_cast %add3A_1842 : i32 to index
      %get3A_1905 = arith.constant 96 : index
      %get3A_1906 = tpu.vector_load %arg15[%get3A_1904, %get3A_1905] {strides = array<i32>} : memref<64x128xf32, #tpu.memory_space<vmem>>, vector<16xf32>,
      %sub3A_1907 = arith.subf %get3A_1897, %get3A_1900 : vector<16xf32>
      %add3A_1908 = arith.addf %sub3A_1907, %get3A_1903 : vector<16xf32>
      %mul3A_1909 = arith.mulf %add3A_1908, %add3A_1908 : vector<16xf32>
      %add3A_1910 = arith.addf %add3A_1888, %mul3A_1909 : vector<16xf32>
      %mul3A_1911 = arith.mulf %add3A_1908, %get3A_1906 : vector<16xf32>
      %add3A_1912 = arith.addf %add3A_1890, %mul3A_1911 : vector<16xf32>
      %mul3A_1913 = arith.mulf %get3A_1906, %get3A_1903 : vector<16xf32>
      %add3A_1914 = arith.addf %add3A_1892, %mul3A_1913 : vector<16xf32>
      %mul3A_1915 = arith.mulf %get3A_1906, %get3A_1906 : vector<16xf32>
      %add3A_1916 = arith.addf %add3A_1894, %mul3A_1915 : vector<16xf32>
      %get3A_1917 = arith.index_cast %add3A_1830 : i32 to index
      %get3A_1918 = arith.constant 48 : index
      %get3A_1919 = tpu.vector_load %arg11[%get3A_1917, %get3A_1918] {strides = array<i32>} : memref<64x64xf32, #tpu.memory_space<vmem>>, vector<16xf32>,
      %get3A_1920 = arith.index_cast %add3A_1836 : i32 to index
      %get3A_1921 = arith.constant 48 : index
      %get3A_1922 = tpu.vector_load %arg13[%get3A_1920, %get3A_1921] {strides = array<i32>} : memref<64x64xf32, #tpu.memory_space<vmem>>, vector<16xf32>,
      %get3A_1923 = arith.index_cast %add3A_1842 : i32 to index
      %get3A_1924 = arith.constant 48 : index
      %get3A_1925 = tpu.vector_load %arg15[%get3A_1923, %get3A_1924] {strides = array<i32>} : memref<64x128xf32, #tpu.memory_space<vmem>>, vector<16xf32>,
      %get3A_1926 = arith.index_cast %add3A_1842 : i32 to index
      %get3A_1927 = arith.constant 112 : index
      %get3A_1928 = tpu.vector_load %arg15[%get3A_1926, %get3A_1927] {strides = array<i32>} : memref<64x128xf32, #tpu.memory_space<vmem>>, vector<16xf32>,
      %sub3A_1929 = arith.subf %get3A_1919, %get3A_1922 : vector<16xf32>
      %add3A_1930 = arith.addf %sub3A_1929, %get3A_1925 : vector<16xf32>
      %mul3A_1931 = arith.mulf %add3A_1930, %add3A_1930 : vector<16xf32>
      %add3A_1932 = arith.addf %add3A_1910, %mul3A_1931 : vector<16xf32>
      %mul3A_1933 = arith.mulf %add3A_1930, %get3A_1928 : vector<16xf32>
      %add3A_1934 = arith.addf %add3A_1912, %mul3A_1933 : vector<16xf32>
      %mul3A_1935 = arith.mulf %get3A_1928, %get3A_1925 : vector<16xf32>
      %add3A_1936 = arith.addf %add3A_1914, %mul3A_1935 : vector<16xf32>
      %mul3A_1937 = arith.mulf %get3A_1928, %get3A_1928 : vector<16xf32>
      %add3A_1938 = arith.addf %add3A_1916, %mul3A_1937 : vector<16xf32>
      %reduce_sum3A_1939 = arith.constant true
      %reduce_sum3A_1940 = vector.broadcast %reduce_sum3A_1939 : i1 to vector<16xi1>
      %reduce_sum3A_1941 = tpu.scan <sum>, %add3A_1932 masked %reduce_sum3A_1940 : vector<16xf32>, vector<16xi1> -> vector<16xf32>
      %reduce_sum3A_1942 = vector.extract %reduce_sum3A_1941[15] : f32 from vector<16xf32>
      %reduce_sum3A_1943 = arith.constant true
      %reduce_sum3A_1944 = vector.broadcast %reduce_sum3A_1943 : i1 to vector<16xi1>
      %reduce_sum3A_1945 = tpu.scan <sum>, %add3A_1934 masked %reduce_sum3A_1944 : vector<16xf32>, vector<16xi1> -> vector<16xf32>
      %reduce_sum3A_1946 = vector.extract %reduce_sum3A_1945[15] : f32 from vector<16xf32>
      %reduce_sum3A_1947 = arith.constant true
      %reduce_sum3A_1948 = vector.broadcast %reduce_sum3A_1947 : i1 to vector<16xi1>
      %reduce_sum3A_1949 = tpu.scan <sum>, %add3A_1936 masked %reduce_sum3A_1948 : vector<16xf32>, vector<16xi1> -> vector<16xf32>
      %reduce_sum3A_1950 = vector.extract %reduce_sum3A_1949[15] : f32 from vector<16xf32>
      %reduce_sum3A_1951 = arith.constant true
      %reduce_sum3A_1952 = vector.broadcast %reduce_sum3A_1951 : i1 to vector<16xi1>
      %reduce_sum3A_1953 = tpu.scan <sum>, %add3A_1938 masked %reduce_sum3A_1952 : vector<16xf32>, vector<16xi1> -> vector<16xf32>
      %reduce_sum3A_1954 = vector.extract %reduce_sum3A_1953[15] : f32 from vector<16xf32>
      %sub3A_1955 = arith.subf %reduce_sum3A_1946, %reduce_sum3A_1950 : f32
      %mul3A_1956 = arith.mulf %scan3A_478, %sub3A_1955 : f32
      %mul3A_1957 = arith.mulf %mul3A_1956, %reduce_sum3A_1946 : f32
      %sub3A_1958 = arith.subf %reduce_sum3A_1942, %mul3A_1957 : f32
      %mul3A_1959 = arith.mulf %sub3A_1955, %sub3A_1955 : f32
      %mul3A_1960 = arith.mulf %mul3A_1959, %reduce_sum3A_1954 : f32
      %add3A_1961 = arith.addf %sub3A_1958, %mul3A_1960 : f32
      %eq3A_1962 = arith.constant 6 : i32
      %eq3A_1963 = vector.broadcast %eq3A_1962 : i32 to vector<16xi32>
      %eq3A_1964 = arith.cmpi eq, %iota3A, %eq3A_1963 : vector<16xi32>
      %broadcast_in_dim3A_1965 = vector.broadcast %add3A_1961 : f32 to vector<16xf32>
      %select_n3A_1966 = arith.select %eq3A_1964, %broadcast_in_dim3A_1965, %select_n3A_1824 : vector<16xi1>, vector<16xf32>
      %slice3A_1967 = vector.extract_strided_slice %get3A_520 {offsets = [7], sizes = [1], strides = [1]} : vector<16xi32> to vector<1xi32>
      %squeeze3A_1968 = vector.extract %slice3A_1967[0] : i32 from vector<1xi32>
      %and3A_1969 = arith.constant 7 : i32
      %and3A_1970 = arith.andi %squeeze3A_1968, %and3A_1969 : i32
      %add3A_1971 = arith.constant 56 : i32
      %add3A_1972 = arith.addi %add3A_1971, %and3A_1970 : i32
      %slice3A_1973 = vector.extract_strided_slice %get3A_522 {offsets = [7], sizes = [1], strides = [1]} : vector<16xi32> to vector<1xi32>
      %squeeze3A_1974 = vector.extract %slice3A_1973[0] : i32 from vector<1xi32>
      %and3A_1975 = arith.constant 7 : i32
      %and3A_1976 = arith.andi %squeeze3A_1974, %and3A_1975 : i32
      %add3A_1977 = arith.constant 56 : i32
      %add3A_1978 = arith.addi %add3A_1977, %and3A_1976 : i32
      %slice3A_1979 = vector.extract_strided_slice %get3A_524 {offsets = [7], sizes = [1], strides = [1]} : vector<16xi32> to vector<1xi32>
      %squeeze3A_1980 = vector.extract %slice3A_1979[0] : i32 from vector<1xi32>
      %and3A_1981 = arith.constant 7 : i32
      %and3A_1982 = arith.andi %squeeze3A_1980, %and3A_1981 : i32
      %add3A_1983 = arith.constant 56 : i32
      %add3A_1984 = arith.addi %add3A_1983, %and3A_1982 : i32
      %broadcast_in_dim3A_1985 = arith.constant 0.000000e+00 : f32
      %broadcast_in_dim3A_1986 = vector.broadcast %broadcast_in_dim3A_1985 : f32 to vector<16xf32>
      %broadcast_in_dim3A_1987 = arith.constant 0.000000e+00 : f32
      %broadcast_in_dim3A_1988 = vector.broadcast %broadcast_in_dim3A_1987 : f32 to vector<16xf32>
      %broadcast_in_dim3A_1989 = arith.constant 0.000000e+00 : f32
      %broadcast_in_dim3A_1990 = vector.broadcast %broadcast_in_dim3A_1989 : f32 to vector<16xf32>
      %broadcast_in_dim3A_1991 = arith.constant 0.000000e+00 : f32
      %broadcast_in_dim3A_1992 = vector.broadcast %broadcast_in_dim3A_1991 : f32 to vector<16xf32>
      %get3A_1993 = arith.index_cast %add3A_1972 : i32 to index
      %get3A_1994 = arith.constant 0 : index
      %get3A_1995 = tpu.vector_load %arg11[%get3A_1993, %get3A_1994] {strides = array<i32>} : memref<64x64xf32, #tpu.memory_space<vmem>>, vector<16xf32>,
      %get3A_1996 = arith.index_cast %add3A_1978 : i32 to index
      %get3A_1997 = arith.constant 0 : index
      %get3A_1998 = tpu.vector_load %arg13[%get3A_1996, %get3A_1997] {strides = array<i32>} : memref<64x64xf32, #tpu.memory_space<vmem>>, vector<16xf32>,
      %get3A_1999 = arith.index_cast %add3A_1984 : i32 to index
      %get3A_2000 = arith.constant 0 : index
      %get3A_2001 = tpu.vector_load %arg15[%get3A_1999, %get3A_2000] {strides = array<i32>} : memref<64x128xf32, #tpu.memory_space<vmem>>, vector<16xf32>,
      %get3A_2002 = arith.index_cast %add3A_1984 : i32 to index
      %get3A_2003 = arith.constant 64 : index
      %get3A_2004 = tpu.vector_load %arg15[%get3A_2002, %get3A_2003] {strides = array<i32>} : memref<64x128xf32, #tpu.memory_space<vmem>>, vector<16xf32>,
      %sub3A_2005 = arith.subf %get3A_1995, %get3A_1998 : vector<16xf32>
      %add3A_2006 = arith.addf %sub3A_2005, %get3A_2001 : vector<16xf32>
      %mul3A_2007 = arith.mulf %add3A_2006, %add3A_2006 : vector<16xf32>
      %add3A_2008 = arith.addf %broadcast_in_dim3A_1986, %mul3A_2007 : vector<16xf32>
      %mul3A_2009 = arith.mulf %add3A_2006, %get3A_2004 : vector<16xf32>
      %add3A_2010 = arith.addf %broadcast_in_dim3A_1988, %mul3A_2009 : vector<16xf32>
      %mul3A_2011 = arith.mulf %get3A_2004, %get3A_2001 : vector<16xf32>
      %add3A_2012 = arith.addf %broadcast_in_dim3A_1990, %mul3A_2011 : vector<16xf32>
      %mul3A_2013 = arith.mulf %get3A_2004, %get3A_2004 : vector<16xf32>
      %add3A_2014 = arith.addf %broadcast_in_dim3A_1992, %mul3A_2013 : vector<16xf32>
      %get3A_2015 = arith.index_cast %add3A_1972 : i32 to index
      %get3A_2016 = arith.constant 16 : index
      %get3A_2017 = tpu.vector_load %arg11[%get3A_2015, %get3A_2016] {strides = array<i32>} : memref<64x64xf32, #tpu.memory_space<vmem>>, vector<16xf32>,
      %get3A_2018 = arith.index_cast %add3A_1978 : i32 to index
      %get3A_2019 = arith.constant 16 : index
      %get3A_2020 = tpu.vector_load %arg13[%get3A_2018, %get3A_2019] {strides = array<i32>} : memref<64x64xf32, #tpu.memory_space<vmem>>, vector<16xf32>,
      %get3A_2021 = arith.index_cast %add3A_1984 : i32 to index
      %get3A_2022 = arith.constant 16 : index
      %get3A_2023 = tpu.vector_load %arg15[%get3A_2021, %get3A_2022] {strides = array<i32>} : memref<64x128xf32, #tpu.memory_space<vmem>>, vector<16xf32>,
      %get3A_2024 = arith.index_cast %add3A_1984 : i32 to index
      %get3A_2025 = arith.constant 80 : index
      %get3A_2026 = tpu.vector_load %arg15[%get3A_2024, %get3A_2025] {strides = array<i32>} : memref<64x128xf32, #tpu.memory_space<vmem>>, vector<16xf32>,
      %sub3A_2027 = arith.subf %get3A_2017, %get3A_2020 : vector<16xf32>
      %add3A_2028 = arith.addf %sub3A_2027, %get3A_2023 : vector<16xf32>
      %mul3A_2029 = arith.mulf %add3A_2028, %add3A_2028 : vector<16xf32>
      %add3A_2030 = arith.addf %add3A_2008, %mul3A_2029 : vector<16xf32>
      %mul3A_2031 = arith.mulf %add3A_2028, %get3A_2026 : vector<16xf32>
      %add3A_2032 = arith.addf %add3A_2010, %mul3A_2031 : vector<16xf32>
      %mul3A_2033 = arith.mulf %get3A_2026, %get3A_2023 : vector<16xf32>
      %add3A_2034 = arith.addf %add3A_2012, %mul3A_2033 : vector<16xf32>
      %mul3A_2035 = arith.mulf %get3A_2026, %get3A_2026 : vector<16xf32>
      %add3A_2036 = arith.addf %add3A_2014, %mul3A_2035 : vector<16xf32>
      %get3A_2037 = arith.index_cast %add3A_1972 : i32 to index
      %get3A_2038 = arith.constant 32 : index
      %get3A_2039 = tpu.vector_load %arg11[%get3A_2037, %get3A_2038] {strides = array<i32>} : memref<64x64xf32, #tpu.memory_space<vmem>>, vector<16xf32>,
      %get3A_2040 = arith.index_cast %add3A_1978 : i32 to index
      %get3A_2041 = arith.constant 32 : index
      %get3A_2042 = tpu.vector_load %arg13[%get3A_2040, %get3A_2041] {strides = array<i32>} : memref<64x64xf32, #tpu.memory_space<vmem>>, vector<16xf32>,
      %get3A_2043 = arith.index_cast %add3A_1984 : i32 to index
      %get3A_2044 = arith.constant 32 : index
      %get3A_2045 = tpu.vector_load %arg15[%get3A_2043, %get3A_2044] {strides = array<i32>} : memref<64x128xf32, #tpu.memory_space<vmem>>, vector<16xf32>,
      %get3A_2046 = arith.index_cast %add3A_1984 : i32 to index
      %get3A_2047 = arith.constant 96 : index
      %get3A_2048 = tpu.vector_load %arg15[%get3A_2046, %get3A_2047] {strides = array<i32>} : memref<64x128xf32, #tpu.memory_space<vmem>>, vector<16xf32>,
      %sub3A_2049 = arith.subf %get3A_2039, %get3A_2042 : vector<16xf32>
      %add3A_2050 = arith.addf %sub3A_2049, %get3A_2045 : vector<16xf32>
      %mul3A_2051 = arith.mulf %add3A_2050, %add3A_2050 : vector<16xf32>
      %add3A_2052 = arith.addf %add3A_2030, %mul3A_2051 : vector<16xf32>
      %mul3A_2053 = arith.mulf %add3A_2050, %get3A_2048 : vector<16xf32>
      %add3A_2054 = arith.addf %add3A_2032, %mul3A_2053 : vector<16xf32>
      %mul3A_2055 = arith.mulf %get3A_2048, %get3A_2045 : vector<16xf32>
      %add3A_2056 = arith.addf %add3A_2034, %mul3A_2055 : vector<16xf32>
      %mul3A_2057 = arith.mulf %get3A_2048, %get3A_2048 : vector<16xf32>
      %add3A_2058 = arith.addf %add3A_2036, %mul3A_2057 : vector<16xf32>
      %get3A_2059 = arith.index_cast %add3A_1972 : i32 to index
      %get3A_2060 = arith.constant 48 : index
      %get3A_2061 = tpu.vector_load %arg11[%get3A_2059, %get3A_2060] {strides = array<i32>} : memref<64x64xf32, #tpu.memory_space<vmem>>, vector<16xf32>,
      %get3A_2062 = arith.index_cast %add3A_1978 : i32 to index
      %get3A_2063 = arith.constant 48 : index
      %get3A_2064 = tpu.vector_load %arg13[%get3A_2062, %get3A_2063] {strides = array<i32>} : memref<64x64xf32, #tpu.memory_space<vmem>>, vector<16xf32>,
      %get3A_2065 = arith.index_cast %add3A_1984 : i32 to index
      %get3A_2066 = arith.constant 48 : index
      %get3A_2067 = tpu.vector_load %arg15[%get3A_2065, %get3A_2066] {strides = array<i32>} : memref<64x128xf32, #tpu.memory_space<vmem>>, vector<16xf32>,
      %get3A_2068 = arith.index_cast %add3A_1984 : i32 to index
      %get3A_2069 = arith.constant 112 : index
      %get3A_2070 = tpu.vector_load %arg15[%get3A_2068, %get3A_2069] {strides = array<i32>} : memref<64x128xf32, #tpu.memory_space<vmem>>, vector<16xf32>,
      %sub3A_2071 = arith.subf %get3A_2061, %get3A_2064 : vector<16xf32>
      %add3A_2072 = arith.addf %sub3A_2071, %get3A_2067 : vector<16xf32>
      %mul3A_2073 = arith.mulf %add3A_2072, %add3A_2072 : vector<16xf32>
      %add3A_2074 = arith.addf %add3A_2052, %mul3A_2073 : vector<16xf32>
      %mul3A_2075 = arith.mulf %add3A_2072, %get3A_2070 : vector<16xf32>
      %add3A_2076 = arith.addf %add3A_2054, %mul3A_2075 : vector<16xf32>
      %mul3A_2077 = arith.mulf %get3A_2070, %get3A_2067 : vector<16xf32>
      %add3A_2078 = arith.addf %add3A_2056, %mul3A_2077 : vector<16xf32>
      %mul3A_2079 = arith.mulf %get3A_2070, %get3A_2070 : vector<16xf32>
      %add3A_2080 = arith.addf %add3A_2058, %mul3A_2079 : vector<16xf32>
      %reduce_sum3A_2081 = arith.constant true
      %reduce_sum3A_2082 = vector.broadcast %reduce_sum3A_2081 : i1 to vector<16xi1>
      %reduce_sum3A_2083 = tpu.scan <sum>, %add3A_2074 masked %reduce_sum3A_2082 : vector<16xf32>, vector<16xi1> -> vector<16xf32>
      %reduce_sum3A_2084 = vector.extract %reduce_sum3A_2083[15] : f32 from vector<16xf32>
      %reduce_sum3A_2085 = arith.constant true
      %reduce_sum3A_2086 = vector.broadcast %reduce_sum3A_2085 : i1 to vector<16xi1>
      %reduce_sum3A_2087 = tpu.scan <sum>, %add3A_2076 masked %reduce_sum3A_2086 : vector<16xf32>, vector<16xi1> -> vector<16xf32>
      %reduce_sum3A_2088 = vector.extract %reduce_sum3A_2087[15] : f32 from vector<16xf32>
      %reduce_sum3A_2089 = arith.constant true
      %reduce_sum3A_2090 = vector.broadcast %reduce_sum3A_2089 : i1 to vector<16xi1>
      %reduce_sum3A_2091 = tpu.scan <sum>, %add3A_2078 masked %reduce_sum3A_2090 : vector<16xf32>, vector<16xi1> -> vector<16xf32>
      %reduce_sum3A_2092 = vector.extract %reduce_sum3A_2091[15] : f32 from vector<16xf32>
      %reduce_sum3A_2093 = arith.constant true
      %reduce_sum3A_2094 = vector.broadcast %reduce_sum3A_2093 : i1 to vector<16xi1>
      %reduce_sum3A_2095 = tpu.scan <sum>, %add3A_2080 masked %reduce_sum3A_2094 : vector<16xf32>, vector<16xi1> -> vector<16xf32>
      %reduce_sum3A_2096 = vector.extract %reduce_sum3A_2095[15] : f32 from vector<16xf32>
      %sub3A_2097 = arith.subf %reduce_sum3A_2088, %reduce_sum3A_2092 : f32
      %mul3A_2098 = arith.mulf %scan3A_478, %sub3A_2097 : f32
      %mul3A_2099 = arith.mulf %mul3A_2098, %reduce_sum3A_2088 : f32
      %sub3A_2100 = arith.subf %reduce_sum3A_2084, %mul3A_2099 : f32
      %mul3A_2101 = arith.mulf %sub3A_2097, %sub3A_2097 : f32
      %mul3A_2102 = arith.mulf %mul3A_2101, %reduce_sum3A_2096 : f32
      %add3A_2103 = arith.addf %sub3A_2100, %mul3A_2102 : f32
      %eq3A_2104 = arith.constant 7 : i32
      %eq3A_2105 = vector.broadcast %eq3A_2104 : i32 to vector<16xi32>
      %eq3A_2106 = arith.cmpi eq, %iota3A, %eq3A_2105 : vector<16xi32>
      %broadcast_in_dim3A_2107 = vector.broadcast %add3A_2103 : f32 to vector<16xf32>
      %select_n3A_2108 = arith.select %eq3A_2106, %broadcast_in_dim3A_2107, %select_n3A_1966 : vector<16xi1>, vector<16xf32>
      %add3A_2109 = arith.constant 2 : i32
      %add3A_2110 = arith.addi %mul3A_514, %add3A_2109 : i32
      %mul3A_2111 = arith.constant 8 : i32
      %mul3A_2112 = arith.muli %add3A_2110, %mul3A_2111 : i32
      %get3A_2113 = arith.index_cast %mul3A_2112 : i32 to index
      %get3A_2114 = tpu.vector_load %arg8[%get3A_2113] {strides = array<i32>} : memref<528xi32, #tpu.memory_space<vmem>>, vector<16xi32>,
      %max3A_2115 = vector.broadcast %scan3A : i32 to vector<16xi32>
      %max3A_2116 = arith.maxsi %max3A_2115, %get3A_2114 : vector<16xi32>
      %min3A_2117 = vector.broadcast %scan3A_477 : i32 to vector<16xi32>
      %min3A_2118 = arith.minsi %min3A_2117, %max3A_2116 : vector<16xi32>
      %mul3A_2119 = arith.constant 8 : i32
      %mul3A_2120 = arith.muli %add3A_2110, %mul3A_2119 : i32
      %get3A_2121 = arith.index_cast %mul3A_2120 : i32 to index
      %get3A_2122 = tpu.vector_load %arg9[%get3A_2121] {strides = array<i32>} : memref<528xi32, #tpu.memory_space<vmem>>, vector<16xi32>,
      %max3A_2123 = vector.broadcast %scan3A : i32 to vector<16xi32>
      %max3A_2124 = arith.maxsi %max3A_2123, %get3A_2122 : vector<16xi32>
      %min3A_2125 = vector.broadcast %scan3A_477 : i32 to vector<16xi32>
      %min3A_2126 = arith.minsi %min3A_2125, %max3A_2124 : vector<16xi32>
      %mul3A_2127 = arith.constant 8 : i32
      %mul3A_2128 = arith.muli %add3A_2110, %mul3A_2127 : i32
      %get3A_2129 = arith.index_cast %mul3A_2128 : i32 to index
      %get3A_2130 = tpu.vector_load %arg10[%get3A_2129] {strides = array<i32>} : memref<528xi32, #tpu.memory_space<vmem>>, vector<16xi32>,
      %jit3A_2131 = arith.constant 999 : i32
      %max3A_2132 = vector.broadcast %scan3A : i32 to vector<16xi32>
      %max3A_2133 = arith.maxsi %max3A_2132, %get3A_2130 : vector<16xi32>
      %min3A_2134 = vector.broadcast %jit3A_2131 : i32 to vector<16xi32>
      %min3A_2135 = arith.minsi %min3A_2134, %max3A_2133 : vector<16xi32>
      %slice3A_2136 = vector.extract_strided_slice %min3A_2118 {offsets = [0], sizes = [1], strides = [1]} : vector<16xi32> to vector<1xi32>
      %squeeze3A_2137 = vector.extract %slice3A_2136[0] : i32 from vector<1xi32>
      %shift_right_arithmetic3A_2138 = arith.constant 3 : i32
      %shift_right_arithmetic3A_2139 = arith.shrsi %squeeze3A_2137, %shift_right_arithmetic3A_2138 : i32
      %mul3A_2140 = arith.constant 8 : i32
      %mul3A_2141 = arith.muli %shift_right_arithmetic3A_2139, %mul3A_2140 : i32
      %multiple_of3A_2142 = tpu.assume_multiple %mul3A_2141, 8 : i32
      %dma_start3A_2143 = arith.constant 0 : i32
      %dma_start3A_2144 = arith.constant 0 : i32
      %dma_start3A_2145 = tpu.memref_slice %arg11[%dma_start3A_2143, %dma_start3A_2144] : memref<64x64xf32, #tpu.memory_space<vmem>> -> memref<8x64xf32, #tpu.memory_space<vmem>>
      %dma_start3A_2146 = arith.constant 0 : i32
      %dma_start3A_2147 = tpu.memref_slice %arg5[%multiple_of3A_2142, %dma_start3A_2146] : memref<1000000x64xf32, #tpu.memory_space<hbm>> -> memref<8x64xf32, #tpu.memory_space<hbm>>
      %dma_start3A_2148 = arith.constant 0 : i32
      %dma_start3A_2149 = arith.constant 0 : i32
      %dma_start3A_2150 = tpu.memref_slice %arg11[%dma_start3A_2148, %dma_start3A_2149] : memref<64x64xf32, #tpu.memory_space<vmem>> -> memref<8x64xf32, #tpu.memory_space<vmem>>
      %dma_start3A_2151 = arith.constant 0 : i32
      %dma_start3A_2152 = tpu.memref_slice %arg5[%multiple_of3A_2142, %dma_start3A_2151] : memref<1000000x64xf32, #tpu.memory_space<hbm>> -> memref<8x64xf32, #tpu.memory_space<hbm>>
      tpu.enqueue_dma source(%dma_start3A_2152 : memref<8x64xf32, #tpu.memory_space<hbm>>) target(%dma_start3A_2150 : memref<8x64xf32, #tpu.memory_space<vmem>>) target_semaphore(%arg18 : memref<!tpu.dma_semaphore, #tpu.memory_space<semaphore_mem>>)
      %slice3A_2153 = vector.extract_strided_slice %min3A_2126 {offsets = [0], sizes = [1], strides = [1]} : vector<16xi32> to vector<1xi32>
      %squeeze3A_2154 = vector.extract %slice3A_2153[0] : i32 from vector<1xi32>
      %shift_right_arithmetic3A_2155 = arith.constant 3 : i32
      %shift_right_arithmetic3A_2156 = arith.shrsi %squeeze3A_2154, %shift_right_arithmetic3A_2155 : i32
      %mul3A_2157 = arith.constant 8 : i32
      %mul3A_2158 = arith.muli %shift_right_arithmetic3A_2156, %mul3A_2157 : i32
      %multiple_of3A_2159 = tpu.assume_multiple %mul3A_2158, 8 : i32
      %dma_start3A_2160 = arith.constant 0 : i32
      %dma_start3A_2161 = arith.constant 0 : i32
      %dma_start3A_2162 = tpu.memref_slice %arg13[%dma_start3A_2160, %dma_start3A_2161] : memref<64x64xf32, #tpu.memory_space<vmem>> -> memref<8x64xf32, #tpu.memory_space<vmem>>
      %dma_start3A_2163 = arith.constant 0 : i32
      %dma_start3A_2164 = tpu.memref_slice %arg5[%multiple_of3A_2159, %dma_start3A_2163] : memref<1000000x64xf32, #tpu.memory_space<hbm>> -> memref<8x64xf32, #tpu.memory_space<hbm>>
      %dma_start3A_2165 = arith.constant 0 : i32
      %dma_start3A_2166 = arith.constant 0 : i32
      %dma_start3A_2167 = tpu.memref_slice %arg13[%dma_start3A_2165, %dma_start3A_2166] : memref<64x64xf32, #tpu.memory_space<vmem>> -> memref<8x64xf32, #tpu.memory_space<vmem>>
      %dma_start3A_2168 = arith.constant 0 : i32
      %dma_start3A_2169 = tpu.memref_slice %arg5[%multiple_of3A_2159, %dma_start3A_2168] : memref<1000000x64xf32, #tpu.memory_space<hbm>> -> memref<8x64xf32, #tpu.memory_space<hbm>>
      tpu.enqueue_dma source(%dma_start3A_2169 : memref<8x64xf32, #tpu.memory_space<hbm>>) target(%dma_start3A_2167 : memref<8x64xf32, #tpu.memory_space<vmem>>) target_semaphore(%arg18 : memref<!tpu.dma_semaphore, #tpu.memory_space<semaphore_mem>>)
      %slice3A_2170 = vector.extract_strided_slice %min3A_2135 {offsets = [0], sizes = [1], strides = [1]} : vector<16xi32> to vector<1xi32>
      %squeeze3A_2171 = vector.extract %slice3A_2170[0] : i32 from vector<1xi32>
      %shift_right_arithmetic3A_2172 = arith.constant 3 : i32
      %shift_right_arithmetic3A_2173 = arith.shrsi %squeeze3A_2171, %shift_right_arithmetic3A_2172 : i32
      %mul3A_2174 = arith.constant 8 : i32
      %mul3A_2175 = arith.muli %shift_right_arithmetic3A_2173, %mul3A_2174 : i32
      %multiple_of3A_2176 = tpu.assume_multiple %mul3A_2175, 8 : i32
      %dma_start3A_2177 = arith.constant 0 : i32
      %dma_start3A_2178 = arith.constant 0 : i32
      %dma_start3A_2179 = tpu.memref_slice %arg15[%dma_start3A_2177, %dma_start3A_2178] : memref<64x128xf32, #tpu.memory_space<vmem>> -> memref<8x128xf32, #tpu.memory_space<vmem>>
      %dma_start3A_2180 = arith.constant 0 : i32
      %dma_start3A_2181 = tpu.memref_slice %arg6[%multiple_of3A_2176, %dma_start3A_2180] : memref<1000x128xf32, #tpu.memory_space<hbm>> -> memref<8x128xf32, #tpu.memory_space<hbm>>
      %dma_start3A_2182 = arith.constant 0 : i32
      %dma_start3A_2183 = arith.constant 0 : i32
      %dma_start3A_2184 = tpu.memref_slice %arg15[%dma_start3A_2182, %dma_start3A_2183] : memref<64x128xf32, #tpu.memory_space<vmem>> -> memref<8x128xf32, #tpu.memory_space<vmem>>
      %dma_start3A_2185 = arith.constant 0 : i32
      %dma_start3A_2186 = tpu.memref_slice %arg6[%multiple_of3A_2176, %dma_start3A_2185] : memref<1000x128xf32, #tpu.memory_space<hbm>> -> memref<8x128xf32, #tpu.memory_space<hbm>>
      tpu.enqueue_dma source(%dma_start3A_2186 : memref<8x128xf32, #tpu.memory_space<hbm>>) target(%dma_start3A_2184 : memref<8x128xf32, #tpu.memory_space<vmem>>) target_semaphore(%arg18 : memref<!tpu.dma_semaphore, #tpu.memory_space<semaphore_mem>>)
      %slice3A_2187 = vector.extract_strided_slice %min3A_2118 {offsets = [1], sizes = [1], strides = [1]} : vector<16xi32> to vector<1xi32>
      %squeeze3A_2188 = vector.extract %slice3A_2187[0] : i32 from vector<1xi32>
      %shift_right_arithmetic3A_2189 = arith.constant 3 : i32
      %shift_right_arithmetic3A_2190 = arith.shrsi %squeeze3A_2188, %shift_right_arithmetic3A_2189 : i32
      %mul3A_2191 = arith.constant 8 : i32
      %mul3A_2192 = arith.muli %shift_right_arithmetic3A_2190, %mul3A_2191 : i32
      %multiple_of3A_2193 = tpu.assume_multiple %mul3A_2192, 8 : i32
      %dma_start3A_2194 = arith.constant 8 : i32
      %dma_start3A_2195 = arith.constant 0 : i32
      %dma_start3A_2196 = tpu.memref_slice %arg11[%dma_start3A_2194, %dma_start3A_2195] : memref<64x64xf32, #tpu.memory_space<vmem>> -> memref<8x64xf32, #tpu.memory_space<vmem>>
      %dma_start3A_2197 = arith.constant 0 : i32
      %dma_start3A_2198 = tpu.memref_slice %arg5[%multiple_of3A_2193, %dma_start3A_2197] : memref<1000000x64xf32, #tpu.memory_space<hbm>> -> memref<8x64xf32, #tpu.memory_space<hbm>>
      %dma_start3A_2199 = arith.constant 8 : i32
      %dma_start3A_2200 = arith.constant 0 : i32
      %dma_start3A_2201 = tpu.memref_slice %arg11[%dma_start3A_2199, %dma_start3A_2200] : memref<64x64xf32, #tpu.memory_space<vmem>> -> memref<8x64xf32, #tpu.memory_space<vmem>>
      %dma_start3A_2202 = arith.constant 0 : i32
      %dma_start3A_2203 = tpu.memref_slice %arg5[%multiple_of3A_2193, %dma_start3A_2202] : memref<1000000x64xf32, #tpu.memory_space<hbm>> -> memref<8x64xf32, #tpu.memory_space<hbm>>
      tpu.enqueue_dma source(%dma_start3A_2203 : memref<8x64xf32, #tpu.memory_space<hbm>>) target(%dma_start3A_2201 : memref<8x64xf32, #tpu.memory_space<vmem>>) target_semaphore(%arg18 : memref<!tpu.dma_semaphore, #tpu.memory_space<semaphore_mem>>)
      %slice3A_2204 = vector.extract_strided_slice %min3A_2126 {offsets = [1], sizes = [1], strides = [1]} : vector<16xi32> to vector<1xi32>
      %squeeze3A_2205 = vector.extract %slice3A_2204[0] : i32 from vector<1xi32>
      %shift_right_arithmetic3A_2206 = arith.constant 3 : i32
      %shift_right_arithmetic3A_2207 = arith.shrsi %squeeze3A_2205, %shift_right_arithmetic3A_2206 : i32
      %mul3A_2208 = arith.constant 8 : i32
      %mul3A_2209 = arith.muli %shift_right_arithmetic3A_2207, %mul3A_2208 : i32
      %multiple_of3A_2210 = tpu.assume_multiple %mul3A_2209, 8 : i32
      %dma_start3A_2211 = arith.constant 8 : i32
      %dma_start3A_2212 = arith.constant 0 : i32
      %dma_start3A_2213 = tpu.memref_slice %arg13[%dma_start3A_2211, %dma_start3A_2212] : memref<64x64xf32, #tpu.memory_space<vmem>> -> memref<8x64xf32, #tpu.memory_space<vmem>>
      %dma_start3A_2214 = arith.constant 0 : i32
      %dma_start3A_2215 = tpu.memref_slice %arg5[%multiple_of3A_2210, %dma_start3A_2214] : memref<1000000x64xf32, #tpu.memory_space<hbm>> -> memref<8x64xf32, #tpu.memory_space<hbm>>
      %dma_start3A_2216 = arith.constant 8 : i32
      %dma_start3A_2217 = arith.constant 0 : i32
      %dma_start3A_2218 = tpu.memref_slice %arg13[%dma_start3A_2216, %dma_start3A_2217] : memref<64x64xf32, #tpu.memory_space<vmem>> -> memref<8x64xf32, #tpu.memory_space<vmem>>
      %dma_start3A_2219 = arith.constant 0 : i32
      %dma_start3A_2220 = tpu.memref_slice %arg5[%multiple_of3A_2210, %dma_start3A_2219] : memref<1000000x64xf32, #tpu.memory_space<hbm>> -> memref<8x64xf32, #tpu.memory_space<hbm>>
      tpu.enqueue_dma source(%dma_start3A_2220 : memref<8x64xf32, #tpu.memory_space<hbm>>) target(%dma_start3A_2218 : memref<8x64xf32, #tpu.memory_space<vmem>>) target_semaphore(%arg18 : memref<!tpu.dma_semaphore, #tpu.memory_space<semaphore_mem>>)
      %slice3A_2221 = vector.extract_strided_slice %min3A_2135 {offsets = [1], sizes = [1], strides = [1]} : vector<16xi32> to vector<1xi32>
      %squeeze3A_2222 = vector.extract %slice3A_2221[0] : i32 from vector<1xi32>
      %shift_right_arithmetic3A_2223 = arith.constant 3 : i32
      %shift_right_arithmetic3A_2224 = arith.shrsi %squeeze3A_2222, %shift_right_arithmetic3A_2223 : i32
      %mul3A_2225 = arith.constant 8 : i32
      %mul3A_2226 = arith.muli %shift_right_arithmetic3A_2224, %mul3A_2225 : i32
      %multiple_of3A_2227 = tpu.assume_multiple %mul3A_2226, 8 : i32
      %dma_start3A_2228 = arith.constant 8 : i32
      %dma_start3A_2229 = arith.constant 0 : i32
      %dma_start3A_2230 = tpu.memref_slice %arg15[%dma_start3A_2228, %dma_start3A_2229] : memref<64x128xf32, #tpu.memory_space<vmem>> -> memref<8x128xf32, #tpu.memory_space<vmem>>
      %dma_start3A_2231 = arith.constant 0 : i32
      %dma_start3A_2232 = tpu.memref_slice %arg6[%multiple_of3A_2227, %dma_start3A_2231] : memref<1000x128xf32, #tpu.memory_space<hbm>> -> memref<8x128xf32, #tpu.memory_space<hbm>>
      %dma_start3A_2233 = arith.constant 8 : i32
      %dma_start3A_2234 = arith.constant 0 : i32
      %dma_start3A_2235 = tpu.memref_slice %arg15[%dma_start3A_2233, %dma_start3A_2234] : memref<64x128xf32, #tpu.memory_space<vmem>> -> memref<8x128xf32, #tpu.memory_space<vmem>>
      %dma_start3A_2236 = arith.constant 0 : i32
      %dma_start3A_2237 = tpu.memref_slice %arg6[%multiple_of3A_2227, %dma_start3A_2236] : memref<1000x128xf32, #tpu.memory_space<hbm>> -> memref<8x128xf32, #tpu.memory_space<hbm>>
      tpu.enqueue_dma source(%dma_start3A_2237 : memref<8x128xf32, #tpu.memory_space<hbm>>) target(%dma_start3A_2235 : memref<8x128xf32, #tpu.memory_space<vmem>>) target_semaphore(%arg18 : memref<!tpu.dma_semaphore, #tpu.memory_space<semaphore_mem>>)
      %slice3A_2238 = vector.extract_strided_slice %min3A_2118 {offsets = [2], sizes = [1], strides = [1]} : vector<16xi32> to vector<1xi32>
      %squeeze3A_2239 = vector.extract %slice3A_2238[0] : i32 from vector<1xi32>
      %shift_right_arithmetic3A_2240 = arith.constant 3 : i32
      %shift_right_arithmetic3A_2241 = arith.shrsi %squeeze3A_2239, %shift_right_arithmetic3A_2240 : i32
      %mul3A_2242 = arith.constant 8 : i32
      %mul3A_2243 = arith.muli %shift_right_arithmetic3A_2241, %mul3A_2242 : i32
      %multiple_of3A_2244 = tpu.assume_multiple %mul3A_2243, 8 : i32
      %dma_start3A_2245 = arith.constant 16 : i32
      %dma_start3A_2246 = arith.constant 0 : i32
      %dma_start3A_2247 = tpu.memref_slice %arg11[%dma_start3A_2245, %dma_start3A_2246] : memref<64x64xf32, #tpu.memory_space<vmem>> -> memref<8x64xf32, #tpu.memory_space<vmem>>
      %dma_start3A_2248 = arith.constant 0 : i32
      %dma_start3A_2249 = tpu.memref_slice %arg5[%multiple_of3A_2244, %dma_start3A_2248] : memref<1000000x64xf32, #tpu.memory_space<hbm>> -> memref<8x64xf32, #tpu.memory_space<hbm>>
      %dma_start3A_2250 = arith.constant 16 : i32
      %dma_start3A_2251 = arith.constant 0 : i32
      %dma_start3A_2252 = tpu.memref_slice %arg11[%dma_start3A_2250, %dma_start3A_2251] : memref<64x64xf32, #tpu.memory_space<vmem>> -> memref<8x64xf32, #tpu.memory_space<vmem>>
      %dma_start3A_2253 = arith.constant 0 : i32
      %dma_start3A_2254 = tpu.memref_slice %arg5[%multiple_of3A_2244, %dma_start3A_2253] : memref<1000000x64xf32, #tpu.memory_space<hbm>> -> memref<8x64xf32, #tpu.memory_space<hbm>>
      tpu.enqueue_dma source(%dma_start3A_2254 : memref<8x64xf32, #tpu.memory_space<hbm>>) target(%dma_start3A_2252 : memref<8x64xf32, #tpu.memory_space<vmem>>) target_semaphore(%arg18 : memref<!tpu.dma_semaphore, #tpu.memory_space<semaphore_mem>>)
      %slice3A_2255 = vector.extract_strided_slice %min3A_2126 {offsets = [2], sizes = [1], strides = [1]} : vector<16xi32> to vector<1xi32>
      %squeeze3A_2256 = vector.extract %slice3A_2255[0] : i32 from vector<1xi32>
      %shift_right_arithmetic3A_2257 = arith.constant 3 : i32
      %shift_right_arithmetic3A_2258 = arith.shrsi %squeeze3A_2256, %shift_right_arithmetic3A_2257 : i32
      %mul3A_2259 = arith.constant 8 : i32
      %mul3A_2260 = arith.muli %shift_right_arithmetic3A_2258, %mul3A_2259 : i32
      %multiple_of3A_2261 = tpu.assume_multiple %mul3A_2260, 8 : i32
      %dma_start3A_2262 = arith.constant 16 : i32
      %dma_start3A_2263 = arith.constant 0 : i32
      %dma_start3A_2264 = tpu.memref_slice %arg13[%dma_start3A_2262, %dma_start3A_2263] : memref<64x64xf32, #tpu.memory_space<vmem>> -> memref<8x64xf32, #tpu.memory_space<vmem>>
      %dma_start3A_2265 = arith.constant 0 : i32
      %dma_start3A_2266 = tpu.memref_slice %arg5[%multiple_of3A_2261, %dma_start3A_2265] : memref<1000000x64xf32, #tpu.memory_space<hbm>> -> memref<8x64xf32, #tpu.memory_space<hbm>>
      %dma_start3A_2267 = arith.constant 16 : i32
      %dma_start3A_2268 = arith.constant 0 : i32
      %dma_start3A_2269 = tpu.memref_slice %arg13[%dma_start3A_2267, %dma_start3A_2268] : memref<64x64xf32, #tpu.memory_space<vmem>> -> memref<8x64xf32, #tpu.memory_space<vmem>>
      %dma_start3A_2270 = arith.constant 0 : i32
      %dma_start3A_2271 = tpu.memref_slice %arg5[%multiple_of3A_2261, %dma_start3A_2270] : memref<1000000x64xf32, #tpu.memory_space<hbm>> -> memref<8x64xf32, #tpu.memory_space<hbm>>
      tpu.enqueue_dma source(%dma_start3A_2271 : memref<8x64xf32, #tpu.memory_space<hbm>>) target(%dma_start3A_2269 : memref<8x64xf32, #tpu.memory_space<vmem>>) target_semaphore(%arg18 : memref<!tpu.dma_semaphore, #tpu.memory_space<semaphore_mem>>)
      %slice3A_2272 = vector.extract_strided_slice %min3A_2135 {offsets = [2], sizes = [1], strides = [1]} : vector<16xi32> to vector<1xi32>
      %squeeze3A_2273 = vector.extract %slice3A_2272[0] : i32 from vector<1xi32>
      %shift_right_arithmetic3A_2274 = arith.constant 3 : i32
      %shift_right_arithmetic3A_2275 = arith.shrsi %squeeze3A_2273, %shift_right_arithmetic3A_2274 : i32
      %mul3A_2276 = arith.constant 8 : i32
      %mul3A_2277 = arith.muli %shift_right_arithmetic3A_2275, %mul3A_2276 : i32
      %multiple_of3A_2278 = tpu.assume_multiple %mul3A_2277, 8 : i32
      %dma_start3A_2279 = arith.constant 16 : i32
      %dma_start3A_2280 = arith.constant 0 : i32
      %dma_start3A_2281 = tpu.memref_slice %arg15[%dma_start3A_2279, %dma_start3A_2280] : memref<64x128xf32, #tpu.memory_space<vmem>> -> memref<8x128xf32, #tpu.memory_space<vmem>>
      %dma_start3A_2282 = arith.constant 0 : i32
      %dma_start3A_2283 = tpu.memref_slice %arg6[%multiple_of3A_2278, %dma_start3A_2282] : memref<1000x128xf32, #tpu.memory_space<hbm>> -> memref<8x128xf32, #tpu.memory_space<hbm>>
      %dma_start3A_2284 = arith.constant 16 : i32
      %dma_start3A_2285 = arith.constant 0 : i32
      %dma_start3A_2286 = tpu.memref_slice %arg15[%dma_start3A_2284, %dma_start3A_2285] : memref<64x128xf32, #tpu.memory_space<vmem>> -> memref<8x128xf32, #tpu.memory_space<vmem>>
      %dma_start3A_2287 = arith.constant 0 : i32
      %dma_start3A_2288 = tpu.memref_slice %arg6[%multiple_of3A_2278, %dma_start3A_2287] : memref<1000x128xf32, #tpu.memory_space<hbm>> -> memref<8x128xf32, #tpu.memory_space<hbm>>
      tpu.enqueue_dma source(%dma_start3A_2288 : memref<8x128xf32, #tpu.memory_space<hbm>>) target(%dma_start3A_2286 : memref<8x128xf32, #tpu.memory_space<vmem>>) target_semaphore(%arg18 : memref<!tpu.dma_semaphore, #tpu.memory_space<semaphore_mem>>)
      %slice3A_2289 = vector.extract_strided_slice %min3A_2118 {offsets = [3], sizes = [1], strides = [1]} : vector<16xi32> to vector<1xi32>
      %squeeze3A_2290 = vector.extract %slice3A_2289[0] : i32 from vector<1xi32>
      %shift_right_arithmetic3A_2291 = arith.constant 3 : i32
      %shift_right_arithmetic3A_2292 = arith.shrsi %squeeze3A_2290, %shift_right_arithmetic3A_2291 : i32
      %mul3A_2293 = arith.constant 8 : i32
      %mul3A_2294 = arith.muli %shift_right_arithmetic3A_2292, %mul3A_2293 : i32
      %multiple_of3A_2295 = tpu.assume_multiple %mul3A_2294, 8 : i32
      %dma_start3A_2296 = arith.constant 24 : i32
      %dma_start3A_2297 = arith.constant 0 : i32
      %dma_start3A_2298 = tpu.memref_slice %arg11[%dma_start3A_2296, %dma_start3A_2297] : memref<64x64xf32, #tpu.memory_space<vmem>> -> memref<8x64xf32, #tpu.memory_space<vmem>>
      %dma_start3A_2299 = arith.constant 0 : i32
      %dma_start3A_2300 = tpu.memref_slice %arg5[%multiple_of3A_2295, %dma_start3A_2299] : memref<1000000x64xf32, #tpu.memory_space<hbm>> -> memref<8x64xf32, #tpu.memory_space<hbm>>
      %dma_start3A_2301 = arith.constant 24 : i32
      %dma_start3A_2302 = arith.constant 0 : i32
      %dma_start3A_2303 = tpu.memref_slice %arg11[%dma_start3A_2301, %dma_start3A_2302] : memref<64x64xf32, #tpu.memory_space<vmem>> -> memref<8x64xf32, #tpu.memory_space<vmem>>
      %dma_start3A_2304 = arith.constant 0 : i32
      %dma_start3A_2305 = tpu.memref_slice %arg5[%multiple_of3A_2295, %dma_start3A_2304] : memref<1000000x64xf32, #tpu.memory_space<hbm>> -> memref<8x64xf32, #tpu.memory_space<hbm>>
      tpu.enqueue_dma source(%dma_start3A_2305 : memref<8x64xf32, #tpu.memory_space<hbm>>) target(%dma_start3A_2303 : memref<8x64xf32, #tpu.memory_space<vmem>>) target_semaphore(%arg18 : memref<!tpu.dma_semaphore, #tpu.memory_space<semaphore_mem>>)
      %slice3A_2306 = vector.extract_strided_slice %min3A_2126 {offsets = [3], sizes = [1], strides = [1]} : vector<16xi32> to vector<1xi32>
      %squeeze3A_2307 = vector.extract %slice3A_2306[0] : i32 from vector<1xi32>
      %shift_right_arithmetic3A_2308 = arith.constant 3 : i32
      %shift_right_arithmetic3A_2309 = arith.shrsi %squeeze3A_2307, %shift_right_arithmetic3A_2308 : i32
      %mul3A_2310 = arith.constant 8 : i32
      %mul3A_2311 = arith.muli %shift_right_arithmetic3A_2309, %mul3A_2310 : i32
      %multiple_of3A_2312 = tpu.assume_multiple %mul3A_2311, 8 : i32
      %dma_start3A_2313 = arith.constant 24 : i32
      %dma_start3A_2314 = arith.constant 0 : i32
      %dma_start3A_2315 = tpu.memref_slice %arg13[%dma_start3A_2313, %dma_start3A_2314] : memref<64x64xf32, #tpu.memory_space<vmem>> -> memref<8x64xf32, #tpu.memory_space<vmem>>
      %dma_start3A_2316 = arith.constant 0 : i32
      %dma_start3A_2317 = tpu.memref_slice %arg5[%multiple_of3A_2312, %dma_start3A_2316] : memref<1000000x64xf32, #tpu.memory_space<hbm>> -> memref<8x64xf32, #tpu.memory_space<hbm>>
      %dma_start3A_2318 = arith.constant 24 : i32
      %dma_start3A_2319 = arith.constant 0 : i32
      %dma_start3A_2320 = tpu.memref_slice %arg13[%dma_start3A_2318, %dma_start3A_2319] : memref<64x64xf32, #tpu.memory_space<vmem>> -> memref<8x64xf32, #tpu.memory_space<vmem>>
      %dma_start3A_2321 = arith.constant 0 : i32
      %dma_start3A_2322 = tpu.memref_slice %arg5[%multiple_of3A_2312, %dma_start3A_2321] : memref<1000000x64xf32, #tpu.memory_space<hbm>> -> memref<8x64xf32, #tpu.memory_space<hbm>>
      tpu.enqueue_dma source(%dma_start3A_2322 : memref<8x64xf32, #tpu.memory_space<hbm>>) target(%dma_start3A_2320 : memref<8x64xf32, #tpu.memory_space<vmem>>) target_semaphore(%arg18 : memref<!tpu.dma_semaphore, #tpu.memory_space<semaphore_mem>>)
      %slice3A_2323 = vector.extract_strided_slice %min3A_2135 {offsets = [3], sizes = [1], strides = [1]} : vector<16xi32> to vector<1xi32>
      %squeeze3A_2324 = vector.extract %slice3A_2323[0] : i32 from vector<1xi32>
      %shift_right_arithmetic3A_2325 = arith.constant 3 : i32
      %shift_right_arithmetic3A_2326 = arith.shrsi %squeeze3A_2324, %shift_right_arithmetic3A_2325 : i32
      %mul3A_2327 = arith.constant 8 : i32
      %mul3A_2328 = arith.muli %shift_right_arithmetic3A_2326, %mul3A_2327 : i32
      %multiple_of3A_2329 = tpu.assume_multiple %mul3A_2328, 8 : i32
      %dma_start3A_2330 = arith.constant 24 : i32
      %dma_start3A_2331 = arith.constant 0 : i32
      %dma_start3A_2332 = tpu.memref_slice %arg15[%dma_start3A_2330, %dma_start3A_2331] : memref<64x128xf32, #tpu.memory_space<vmem>> -> memref<8x128xf32, #tpu.memory_space<vmem>>
      %dma_start3A_2333 = arith.constant 0 : i32
      %dma_start3A_2334 = tpu.memref_slice %arg6[%multiple_of3A_2329, %dma_start3A_2333] : memref<1000x128xf32, #tpu.memory_space<hbm>> -> memref<8x128xf32, #tpu.memory_space<hbm>>
      %dma_start3A_2335 = arith.constant 24 : i32
      %dma_start3A_2336 = arith.constant 0 : i32
      %dma_start3A_2337 = tpu.memref_slice %arg15[%dma_start3A_2335, %dma_start3A_2336] : memref<64x128xf32, #tpu.memory_space<vmem>> -> memref<8x128xf32, #tpu.memory_space<vmem>>
      %dma_start3A_2338 = arith.constant 0 : i32
      %dma_start3A_2339 = tpu.memref_slice %arg6[%multiple_of3A_2329, %dma_start3A_2338] : memref<1000x128xf32, #tpu.memory_space<hbm>> -> memref<8x128xf32, #tpu.memory_space<hbm>>
      tpu.enqueue_dma source(%dma_start3A_2339 : memref<8x128xf32, #tpu.memory_space<hbm>>) target(%dma_start3A_2337 : memref<8x128xf32, #tpu.memory_space<vmem>>) target_semaphore(%arg18 : memref<!tpu.dma_semaphore, #tpu.memory_space<semaphore_mem>>)
      %slice3A_2340 = vector.extract_strided_slice %min3A_2118 {offsets = [4], sizes = [1], strides = [1]} : vector<16xi32> to vector<1xi32>
      %squeeze3A_2341 = vector.extract %slice3A_2340[0] : i32 from vector<1xi32>
      %shift_right_arithmetic3A_2342 = arith.constant 3 : i32
      %shift_right_arithmetic3A_2343 = arith.shrsi %squeeze3A_2341, %shift_right_arithmetic3A_2342 : i32
      %mul3A_2344 = arith.constant 8 : i32
      %mul3A_2345 = arith.muli %shift_right_arithmetic3A_2343, %mul3A_2344 : i32
      %multiple_of3A_2346 = tpu.assume_multiple %mul3A_2345, 8 : i32
      %dma_start3A_2347 = arith.constant 32 : i32
      %dma_start3A_2348 = arith.constant 0 : i32
      %dma_start3A_2349 = tpu.memref_slice %arg11[%dma_start3A_2347, %dma_start3A_2348] : memref<64x64xf32, #tpu.memory_space<vmem>> -> memref<8x64xf32, #tpu.memory_space<vmem>>
      %dma_start3A_2350 = arith.constant 0 : i32
      %dma_start3A_2351 = tpu.memref_slice %arg5[%multiple_of3A_2346, %dma_start3A_2350] : memref<1000000x64xf32, #tpu.memory_space<hbm>> -> memref<8x64xf32, #tpu.memory_space<hbm>>
      %dma_start3A_2352 = arith.constant 32 : i32
      %dma_start3A_2353 = arith.constant 0 : i32
      %dma_start3A_2354 = tpu.memref_slice %arg11[%dma_start3A_2352, %dma_start3A_2353] : memref<64x64xf32, #tpu.memory_space<vmem>> -> memref<8x64xf32, #tpu.memory_space<vmem>>
      %dma_start3A_2355 = arith.constant 0 : i32
      %dma_start3A_2356 = tpu.memref_slice %arg5[%multiple_of3A_2346, %dma_start3A_2355] : memref<1000000x64xf32, #tpu.memory_space<hbm>> -> memref<8x64xf32, #tpu.memory_space<hbm>>
      tpu.enqueue_dma source(%dma_start3A_2356 : memref<8x64xf32, #tpu.memory_space<hbm>>) target(%dma_start3A_2354 : memref<8x64xf32, #tpu.memory_space<vmem>>) target_semaphore(%arg18 : memref<!tpu.dma_semaphore, #tpu.memory_space<semaphore_mem>>)
      %slice3A_2357 = vector.extract_strided_slice %min3A_2126 {offsets = [4], sizes = [1], strides = [1]} : vector<16xi32> to vector<1xi32>
      %squeeze3A_2358 = vector.extract %slice3A_2357[0] : i32 from vector<1xi32>
      %shift_right_arithmetic3A_2359 = arith.constant 3 : i32
      %shift_right_arithmetic3A_2360 = arith.shrsi %squeeze3A_2358, %shift_right_arithmetic3A_2359 : i32
      %mul3A_2361 = arith.constant 8 : i32
      %mul3A_2362 = arith.muli %shift_right_arithmetic3A_2360, %mul3A_2361 : i32
      %multiple_of3A_2363 = tpu.assume_multiple %mul3A_2362, 8 : i32
      %dma_start3A_2364 = arith.constant 32 : i32
      %dma_start3A_2365 = arith.constant 0 : i32
      %dma_start3A_2366 = tpu.memref_slice %arg13[%dma_start3A_2364, %dma_start3A_2365] : memref<64x64xf32, #tpu.memory_space<vmem>> -> memref<8x64xf32, #tpu.memory_space<vmem>>
      %dma_start3A_2367 = arith.constant 0 : i32
      %dma_start3A_2368 = tpu.memref_slice %arg5[%multiple_of3A_2363, %dma_start3A_2367] : memref<1000000x64xf32, #tpu.memory_space<hbm>> -> memref<8x64xf32, #tpu.memory_space<hbm>>
      %dma_start3A_2369 = arith.constant 32 : i32
      %dma_start3A_2370 = arith.constant 0 : i32
      %dma_start3A_2371 = tpu.memref_slice %arg13[%dma_start3A_2369, %dma_start3A_2370] : memref<64x64xf32, #tpu.memory_space<vmem>> -> memref<8x64xf32, #tpu.memory_space<vmem>>
      %dma_start3A_2372 = arith.constant 0 : i32
      %dma_start3A_2373 = tpu.memref_slice %arg5[%multiple_of3A_2363, %dma_start3A_2372] : memref<1000000x64xf32, #tpu.memory_space<hbm>> -> memref<8x64xf32, #tpu.memory_space<hbm>>
      tpu.enqueue_dma source(%dma_start3A_2373 : memref<8x64xf32, #tpu.memory_space<hbm>>) target(%dma_start3A_2371 : memref<8x64xf32, #tpu.memory_space<vmem>>) target_semaphore(%arg18 : memref<!tpu.dma_semaphore, #tpu.memory_space<semaphore_mem>>)
      %slice3A_2374 = vector.extract_strided_slice %min3A_2135 {offsets = [4], sizes = [1], strides = [1]} : vector<16xi32> to vector<1xi32>
      %squeeze3A_2375 = vector.extract %slice3A_2374[0] : i32 from vector<1xi32>
      %shift_right_arithmetic3A_2376 = arith.constant 3 : i32
      %shift_right_arithmetic3A_2377 = arith.shrsi %squeeze3A_2375, %shift_right_arithmetic3A_2376 : i32
      %mul3A_2378 = arith.constant 8 : i32
      %mul3A_2379 = arith.muli %shift_right_arithmetic3A_2377, %mul3A_2378 : i32
      %multiple_of3A_2380 = tpu.assume_multiple %mul3A_2379, 8 : i32
      %dma_start3A_2381 = arith.constant 32 : i32
      %dma_start3A_2382 = arith.constant 0 : i32
      %dma_start3A_2383 = tpu.memref_slice %arg15[%dma_start3A_2381, %dma_start3A_2382] : memref<64x128xf32, #tpu.memory_space<vmem>> -> memref<8x128xf32, #tpu.memory_space<vmem>>
      %dma_start3A_2384 = arith.constant 0 : i32
      %dma_start3A_2385 = tpu.memref_slice %arg6[%multiple_of3A_2380, %dma_start3A_2384] : memref<1000x128xf32, #tpu.memory_space<hbm>> -> memref<8x128xf32, #tpu.memory_space<hbm>>
      %dma_start3A_2386 = arith.constant 32 : i32
      %dma_start3A_2387 = arith.constant 0 : i32
      %dma_start3A_2388 = tpu.memref_slice %arg15[%dma_start3A_2386, %dma_start3A_2387] : memref<64x128xf32, #tpu.memory_space<vmem>> -> memref<8x128xf32, #tpu.memory_space<vmem>>
      %dma_start3A_2389 = arith.constant 0 : i32
      %dma_start3A_2390 = tpu.memref_slice %arg6[%multiple_of3A_2380, %dma_start3A_2389] : memref<1000x128xf32, #tpu.memory_space<hbm>> -> memref<8x128xf32, #tpu.memory_space<hbm>>
      tpu.enqueue_dma source(%dma_start3A_2390 : memref<8x128xf32, #tpu.memory_space<hbm>>) target(%dma_start3A_2388 : memref<8x128xf32, #tpu.memory_space<vmem>>) target_semaphore(%arg18 : memref<!tpu.dma_semaphore, #tpu.memory_space<semaphore_mem>>)
      %slice3A_2391 = vector.extract_strided_slice %min3A_2118 {offsets = [5], sizes = [1], strides = [1]} : vector<16xi32> to vector<1xi32>
      %squeeze3A_2392 = vector.extract %slice3A_2391[0] : i32 from vector<1xi32>
      %shift_right_arithmetic3A_2393 = arith.constant 3 : i32
      %shift_right_arithmetic3A_2394 = arith.shrsi %squeeze3A_2392, %shift_right_arithmetic3A_2393 : i32
      %mul3A_2395 = arith.constant 8 : i32
      %mul3A_2396 = arith.muli %shift_right_arithmetic3A_2394, %mul3A_2395 : i32
      %multiple_of3A_2397 = tpu.assume_multiple %mul3A_2396, 8 : i32
      %dma_start3A_2398 = arith.constant 40 : i32
      %dma_start3A_2399 = arith.constant 0 : i32
      %dma_start3A_2400 = tpu.memref_slice %arg11[%dma_start3A_2398, %dma_start3A_2399] : memref<64x64xf32, #tpu.memory_space<vmem>> -> memref<8x64xf32, #tpu.memory_space<vmem>>
      %dma_start3A_2401 = arith.constant 0 : i32
      %dma_start3A_2402 = tpu.memref_slice %arg5[%multiple_of3A_2397, %dma_start3A_2401] : memref<1000000x64xf32, #tpu.memory_space<hbm>> -> memref<8x64xf32, #tpu.memory_space<hbm>>
      %dma_start3A_2403 = arith.constant 40 : i32
      %dma_start3A_2404 = arith.constant 0 : i32
      %dma_start3A_2405 = tpu.memref_slice %arg11[%dma_start3A_2403, %dma_start3A_2404] : memref<64x64xf32, #tpu.memory_space<vmem>> -> memref<8x64xf32, #tpu.memory_space<vmem>>
      %dma_start3A_2406 = arith.constant 0 : i32
      %dma_start3A_2407 = tpu.memref_slice %arg5[%multiple_of3A_2397, %dma_start3A_2406] : memref<1000000x64xf32, #tpu.memory_space<hbm>> -> memref<8x64xf32, #tpu.memory_space<hbm>>
      tpu.enqueue_dma source(%dma_start3A_2407 : memref<8x64xf32, #tpu.memory_space<hbm>>) target(%dma_start3A_2405 : memref<8x64xf32, #tpu.memory_space<vmem>>) target_semaphore(%arg18 : memref<!tpu.dma_semaphore, #tpu.memory_space<semaphore_mem>>)
      %slice3A_2408 = vector.extract_strided_slice %min3A_2126 {offsets = [5], sizes = [1], strides = [1]} : vector<16xi32> to vector<1xi32>
      %squeeze3A_2409 = vector.extract %slice3A_2408[0] : i32 from vector<1xi32>
      %shift_right_arithmetic3A_2410 = arith.constant 3 : i32
      %shift_right_arithmetic3A_2411 = arith.shrsi %squeeze3A_2409, %shift_right_arithmetic3A_2410 : i32
      %mul3A_2412 = arith.constant 8 : i32
      %mul3A_2413 = arith.muli %shift_right_arithmetic3A_2411, %mul3A_2412 : i32
      %multiple_of3A_2414 = tpu.assume_multiple %mul3A_2413, 8 : i32
      %dma_start3A_2415 = arith.constant 40 : i32
      %dma_start3A_2416 = arith.constant 0 : i32
      %dma_start3A_2417 = tpu.memref_slice %arg13[%dma_start3A_2415, %dma_start3A_2416] : memref<64x64xf32, #tpu.memory_space<vmem>> -> memref<8x64xf32, #tpu.memory_space<vmem>>
      %dma_start3A_2418 = arith.constant 0 : i32
      %dma_start3A_2419 = tpu.memref_slice %arg5[%multiple_of3A_2414, %dma_start3A_2418] : memref<1000000x64xf32, #tpu.memory_space<hbm>> -> memref<8x64xf32, #tpu.memory_space<hbm>>
      %dma_start3A_2420 = arith.constant 40 : i32
      %dma_start3A_2421 = arith.constant 0 : i32
      %dma_start3A_2422 = tpu.memref_slice %arg13[%dma_start3A_2420, %dma_start3A_2421] : memref<64x64xf32, #tpu.memory_space<vmem>> -> memref<8x64xf32, #tpu.memory_space<vmem>>
      %dma_start3A_2423 = arith.constant 0 : i32
      %dma_start3A_2424 = tpu.memref_slice %arg5[%multiple_of3A_2414, %dma_start3A_2423] : memref<1000000x64xf32, #tpu.memory_space<hbm>> -> memref<8x64xf32, #tpu.memory_space<hbm>>
      tpu.enqueue_dma source(%dma_start3A_2424 : memref<8x64xf32, #tpu.memory_space<hbm>>) target(%dma_start3A_2422 : memref<8x64xf32, #tpu.memory_space<vmem>>) target_semaphore(%arg18 : memref<!tpu.dma_semaphore, #tpu.memory_space<semaphore_mem>>)
      %slice3A_2425 = vector.extract_strided_slice %min3A_2135 {offsets = [5], sizes = [1], strides = [1]} : vector<16xi32> to vector<1xi32>
      %squeeze3A_2426 = vector.extract %slice3A_2425[0] : i32 from vector<1xi32>
      %shift_right_arithmetic3A_2427 = arith.constant 3 : i32
      %shift_right_arithmetic3A_2428 = arith.shrsi %squeeze3A_2426, %shift_right_arithmetic3A_2427 : i32
      %mul3A_2429 = arith.constant 8 : i32
      %mul3A_2430 = arith.muli %shift_right_arithmetic3A_2428, %mul3A_2429 : i32
      %multiple_of3A_2431 = tpu.assume_multiple %mul3A_2430, 8 : i32
      %dma_start3A_2432 = arith.constant 40 : i32
      %dma_start3A_2433 = arith.constant 0 : i32
      %dma_start3A_2434 = tpu.memref_slice %arg15[%dma_start3A_2432, %dma_start3A_2433] : memref<64x128xf32, #tpu.memory_space<vmem>> -> memref<8x128xf32, #tpu.memory_space<vmem>>
      %dma_start3A_2435 = arith.constant 0 : i32
      %dma_start3A_2436 = tpu.memref_slice %arg6[%multiple_of3A_2431, %dma_start3A_2435] : memref<1000x128xf32, #tpu.memory_space<hbm>> -> memref<8x128xf32, #tpu.memory_space<hbm>>
      %dma_start3A_2437 = arith.constant 40 : i32
      %dma_start3A_2438 = arith.constant 0 : i32
      %dma_start3A_2439 = tpu.memref_slice %arg15[%dma_start3A_2437, %dma_start3A_2438] : memref<64x128xf32, #tpu.memory_space<vmem>> -> memref<8x128xf32, #tpu.memory_space<vmem>>
      %dma_start3A_2440 = arith.constant 0 : i32
      %dma_start3A_2441 = tpu.memref_slice %arg6[%multiple_of3A_2431, %dma_start3A_2440] : memref<1000x128xf32, #tpu.memory_space<hbm>> -> memref<8x128xf32, #tpu.memory_space<hbm>>
      tpu.enqueue_dma source(%dma_start3A_2441 : memref<8x128xf32, #tpu.memory_space<hbm>>) target(%dma_start3A_2439 : memref<8x128xf32, #tpu.memory_space<vmem>>) target_semaphore(%arg18 : memref<!tpu.dma_semaphore, #tpu.memory_space<semaphore_mem>>)
      %slice3A_2442 = vector.extract_strided_slice %min3A_2118 {offsets = [6], sizes = [1], strides = [1]} : vector<16xi32> to vector<1xi32>
      %squeeze3A_2443 = vector.extract %slice3A_2442[0] : i32 from vector<1xi32>
      %shift_right_arithmetic3A_2444 = arith.constant 3 : i32
      %shift_right_arithmetic3A_2445 = arith.shrsi %squeeze3A_2443, %shift_right_arithmetic3A_2444 : i32
      %mul3A_2446 = arith.constant 8 : i32
      %mul3A_2447 = arith.muli %shift_right_arithmetic3A_2445, %mul3A_2446 : i32
      %multiple_of3A_2448 = tpu.assume_multiple %mul3A_2447, 8 : i32
      %dma_start3A_2449 = arith.constant 48 : i32
      %dma_start3A_2450 = arith.constant 0 : i32
      %dma_start3A_2451 = tpu.memref_slice %arg11[%dma_start3A_2449, %dma_start3A_2450] : memref<64x64xf32, #tpu.memory_space<vmem>> -> memref<8x64xf32, #tpu.memory_space<vmem>>
      %dma_start3A_2452 = arith.constant 0 : i32
      %dma_start3A_2453 = tpu.memref_slice %arg5[%multiple_of3A_2448, %dma_start3A_2452] : memref<1000000x64xf32, #tpu.memory_space<hbm>> -> memref<8x64xf32, #tpu.memory_space<hbm>>
      %dma_start3A_2454 = arith.constant 48 : i32
      %dma_start3A_2455 = arith.constant 0 : i32
      %dma_start3A_2456 = tpu.memref_slice %arg11[%dma_start3A_2454, %dma_start3A_2455] : memref<64x64xf32, #tpu.memory_space<vmem>> -> memref<8x64xf32, #tpu.memory_space<vmem>>
      %dma_start3A_2457 = arith.constant 0 : i32
      %dma_start3A_2458 = tpu.memref_slice %arg5[%multiple_of3A_2448, %dma_start3A_2457] : memref<1000000x64xf32, #tpu.memory_space<hbm>> -> memref<8x64xf32, #tpu.memory_space<hbm>>
      tpu.enqueue_dma source(%dma_start3A_2458 : memref<8x64xf32, #tpu.memory_space<hbm>>) target(%dma_start3A_2456 : memref<8x64xf32, #tpu.memory_space<vmem>>) target_semaphore(%arg18 : memref<!tpu.dma_semaphore, #tpu.memory_space<semaphore_mem>>)
      %slice3A_2459 = vector.extract_strided_slice %min3A_2126 {offsets = [6], sizes = [1], strides = [1]} : vector<16xi32> to vector<1xi32>
      %squeeze3A_2460 = vector.extract %slice3A_2459[0] : i32 from vector<1xi32>
      %shift_right_arithmetic3A_2461 = arith.constant 3 : i32
      %shift_right_arithmetic3A_2462 = arith.shrsi %squeeze3A_2460, %shift_right_arithmetic3A_2461 : i32
      %mul3A_2463 = arith.constant 8 : i32
      %mul3A_2464 = arith.muli %shift_right_arithmetic3A_2462, %mul3A_2463 : i32
      %multiple_of3A_2465 = tpu.assume_multiple %mul3A_2464, 8 : i32
      %dma_start3A_2466 = arith.constant 48 : i32
      %dma_start3A_2467 = arith.constant 0 : i32
      %dma_start3A_2468 = tpu.memref_slice %arg13[%dma_start3A_2466, %dma_start3A_2467] : memref<64x64xf32, #tpu.memory_space<vmem>> -> memref<8x64xf32, #tpu.memory_space<vmem>>
      %dma_start3A_2469 = arith.constant 0 : i32
      %dma_start3A_2470 = tpu.memref_slice %arg5[%multiple_of3A_2465, %dma_start3A_2469] : memref<1000000x64xf32, #tpu.memory_space<hbm>> -> memref<8x64xf32, #tpu.memory_space<hbm>>
      %dma_start3A_2471 = arith.constant 48 : i32
      %dma_start3A_2472 = arith.constant 0 : i32
      %dma_start3A_2473 = tpu.memref_slice %arg13[%dma_start3A_2471, %dma_start3A_2472] : memref<64x64xf32, #tpu.memory_space<vmem>> -> memref<8x64xf32, #tpu.memory_space<vmem>>
      %dma_start3A_2474 = arith.constant 0 : i32
      %dma_start3A_2475 = tpu.memref_slice %arg5[%multiple_of3A_2465, %dma_start3A_2474] : memref<1000000x64xf32, #tpu.memory_space<hbm>> -> memref<8x64xf32, #tpu.memory_space<hbm>>
      tpu.enqueue_dma source(%dma_start3A_2475 : memref<8x64xf32, #tpu.memory_space<hbm>>) target(%dma_start3A_2473 : memref<8x64xf32, #tpu.memory_space<vmem>>) target_semaphore(%arg18 : memref<!tpu.dma_semaphore, #tpu.memory_space<semaphore_mem>>)
      %slice3A_2476 = vector.extract_strided_slice %min3A_2135 {offsets = [6], sizes = [1], strides = [1]} : vector<16xi32> to vector<1xi32>
      %squeeze3A_2477 = vector.extract %slice3A_2476[0] : i32 from vector<1xi32>
      %shift_right_arithmetic3A_2478 = arith.constant 3 : i32
      %shift_right_arithmetic3A_2479 = arith.shrsi %squeeze3A_2477, %shift_right_arithmetic3A_2478 : i32
      %mul3A_2480 = arith.constant 8 : i32
      %mul3A_2481 = arith.muli %shift_right_arithmetic3A_2479, %mul3A_2480 : i32
      %multiple_of3A_2482 = tpu.assume_multiple %mul3A_2481, 8 : i32
      %dma_start3A_2483 = arith.constant 48 : i32
      %dma_start3A_2484 = arith.constant 0 : i32
      %dma_start3A_2485 = tpu.memref_slice %arg15[%dma_start3A_2483, %dma_start3A_2484] : memref<64x128xf32, #tpu.memory_space<vmem>> -> memref<8x128xf32, #tpu.memory_space<vmem>>
      %dma_start3A_2486 = arith.constant 0 : i32
      %dma_start3A_2487 = tpu.memref_slice %arg6[%multiple_of3A_2482, %dma_start3A_2486] : memref<1000x128xf32, #tpu.memory_space<hbm>> -> memref<8x128xf32, #tpu.memory_space<hbm>>
      %dma_start3A_2488 = arith.constant 48 : i32
      %dma_start3A_2489 = arith.constant 0 : i32
      %dma_start3A_2490 = tpu.memref_slice %arg15[%dma_start3A_2488, %dma_start3A_2489] : memref<64x128xf32, #tpu.memory_space<vmem>> -> memref<8x128xf32, #tpu.memory_space<vmem>>
      %dma_start3A_2491 = arith.constant 0 : i32
      %dma_start3A_2492 = tpu.memref_slice %arg6[%multiple_of3A_2482, %dma_start3A_2491] : memref<1000x128xf32, #tpu.memory_space<hbm>> -> memref<8x128xf32, #tpu.memory_space<hbm>>
      tpu.enqueue_dma source(%dma_start3A_2492 : memref<8x128xf32, #tpu.memory_space<hbm>>) target(%dma_start3A_2490 : memref<8x128xf32, #tpu.memory_space<vmem>>) target_semaphore(%arg18 : memref<!tpu.dma_semaphore, #tpu.memory_space<semaphore_mem>>)
      %slice3A_2493 = vector.extract_strided_slice %min3A_2118 {offsets = [7], sizes = [1], strides = [1]} : vector<16xi32> to vector<1xi32>
      %squeeze3A_2494 = vector.extract %slice3A_2493[0] : i32 from vector<1xi32>
      %shift_right_arithmetic3A_2495 = arith.constant 3 : i32
      %shift_right_arithmetic3A_2496 = arith.shrsi %squeeze3A_2494, %shift_right_arithmetic3A_2495 : i32
      %mul3A_2497 = arith.constant 8 : i32
      %mul3A_2498 = arith.muli %shift_right_arithmetic3A_2496, %mul3A_2497 : i32
      %multiple_of3A_2499 = tpu.assume_multiple %mul3A_2498, 8 : i32
      %dma_start3A_2500 = arith.constant 56 : i32
      %dma_start3A_2501 = arith.constant 0 : i32
      %dma_start3A_2502 = tpu.memref_slice %arg11[%dma_start3A_2500, %dma_start3A_2501] : memref<64x64xf32, #tpu.memory_space<vmem>> -> memref<8x64xf32, #tpu.memory_space<vmem>>
      %dma_start3A_2503 = arith.constant 0 : i32
      %dma_start3A_2504 = tpu.memref_slice %arg5[%multiple_of3A_2499, %dma_start3A_2503] : memref<1000000x64xf32, #tpu.memory_space<hbm>> -> memref<8x64xf32, #tpu.memory_space<hbm>>
      %dma_start3A_2505 = arith.constant 56 : i32
      %dma_start3A_2506 = arith.constant 0 : i32
      %dma_start3A_2507 = tpu.memref_slice %arg11[%dma_start3A_2505, %dma_start3A_2506] : memref<64x64xf32, #tpu.memory_space<vmem>> -> memref<8x64xf32, #tpu.memory_space<vmem>>
      %dma_start3A_2508 = arith.constant 0 : i32
      %dma_start3A_2509 = tpu.memref_slice %arg5[%multiple_of3A_2499, %dma_start3A_2508] : memref<1000000x64xf32, #tpu.memory_space<hbm>> -> memref<8x64xf32, #tpu.memory_space<hbm>>
      tpu.enqueue_dma source(%dma_start3A_2509 : memref<8x64xf32, #tpu.memory_space<hbm>>) target(%dma_start3A_2507 : memref<8x64xf32, #tpu.memory_space<vmem>>) target_semaphore(%arg18 : memref<!tpu.dma_semaphore, #tpu.memory_space<semaphore_mem>>)
      %slice3A_2510 = vector.extract_strided_slice %min3A_2126 {offsets = [7], sizes = [1], strides = [1]} : vector<16xi32> to vector<1xi32>
      %squeeze3A_2511 = vector.extract %slice3A_2510[0] : i32 from vector<1xi32>
      %shift_right_arithmetic3A_2512 = arith.constant 3 : i32
      %shift_right_arithmetic3A_2513 = arith.shrsi %squeeze3A_2511, %shift_right_arithmetic3A_2512 : i32
      %mul3A_2514 = arith.constant 8 : i32
      %mul3A_2515 = arith.muli %shift_right_arithmetic3A_2513, %mul3A_2514 : i32
      %multiple_of3A_2516 = tpu.assume_multiple %mul3A_2515, 8 : i32
      %dma_start3A_2517 = arith.constant 56 : i32
      %dma_start3A_2518 = arith.constant 0 : i32
      %dma_start3A_2519 = tpu.memref_slice %arg13[%dma_start3A_2517, %dma_start3A_2518] : memref<64x64xf32, #tpu.memory_space<vmem>> -> memref<8x64xf32, #tpu.memory_space<vmem>>
      %dma_start3A_2520 = arith.constant 0 : i32
      %dma_start3A_2521 = tpu.memref_slice %arg5[%multiple_of3A_2516, %dma_start3A_2520] : memref<1000000x64xf32, #tpu.memory_space<hbm>> -> memref<8x64xf32, #tpu.memory_space<hbm>>
      %dma_start3A_2522 = arith.constant 56 : i32
      %dma_start3A_2523 = arith.constant 0 : i32
      %dma_start3A_2524 = tpu.memref_slice %arg13[%dma_start3A_2522, %dma_start3A_2523] : memref<64x64xf32, #tpu.memory_space<vmem>> -> memref<8x64xf32, #tpu.memory_space<vmem>>
      %dma_start3A_2525 = arith.constant 0 : i32
      %dma_start3A_2526 = tpu.memref_slice %arg5[%multiple_of3A_2516, %dma_start3A_2525] : memref<1000000x64xf32, #tpu.memory_space<hbm>> -> memref<8x64xf32, #tpu.memory_space<hbm>>
      tpu.enqueue_dma source(%dma_start3A_2526 : memref<8x64xf32, #tpu.memory_space<hbm>>) target(%dma_start3A_2524 : memref<8x64xf32, #tpu.memory_space<vmem>>) target_semaphore(%arg18 : memref<!tpu.dma_semaphore, #tpu.memory_space<semaphore_mem>>)
      %slice3A_2527 = vector.extract_strided_slice %min3A_2135 {offsets = [7], sizes = [1], strides = [1]} : vector<16xi32> to vector<1xi32>
      %squeeze3A_2528 = vector.extract %slice3A_2527[0] : i32 from vector<1xi32>
      %shift_right_arithmetic3A_2529 = arith.constant 3 : i32
      %shift_right_arithmetic3A_2530 = arith.shrsi %squeeze3A_2528, %shift_right_arithmetic3A_2529 : i32
      %mul3A_2531 = arith.constant 8 : i32
      %mul3A_2532 = arith.muli %shift_right_arithmetic3A_2530, %mul3A_2531 : i32
      %multiple_of3A_2533 = tpu.assume_multiple %mul3A_2532, 8 : i32
      %dma_start3A_2534 = arith.constant 56 : i32
      %dma_start3A_2535 = arith.constant 0 : i32
      %dma_start3A_2536 = tpu.memref_slice %arg15[%dma_start3A_2534, %dma_start3A_2535] : memref<64x128xf32, #tpu.memory_space<vmem>> -> memref<8x128xf32, #tpu.memory_space<vmem>>
      %dma_start3A_2537 = arith.constant 0 : i32
      %dma_start3A_2538 = tpu.memref_slice %arg6[%multiple_of3A_2533, %dma_start3A_2537] : memref<1000x128xf32, #tpu.memory_space<hbm>> -> memref<8x128xf32, #tpu.memory_space<hbm>>
      %dma_start3A_2539 = arith.constant 56 : i32
      %dma_start3A_2540 = arith.constant 0 : i32
      %dma_start3A_2541 = tpu.memref_slice %arg15[%dma_start3A_2539, %dma_start3A_2540] : memref<64x128xf32, #tpu.memory_space<vmem>> -> memref<8x128xf32, #tpu.memory_space<vmem>>
      %dma_start3A_2542 = arith.constant 0 : i32
      %dma_start3A_2543 = tpu.memref_slice %arg6[%multiple_of3A_2533, %dma_start3A_2542] : memref<1000x128xf32, #tpu.memory_space<hbm>> -> memref<8x128xf32, #tpu.memory_space<hbm>>
      tpu.enqueue_dma source(%dma_start3A_2543 : memref<8x128xf32, #tpu.memory_space<hbm>>) target(%dma_start3A_2541 : memref<8x128xf32, #tpu.memory_space<vmem>>) target_semaphore(%arg18 : memref<!tpu.dma_semaphore, #tpu.memory_space<semaphore_mem>>)
      %dma_wait3A_2544 = arith.constant 0 : i32
      %dma_wait3A_2545 = arith.constant 0 : i32
      %dma_wait3A_2546 = tpu.memref_slice %arg5[%dma_wait3A_2544, %dma_wait3A_2545] : memref<1000000x64xf32, #tpu.memory_space<hbm>> -> memref<64x64xf32, #tpu.memory_space<hbm>>
      %dma_wait3A_2547 = arith.constant 0 : i32
      %dma_wait3A_2548 = arith.constant 0 : i32
      %dma_wait3A_2549 = tpu.memref_slice %arg5[%dma_wait3A_2547, %dma_wait3A_2548] : memref<1000000x64xf32, #tpu.memory_space<hbm>> -> memref<64x64xf32, #tpu.memory_space<hbm>>
      tpu.wait_dma2 semaphore(%arg19 : memref<!tpu.dma_semaphore, #tpu.memory_space<semaphore_mem>>) src(%dma_wait3A_2549 : memref<64x64xf32, #tpu.memory_space<hbm>>) dst(%arg12 : memref<64x64xf32, #tpu.memory_space<vmem>>)
      %dma_wait3A_2550 = arith.constant 0 : i32
      %dma_wait3A_2551 = arith.constant 0 : i32
      %dma_wait3A_2552 = tpu.memref_slice %arg5[%dma_wait3A_2550, %dma_wait3A_2551] : memref<1000000x64xf32, #tpu.memory_space<hbm>> -> memref<64x64xf32, #tpu.memory_space<hbm>>
      %dma_wait3A_2553 = arith.constant 0 : i32
      %dma_wait3A_2554 = arith.constant 0 : i32
      %dma_wait3A_2555 = tpu.memref_slice %arg5[%dma_wait3A_2553, %dma_wait3A_2554] : memref<1000000x64xf32, #tpu.memory_space<hbm>> -> memref<64x64xf32, #tpu.memory_space<hbm>>
      tpu.wait_dma2 semaphore(%arg19 : memref<!tpu.dma_semaphore, #tpu.memory_space<semaphore_mem>>) src(%dma_wait3A_2555 : memref<64x64xf32, #tpu.memory_space<hbm>>) dst(%arg14 : memref<64x64xf32, #tpu.memory_space<vmem>>)
      %dma_wait3A_2556 = arith.constant 0 : i32
      %dma_wait3A_2557 = arith.constant 0 : i32
      %dma_wait3A_2558 = tpu.memref_slice %arg6[%dma_wait3A_2556, %dma_wait3A_2557] : memref<1000x128xf32, #tpu.memory_space<hbm>> -> memref<64x128xf32, #tpu.memory_space<hbm>>
      %dma_wait3A_2559 = arith.constant 0 : i32
      %dma_wait3A_2560 = arith.constant 0 : i32
      %dma_wait3A_2561 = tpu.memref_slice %arg6[%dma_wait3A_2559, %dma_wait3A_2560] : memref<1000x128xf32, #tpu.memory_space<hbm>> -> memref<64x128xf32, #tpu.memory_space<hbm>>
      tpu.wait_dma2 semaphore(%arg19 : memref<!tpu.dma_semaphore, #tpu.memory_space<semaphore_mem>>) src(%dma_wait3A_2561 : memref<64x128xf32, #tpu.memory_space<hbm>>) dst(%arg16 : memref<64x128xf32, #tpu.memory_space<vmem>>)
      %slice3A_2562 = vector.extract_strided_slice %get3A_520 {offsets = [8], sizes = [1], strides = [1]} : vector<16xi32> to vector<1xi32>
      %squeeze3A_2563 = vector.extract %slice3A_2562[0] : i32 from vector<1xi32>
      %and3A_2564 = arith.constant 7 : i32
      %and3A_2565 = arith.andi %squeeze3A_2563, %and3A_2564 : i32
      %add3A_2566 = arith.constant 0 : i32
      %add3A_2567 = arith.addi %add3A_2566, %and3A_2565 : i32
      %slice3A_2568 = vector.extract_strided_slice %get3A_522 {offsets = [8], sizes = [1], strides = [1]} : vector<16xi32> to vector<1xi32>
      %squeeze3A_2569 = vector.extract %slice3A_2568[0] : i32 from vector<1xi32>
      %and3A_2570 = arith.constant 7 : i32
      %and3A_2571 = arith.andi %squeeze3A_2569, %and3A_2570 : i32
      %add3A_2572 = arith.constant 0 : i32
      %add3A_2573 = arith.addi %add3A_2572, %and3A_2571 : i32
      %slice3A_2574 = vector.extract_strided_slice %get3A_524 {offsets = [8], sizes = [1], strides = [1]} : vector<16xi32> to vector<1xi32>
      %squeeze3A_2575 = vector.extract %slice3A_2574[0] : i32 from vector<1xi32>
      %and3A_2576 = arith.constant 7 : i32
      %and3A_2577 = arith.andi %squeeze3A_2575, %and3A_2576 : i32
      %add3A_2578 = arith.constant 0 : i32
      %add3A_2579 = arith.addi %add3A_2578, %and3A_2577 : i32
      %broadcast_in_dim3A_2580 = arith.constant 0.000000e+00 : f32
      %broadcast_in_dim3A_2581 = vector.broadcast %broadcast_in_dim3A_2580 : f32 to vector<16xf32>
      %broadcast_in_dim3A_2582 = arith.constant 0.000000e+00 : f32
      %broadcast_in_dim3A_2583 = vector.broadcast %broadcast_in_dim3A_2582 : f32 to vector<16xf32>
      %broadcast_in_dim3A_2584 = arith.constant 0.000000e+00 : f32
      %broadcast_in_dim3A_2585 = vector.broadcast %broadcast_in_dim3A_2584 : f32 to vector<16xf32>
      %broadcast_in_dim3A_2586 = arith.constant 0.000000e+00 : f32
      %broadcast_in_dim3A_2587 = vector.broadcast %broadcast_in_dim3A_2586 : f32 to vector<16xf32>
      %get3A_2588 = arith.index_cast %add3A_2567 : i32 to index
      %get3A_2589 = arith.constant 0 : index
      %get3A_2590 = tpu.vector_load %arg12[%get3A_2588, %get3A_2589] {strides = array<i32>} : memref<64x64xf32, #tpu.memory_space<vmem>>, vector<16xf32>,
      %get3A_2591 = arith.index_cast %add3A_2573 : i32 to index
      %get3A_2592 = arith.constant 0 : index
      %get3A_2593 = tpu.vector_load %arg14[%get3A_2591, %get3A_2592] {strides = array<i32>} : memref<64x64xf32, #tpu.memory_space<vmem>>, vector<16xf32>,
      %get3A_2594 = arith.index_cast %add3A_2579 : i32 to index
      %get3A_2595 = arith.constant 0 : index
      %get3A_2596 = tpu.vector_load %arg16[%get3A_2594, %get3A_2595] {strides = array<i32>} : memref<64x128xf32, #tpu.memory_space<vmem>>, vector<16xf32>,
      %get3A_2597 = arith.index_cast %add3A_2579 : i32 to index
      %get3A_2598 = arith.constant 64 : index
      %get3A_2599 = tpu.vector_load %arg16[%get3A_2597, %get3A_2598] {strides = array<i32>} : memref<64x128xf32, #tpu.memory_space<vmem>>, vector<16xf32>,
      %sub3A_2600 = arith.subf %get3A_2590, %get3A_2593 : vector<16xf32>
      %add3A_2601 = arith.addf %sub3A_2600, %get3A_2596 : vector<16xf32>
      %mul3A_2602 = arith.mulf %add3A_2601, %add3A_2601 : vector<16xf32>
      %add3A_2603 = arith.addf %broadcast_in_dim3A_2581, %mul3A_2602 : vector<16xf32>
      %mul3A_2604 = arith.mulf %add3A_2601, %get3A_2599 : vector<16xf32>
      %add3A_2605 = arith.addf %broadcast_in_dim3A_2583, %mul3A_2604 : vector<16xf32>
      %mul3A_2606 = arith.mulf %get3A_2599, %get3A_2596 : vector<16xf32>
      %add3A_2607 = arith.addf %broadcast_in_dim3A_2585, %mul3A_2606 : vector<16xf32>
      %mul3A_2608 = arith.mulf %get3A_2599, %get3A_2599 : vector<16xf32>
      %add3A_2609 = arith.addf %broadcast_in_dim3A_2587, %mul3A_2608 : vector<16xf32>
      %get3A_2610 = arith.index_cast %add3A_2567 : i32 to index
      %get3A_2611 = arith.constant 16 : index
      %get3A_2612 = tpu.vector_load %arg12[%get3A_2610, %get3A_2611] {strides = array<i32>} : memref<64x64xf32, #tpu.memory_space<vmem>>, vector<16xf32>,
      %get3A_2613 = arith.index_cast %add3A_2573 : i32 to index
      %get3A_2614 = arith.constant 16 : index
      %get3A_2615 = tpu.vector_load %arg14[%get3A_2613, %get3A_2614] {strides = array<i32>} : memref<64x64xf32, #tpu.memory_space<vmem>>, vector<16xf32>,
      %get3A_2616 = arith.index_cast %add3A_2579 : i32 to index
      %get3A_2617 = arith.constant 16 : index
      %get3A_2618 = tpu.vector_load %arg16[%get3A_2616, %get3A_2617] {strides = array<i32>} : memref<64x128xf32, #tpu.memory_space<vmem>>, vector<16xf32>,
      %get3A_2619 = arith.index_cast %add3A_2579 : i32 to index
      %get3A_2620 = arith.constant 80 : index
      %get3A_2621 = tpu.vector_load %arg16[%get3A_2619, %get3A_2620] {strides = array<i32>} : memref<64x128xf32, #tpu.memory_space<vmem>>, vector<16xf32>,
      %sub3A_2622 = arith.subf %get3A_2612, %get3A_2615 : vector<16xf32>
      %add3A_2623 = arith.addf %sub3A_2622, %get3A_2618 : vector<16xf32>
      %mul3A_2624 = arith.mulf %add3A_2623, %add3A_2623 : vector<16xf32>
      %add3A_2625 = arith.addf %add3A_2603, %mul3A_2624 : vector<16xf32>
      %mul3A_2626 = arith.mulf %add3A_2623, %get3A_2621 : vector<16xf32>
      %add3A_2627 = arith.addf %add3A_2605, %mul3A_2626 : vector<16xf32>
      %mul3A_2628 = arith.mulf %get3A_2621, %get3A_2618 : vector<16xf32>
      %add3A_2629 = arith.addf %add3A_2607, %mul3A_2628 : vector<16xf32>
      %mul3A_2630 = arith.mulf %get3A_2621, %get3A_2621 : vector<16xf32>
      %add3A_2631 = arith.addf %add3A_2609, %mul3A_2630 : vector<16xf32>
      %get3A_2632 = arith.index_cast %add3A_2567 : i32 to index
      %get3A_2633 = arith.constant 32 : index
      %get3A_2634 = tpu.vector_load %arg12[%get3A_2632, %get3A_2633] {strides = array<i32>} : memref<64x64xf32, #tpu.memory_space<vmem>>, vector<16xf32>,
      %get3A_2635 = arith.index_cast %add3A_2573 : i32 to index
      %get3A_2636 = arith.constant 32 : index
      %get3A_2637 = tpu.vector_load %arg14[%get3A_2635, %get3A_2636] {strides = array<i32>} : memref<64x64xf32, #tpu.memory_space<vmem>>, vector<16xf32>,
      %get3A_2638 = arith.index_cast %add3A_2579 : i32 to index
      %get3A_2639 = arith.constant 32 : index
      %get3A_2640 = tpu.vector_load %arg16[%get3A_2638, %get3A_2639] {strides = array<i32>} : memref<64x128xf32, #tpu.memory_space<vmem>>, vector<16xf32>,
      %get3A_2641 = arith.index_cast %add3A_2579 : i32 to index
      %get3A_2642 = arith.constant 96 : index
      %get3A_2643 = tpu.vector_load %arg16[%get3A_2641, %get3A_2642] {strides = array<i32>} : memref<64x128xf32, #tpu.memory_space<vmem>>, vector<16xf32>,
      %sub3A_2644 = arith.subf %get3A_2634, %get3A_2637 : vector<16xf32>
      %add3A_2645 = arith.addf %sub3A_2644, %get3A_2640 : vector<16xf32>
      %mul3A_2646 = arith.mulf %add3A_2645, %add3A_2645 : vector<16xf32>
      %add3A_2647 = arith.addf %add3A_2625, %mul3A_2646 : vector<16xf32>
      %mul3A_2648 = arith.mulf %add3A_2645, %get3A_2643 : vector<16xf32>
      %add3A_2649 = arith.addf %add3A_2627, %mul3A_2648 : vector<16xf32>
      %mul3A_2650 = arith.mulf %get3A_2643, %get3A_2640 : vector<16xf32>
      %add3A_2651 = arith.addf %add3A_2629, %mul3A_2650 : vector<16xf32>
      %mul3A_2652 = arith.mulf %get3A_2643, %get3A_2643 : vector<16xf32>
      %add3A_2653 = arith.addf %add3A_2631, %mul3A_2652 : vector<16xf32>
      %get3A_2654 = arith.index_cast %add3A_2567 : i32 to index
      %get3A_2655 = arith.constant 48 : index
      %get3A_2656 = tpu.vector_load %arg12[%get3A_2654, %get3A_2655] {strides = array<i32>} : memref<64x64xf32, #tpu.memory_space<vmem>>, vector<16xf32>,
      %get3A_2657 = arith.index_cast %add3A_2573 : i32 to index
      %get3A_2658 = arith.constant 48 : index
      %get3A_2659 = tpu.vector_load %arg14[%get3A_2657, %get3A_2658] {strides = array<i32>} : memref<64x64xf32, #tpu.memory_space<vmem>>, vector<16xf32>,
      %get3A_2660 = arith.index_cast %add3A_2579 : i32 to index
      %get3A_2661 = arith.constant 48 : index
      %get3A_2662 = tpu.vector_load %arg16[%get3A_2660, %get3A_2661] {strides = array<i32>} : memref<64x128xf32, #tpu.memory_space<vmem>>, vector<16xf32>,
      %get3A_2663 = arith.index_cast %add3A_2579 : i32 to index
      %get3A_2664 = arith.constant 112 : index
      %get3A_2665 = tpu.vector_load %arg16[%get3A_2663, %get3A_2664] {strides = array<i32>} : memref<64x128xf32, #tpu.memory_space<vmem>>, vector<16xf32>,
      %sub3A_2666 = arith.subf %get3A_2656, %get3A_2659 : vector<16xf32>
      %add3A_2667 = arith.addf %sub3A_2666, %get3A_2662 : vector<16xf32>
      %mul3A_2668 = arith.mulf %add3A_2667, %add3A_2667 : vector<16xf32>
      %add3A_2669 = arith.addf %add3A_2647, %mul3A_2668 : vector<16xf32>
      %mul3A_2670 = arith.mulf %add3A_2667, %get3A_2665 : vector<16xf32>
      %add3A_2671 = arith.addf %add3A_2649, %mul3A_2670 : vector<16xf32>
      %mul3A_2672 = arith.mulf %get3A_2665, %get3A_2662 : vector<16xf32>
      %add3A_2673 = arith.addf %add3A_2651, %mul3A_2672 : vector<16xf32>
      %mul3A_2674 = arith.mulf %get3A_2665, %get3A_2665 : vector<16xf32>
      %add3A_2675 = arith.addf %add3A_2653, %mul3A_2674 : vector<16xf32>
      %reduce_sum3A_2676 = arith.constant true
      %reduce_sum3A_2677 = vector.broadcast %reduce_sum3A_2676 : i1 to vector<16xi1>
      %reduce_sum3A_2678 = tpu.scan <sum>, %add3A_2669 masked %reduce_sum3A_2677 : vector<16xf32>, vector<16xi1> -> vector<16xf32>
      %reduce_sum3A_2679 = vector.extract %reduce_sum3A_2678[15] : f32 from vector<16xf32>
      %reduce_sum3A_2680 = arith.constant true
      %reduce_sum3A_2681 = vector.broadcast %reduce_sum3A_2680 : i1 to vector<16xi1>
      %reduce_sum3A_2682 = tpu.scan <sum>, %add3A_2671 masked %reduce_sum3A_2681 : vector<16xf32>, vector<16xi1> -> vector<16xf32>
      %reduce_sum3A_2683 = vector.extract %reduce_sum3A_2682[15] : f32 from vector<16xf32>
      %reduce_sum3A_2684 = arith.constant true
      %reduce_sum3A_2685 = vector.broadcast %reduce_sum3A_2684 : i1 to vector<16xi1>
      %reduce_sum3A_2686 = tpu.scan <sum>, %add3A_2673 masked %reduce_sum3A_2685 : vector<16xf32>, vector<16xi1> -> vector<16xf32>
      %reduce_sum3A_2687 = vector.extract %reduce_sum3A_2686[15] : f32 from vector<16xf32>
      %reduce_sum3A_2688 = arith.constant true
      %reduce_sum3A_2689 = vector.broadcast %reduce_sum3A_2688 : i1 to vector<16xi1>
      %reduce_sum3A_2690 = tpu.scan <sum>, %add3A_2675 masked %reduce_sum3A_2689 : vector<16xf32>, vector<16xi1> -> vector<16xf32>
      %reduce_sum3A_2691 = vector.extract %reduce_sum3A_2690[15] : f32 from vector<16xf32>
      %sub3A_2692 = arith.subf %reduce_sum3A_2683, %reduce_sum3A_2687 : f32
      %mul3A_2693 = arith.mulf %scan3A_478, %sub3A_2692 : f32
      %mul3A_2694 = arith.mulf %mul3A_2693, %reduce_sum3A_2683 : f32
      %sub3A_2695 = arith.subf %reduce_sum3A_2679, %mul3A_2694 : f32
      %mul3A_2696 = arith.mulf %sub3A_2692, %sub3A_2692 : f32
      %mul3A_2697 = arith.mulf %mul3A_2696, %reduce_sum3A_2691 : f32
      %add3A_2698 = arith.addf %sub3A_2695, %mul3A_2697 : f32
      %eq3A_2699 = arith.constant 8 : i32
      %eq3A_2700 = vector.broadcast %eq3A_2699 : i32 to vector<16xi32>
      %eq3A_2701 = arith.cmpi eq, %iota3A, %eq3A_2700 : vector<16xi32>
      %broadcast_in_dim3A_2702 = vector.broadcast %add3A_2698 : f32 to vector<16xf32>
      %select_n3A_2703 = arith.select %eq3A_2701, %broadcast_in_dim3A_2702, %select_n3A_2108 : vector<16xi1>, vector<16xf32>
      %slice3A_2704 = vector.extract_strided_slice %get3A_520 {offsets = [9], sizes = [1], strides = [1]} : vector<16xi32> to vector<1xi32>
      %squeeze3A_2705 = vector.extract %slice3A_2704[0] : i32 from vector<1xi32>
      %and3A_2706 = arith.constant 7 : i32
      %and3A_2707 = arith.andi %squeeze3A_2705, %and3A_2706 : i32
      %add3A_2708 = arith.constant 8 : i32
      %add3A_2709 = arith.addi %add3A_2708, %and3A_2707 : i32
      %slice3A_2710 = vector.extract_strided_slice %get3A_522 {offsets = [9], sizes = [1], strides = [1]} : vector<16xi32> to vector<1xi32>
      %squeeze3A_2711 = vector.extract %slice3A_2710[0] : i32 from vector<1xi32>
      %and3A_2712 = arith.constant 7 : i32
      %and3A_2713 = arith.andi %squeeze3A_2711, %and3A_2712 : i32
      %add3A_2714 = arith.constant 8 : i32
      %add3A_2715 = arith.addi %add3A_2714, %and3A_2713 : i32
      %slice3A_2716 = vector.extract_strided_slice %get3A_524 {offsets = [9], sizes = [1], strides = [1]} : vector<16xi32> to vector<1xi32>
      %squeeze3A_2717 = vector.extract %slice3A_2716[0] : i32 from vector<1xi32>
      %and3A_2718 = arith.constant 7 : i32
      %and3A_2719 = arith.andi %squeeze3A_2717, %and3A_2718 : i32
      %add3A_2720 = arith.constant 8 : i32
      %add3A_2721 = arith.addi %add3A_2720, %and3A_2719 : i32
      %broadcast_in_dim3A_2722 = arith.constant 0.000000e+00 : f32
      %broadcast_in_dim3A_2723 = vector.broadcast %broadcast_in_dim3A_2722 : f32 to vector<16xf32>
      %broadcast_in_dim3A_2724 = arith.constant 0.000000e+00 : f32
      %broadcast_in_dim3A_2725 = vector.broadcast %broadcast_in_dim3A_2724 : f32 to vector<16xf32>
      %broadcast_in_dim3A_2726 = arith.constant 0.000000e+00 : f32
      %broadcast_in_dim3A_2727 = vector.broadcast %broadcast_in_dim3A_2726 : f32 to vector<16xf32>
      %broadcast_in_dim3A_2728 = arith.constant 0.000000e+00 : f32
      %broadcast_in_dim3A_2729 = vector.broadcast %broadcast_in_dim3A_2728 : f32 to vector<16xf32>
      %get3A_2730 = arith.index_cast %add3A_2709 : i32 to index
      %get3A_2731 = arith.constant 0 : index
      %get3A_2732 = tpu.vector_load %arg12[%get3A_2730, %get3A_2731] {strides = array<i32>} : memref<64x64xf32, #tpu.memory_space<vmem>>, vector<16xf32>,
      %get3A_2733 = arith.index_cast %add3A_2715 : i32 to index
      %get3A_2734 = arith.constant 0 : index
      %get3A_2735 = tpu.vector_load %arg14[%get3A_2733, %get3A_2734] {strides = array<i32>} : memref<64x64xf32, #tpu.memory_space<vmem>>, vector<16xf32>,
      %get3A_2736 = arith.index_cast %add3A_2721 : i32 to index
      %get3A_2737 = arith.constant 0 : index
      %get3A_2738 = tpu.vector_load %arg16[%get3A_2736, %get3A_2737] {strides = array<i32>} : memref<64x128xf32, #tpu.memory_space<vmem>>, vector<16xf32>,
      %get3A_2739 = arith.index_cast %add3A_2721 : i32 to index
      %get3A_2740 = arith.constant 64 : index
      %get3A_2741 = tpu.vector_load %arg16[%get3A_2739, %get3A_2740] {strides = array<i32>} : memref<64x128xf32, #tpu.memory_space<vmem>>, vector<16xf32>,
      %sub3A_2742 = arith.subf %get3A_2732, %get3A_2735 : vector<16xf32>
      %add3A_2743 = arith.addf %sub3A_2742, %get3A_2738 : vector<16xf32>
      %mul3A_2744 = arith.mulf %add3A_2743, %add3A_2743 : vector<16xf32>
      %add3A_2745 = arith.addf %broadcast_in_dim3A_2723, %mul3A_2744 : vector<16xf32>
      %mul3A_2746 = arith.mulf %add3A_2743, %get3A_2741 : vector<16xf32>
      %add3A_2747 = arith.addf %broadcast_in_dim3A_2725, %mul3A_2746 : vector<16xf32>
      %mul3A_2748 = arith.mulf %get3A_2741, %get3A_2738 : vector<16xf32>
      %add3A_2749 = arith.addf %broadcast_in_dim3A_2727, %mul3A_2748 : vector<16xf32>
      %mul3A_2750 = arith.mulf %get3A_2741, %get3A_2741 : vector<16xf32>
      %add3A_2751 = arith.addf %broadcast_in_dim3A_2729, %mul3A_2750 : vector<16xf32>
      %get3A_2752 = arith.index_cast %add3A_2709 : i32 to index
      %get3A_2753 = arith.constant 16 : index
      %get3A_2754 = tpu.vector_load %arg12[%get3A_2752, %get3A_2753] {strides = array<i32>} : memref<64x64xf32, #tpu.memory_space<vmem>>, vector<16xf32>,
      %get3A_2755 = arith.index_cast %add3A_2715 : i32 to index
      %get3A_2756 = arith.constant 16 : index
      %get3A_2757 = tpu.vector_load %arg14[%get3A_2755, %get3A_2756] {strides = array<i32>} : memref<64x64xf32, #tpu.memory_space<vmem>>, vector<16xf32>,
      %get3A_2758 = arith.index_cast %add3A_2721 : i32 to index
      %get3A_2759 = arith.constant 16 : index
      %get3A_2760 = tpu.vector_load %arg16[%get3A_2758, %get3A_2759] {strides = array<i32>} : memref<64x128xf32, #tpu.memory_space<vmem>>, vector<16xf32>,
      %get3A_2761 = arith.index_cast %add3A_2721 : i32 to index
      %get3A_2762 = arith.constant 80 : index
      %get3A_2763 = tpu.vector_load %arg16[%get3A_2761, %get3A_2762] {strides = array<i32>} : memref<64x128xf32, #tpu.memory_space<vmem>>, vector<16xf32>,
      %sub3A_2764 = arith.subf %get3A_2754, %get3A_2757 : vector<16xf32>
      %add3A_2765 = arith.addf %sub3A_2764, %get3A_2760 : vector<16xf32>
      %mul3A_2766 = arith.mulf %add3A_2765, %add3A_2765 : vector<16xf32>
      %add3A_2767 = arith.addf %add3A_2745, %mul3A_2766 : vector<16xf32>
      %mul3A_2768 = arith.mulf %add3A_2765, %get3A_2763 : vector<16xf32>
      %add3A_2769 = arith.addf %add3A_2747, %mul3A_2768 : vector<16xf32>
      %mul3A_2770 = arith.mulf %get3A_2763, %get3A_2760 : vector<16xf32>
      %add3A_2771 = arith.addf %add3A_2749, %mul3A_2770 : vector<16xf32>
      %mul3A_2772 = arith.mulf %get3A_2763, %get3A_2763 : vector<16xf32>
      %add3A_2773 = arith.addf %add3A_2751, %mul3A_2772 : vector<16xf32>
      %get3A_2774 = arith.index_cast %add3A_2709 : i32 to index
      %get3A_2775 = arith.constant 32 : index
      %get3A_2776 = tpu.vector_load %arg12[%get3A_2774, %get3A_2775] {strides = array<i32>} : memref<64x64xf32, #tpu.memory_space<vmem>>, vector<16xf32>,
      %get3A_2777 = arith.index_cast %add3A_2715 : i32 to index
      %get3A_2778 = arith.constant 32 : index
      %get3A_2779 = tpu.vector_load %arg14[%get3A_2777, %get3A_2778] {strides = array<i32>} : memref<64x64xf32, #tpu.memory_space<vmem>>, vector<16xf32>,
      %get3A_2780 = arith.index_cast %add3A_2721 : i32 to index
      %get3A_2781 = arith.constant 32 : index
      %get3A_2782 = tpu.vector_load %arg16[%get3A_2780, %get3A_2781] {strides = array<i32>} : memref<64x128xf32, #tpu.memory_space<vmem>>, vector<16xf32>,
      %get3A_2783 = arith.index_cast %add3A_2721 : i32 to index
      %get3A_2784 = arith.constant 96 : index
      %get3A_2785 = tpu.vector_load %arg16[%get3A_2783, %get3A_2784] {strides = array<i32>} : memref<64x128xf32, #tpu.memory_space<vmem>>, vector<16xf32>,
      %sub3A_2786 = arith.subf %get3A_2776, %get3A_2779 : vector<16xf32>
      %add3A_2787 = arith.addf %sub3A_2786, %get3A_2782 : vector<16xf32>
      %mul3A_2788 = arith.mulf %add3A_2787, %add3A_2787 : vector<16xf32>
      %add3A_2789 = arith.addf %add3A_2767, %mul3A_2788 : vector<16xf32>
      %mul3A_2790 = arith.mulf %add3A_2787, %get3A_2785 : vector<16xf32>
      %add3A_2791 = arith.addf %add3A_2769, %mul3A_2790 : vector<16xf32>
      %mul3A_2792 = arith.mulf %get3A_2785, %get3A_2782 : vector<16xf32>
      %add3A_2793 = arith.addf %add3A_2771, %mul3A_2792 : vector<16xf32>
      %mul3A_2794 = arith.mulf %get3A_2785, %get3A_2785 : vector<16xf32>
      %add3A_2795 = arith.addf %add3A_2773, %mul3A_2794 : vector<16xf32>
      %get3A_2796 = arith.index_cast %add3A_2709 : i32 to index
      %get3A_2797 = arith.constant 48 : index
      %get3A_2798 = tpu.vector_load %arg12[%get3A_2796, %get3A_2797] {strides = array<i32>} : memref<64x64xf32, #tpu.memory_space<vmem>>, vector<16xf32>,
      %get3A_2799 = arith.index_cast %add3A_2715 : i32 to index
      %get3A_2800 = arith.constant 48 : index
      %get3A_2801 = tpu.vector_load %arg14[%get3A_2799, %get3A_2800] {strides = array<i32>} : memref<64x64xf32, #tpu.memory_space<vmem>>, vector<16xf32>,
      %get3A_2802 = arith.index_cast %add3A_2721 : i32 to index
      %get3A_2803 = arith.constant 48 : index
      %get3A_2804 = tpu.vector_load %arg16[%get3A_2802, %get3A_2803] {strides = array<i32>} : memref<64x128xf32, #tpu.memory_space<vmem>>, vector<16xf32>,
      %get3A_2805 = arith.index_cast %add3A_2721 : i32 to index
      %get3A_2806 = arith.constant 112 : index
      %get3A_2807 = tpu.vector_load %arg16[%get3A_2805, %get3A_2806] {strides = array<i32>} : memref<64x128xf32, #tpu.memory_space<vmem>>, vector<16xf32>,
      %sub3A_2808 = arith.subf %get3A_2798, %get3A_2801 : vector<16xf32>
      %add3A_2809 = arith.addf %sub3A_2808, %get3A_2804 : vector<16xf32>
      %mul3A_2810 = arith.mulf %add3A_2809, %add3A_2809 : vector<16xf32>
      %add3A_2811 = arith.addf %add3A_2789, %mul3A_2810 : vector<16xf32>
      %mul3A_2812 = arith.mulf %add3A_2809, %get3A_2807 : vector<16xf32>
      %add3A_2813 = arith.addf %add3A_2791, %mul3A_2812 : vector<16xf32>
      %mul3A_2814 = arith.mulf %get3A_2807, %get3A_2804 : vector<16xf32>
      %add3A_2815 = arith.addf %add3A_2793, %mul3A_2814 : vector<16xf32>
      %mul3A_2816 = arith.mulf %get3A_2807, %get3A_2807 : vector<16xf32>
      %add3A_2817 = arith.addf %add3A_2795, %mul3A_2816 : vector<16xf32>
      %reduce_sum3A_2818 = arith.constant true
      %reduce_sum3A_2819 = vector.broadcast %reduce_sum3A_2818 : i1 to vector<16xi1>
      %reduce_sum3A_2820 = tpu.scan <sum>, %add3A_2811 masked %reduce_sum3A_2819 : vector<16xf32>, vector<16xi1> -> vector<16xf32>
      %reduce_sum3A_2821 = vector.extract %reduce_sum3A_2820[15] : f32 from vector<16xf32>
      %reduce_sum3A_2822 = arith.constant true
      %reduce_sum3A_2823 = vector.broadcast %reduce_sum3A_2822 : i1 to vector<16xi1>
      %reduce_sum3A_2824 = tpu.scan <sum>, %add3A_2813 masked %reduce_sum3A_2823 : vector<16xf32>, vector<16xi1> -> vector<16xf32>
      %reduce_sum3A_2825 = vector.extract %reduce_sum3A_2824[15] : f32 from vector<16xf32>
      %reduce_sum3A_2826 = arith.constant true
      %reduce_sum3A_2827 = vector.broadcast %reduce_sum3A_2826 : i1 to vector<16xi1>
      %reduce_sum3A_2828 = tpu.scan <sum>, %add3A_2815 masked %reduce_sum3A_2827 : vector<16xf32>, vector<16xi1> -> vector<16xf32>
      %reduce_sum3A_2829 = vector.extract %reduce_sum3A_2828[15] : f32 from vector<16xf32>
      %reduce_sum3A_2830 = arith.constant true
      %reduce_sum3A_2831 = vector.broadcast %reduce_sum3A_2830 : i1 to vector<16xi1>
      %reduce_sum3A_2832 = tpu.scan <sum>, %add3A_2817 masked %reduce_sum3A_2831 : vector<16xf32>, vector<16xi1> -> vector<16xf32>
      %reduce_sum3A_2833 = vector.extract %reduce_sum3A_2832[15] : f32 from vector<16xf32>
      %sub3A_2834 = arith.subf %reduce_sum3A_2825, %reduce_sum3A_2829 : f32
      %mul3A_2835 = arith.mulf %scan3A_478, %sub3A_2834 : f32
      %mul3A_2836 = arith.mulf %mul3A_2835, %reduce_sum3A_2825 : f32
      %sub3A_2837 = arith.subf %reduce_sum3A_2821, %mul3A_2836 : f32
      %mul3A_2838 = arith.mulf %sub3A_2834, %sub3A_2834 : f32
      %mul3A_2839 = arith.mulf %mul3A_2838, %reduce_sum3A_2833 : f32
      %add3A_2840 = arith.addf %sub3A_2837, %mul3A_2839 : f32
      %eq3A_2841 = arith.constant 9 : i32
      %eq3A_2842 = vector.broadcast %eq3A_2841 : i32 to vector<16xi32>
      %eq3A_2843 = arith.cmpi eq, %iota3A, %eq3A_2842 : vector<16xi32>
      %broadcast_in_dim3A_2844 = vector.broadcast %add3A_2840 : f32 to vector<16xf32>
      %select_n3A_2845 = arith.select %eq3A_2843, %broadcast_in_dim3A_2844, %select_n3A_2703 : vector<16xi1>, vector<16xf32>
      %slice3A_2846 = vector.extract_strided_slice %get3A_520 {offsets = [10], sizes = [1], strides = [1]} : vector<16xi32> to vector<1xi32>
      %squeeze3A_2847 = vector.extract %slice3A_2846[0] : i32 from vector<1xi32>
      %and3A_2848 = arith.constant 7 : i32
      %and3A_2849 = arith.andi %squeeze3A_2847, %and3A_2848 : i32
      %add3A_2850 = arith.constant 16 : i32
      %add3A_2851 = arith.addi %add3A_2850, %and3A_2849 : i32
      %slice3A_2852 = vector.extract_strided_slice %get3A_522 {offsets = [10], sizes = [1], strides = [1]} : vector<16xi32> to vector<1xi32>
      %squeeze3A_2853 = vector.extract %slice3A_2852[0] : i32 from vector<1xi32>
      %and3A_2854 = arith.constant 7 : i32
      %and3A_2855 = arith.andi %squeeze3A_2853, %and3A_2854 : i32
      %add3A_2856 = arith.constant 16 : i32
      %add3A_2857 = arith.addi %add3A_2856, %and3A_2855 : i32
      %slice3A_2858 = vector.extract_strided_slice %get3A_524 {offsets = [10], sizes = [1], strides = [1]} : vector<16xi32> to vector<1xi32>
      %squeeze3A_2859 = vector.extract %slice3A_2858[0] : i32 from vector<1xi32>
      %and3A_2860 = arith.constant 7 : i32
      %and3A_2861 = arith.andi %squeeze3A_2859, %and3A_2860 : i32
      %add3A_2862 = arith.constant 16 : i32
      %add3A_2863 = arith.addi %add3A_2862, %and3A_2861 : i32
      %broadcast_in_dim3A_2864 = arith.constant 0.000000e+00 : f32
      %broadcast_in_dim3A_2865 = vector.broadcast %broadcast_in_dim3A_2864 : f32 to vector<16xf32>
      %broadcast_in_dim3A_2866 = arith.constant 0.000000e+00 : f32
      %broadcast_in_dim3A_2867 = vector.broadcast %broadcast_in_dim3A_2866 : f32 to vector<16xf32>
      %broadcast_in_dim3A_2868 = arith.constant 0.000000e+00 : f32
      %broadcast_in_dim3A_2869 = vector.broadcast %broadcast_in_dim3A_2868 : f32 to vector<16xf32>
      %broadcast_in_dim3A_2870 = arith.constant 0.000000e+00 : f32
      %broadcast_in_dim3A_2871 = vector.broadcast %broadcast_in_dim3A_2870 : f32 to vector<16xf32>
      %get3A_2872 = arith.index_cast %add3A_2851 : i32 to index
      %get3A_2873 = arith.constant 0 : index
      %get3A_2874 = tpu.vector_load %arg12[%get3A_2872, %get3A_2873] {strides = array<i32>} : memref<64x64xf32, #tpu.memory_space<vmem>>, vector<16xf32>,
      %get3A_2875 = arith.index_cast %add3A_2857 : i32 to index
      %get3A_2876 = arith.constant 0 : index
      %get3A_2877 = tpu.vector_load %arg14[%get3A_2875, %get3A_2876] {strides = array<i32>} : memref<64x64xf32, #tpu.memory_space<vmem>>, vector<16xf32>,
      %get3A_2878 = arith.index_cast %add3A_2863 : i32 to index
      %get3A_2879 = arith.constant 0 : index
      %get3A_2880 = tpu.vector_load %arg16[%get3A_2878, %get3A_2879] {strides = array<i32>} : memref<64x128xf32, #tpu.memory_space<vmem>>, vector<16xf32>,
      %get3A_2881 = arith.index_cast %add3A_2863 : i32 to index
      %get3A_2882 = arith.constant 64 : index
      %get3A_2883 = tpu.vector_load %arg16[%get3A_2881, %get3A_2882] {strides = array<i32>} : memref<64x128xf32, #tpu.memory_space<vmem>>, vector<16xf32>,
      %sub3A_2884 = arith.subf %get3A_2874, %get3A_2877 : vector<16xf32>
      %add3A_2885 = arith.addf %sub3A_2884, %get3A_2880 : vector<16xf32>
      %mul3A_2886 = arith.mulf %add3A_2885, %add3A_2885 : vector<16xf32>
      %add3A_2887 = arith.addf %broadcast_in_dim3A_2865, %mul3A_2886 : vector<16xf32>
      %mul3A_2888 = arith.mulf %add3A_2885, %get3A_2883 : vector<16xf32>
      %add3A_2889 = arith.addf %broadcast_in_dim3A_2867, %mul3A_2888 : vector<16xf32>
      %mul3A_2890 = arith.mulf %get3A_2883, %get3A_2880 : vector<16xf32>
      %add3A_2891 = arith.addf %broadcast_in_dim3A_2869, %mul3A_2890 : vector<16xf32>
      %mul3A_2892 = arith.mulf %get3A_2883, %get3A_2883 : vector<16xf32>
      %add3A_2893 = arith.addf %broadcast_in_dim3A_2871, %mul3A_2892 : vector<16xf32>
      %get3A_2894 = arith.index_cast %add3A_2851 : i32 to index
      %get3A_2895 = arith.constant 16 : index
      %get3A_2896 = tpu.vector_load %arg12[%get3A_2894, %get3A_2895] {strides = array<i32>} : memref<64x64xf32, #tpu.memory_space<vmem>>, vector<16xf32>,
      %get3A_2897 = arith.index_cast %add3A_2857 : i32 to index
      %get3A_2898 = arith.constant 16 : index
      %get3A_2899 = tpu.vector_load %arg14[%get3A_2897, %get3A_2898] {strides = array<i32>} : memref<64x64xf32, #tpu.memory_space<vmem>>, vector<16xf32>,
      %get3A_2900 = arith.index_cast %add3A_2863 : i32 to index
      %get3A_2901 = arith.constant 16 : index
      %get3A_2902 = tpu.vector_load %arg16[%get3A_2900, %get3A_2901] {strides = array<i32>} : memref<64x128xf32, #tpu.memory_space<vmem>>, vector<16xf32>,
      %get3A_2903 = arith.index_cast %add3A_2863 : i32 to index
      %get3A_2904 = arith.constant 80 : index
      %get3A_2905 = tpu.vector_load %arg16[%get3A_2903, %get3A_2904] {strides = array<i32>} : memref<64x128xf32, #tpu.memory_space<vmem>>, vector<16xf32>,
      %sub3A_2906 = arith.subf %get3A_2896, %get3A_2899 : vector<16xf32>
      %add3A_2907 = arith.addf %sub3A_2906, %get3A_2902 : vector<16xf32>
      %mul3A_2908 = arith.mulf %add3A_2907, %add3A_2907 : vector<16xf32>
      %add3A_2909 = arith.addf %add3A_2887, %mul3A_2908 : vector<16xf32>
      %mul3A_2910 = arith.mulf %add3A_2907, %get3A_2905 : vector<16xf32>
      %add3A_2911 = arith.addf %add3A_2889, %mul3A_2910 : vector<16xf32>
      %mul3A_2912 = arith.mulf %get3A_2905, %get3A_2902 : vector<16xf32>
      %add3A_2913 = arith.addf %add3A_2891, %mul3A_2912 : vector<16xf32>
      %mul3A_2914 = arith.mulf %get3A_2905, %get3A_2905 : vector<16xf32>
      %add3A_2915 = arith.addf %add3A_2893, %mul3A_2914 : vector<16xf32>
      %get3A_2916 = arith.index_cast %add3A_2851 : i32 to index
      %get3A_2917 = arith.constant 32 : index
      %get3A_2918 = tpu.vector_load %arg12[%get3A_2916, %get3A_2917] {strides = array<i32>} : memref<64x64xf32, #tpu.memory_space<vmem>>, vector<16xf32>,
      %get3A_2919 = arith.index_cast %add3A_2857 : i32 to index
      %get3A_2920 = arith.constant 32 : index
      %get3A_2921 = tpu.vector_load %arg14[%get3A_2919, %get3A_2920] {strides = array<i32>} : memref<64x64xf32, #tpu.memory_space<vmem>>, vector<16xf32>,
      %get3A_2922 = arith.index_cast %add3A_2863 : i32 to index
      %get3A_2923 = arith.constant 32 : index
      %get3A_2924 = tpu.vector_load %arg16[%get3A_2922, %get3A_2923] {strides = array<i32>} : memref<64x128xf32, #tpu.memory_space<vmem>>, vector<16xf32>,
      %get3A_2925 = arith.index_cast %add3A_2863 : i32 to index
      %get3A_2926 = arith.constant 96 : index
      %get3A_2927 = tpu.vector_load %arg16[%get3A_2925, %get3A_2926] {strides = array<i32>} : memref<64x128xf32, #tpu.memory_space<vmem>>, vector<16xf32>,
      %sub3A_2928 = arith.subf %get3A_2918, %get3A_2921 : vector<16xf32>
      %add3A_2929 = arith.addf %sub3A_2928, %get3A_2924 : vector<16xf32>
      %mul3A_2930 = arith.mulf %add3A_2929, %add3A_2929 : vector<16xf32>
      %add3A_2931 = arith.addf %add3A_2909, %mul3A_2930 : vector<16xf32>
      %mul3A_2932 = arith.mulf %add3A_2929, %get3A_2927 : vector<16xf32>
      %add3A_2933 = arith.addf %add3A_2911, %mul3A_2932 : vector<16xf32>
      %mul3A_2934 = arith.mulf %get3A_2927, %get3A_2924 : vector<16xf32>
      %add3A_2935 = arith.addf %add3A_2913, %mul3A_2934 : vector<16xf32>
      %mul3A_2936 = arith.mulf %get3A_2927, %get3A_2927 : vector<16xf32>
      %add3A_2937 = arith.addf %add3A_2915, %mul3A_2936 : vector<16xf32>
      %get3A_2938 = arith.index_cast %add3A_2851 : i32 to index
      %get3A_2939 = arith.constant 48 : index
      %get3A_2940 = tpu.vector_load %arg12[%get3A_2938, %get3A_2939] {strides = array<i32>} : memref<64x64xf32, #tpu.memory_space<vmem>>, vector<16xf32>,
      %get3A_2941 = arith.index_cast %add3A_2857 : i32 to index
      %get3A_2942 = arith.constant 48 : index
      %get3A_2943 = tpu.vector_load %arg14[%get3A_2941, %get3A_2942] {strides = array<i32>} : memref<64x64xf32, #tpu.memory_space<vmem>>, vector<16xf32>,
      %get3A_2944 = arith.index_cast %add3A_2863 : i32 to index
      %get3A_2945 = arith.constant 48 : index
      %get3A_2946 = tpu.vector_load %arg16[%get3A_2944, %get3A_2945] {strides = array<i32>} : memref<64x128xf32, #tpu.memory_space<vmem>>, vector<16xf32>,
      %get3A_2947 = arith.index_cast %add3A_2863 : i32 to index
      %get3A_2948 = arith.constant 112 : index
      %get3A_2949 = tpu.vector_load %arg16[%get3A_2947, %get3A_2948] {strides = array<i32>} : memref<64x128xf32, #tpu.memory_space<vmem>>, vector<16xf32>,
      %sub3A_2950 = arith.subf %get3A_2940, %get3A_2943 : vector<16xf32>
      %add3A_2951 = arith.addf %sub3A_2950, %get3A_2946 : vector<16xf32>
      %mul3A_2952 = arith.mulf %add3A_2951, %add3A_2951 : vector<16xf32>
      %add3A_2953 = arith.addf %add3A_2931, %mul3A_2952 : vector<16xf32>
      %mul3A_2954 = arith.mulf %add3A_2951, %get3A_2949 : vector<16xf32>
      %add3A_2955 = arith.addf %add3A_2933, %mul3A_2954 : vector<16xf32>
      %mul3A_2956 = arith.mulf %get3A_2949, %get3A_2946 : vector<16xf32>
      %add3A_2957 = arith.addf %add3A_2935, %mul3A_2956 : vector<16xf32>
      %mul3A_2958 = arith.mulf %get3A_2949, %get3A_2949 : vector<16xf32>
      %add3A_2959 = arith.addf %add3A_2937, %mul3A_2958 : vector<16xf32>
      %reduce_sum3A_2960 = arith.constant true
      %reduce_sum3A_2961 = vector.broadcast %reduce_sum3A_2960 : i1 to vector<16xi1>
      %reduce_sum3A_2962 = tpu.scan <sum>, %add3A_2953 masked %reduce_sum3A_2961 : vector<16xf32>, vector<16xi1> -> vector<16xf32>
      %reduce_sum3A_2963 = vector.extract %reduce_sum3A_2962[15] : f32 from vector<16xf32>
      %reduce_sum3A_2964 = arith.constant true
      %reduce_sum3A_2965 = vector.broadcast %reduce_sum3A_2964 : i1 to vector<16xi1>
      %reduce_sum3A_2966 = tpu.scan <sum>, %add3A_2955 masked %reduce_sum3A_2965 : vector<16xf32>, vector<16xi1> -> vector<16xf32>
      %reduce_sum3A_2967 = vector.extract %reduce_sum3A_2966[15] : f32 from vector<16xf32>
      %reduce_sum3A_2968 = arith.constant true
      %reduce_sum3A_2969 = vector.broadcast %reduce_sum3A_2968 : i1 to vector<16xi1>
      %reduce_sum3A_2970 = tpu.scan <sum>, %add3A_2957 masked %reduce_sum3A_2969 : vector<16xf32>, vector<16xi1> -> vector<16xf32>
      %reduce_sum3A_2971 = vector.extract %reduce_sum3A_2970[15] : f32 from vector<16xf32>
      %reduce_sum3A_2972 = arith.constant true
      %reduce_sum3A_2973 = vector.broadcast %reduce_sum3A_2972 : i1 to vector<16xi1>
      %reduce_sum3A_2974 = tpu.scan <sum>, %add3A_2959 masked %reduce_sum3A_2973 : vector<16xf32>, vector<16xi1> -> vector<16xf32>
      %reduce_sum3A_2975 = vector.extract %reduce_sum3A_2974[15] : f32 from vector<16xf32>
      %sub3A_2976 = arith.subf %reduce_sum3A_2967, %reduce_sum3A_2971 : f32
      %mul3A_2977 = arith.mulf %scan3A_478, %sub3A_2976 : f32
      %mul3A_2978 = arith.mulf %mul3A_2977, %reduce_sum3A_2967 : f32
      %sub3A_2979 = arith.subf %reduce_sum3A_2963, %mul3A_2978 : f32
      %mul3A_2980 = arith.mulf %sub3A_2976, %sub3A_2976 : f32
      %mul3A_2981 = arith.mulf %mul3A_2980, %reduce_sum3A_2975 : f32
      %add3A_2982 = arith.addf %sub3A_2979, %mul3A_2981 : f32
      %eq3A_2983 = arith.constant 10 : i32
      %eq3A_2984 = vector.broadcast %eq3A_2983 : i32 to vector<16xi32>
      %eq3A_2985 = arith.cmpi eq, %iota3A, %eq3A_2984 : vector<16xi32>
      %broadcast_in_dim3A_2986 = vector.broadcast %add3A_2982 : f32 to vector<16xf32>
      %select_n3A_2987 = arith.select %eq3A_2985, %broadcast_in_dim3A_2986, %select_n3A_2845 : vector<16xi1>, vector<16xf32>
      %slice3A_2988 = vector.extract_strided_slice %get3A_520 {offsets = [11], sizes = [1], strides = [1]} : vector<16xi32> to vector<1xi32>
      %squeeze3A_2989 = vector.extract %slice3A_2988[0] : i32 from vector<1xi32>
      %and3A_2990 = arith.constant 7 : i32
      %and3A_2991 = arith.andi %squeeze3A_2989, %and3A_2990 : i32
      %add3A_2992 = arith.constant 24 : i32
      %add3A_2993 = arith.addi %add3A_2992, %and3A_2991 : i32
      %slice3A_2994 = vector.extract_strided_slice %get3A_522 {offsets = [11], sizes = [1], strides = [1]} : vector<16xi32> to vector<1xi32>
      %squeeze3A_2995 = vector.extract %slice3A_2994[0] : i32 from vector<1xi32>
      %and3A_2996 = arith.constant 7 : i32
      %and3A_2997 = arith.andi %squeeze3A_2995, %and3A_2996 : i32
      %add3A_2998 = arith.constant 24 : i32
      %add3A_2999 = arith.addi %add3A_2998, %and3A_2997 : i32
      %slice3A_3000 = vector.extract_strided_slice %get3A_524 {offsets = [11], sizes = [1], strides = [1]} : vector<16xi32> to vector<1xi32>
      %squeeze3A_3001 = vector.extract %slice3A_3000[0] : i32 from vector<1xi32>
      %and3A_3002 = arith.constant 7 : i32
      %and3A_3003 = arith.andi %squeeze3A_3001, %and3A_3002 : i32
      %add3A_3004 = arith.constant 24 : i32
      %add3A_3005 = arith.addi %add3A_3004, %and3A_3003 : i32
      %broadcast_in_dim3A_3006 = arith.constant 0.000000e+00 : f32
      %broadcast_in_dim3A_3007 = vector.broadcast %broadcast_in_dim3A_3006 : f32 to vector<16xf32>
      %broadcast_in_dim3A_3008 = arith.constant 0.000000e+00 : f32
      %broadcast_in_dim3A_3009 = vector.broadcast %broadcast_in_dim3A_3008 : f32 to vector<16xf32>
      %broadcast_in_dim3A_3010 = arith.constant 0.000000e+00 : f32
      %broadcast_in_dim3A_3011 = vector.broadcast %broadcast_in_dim3A_3010 : f32 to vector<16xf32>
      %broadcast_in_dim3A_3012 = arith.constant 0.000000e+00 : f32
      %broadcast_in_dim3A_3013 = vector.broadcast %broadcast_in_dim3A_3012 : f32 to vector<16xf32>
      %get3A_3014 = arith.index_cast %add3A_2993 : i32 to index
      %get3A_3015 = arith.constant 0 : index
      %get3A_3016 = tpu.vector_load %arg12[%get3A_3014, %get3A_3015] {strides = array<i32>} : memref<64x64xf32, #tpu.memory_space<vmem>>, vector<16xf32>,
      %get3A_3017 = arith.index_cast %add3A_2999 : i32 to index
      %get3A_3018 = arith.constant 0 : index
      %get3A_3019 = tpu.vector_load %arg14[%get3A_3017, %get3A_3018] {strides = array<i32>} : memref<64x64xf32, #tpu.memory_space<vmem>>, vector<16xf32>,
      %get3A_3020 = arith.index_cast %add3A_3005 : i32 to index
      %get3A_3021 = arith.constant 0 : index
      %get3A_3022 = tpu.vector_load %arg16[%get3A_3020, %get3A_3021] {strides = array<i32>} : memref<64x128xf32, #tpu.memory_space<vmem>>, vector<16xf32>,
      %get3A_3023 = arith.index_cast %add3A_3005 : i32 to index
      %get3A_3024 = arith.constant 64 : index
      %get3A_3025 = tpu.vector_load %arg16[%get3A_3023, %get3A_3024] {strides = array<i32>} : memref<64x128xf32, #tpu.memory_space<vmem>>, vector<16xf32>,
      %sub3A_3026 = arith.subf %get3A_3016, %get3A_3019 : vector<16xf32>
      %add3A_3027 = arith.addf %sub3A_3026, %get3A_3022 : vector<16xf32>
      %mul3A_3028 = arith.mulf %add3A_3027, %add3A_3027 : vector<16xf32>
      %add3A_3029 = arith.addf %broadcast_in_dim3A_3007, %mul3A_3028 : vector<16xf32>
      %mul3A_3030 = arith.mulf %add3A_3027, %get3A_3025 : vector<16xf32>
      %add3A_3031 = arith.addf %broadcast_in_dim3A_3009, %mul3A_3030 : vector<16xf32>
      %mul3A_3032 = arith.mulf %get3A_3025, %get3A_3022 : vector<16xf32>
      %add3A_3033 = arith.addf %broadcast_in_dim3A_3011, %mul3A_3032 : vector<16xf32>
      %mul3A_3034 = arith.mulf %get3A_3025, %get3A_3025 : vector<16xf32>
      %add3A_3035 = arith.addf %broadcast_in_dim3A_3013, %mul3A_3034 : vector<16xf32>
      %get3A_3036 = arith.index_cast %add3A_2993 : i32 to index
      %get3A_3037 = arith.constant 16 : index
      %get3A_3038 = tpu.vector_load %arg12[%get3A_3036, %get3A_3037] {strides = array<i32>} : memref<64x64xf32, #tpu.memory_space<vmem>>, vector<16xf32>,
      %get3A_3039 = arith.index_cast %add3A_2999 : i32 to index
      %get3A_3040 = arith.constant 16 : index
      %get3A_3041 = tpu.vector_load %arg14[%get3A_3039, %get3A_3040] {strides = array<i32>} : memref<64x64xf32, #tpu.memory_space<vmem>>, vector<16xf32>,
      %get3A_3042 = arith.index_cast %add3A_3005 : i32 to index
      %get3A_3043 = arith.constant 16 : index
      %get3A_3044 = tpu.vector_load %arg16[%get3A_3042, %get3A_3043] {strides = array<i32>} : memref<64x128xf32, #tpu.memory_space<vmem>>, vector<16xf32>,
      %get3A_3045 = arith.index_cast %add3A_3005 : i32 to index
      %get3A_3046 = arith.constant 80 : index
      %get3A_3047 = tpu.vector_load %arg16[%get3A_3045, %get3A_3046] {strides = array<i32>} : memref<64x128xf32, #tpu.memory_space<vmem>>, vector<16xf32>,
      %sub3A_3048 = arith.subf %get3A_3038, %get3A_3041 : vector<16xf32>
      %add3A_3049 = arith.addf %sub3A_3048, %get3A_3044 : vector<16xf32>
      %mul3A_3050 = arith.mulf %add3A_3049, %add3A_3049 : vector<16xf32>
      %add3A_3051 = arith.addf %add3A_3029, %mul3A_3050 : vector<16xf32>
      %mul3A_3052 = arith.mulf %add3A_3049, %get3A_3047 : vector<16xf32>
      %add3A_3053 = arith.addf %add3A_3031, %mul3A_3052 : vector<16xf32>
      %mul3A_3054 = arith.mulf %get3A_3047, %get3A_3044 : vector<16xf32>
      %add3A_3055 = arith.addf %add3A_3033, %mul3A_3054 : vector<16xf32>
      %mul3A_3056 = arith.mulf %get3A_3047, %get3A_3047 : vector<16xf32>
      %add3A_3057 = arith.addf %add3A_3035, %mul3A_3056 : vector<16xf32>
      %get3A_3058 = arith.index_cast %add3A_2993 : i32 to index
      %get3A_3059 = arith.constant 32 : index
      %get3A_3060 = tpu.vector_load %arg12[%get3A_3058, %get3A_3059] {strides = array<i32>} : memref<64x64xf32, #tpu.memory_space<vmem>>, vector<16xf32>,
      %get3A_3061 = arith.index_cast %add3A_2999 : i32 to index
      %get3A_3062 = arith.constant 32 : index
      %get3A_3063 = tpu.vector_load %arg14[%get3A_3061, %get3A_3062] {strides = array<i32>} : memref<64x64xf32, #tpu.memory_space<vmem>>, vector<16xf32>,
      %get3A_3064 = arith.index_cast %add3A_3005 : i32 to index
      %get3A_3065 = arith.constant 32 : index
      %get3A_3066 = tpu.vector_load %arg16[%get3A_3064, %get3A_3065] {strides = array<i32>} : memref<64x128xf32, #tpu.memory_space<vmem>>, vector<16xf32>,
      %get3A_3067 = arith.index_cast %add3A_3005 : i32 to index
      %get3A_3068 = arith.constant 96 : index
      %get3A_3069 = tpu.vector_load %arg16[%get3A_3067, %get3A_3068] {strides = array<i32>} : memref<64x128xf32, #tpu.memory_space<vmem>>, vector<16xf32>,
      %sub3A_3070 = arith.subf %get3A_3060, %get3A_3063 : vector<16xf32>
      %add3A_3071 = arith.addf %sub3A_3070, %get3A_3066 : vector<16xf32>
      %mul3A_3072 = arith.mulf %add3A_3071, %add3A_3071 : vector<16xf32>
      %add3A_3073 = arith.addf %add3A_3051, %mul3A_3072 : vector<16xf32>
      %mul3A_3074 = arith.mulf %add3A_3071, %get3A_3069 : vector<16xf32>
      %add3A_3075 = arith.addf %add3A_3053, %mul3A_3074 : vector<16xf32>
      %mul3A_3076 = arith.mulf %get3A_3069, %get3A_3066 : vector<16xf32>
      %add3A_3077 = arith.addf %add3A_3055, %mul3A_3076 : vector<16xf32>
      %mul3A_3078 = arith.mulf %get3A_3069, %get3A_3069 : vector<16xf32>
      %add3A_3079 = arith.addf %add3A_3057, %mul3A_3078 : vector<16xf32>
      %get3A_3080 = arith.index_cast %add3A_2993 : i32 to index
      %get3A_3081 = arith.constant 48 : index
      %get3A_3082 = tpu.vector_load %arg12[%get3A_3080, %get3A_3081] {strides = array<i32>} : memref<64x64xf32, #tpu.memory_space<vmem>>, vector<16xf32>,
      %get3A_3083 = arith.index_cast %add3A_2999 : i32 to index
      %get3A_3084 = arith.constant 48 : index
      %get3A_3085 = tpu.vector_load %arg14[%get3A_3083, %get3A_3084] {strides = array<i32>} : memref<64x64xf32, #tpu.memory_space<vmem>>, vector<16xf32>,
      %get3A_3086 = arith.index_cast %add3A_3005 : i32 to index
      %get3A_3087 = arith.constant 48 : index
      %get3A_3088 = tpu.vector_load %arg16[%get3A_3086, %get3A_3087] {strides = array<i32>} : memref<64x128xf32, #tpu.memory_space<vmem>>, vector<16xf32>,
      %get3A_3089 = arith.index_cast %add3A_3005 : i32 to index
      %get3A_3090 = arith.constant 112 : index
      %get3A_3091 = tpu.vector_load %arg16[%get3A_3089, %get3A_3090] {strides = array<i32>} : memref<64x128xf32, #tpu.memory_space<vmem>>, vector<16xf32>,
      %sub3A_3092 = arith.subf %get3A_3082, %get3A_3085 : vector<16xf32>
      %add3A_3093 = arith.addf %sub3A_3092, %get3A_3088 : vector<16xf32>
      %mul3A_3094 = arith.mulf %add3A_3093, %add3A_3093 : vector<16xf32>
      %add3A_3095 = arith.addf %add3A_3073, %mul3A_3094 : vector<16xf32>
      %mul3A_3096 = arith.mulf %add3A_3093, %get3A_3091 : vector<16xf32>
      %add3A_3097 = arith.addf %add3A_3075, %mul3A_3096 : vector<16xf32>
      %mul3A_3098 = arith.mulf %get3A_3091, %get3A_3088 : vector<16xf32>
      %add3A_3099 = arith.addf %add3A_3077, %mul3A_3098 : vector<16xf32>
      %mul3A_3100 = arith.mulf %get3A_3091, %get3A_3091 : vector<16xf32>
      %add3A_3101 = arith.addf %add3A_3079, %mul3A_3100 : vector<16xf32>
      %reduce_sum3A_3102 = arith.constant true
      %reduce_sum3A_3103 = vector.broadcast %reduce_sum3A_3102 : i1 to vector<16xi1>
      %reduce_sum3A_3104 = tpu.scan <sum>, %add3A_3095 masked %reduce_sum3A_3103 : vector<16xf32>, vector<16xi1> -> vector<16xf32>
      %reduce_sum3A_3105 = vector.extract %reduce_sum3A_3104[15] : f32 from vector<16xf32>
      %reduce_sum3A_3106 = arith.constant true
      %reduce_sum3A_3107 = vector.broadcast %reduce_sum3A_3106 : i1 to vector<16xi1>
      %reduce_sum3A_3108 = tpu.scan <sum>, %add3A_3097 masked %reduce_sum3A_3107 : vector<16xf32>, vector<16xi1> -> vector<16xf32>
      %reduce_sum3A_3109 = vector.extract %reduce_sum3A_3108[15] : f32 from vector<16xf32>
      %reduce_sum3A_3110 = arith.constant true
      %reduce_sum3A_3111 = vector.broadcast %reduce_sum3A_3110 : i1 to vector<16xi1>
      %reduce_sum3A_3112 = tpu.scan <sum>, %add3A_3099 masked %reduce_sum3A_3111 : vector<16xf32>, vector<16xi1> -> vector<16xf32>
      %reduce_sum3A_3113 = vector.extract %reduce_sum3A_3112[15] : f32 from vector<16xf32>
      %reduce_sum3A_3114 = arith.constant true
      %reduce_sum3A_3115 = vector.broadcast %reduce_sum3A_3114 : i1 to vector<16xi1>
      %reduce_sum3A_3116 = tpu.scan <sum>, %add3A_3101 masked %reduce_sum3A_3115 : vector<16xf32>, vector<16xi1> -> vector<16xf32>
      %reduce_sum3A_3117 = vector.extract %reduce_sum3A_3116[15] : f32 from vector<16xf32>
      %sub3A_3118 = arith.subf %reduce_sum3A_3109, %reduce_sum3A_3113 : f32
      %mul3A_3119 = arith.mulf %scan3A_478, %sub3A_3118 : f32
      %mul3A_3120 = arith.mulf %mul3A_3119, %reduce_sum3A_3109 : f32
      %sub3A_3121 = arith.subf %reduce_sum3A_3105, %mul3A_3120 : f32
      %mul3A_3122 = arith.mulf %sub3A_3118, %sub3A_3118 : f32
      %mul3A_3123 = arith.mulf %mul3A_3122, %reduce_sum3A_3117 : f32
      %add3A_3124 = arith.addf %sub3A_3121, %mul3A_3123 : f32
      %eq3A_3125 = arith.constant 11 : i32
      %eq3A_3126 = vector.broadcast %eq3A_3125 : i32 to vector<16xi32>
      %eq3A_3127 = arith.cmpi eq, %iota3A, %eq3A_3126 : vector<16xi32>
      %broadcast_in_dim3A_3128 = vector.broadcast %add3A_3124 : f32 to vector<16xf32>
      %select_n3A_3129 = arith.select %eq3A_3127, %broadcast_in_dim3A_3128, %select_n3A_2987 : vector<16xi1>, vector<16xf32>
      %slice3A_3130 = vector.extract_strided_slice %get3A_520 {offsets = [12], sizes = [1], strides = [1]} : vector<16xi32> to vector<1xi32>
      %squeeze3A_3131 = vector.extract %slice3A_3130[0] : i32 from vector<1xi32>
      %and3A_3132 = arith.constant 7 : i32
      %and3A_3133 = arith.andi %squeeze3A_3131, %and3A_3132 : i32
      %add3A_3134 = arith.constant 32 : i32
      %add3A_3135 = arith.addi %add3A_3134, %and3A_3133 : i32
      %slice3A_3136 = vector.extract_strided_slice %get3A_522 {offsets = [12], sizes = [1], strides = [1]} : vector<16xi32> to vector<1xi32>
      %squeeze3A_3137 = vector.extract %slice3A_3136[0] : i32 from vector<1xi32>
      %and3A_3138 = arith.constant 7 : i32
      %and3A_3139 = arith.andi %squeeze3A_3137, %and3A_3138 : i32
      %add3A_3140 = arith.constant 32 : i32
      %add3A_3141 = arith.addi %add3A_3140, %and3A_3139 : i32
      %slice3A_3142 = vector.extract_strided_slice %get3A_524 {offsets = [12], sizes = [1], strides = [1]} : vector<16xi32> to vector<1xi32>
      %squeeze3A_3143 = vector.extract %slice3A_3142[0] : i32 from vector<1xi32>
      %and3A_3144 = arith.constant 7 : i32
      %and3A_3145 = arith.andi %squeeze3A_3143, %and3A_3144 : i32
      %add3A_3146 = arith.constant 32 : i32
      %add3A_3147 = arith.addi %add3A_3146, %and3A_3145 : i32
      %broadcast_in_dim3A_3148 = arith.constant 0.000000e+00 : f32
      %broadcast_in_dim3A_3149 = vector.broadcast %broadcast_in_dim3A_3148 : f32 to vector<16xf32>
      %broadcast_in_dim3A_3150 = arith.constant 0.000000e+00 : f32
      %broadcast_in_dim3A_3151 = vector.broadcast %broadcast_in_dim3A_3150 : f32 to vector<16xf32>
      %broadcast_in_dim3A_3152 = arith.constant 0.000000e+00 : f32
      %broadcast_in_dim3A_3153 = vector.broadcast %broadcast_in_dim3A_3152 : f32 to vector<16xf32>
      %broadcast_in_dim3A_3154 = arith.constant 0.000000e+00 : f32
      %broadcast_in_dim3A_3155 = vector.broadcast %broadcast_in_dim3A_3154 : f32 to vector<16xf32>
      %get3A_3156 = arith.index_cast %add3A_3135 : i32 to index
      %get3A_3157 = arith.constant 0 : index
      %get3A_3158 = tpu.vector_load %arg12[%get3A_3156, %get3A_3157] {strides = array<i32>} : memref<64x64xf32, #tpu.memory_space<vmem>>, vector<16xf32>,
      %get3A_3159 = arith.index_cast %add3A_3141 : i32 to index
      %get3A_3160 = arith.constant 0 : index
      %get3A_3161 = tpu.vector_load %arg14[%get3A_3159, %get3A_3160] {strides = array<i32>} : memref<64x64xf32, #tpu.memory_space<vmem>>, vector<16xf32>,
      %get3A_3162 = arith.index_cast %add3A_3147 : i32 to index
      %get3A_3163 = arith.constant 0 : index
      %get3A_3164 = tpu.vector_load %arg16[%get3A_3162, %get3A_3163] {strides = array<i32>} : memref<64x128xf32, #tpu.memory_space<vmem>>, vector<16xf32>,
      %get3A_3165 = arith.index_cast %add3A_3147 : i32 to index
      %get3A_3166 = arith.constant 64 : index
      %get3A_3167 = tpu.vector_load %arg16[%get3A_3165, %get3A_3166] {strides = array<i32>} : memref<64x128xf32, #tpu.memory_space<vmem>>, vector<16xf32>,
      %sub3A_3168 = arith.subf %get3A_3158, %get3A_3161 : vector<16xf32>
      %add3A_3169 = arith.addf %sub3A_3168, %get3A_3164 : vector<16xf32>
      %mul3A_3170 = arith.mulf %add3A_3169, %add3A_3169 : vector<16xf32>
      %add3A_3171 = arith.addf %broadcast_in_dim3A_3149, %mul3A_3170 : vector<16xf32>
      %mul3A_3172 = arith.mulf %add3A_3169, %get3A_3167 : vector<16xf32>
      %add3A_3173 = arith.addf %broadcast_in_dim3A_3151, %mul3A_3172 : vector<16xf32>
      %mul3A_3174 = arith.mulf %get3A_3167, %get3A_3164 : vector<16xf32>
      %add3A_3175 = arith.addf %broadcast_in_dim3A_3153, %mul3A_3174 : vector<16xf32>
      %mul3A_3176 = arith.mulf %get3A_3167, %get3A_3167 : vector<16xf32>
      %add3A_3177 = arith.addf %broadcast_in_dim3A_3155, %mul3A_3176 : vector<16xf32>
      %get3A_3178 = arith.index_cast %add3A_3135 : i32 to index
      %get3A_3179 = arith.constant 16 : index
      %get3A_3180 = tpu.vector_load %arg12[%get3A_3178, %get3A_3179] {strides = array<i32>} : memref<64x64xf32, #tpu.memory_space<vmem>>, vector<16xf32>,
      %get3A_3181 = arith.index_cast %add3A_3141 : i32 to index
      %get3A_3182 = arith.constant 16 : index
      %get3A_3183 = tpu.vector_load %arg14[%get3A_3181, %get3A_3182] {strides = array<i32>} : memref<64x64xf32, #tpu.memory_space<vmem>>, vector<16xf32>,
      %get3A_3184 = arith.index_cast %add3A_3147 : i32 to index
      %get3A_3185 = arith.constant 16 : index
      %get3A_3186 = tpu.vector_load %arg16[%get3A_3184, %get3A_3185] {strides = array<i32>} : memref<64x128xf32, #tpu.memory_space<vmem>>, vector<16xf32>,
      %get3A_3187 = arith.index_cast %add3A_3147 : i32 to index
      %get3A_3188 = arith.constant 80 : index
      %get3A_3189 = tpu.vector_load %arg16[%get3A_3187, %get3A_3188] {strides = array<i32>} : memref<64x128xf32, #tpu.memory_space<vmem>>, vector<16xf32>,
      %sub3A_3190 = arith.subf %get3A_3180, %get3A_3183 : vector<16xf32>
      %add3A_3191 = arith.addf %sub3A_3190, %get3A_3186 : vector<16xf32>
      %mul3A_3192 = arith.mulf %add3A_3191, %add3A_3191 : vector<16xf32>
      %add3A_3193 = arith.addf %add3A_3171, %mul3A_3192 : vector<16xf32>
      %mul3A_3194 = arith.mulf %add3A_3191, %get3A_3189 : vector<16xf32>
      %add3A_3195 = arith.addf %add3A_3173, %mul3A_3194 : vector<16xf32>
      %mul3A_3196 = arith.mulf %get3A_3189, %get3A_3186 : vector<16xf32>
      %add3A_3197 = arith.addf %add3A_3175, %mul3A_3196 : vector<16xf32>
      %mul3A_3198 = arith.mulf %get3A_3189, %get3A_3189 : vector<16xf32>
      %add3A_3199 = arith.addf %add3A_3177, %mul3A_3198 : vector<16xf32>
      %get3A_3200 = arith.index_cast %add3A_3135 : i32 to index
      %get3A_3201 = arith.constant 32 : index
      %get3A_3202 = tpu.vector_load %arg12[%get3A_3200, %get3A_3201] {strides = array<i32>} : memref<64x64xf32, #tpu.memory_space<vmem>>, vector<16xf32>,
      %get3A_3203 = arith.index_cast %add3A_3141 : i32 to index
      %get3A_3204 = arith.constant 32 : index
      %get3A_3205 = tpu.vector_load %arg14[%get3A_3203, %get3A_3204] {strides = array<i32>} : memref<64x64xf32, #tpu.memory_space<vmem>>, vector<16xf32>,
      %get3A_3206 = arith.index_cast %add3A_3147 : i32 to index
      %get3A_3207 = arith.constant 32 : index
      %get3A_3208 = tpu.vector_load %arg16[%get3A_3206, %get3A_3207] {strides = array<i32>} : memref<64x128xf32, #tpu.memory_space<vmem>>, vector<16xf32>,
      %get3A_3209 = arith.index_cast %add3A_3147 : i32 to index
      %get3A_3210 = arith.constant 96 : index
      %get3A_3211 = tpu.vector_load %arg16[%get3A_3209, %get3A_3210] {strides = array<i32>} : memref<64x128xf32, #tpu.memory_space<vmem>>, vector<16xf32>,
      %sub3A_3212 = arith.subf %get3A_3202, %get3A_3205 : vector<16xf32>
      %add3A_3213 = arith.addf %sub3A_3212, %get3A_3208 : vector<16xf32>
      %mul3A_3214 = arith.mulf %add3A_3213, %add3A_3213 : vector<16xf32>
      %add3A_3215 = arith.addf %add3A_3193, %mul3A_3214 : vector<16xf32>
      %mul3A_3216 = arith.mulf %add3A_3213, %get3A_3211 : vector<16xf32>
      %add3A_3217 = arith.addf %add3A_3195, %mul3A_3216 : vector<16xf32>
      %mul3A_3218 = arith.mulf %get3A_3211, %get3A_3208 : vector<16xf32>
      %add3A_3219 = arith.addf %add3A_3197, %mul3A_3218 : vector<16xf32>
      %mul3A_3220 = arith.mulf %get3A_3211, %get3A_3211 : vector<16xf32>
      %add3A_3221 = arith.addf %add3A_3199, %mul3A_3220 : vector<16xf32>
      %get3A_3222 = arith.index_cast %add3A_3135 : i32 to index
      %get3A_3223 = arith.constant 48 : index
      %get3A_3224 = tpu.vector_load %arg12[%get3A_3222, %get3A_3223] {strides = array<i32>} : memref<64x64xf32, #tpu.memory_space<vmem>>, vector<16xf32>,
      %get3A_3225 = arith.index_cast %add3A_3141 : i32 to index
      %get3A_3226 = arith.constant 48 : index
      %get3A_3227 = tpu.vector_load %arg14[%get3A_3225, %get3A_3226] {strides = array<i32>} : memref<64x64xf32, #tpu.memory_space<vmem>>, vector<16xf32>,
      %get3A_3228 = arith.index_cast %add3A_3147 : i32 to index
      %get3A_3229 = arith.constant 48 : index
      %get3A_3230 = tpu.vector_load %arg16[%get3A_3228, %get3A_3229] {strides = array<i32>} : memref<64x128xf32, #tpu.memory_space<vmem>>, vector<16xf32>,
      %get3A_3231 = arith.index_cast %add3A_3147 : i32 to index
      %get3A_3232 = arith.constant 112 : index
      %get3A_3233 = tpu.vector_load %arg16[%get3A_3231, %get3A_3232] {strides = array<i32>} : memref<64x128xf32, #tpu.memory_space<vmem>>, vector<16xf32>,
      %sub3A_3234 = arith.subf %get3A_3224, %get3A_3227 : vector<16xf32>
      %add3A_3235 = arith.addf %sub3A_3234, %get3A_3230 : vector<16xf32>
      %mul3A_3236 = arith.mulf %add3A_3235, %add3A_3235 : vector<16xf32>
      %add3A_3237 = arith.addf %add3A_3215, %mul3A_3236 : vector<16xf32>
      %mul3A_3238 = arith.mulf %add3A_3235, %get3A_3233 : vector<16xf32>
      %add3A_3239 = arith.addf %add3A_3217, %mul3A_3238 : vector<16xf32>
      %mul3A_3240 = arith.mulf %get3A_3233, %get3A_3230 : vector<16xf32>
      %add3A_3241 = arith.addf %add3A_3219, %mul3A_3240 : vector<16xf32>
      %mul3A_3242 = arith.mulf %get3A_3233, %get3A_3233 : vector<16xf32>
      %add3A_3243 = arith.addf %add3A_3221, %mul3A_3242 : vector<16xf32>
      %reduce_sum3A_3244 = arith.constant true
      %reduce_sum3A_3245 = vector.broadcast %reduce_sum3A_3244 : i1 to vector<16xi1>
      %reduce_sum3A_3246 = tpu.scan <sum>, %add3A_3237 masked %reduce_sum3A_3245 : vector<16xf32>, vector<16xi1> -> vector<16xf32>
      %reduce_sum3A_3247 = vector.extract %reduce_sum3A_3246[15] : f32 from vector<16xf32>
      %reduce_sum3A_3248 = arith.constant true
      %reduce_sum3A_3249 = vector.broadcast %reduce_sum3A_3248 : i1 to vector<16xi1>
      %reduce_sum3A_3250 = tpu.scan <sum>, %add3A_3239 masked %reduce_sum3A_3249 : vector<16xf32>, vector<16xi1> -> vector<16xf32>
      %reduce_sum3A_3251 = vector.extract %reduce_sum3A_3250[15] : f32 from vector<16xf32>
      %reduce_sum3A_3252 = arith.constant true
      %reduce_sum3A_3253 = vector.broadcast %reduce_sum3A_3252 : i1 to vector<16xi1>
      %reduce_sum3A_3254 = tpu.scan <sum>, %add3A_3241 masked %reduce_sum3A_3253 : vector<16xf32>, vector<16xi1> -> vector<16xf32>
      %reduce_sum3A_3255 = vector.extract %reduce_sum3A_3254[15] : f32 from vector<16xf32>
      %reduce_sum3A_3256 = arith.constant true
      %reduce_sum3A_3257 = vector.broadcast %reduce_sum3A_3256 : i1 to vector<16xi1>
      %reduce_sum3A_3258 = tpu.scan <sum>, %add3A_3243 masked %reduce_sum3A_3257 : vector<16xf32>, vector<16xi1> -> vector<16xf32>
      %reduce_sum3A_3259 = vector.extract %reduce_sum3A_3258[15] : f32 from vector<16xf32>
      %sub3A_3260 = arith.subf %reduce_sum3A_3251, %reduce_sum3A_3255 : f32
      %mul3A_3261 = arith.mulf %scan3A_478, %sub3A_3260 : f32
      %mul3A_3262 = arith.mulf %mul3A_3261, %reduce_sum3A_3251 : f32
      %sub3A_3263 = arith.subf %reduce_sum3A_3247, %mul3A_3262 : f32
      %mul3A_3264 = arith.mulf %sub3A_3260, %sub3A_3260 : f32
      %mul3A_3265 = arith.mulf %mul3A_3264, %reduce_sum3A_3259 : f32
      %add3A_3266 = arith.addf %sub3A_3263, %mul3A_3265 : f32
      %eq3A_3267 = arith.constant 12 : i32
      %eq3A_3268 = vector.broadcast %eq3A_3267 : i32 to vector<16xi32>
      %eq3A_3269 = arith.cmpi eq, %iota3A, %eq3A_3268 : vector<16xi32>
      %broadcast_in_dim3A_3270 = vector.broadcast %add3A_3266 : f32 to vector<16xf32>
      %select_n3A_3271 = arith.select %eq3A_3269, %broadcast_in_dim3A_3270, %select_n3A_3129 : vector<16xi1>, vector<16xf32>
      %slice3A_3272 = vector.extract_strided_slice %get3A_520 {offsets = [13], sizes = [1], strides = [1]} : vector<16xi32> to vector<1xi32>
      %squeeze3A_3273 = vector.extract %slice3A_3272[0] : i32 from vector<1xi32>
      %and3A_3274 = arith.constant 7 : i32
      %and3A_3275 = arith.andi %squeeze3A_3273, %and3A_3274 : i32
      %add3A_3276 = arith.constant 40 : i32
      %add3A_3277 = arith.addi %add3A_3276, %and3A_3275 : i32
      %slice3A_3278 = vector.extract_strided_slice %get3A_522 {offsets = [13], sizes = [1], strides = [1]} : vector<16xi32> to vector<1xi32>
      %squeeze3A_3279 = vector.extract %slice3A_3278[0] : i32 from vector<1xi32>
      %and3A_3280 = arith.constant 7 : i32
      %and3A_3281 = arith.andi %squeeze3A_3279, %and3A_3280 : i32
      %add3A_3282 = arith.constant 40 : i32
      %add3A_3283 = arith.addi %add3A_3282, %and3A_3281 : i32
      %slice3A_3284 = vector.extract_strided_slice %get3A_524 {offsets = [13], sizes = [1], strides = [1]} : vector<16xi32> to vector<1xi32>
      %squeeze3A_3285 = vector.extract %slice3A_3284[0] : i32 from vector<1xi32>
      %and3A_3286 = arith.constant 7 : i32
      %and3A_3287 = arith.andi %squeeze3A_3285, %and3A_3286 : i32
      %add3A_3288 = arith.constant 40 : i32
      %add3A_3289 = arith.addi %add3A_3288, %and3A_3287 : i32
      %broadcast_in_dim3A_3290 = arith.constant 0.000000e+00 : f32
      %broadcast_in_dim3A_3291 = vector.broadcast %broadcast_in_dim3A_3290 : f32 to vector<16xf32>
      %broadcast_in_dim3A_3292 = arith.constant 0.000000e+00 : f32
      %broadcast_in_dim3A_3293 = vector.broadcast %broadcast_in_dim3A_3292 : f32 to vector<16xf32>
      %broadcast_in_dim3A_3294 = arith.constant 0.000000e+00 : f32
      %broadcast_in_dim3A_3295 = vector.broadcast %broadcast_in_dim3A_3294 : f32 to vector<16xf32>
      %broadcast_in_dim3A_3296 = arith.constant 0.000000e+00 : f32
      %broadcast_in_dim3A_3297 = vector.broadcast %broadcast_in_dim3A_3296 : f32 to vector<16xf32>
      %get3A_3298 = arith.index_cast %add3A_3277 : i32 to index
      %get3A_3299 = arith.constant 0 : index
      %get3A_3300 = tpu.vector_load %arg12[%get3A_3298, %get3A_3299] {strides = array<i32>} : memref<64x64xf32, #tpu.memory_space<vmem>>, vector<16xf32>,
      %get3A_3301 = arith.index_cast %add3A_3283 : i32 to index
      %get3A_3302 = arith.constant 0 : index
      %get3A_3303 = tpu.vector_load %arg14[%get3A_3301, %get3A_3302] {strides = array<i32>} : memref<64x64xf32, #tpu.memory_space<vmem>>, vector<16xf32>,
      %get3A_3304 = arith.index_cast %add3A_3289 : i32 to index
      %get3A_3305 = arith.constant 0 : index
      %get3A_3306 = tpu.vector_load %arg16[%get3A_3304, %get3A_3305] {strides = array<i32>} : memref<64x128xf32, #tpu.memory_space<vmem>>, vector<16xf32>,
      %get3A_3307 = arith.index_cast %add3A_3289 : i32 to index
      %get3A_3308 = arith.constant 64 : index
      %get3A_3309 = tpu.vector_load %arg16[%get3A_3307, %get3A_3308] {strides = array<i32>} : memref<64x128xf32, #tpu.memory_space<vmem>>, vector<16xf32>,
      %sub3A_3310 = arith.subf %get3A_3300, %get3A_3303 : vector<16xf32>
      %add3A_3311 = arith.addf %sub3A_3310, %get3A_3306 : vector<16xf32>
      %mul3A_3312 = arith.mulf %add3A_3311, %add3A_3311 : vector<16xf32>
      %add3A_3313 = arith.addf %broadcast_in_dim3A_3291, %mul3A_3312 : vector<16xf32>
      %mul3A_3314 = arith.mulf %add3A_3311, %get3A_3309 : vector<16xf32>
      %add3A_3315 = arith.addf %broadcast_in_dim3A_3293, %mul3A_3314 : vector<16xf32>
      %mul3A_3316 = arith.mulf %get3A_3309, %get3A_3306 : vector<16xf32>
      %add3A_3317 = arith.addf %broadcast_in_dim3A_3295, %mul3A_3316 : vector<16xf32>
      %mul3A_3318 = arith.mulf %get3A_3309, %get3A_3309 : vector<16xf32>
      %add3A_3319 = arith.addf %broadcast_in_dim3A_3297, %mul3A_3318 : vector<16xf32>
      %get3A_3320 = arith.index_cast %add3A_3277 : i32 to index
      %get3A_3321 = arith.constant 16 : index
      %get3A_3322 = tpu.vector_load %arg12[%get3A_3320, %get3A_3321] {strides = array<i32>} : memref<64x64xf32, #tpu.memory_space<vmem>>, vector<16xf32>,
      %get3A_3323 = arith.index_cast %add3A_3283 : i32 to index
      %get3A_3324 = arith.constant 16 : index
      %get3A_3325 = tpu.vector_load %arg14[%get3A_3323, %get3A_3324] {strides = array<i32>} : memref<64x64xf32, #tpu.memory_space<vmem>>, vector<16xf32>,
      %get3A_3326 = arith.index_cast %add3A_3289 : i32 to index
      %get3A_3327 = arith.constant 16 : index
      %get3A_3328 = tpu.vector_load %arg16[%get3A_3326, %get3A_3327] {strides = array<i32>} : memref<64x128xf32, #tpu.memory_space<vmem>>, vector<16xf32>,
      %get3A_3329 = arith.index_cast %add3A_3289 : i32 to index
      %get3A_3330 = arith.constant 80 : index
      %get3A_3331 = tpu.vector_load %arg16[%get3A_3329, %get3A_3330] {strides = array<i32>} : memref<64x128xf32, #tpu.memory_space<vmem>>, vector<16xf32>,
      %sub3A_3332 = arith.subf %get3A_3322, %get3A_3325 : vector<16xf32>
      %add3A_3333 = arith.addf %sub3A_3332, %get3A_3328 : vector<16xf32>
      %mul3A_3334 = arith.mulf %add3A_3333, %add3A_3333 : vector<16xf32>
      %add3A_3335 = arith.addf %add3A_3313, %mul3A_3334 : vector<16xf32>
      %mul3A_3336 = arith.mulf %add3A_3333, %get3A_3331 : vector<16xf32>
      %add3A_3337 = arith.addf %add3A_3315, %mul3A_3336 : vector<16xf32>
      %mul3A_3338 = arith.mulf %get3A_3331, %get3A_3328 : vector<16xf32>
      %add3A_3339 = arith.addf %add3A_3317, %mul3A_3338 : vector<16xf32>
      %mul3A_3340 = arith.mulf %get3A_3331, %get3A_3331 : vector<16xf32>
      %add3A_3341 = arith.addf %add3A_3319, %mul3A_3340 : vector<16xf32>
      %get3A_3342 = arith.index_cast %add3A_3277 : i32 to index
      %get3A_3343 = arith.constant 32 : index
      %get3A_3344 = tpu.vector_load %arg12[%get3A_3342, %get3A_3343] {strides = array<i32>} : memref<64x64xf32, #tpu.memory_space<vmem>>, vector<16xf32>,
      %get3A_3345 = arith.index_cast %add3A_3283 : i32 to index
      %get3A_3346 = arith.constant 32 : index
      %get3A_3347 = tpu.vector_load %arg14[%get3A_3345, %get3A_3346] {strides = array<i32>} : memref<64x64xf32, #tpu.memory_space<vmem>>, vector<16xf32>,
      %get3A_3348 = arith.index_cast %add3A_3289 : i32 to index
      %get3A_3349 = arith.constant 32 : index
      %get3A_3350 = tpu.vector_load %arg16[%get3A_3348, %get3A_3349] {strides = array<i32>} : memref<64x128xf32, #tpu.memory_space<vmem>>, vector<16xf32>,
      %get3A_3351 = arith.index_cast %add3A_3289 : i32 to index
      %get3A_3352 = arith.constant 96 : index
      %get3A_3353 = tpu.vector_load %arg16[%get3A_3351, %get3A_3352] {strides = array<i32>} : memref<64x128xf32, #tpu.memory_space<vmem>>, vector<16xf32>,
      %sub3A_3354 = arith.subf %get3A_3344, %get3A_3347 : vector<16xf32>
      %add3A_3355 = arith.addf %sub3A_3354, %get3A_3350 : vector<16xf32>
      %mul3A_3356 = arith.mulf %add3A_3355, %add3A_3355 : vector<16xf32>
      %add3A_3357 = arith.addf %add3A_3335, %mul3A_3356 : vector<16xf32>
      %mul3A_3358 = arith.mulf %add3A_3355, %get3A_3353 : vector<16xf32>
      %add3A_3359 = arith.addf %add3A_3337, %mul3A_3358 : vector<16xf32>
      %mul3A_3360 = arith.mulf %get3A_3353, %get3A_3350 : vector<16xf32>
      %add3A_3361 = arith.addf %add3A_3339, %mul3A_3360 : vector<16xf32>
      %mul3A_3362 = arith.mulf %get3A_3353, %get3A_3353 : vector<16xf32>
      %add3A_3363 = arith.addf %add3A_3341, %mul3A_3362 : vector<16xf32>
      %get3A_3364 = arith.index_cast %add3A_3277 : i32 to index
      %get3A_3365 = arith.constant 48 : index
      %get3A_3366 = tpu.vector_load %arg12[%get3A_3364, %get3A_3365] {strides = array<i32>} : memref<64x64xf32, #tpu.memory_space<vmem>>, vector<16xf32>,
      %get3A_3367 = arith.index_cast %add3A_3283 : i32 to index
      %get3A_3368 = arith.constant 48 : index
      %get3A_3369 = tpu.vector_load %arg14[%get3A_3367, %get3A_3368] {strides = array<i32>} : memref<64x64xf32, #tpu.memory_space<vmem>>, vector<16xf32>,
      %get3A_3370 = arith.index_cast %add3A_3289 : i32 to index
      %get3A_3371 = arith.constant 48 : index
      %get3A_3372 = tpu.vector_load %arg16[%get3A_3370, %get3A_3371] {strides = array<i32>} : memref<64x128xf32, #tpu.memory_space<vmem>>, vector<16xf32>,
      %get3A_3373 = arith.index_cast %add3A_3289 : i32 to index
      %get3A_3374 = arith.constant 112 : index
      %get3A_3375 = tpu.vector_load %arg16[%get3A_3373, %get3A_3374] {strides = array<i32>} : memref<64x128xf32, #tpu.memory_space<vmem>>, vector<16xf32>,
      %sub3A_3376 = arith.subf %get3A_3366, %get3A_3369 : vector<16xf32>
      %add3A_3377 = arith.addf %sub3A_3376, %get3A_3372 : vector<16xf32>
      %mul3A_3378 = arith.mulf %add3A_3377, %add3A_3377 : vector<16xf32>
      %add3A_3379 = arith.addf %add3A_3357, %mul3A_3378 : vector<16xf32>
      %mul3A_3380 = arith.mulf %add3A_3377, %get3A_3375 : vector<16xf32>
      %add3A_3381 = arith.addf %add3A_3359, %mul3A_3380 : vector<16xf32>
      %mul3A_3382 = arith.mulf %get3A_3375, %get3A_3372 : vector<16xf32>
      %add3A_3383 = arith.addf %add3A_3361, %mul3A_3382 : vector<16xf32>
      %mul3A_3384 = arith.mulf %get3A_3375, %get3A_3375 : vector<16xf32>
      %add3A_3385 = arith.addf %add3A_3363, %mul3A_3384 : vector<16xf32>
      %reduce_sum3A_3386 = arith.constant true
      %reduce_sum3A_3387 = vector.broadcast %reduce_sum3A_3386 : i1 to vector<16xi1>
      %reduce_sum3A_3388 = tpu.scan <sum>, %add3A_3379 masked %reduce_sum3A_3387 : vector<16xf32>, vector<16xi1> -> vector<16xf32>
      %reduce_sum3A_3389 = vector.extract %reduce_sum3A_3388[15] : f32 from vector<16xf32>
      %reduce_sum3A_3390 = arith.constant true
      %reduce_sum3A_3391 = vector.broadcast %reduce_sum3A_3390 : i1 to vector<16xi1>
      %reduce_sum3A_3392 = tpu.scan <sum>, %add3A_3381 masked %reduce_sum3A_3391 : vector<16xf32>, vector<16xi1> -> vector<16xf32>
      %reduce_sum3A_3393 = vector.extract %reduce_sum3A_3392[15] : f32 from vector<16xf32>
      %reduce_sum3A_3394 = arith.constant true
      %reduce_sum3A_3395 = vector.broadcast %reduce_sum3A_3394 : i1 to vector<16xi1>
      %reduce_sum3A_3396 = tpu.scan <sum>, %add3A_3383 masked %reduce_sum3A_3395 : vector<16xf32>, vector<16xi1> -> vector<16xf32>
      %reduce_sum3A_3397 = vector.extract %reduce_sum3A_3396[15] : f32 from vector<16xf32>
      %reduce_sum3A_3398 = arith.constant true
      %reduce_sum3A_3399 = vector.broadcast %reduce_sum3A_3398 : i1 to vector<16xi1>
      %reduce_sum3A_3400 = tpu.scan <sum>, %add3A_3385 masked %reduce_sum3A_3399 : vector<16xf32>, vector<16xi1> -> vector<16xf32>
      %reduce_sum3A_3401 = vector.extract %reduce_sum3A_3400[15] : f32 from vector<16xf32>
      %sub3A_3402 = arith.subf %reduce_sum3A_3393, %reduce_sum3A_3397 : f32
      %mul3A_3403 = arith.mulf %scan3A_478, %sub3A_3402 : f32
      %mul3A_3404 = arith.mulf %mul3A_3403, %reduce_sum3A_3393 : f32
      %sub3A_3405 = arith.subf %reduce_sum3A_3389, %mul3A_3404 : f32
      %mul3A_3406 = arith.mulf %sub3A_3402, %sub3A_3402 : f32
      %mul3A_3407 = arith.mulf %mul3A_3406, %reduce_sum3A_3401 : f32
      %add3A_3408 = arith.addf %sub3A_3405, %mul3A_3407 : f32
      %eq3A_3409 = arith.constant 13 : i32
      %eq3A_3410 = vector.broadcast %eq3A_3409 : i32 to vector<16xi32>
      %eq3A_3411 = arith.cmpi eq, %iota3A, %eq3A_3410 : vector<16xi32>
      %broadcast_in_dim3A_3412 = vector.broadcast %add3A_3408 : f32 to vector<16xf32>
      %select_n3A_3413 = arith.select %eq3A_3411, %broadcast_in_dim3A_3412, %select_n3A_3271 : vector<16xi1>, vector<16xf32>
      %slice3A_3414 = vector.extract_strided_slice %get3A_520 {offsets = [14], sizes = [1], strides = [1]} : vector<16xi32> to vector<1xi32>
      %squeeze3A_3415 = vector.extract %slice3A_3414[0] : i32 from vector<1xi32>
      %and3A_3416 = arith.constant 7 : i32
      %and3A_3417 = arith.andi %squeeze3A_3415, %and3A_3416 : i32
      %add3A_3418 = arith.constant 48 : i32
      %add3A_3419 = arith.addi %add3A_3418, %and3A_3417 : i32
      %slice3A_3420 = vector.extract_strided_slice %get3A_522 {offsets = [14], sizes = [1], strides = [1]} : vector<16xi32> to vector<1xi32>
      %squeeze3A_3421 = vector.extract %slice3A_3420[0] : i32 from vector<1xi32>
      %and3A_3422 = arith.constant 7 : i32
      %and3A_3423 = arith.andi %squeeze3A_3421, %and3A_3422 : i32
      %add3A_3424 = arith.constant 48 : i32
      %add3A_3425 = arith.addi %add3A_3424, %and3A_3423 : i32
      %slice3A_3426 = vector.extract_strided_slice %get3A_524 {offsets = [14], sizes = [1], strides = [1]} : vector<16xi32> to vector<1xi32>
      %squeeze3A_3427 = vector.extract %slice3A_3426[0] : i32 from vector<1xi32>
      %and3A_3428 = arith.constant 7 : i32
      %and3A_3429 = arith.andi %squeeze3A_3427, %and3A_3428 : i32
      %add3A_3430 = arith.constant 48 : i32
      %add3A_3431 = arith.addi %add3A_3430, %and3A_3429 : i32
      %broadcast_in_dim3A_3432 = arith.constant 0.000000e+00 : f32
      %broadcast_in_dim3A_3433 = vector.broadcast %broadcast_in_dim3A_3432 : f32 to vector<16xf32>
      %broadcast_in_dim3A_3434 = arith.constant 0.000000e+00 : f32
      %broadcast_in_dim3A_3435 = vector.broadcast %broadcast_in_dim3A_3434 : f32 to vector<16xf32>
      %broadcast_in_dim3A_3436 = arith.constant 0.000000e+00 : f32
      %broadcast_in_dim3A_3437 = vector.broadcast %broadcast_in_dim3A_3436 : f32 to vector<16xf32>
      %broadcast_in_dim3A_3438 = arith.constant 0.000000e+00 : f32
      %broadcast_in_dim3A_3439 = vector.broadcast %broadcast_in_dim3A_3438 : f32 to vector<16xf32>
      %get3A_3440 = arith.index_cast %add3A_3419 : i32 to index
      %get3A_3441 = arith.constant 0 : index
      %get3A_3442 = tpu.vector_load %arg12[%get3A_3440, %get3A_3441] {strides = array<i32>} : memref<64x64xf32, #tpu.memory_space<vmem>>, vector<16xf32>,
      %get3A_3443 = arith.index_cast %add3A_3425 : i32 to index
      %get3A_3444 = arith.constant 0 : index
      %get3A_3445 = tpu.vector_load %arg14[%get3A_3443, %get3A_3444] {strides = array<i32>} : memref<64x64xf32, #tpu.memory_space<vmem>>, vector<16xf32>,
      %get3A_3446 = arith.index_cast %add3A_3431 : i32 to index
      %get3A_3447 = arith.constant 0 : index
      %get3A_3448 = tpu.vector_load %arg16[%get3A_3446, %get3A_3447] {strides = array<i32>} : memref<64x128xf32, #tpu.memory_space<vmem>>, vector<16xf32>,
      %get3A_3449 = arith.index_cast %add3A_3431 : i32 to index
      %get3A_3450 = arith.constant 64 : index
      %get3A_3451 = tpu.vector_load %arg16[%get3A_3449, %get3A_3450] {strides = array<i32>} : memref<64x128xf32, #tpu.memory_space<vmem>>, vector<16xf32>,
      %sub3A_3452 = arith.subf %get3A_3442, %get3A_3445 : vector<16xf32>
      %add3A_3453 = arith.addf %sub3A_3452, %get3A_3448 : vector<16xf32>
      %mul3A_3454 = arith.mulf %add3A_3453, %add3A_3453 : vector<16xf32>
      %add3A_3455 = arith.addf %broadcast_in_dim3A_3433, %mul3A_3454 : vector<16xf32>
      %mul3A_3456 = arith.mulf %add3A_3453, %get3A_3451 : vector<16xf32>
      %add3A_3457 = arith.addf %broadcast_in_dim3A_3435, %mul3A_3456 : vector<16xf32>
      %mul3A_3458 = arith.mulf %get3A_3451, %get3A_3448 : vector<16xf32>
      %add3A_3459 = arith.addf %broadcast_in_dim3A_3437, %mul3A_3458 : vector<16xf32>
      %mul3A_3460 = arith.mulf %get3A_3451, %get3A_3451 : vector<16xf32>
      %add3A_3461 = arith.addf %broadcast_in_dim3A_3439, %mul3A_3460 : vector<16xf32>
      %get3A_3462 = arith.index_cast %add3A_3419 : i32 to index
      %get3A_3463 = arith.constant 16 : index
      %get3A_3464 = tpu.vector_load %arg12[%get3A_3462, %get3A_3463] {strides = array<i32>} : memref<64x64xf32, #tpu.memory_space<vmem>>, vector<16xf32>,
      %get3A_3465 = arith.index_cast %add3A_3425 : i32 to index
      %get3A_3466 = arith.constant 16 : index
      %get3A_3467 = tpu.vector_load %arg14[%get3A_3465, %get3A_3466] {strides = array<i32>} : memref<64x64xf32, #tpu.memory_space<vmem>>, vector<16xf32>,
      %get3A_3468 = arith.index_cast %add3A_3431 : i32 to index
      %get3A_3469 = arith.constant 16 : index
      %get3A_3470 = tpu.vector_load %arg16[%get3A_3468, %get3A_3469] {strides = array<i32>} : memref<64x128xf32, #tpu.memory_space<vmem>>, vector<16xf32>,
      %get3A_3471 = arith.index_cast %add3A_3431 : i32 to index
      %get3A_3472 = arith.constant 80 : index
      %get3A_3473 = tpu.vector_load %arg16[%get3A_3471, %get3A_3472] {strides = array<i32>} : memref<64x128xf32, #tpu.memory_space<vmem>>, vector<16xf32>,
      %sub3A_3474 = arith.subf %get3A_3464, %get3A_3467 : vector<16xf32>
      %add3A_3475 = arith.addf %sub3A_3474, %get3A_3470 : vector<16xf32>
      %mul3A_3476 = arith.mulf %add3A_3475, %add3A_3475 : vector<16xf32>
      %add3A_3477 = arith.addf %add3A_3455, %mul3A_3476 : vector<16xf32>
      %mul3A_3478 = arith.mulf %add3A_3475, %get3A_3473 : vector<16xf32>
      %add3A_3479 = arith.addf %add3A_3457, %mul3A_3478 : vector<16xf32>
      %mul3A_3480 = arith.mulf %get3A_3473, %get3A_3470 : vector<16xf32>
      %add3A_3481 = arith.addf %add3A_3459, %mul3A_3480 : vector<16xf32>
      %mul3A_3482 = arith.mulf %get3A_3473, %get3A_3473 : vector<16xf32>
      %add3A_3483 = arith.addf %add3A_3461, %mul3A_3482 : vector<16xf32>
      %get3A_3484 = arith.index_cast %add3A_3419 : i32 to index
      %get3A_3485 = arith.constant 32 : index
      %get3A_3486 = tpu.vector_load %arg12[%get3A_3484, %get3A_3485] {strides = array<i32>} : memref<64x64xf32, #tpu.memory_space<vmem>>, vector<16xf32>,
      %get3A_3487 = arith.index_cast %add3A_3425 : i32 to index
      %get3A_3488 = arith.constant 32 : index
      %get3A_3489 = tpu.vector_load %arg14[%get3A_3487, %get3A_3488] {strides = array<i32>} : memref<64x64xf32, #tpu.memory_space<vmem>>, vector<16xf32>,
      %get3A_3490 = arith.index_cast %add3A_3431 : i32 to index
      %get3A_3491 = arith.constant 32 : index
      %get3A_3492 = tpu.vector_load %arg16[%get3A_3490, %get3A_3491] {strides = array<i32>} : memref<64x128xf32, #tpu.memory_space<vmem>>, vector<16xf32>,
      %get3A_3493 = arith.index_cast %add3A_3431 : i32 to index
      %get3A_3494 = arith.constant 96 : index
      %get3A_3495 = tpu.vector_load %arg16[%get3A_3493, %get3A_3494] {strides = array<i32>} : memref<64x128xf32, #tpu.memory_space<vmem>>, vector<16xf32>,
      %sub3A_3496 = arith.subf %get3A_3486, %get3A_3489 : vector<16xf32>
      %add3A_3497 = arith.addf %sub3A_3496, %get3A_3492 : vector<16xf32>
      %mul3A_3498 = arith.mulf %add3A_3497, %add3A_3497 : vector<16xf32>
      %add3A_3499 = arith.addf %add3A_3477, %mul3A_3498 : vector<16xf32>
      %mul3A_3500 = arith.mulf %add3A_3497, %get3A_3495 : vector<16xf32>
      %add3A_3501 = arith.addf %add3A_3479, %mul3A_3500 : vector<16xf32>
      %mul3A_3502 = arith.mulf %get3A_3495, %get3A_3492 : vector<16xf32>
      %add3A_3503 = arith.addf %add3A_3481, %mul3A_3502 : vector<16xf32>
      %mul3A_3504 = arith.mulf %get3A_3495, %get3A_3495 : vector<16xf32>
      %add3A_3505 = arith.addf %add3A_3483, %mul3A_3504 : vector<16xf32>
      %get3A_3506 = arith.index_cast %add3A_3419 : i32 to index
      %get3A_3507 = arith.constant 48 : index
      %get3A_3508 = tpu.vector_load %arg12[%get3A_3506, %get3A_3507] {strides = array<i32>} : memref<64x64xf32, #tpu.memory_space<vmem>>, vector<16xf32>,
      %get3A_3509 = arith.index_cast %add3A_3425 : i32 to index
      %get3A_3510 = arith.constant 48 : index
      %get3A_3511 = tpu.vector_load %arg14[%get3A_3509, %get3A_3510] {strides = array<i32>} : memref<64x64xf32, #tpu.memory_space<vmem>>, vector<16xf32>,
      %get3A_3512 = arith.index_cast %add3A_3431 : i32 to index
      %get3A_3513 = arith.constant 48 : index
      %get3A_3514 = tpu.vector_load %arg16[%get3A_3512, %get3A_3513] {strides = array<i32>} : memref<64x128xf32, #tpu.memory_space<vmem>>, vector<16xf32>,
      %get3A_3515 = arith.index_cast %add3A_3431 : i32 to index
      %get3A_3516 = arith.constant 112 : index
      %get3A_3517 = tpu.vector_load %arg16[%get3A_3515, %get3A_3516] {strides = array<i32>} : memref<64x128xf32, #tpu.memory_space<vmem>>, vector<16xf32>,
      %sub3A_3518 = arith.subf %get3A_3508, %get3A_3511 : vector<16xf32>
      %add3A_3519 = arith.addf %sub3A_3518, %get3A_3514 : vector<16xf32>
      %mul3A_3520 = arith.mulf %add3A_3519, %add3A_3519 : vector<16xf32>
      %add3A_3521 = arith.addf %add3A_3499, %mul3A_3520 : vector<16xf32>
      %mul3A_3522 = arith.mulf %add3A_3519, %get3A_3517 : vector<16xf32>
      %add3A_3523 = arith.addf %add3A_3501, %mul3A_3522 : vector<16xf32>
      %mul3A_3524 = arith.mulf %get3A_3517, %get3A_3514 : vector<16xf32>
      %add3A_3525 = arith.addf %add3A_3503, %mul3A_3524 : vector<16xf32>
      %mul3A_3526 = arith.mulf %get3A_3517, %get3A_3517 : vector<16xf32>
      %add3A_3527 = arith.addf %add3A_3505, %mul3A_3526 : vector<16xf32>
      %reduce_sum3A_3528 = arith.constant true
      %reduce_sum3A_3529 = vector.broadcast %reduce_sum3A_3528 : i1 to vector<16xi1>
      %reduce_sum3A_3530 = tpu.scan <sum>, %add3A_3521 masked %reduce_sum3A_3529 : vector<16xf32>, vector<16xi1> -> vector<16xf32>
      %reduce_sum3A_3531 = vector.extract %reduce_sum3A_3530[15] : f32 from vector<16xf32>
      %reduce_sum3A_3532 = arith.constant true
      %reduce_sum3A_3533 = vector.broadcast %reduce_sum3A_3532 : i1 to vector<16xi1>
      %reduce_sum3A_3534 = tpu.scan <sum>, %add3A_3523 masked %reduce_sum3A_3533 : vector<16xf32>, vector<16xi1> -> vector<16xf32>
      %reduce_sum3A_3535 = vector.extract %reduce_sum3A_3534[15] : f32 from vector<16xf32>
      %reduce_sum3A_3536 = arith.constant true
      %reduce_sum3A_3537 = vector.broadcast %reduce_sum3A_3536 : i1 to vector<16xi1>
      %reduce_sum3A_3538 = tpu.scan <sum>, %add3A_3525 masked %reduce_sum3A_3537 : vector<16xf32>, vector<16xi1> -> vector<16xf32>
      %reduce_sum3A_3539 = vector.extract %reduce_sum3A_3538[15] : f32 from vector<16xf32>
      %reduce_sum3A_3540 = arith.constant true
      %reduce_sum3A_3541 = vector.broadcast %reduce_sum3A_3540 : i1 to vector<16xi1>
      %reduce_sum3A_3542 = tpu.scan <sum>, %add3A_3527 masked %reduce_sum3A_3541 : vector<16xf32>, vector<16xi1> -> vector<16xf32>
      %reduce_sum3A_3543 = vector.extract %reduce_sum3A_3542[15] : f32 from vector<16xf32>
      %sub3A_3544 = arith.subf %reduce_sum3A_3535, %reduce_sum3A_3539 : f32
      %mul3A_3545 = arith.mulf %scan3A_478, %sub3A_3544 : f32
      %mul3A_3546 = arith.mulf %mul3A_3545, %reduce_sum3A_3535 : f32
      %sub3A_3547 = arith.subf %reduce_sum3A_3531, %mul3A_3546 : f32
      %mul3A_3548 = arith.mulf %sub3A_3544, %sub3A_3544 : f32
      %mul3A_3549 = arith.mulf %mul3A_3548, %reduce_sum3A_3543 : f32
      %add3A_3550 = arith.addf %sub3A_3547, %mul3A_3549 : f32
      %eq3A_3551 = arith.constant 14 : i32
      %eq3A_3552 = vector.broadcast %eq3A_3551 : i32 to vector<16xi32>
      %eq3A_3553 = arith.cmpi eq, %iota3A, %eq3A_3552 : vector<16xi32>
      %broadcast_in_dim3A_3554 = vector.broadcast %add3A_3550 : f32 to vector<16xf32>
      %select_n3A_3555 = arith.select %eq3A_3553, %broadcast_in_dim3A_3554, %select_n3A_3413 : vector<16xi1>, vector<16xf32>
      %slice3A_3556 = vector.extract_strided_slice %get3A_520 {offsets = [15], sizes = [1], strides = [1]} : vector<16xi32> to vector<1xi32>
      %squeeze3A_3557 = vector.extract %slice3A_3556[0] : i32 from vector<1xi32>
      %and3A_3558 = arith.constant 7 : i32
      %and3A_3559 = arith.andi %squeeze3A_3557, %and3A_3558 : i32
      %add3A_3560 = arith.constant 56 : i32
      %add3A_3561 = arith.addi %add3A_3560, %and3A_3559 : i32
      %slice3A_3562 = vector.extract_strided_slice %get3A_522 {offsets = [15], sizes = [1], strides = [1]} : vector<16xi32> to vector<1xi32>
      %squeeze3A_3563 = vector.extract %slice3A_3562[0] : i32 from vector<1xi32>
      %and3A_3564 = arith.constant 7 : i32
      %and3A_3565 = arith.andi %squeeze3A_3563, %and3A_3564 : i32
      %add3A_3566 = arith.constant 56 : i32
      %add3A_3567 = arith.addi %add3A_3566, %and3A_3565 : i32
      %slice3A_3568 = vector.extract_strided_slice %get3A_524 {offsets = [15], sizes = [1], strides = [1]} : vector<16xi32> to vector<1xi32>
      %squeeze3A_3569 = vector.extract %slice3A_3568[0] : i32 from vector<1xi32>
      %and3A_3570 = arith.constant 7 : i32
      %and3A_3571 = arith.andi %squeeze3A_3569, %and3A_3570 : i32
      %add3A_3572 = arith.constant 56 : i32
      %add3A_3573 = arith.addi %add3A_3572, %and3A_3571 : i32
      %broadcast_in_dim3A_3574 = arith.constant 0.000000e+00 : f32
      %broadcast_in_dim3A_3575 = vector.broadcast %broadcast_in_dim3A_3574 : f32 to vector<16xf32>
      %broadcast_in_dim3A_3576 = arith.constant 0.000000e+00 : f32
      %broadcast_in_dim3A_3577 = vector.broadcast %broadcast_in_dim3A_3576 : f32 to vector<16xf32>
      %broadcast_in_dim3A_3578 = arith.constant 0.000000e+00 : f32
      %broadcast_in_dim3A_3579 = vector.broadcast %broadcast_in_dim3A_3578 : f32 to vector<16xf32>
      %broadcast_in_dim3A_3580 = arith.constant 0.000000e+00 : f32
      %broadcast_in_dim3A_3581 = vector.broadcast %broadcast_in_dim3A_3580 : f32 to vector<16xf32>
      %get3A_3582 = arith.index_cast %add3A_3561 : i32 to index
      %get3A_3583 = arith.constant 0 : index
      %get3A_3584 = tpu.vector_load %arg12[%get3A_3582, %get3A_3583] {strides = array<i32>} : memref<64x64xf32, #tpu.memory_space<vmem>>, vector<16xf32>,
      %get3A_3585 = arith.index_cast %add3A_3567 : i32 to index
      %get3A_3586 = arith.constant 0 : index
      %get3A_3587 = tpu.vector_load %arg14[%get3A_3585, %get3A_3586] {strides = array<i32>} : memref<64x64xf32, #tpu.memory_space<vmem>>, vector<16xf32>,
      %get3A_3588 = arith.index_cast %add3A_3573 : i32 to index
      %get3A_3589 = arith.constant 0 : index
      %get3A_3590 = tpu.vector_load %arg16[%get3A_3588, %get3A_3589] {strides = array<i32>} : memref<64x128xf32, #tpu.memory_space<vmem>>, vector<16xf32>,
      %get3A_3591 = arith.index_cast %add3A_3573 : i32 to index
      %get3A_3592 = arith.constant 64 : index
      %get3A_3593 = tpu.vector_load %arg16[%get3A_3591, %get3A_3592] {strides = array<i32>} : memref<64x128xf32, #tpu.memory_space<vmem>>, vector<16xf32>,
      %sub3A_3594 = arith.subf %get3A_3584, %get3A_3587 : vector<16xf32>
      %add3A_3595 = arith.addf %sub3A_3594, %get3A_3590 : vector<16xf32>
      %mul3A_3596 = arith.mulf %add3A_3595, %add3A_3595 : vector<16xf32>
      %add3A_3597 = arith.addf %broadcast_in_dim3A_3575, %mul3A_3596 : vector<16xf32>
      %mul3A_3598 = arith.mulf %add3A_3595, %get3A_3593 : vector<16xf32>
      %add3A_3599 = arith.addf %broadcast_in_dim3A_3577, %mul3A_3598 : vector<16xf32>
      %mul3A_3600 = arith.mulf %get3A_3593, %get3A_3590 : vector<16xf32>
      %add3A_3601 = arith.addf %broadcast_in_dim3A_3579, %mul3A_3600 : vector<16xf32>
      %mul3A_3602 = arith.mulf %get3A_3593, %get3A_3593 : vector<16xf32>
      %add3A_3603 = arith.addf %broadcast_in_dim3A_3581, %mul3A_3602 : vector<16xf32>
      %get3A_3604 = arith.index_cast %add3A_3561 : i32 to index
      %get3A_3605 = arith.constant 16 : index
      %get3A_3606 = tpu.vector_load %arg12[%get3A_3604, %get3A_3605] {strides = array<i32>} : memref<64x64xf32, #tpu.memory_space<vmem>>, vector<16xf32>,
      %get3A_3607 = arith.index_cast %add3A_3567 : i32 to index
      %get3A_3608 = arith.constant 16 : index
      %get3A_3609 = tpu.vector_load %arg14[%get3A_3607, %get3A_3608] {strides = array<i32>} : memref<64x64xf32, #tpu.memory_space<vmem>>, vector<16xf32>,
      %get3A_3610 = arith.index_cast %add3A_3573 : i32 to index
      %get3A_3611 = arith.constant 16 : index
      %get3A_3612 = tpu.vector_load %arg16[%get3A_3610, %get3A_3611] {strides = array<i32>} : memref<64x128xf32, #tpu.memory_space<vmem>>, vector<16xf32>,
      %get3A_3613 = arith.index_cast %add3A_3573 : i32 to index
      %get3A_3614 = arith.constant 80 : index
      %get3A_3615 = tpu.vector_load %arg16[%get3A_3613, %get3A_3614] {strides = array<i32>} : memref<64x128xf32, #tpu.memory_space<vmem>>, vector<16xf32>,
      %sub3A_3616 = arith.subf %get3A_3606, %get3A_3609 : vector<16xf32>
      %add3A_3617 = arith.addf %sub3A_3616, %get3A_3612 : vector<16xf32>
      %mul3A_3618 = arith.mulf %add3A_3617, %add3A_3617 : vector<16xf32>
      %add3A_3619 = arith.addf %add3A_3597, %mul3A_3618 : vector<16xf32>
      %mul3A_3620 = arith.mulf %add3A_3617, %get3A_3615 : vector<16xf32>
      %add3A_3621 = arith.addf %add3A_3599, %mul3A_3620 : vector<16xf32>
      %mul3A_3622 = arith.mulf %get3A_3615, %get3A_3612 : vector<16xf32>
      %add3A_3623 = arith.addf %add3A_3601, %mul3A_3622 : vector<16xf32>
      %mul3A_3624 = arith.mulf %get3A_3615, %get3A_3615 : vector<16xf32>
      %add3A_3625 = arith.addf %add3A_3603, %mul3A_3624 : vector<16xf32>
      %get3A_3626 = arith.index_cast %add3A_3561 : i32 to index
      %get3A_3627 = arith.constant 32 : index
      %get3A_3628 = tpu.vector_load %arg12[%get3A_3626, %get3A_3627] {strides = array<i32>} : memref<64x64xf32, #tpu.memory_space<vmem>>, vector<16xf32>,
      %get3A_3629 = arith.index_cast %add3A_3567 : i32 to index
      %get3A_3630 = arith.constant 32 : index
      %get3A_3631 = tpu.vector_load %arg14[%get3A_3629, %get3A_3630] {strides = array<i32>} : memref<64x64xf32, #tpu.memory_space<vmem>>, vector<16xf32>,
      %get3A_3632 = arith.index_cast %add3A_3573 : i32 to index
      %get3A_3633 = arith.constant 32 : index
      %get3A_3634 = tpu.vector_load %arg16[%get3A_3632, %get3A_3633] {strides = array<i32>} : memref<64x128xf32, #tpu.memory_space<vmem>>, vector<16xf32>,
      %get3A_3635 = arith.index_cast %add3A_3573 : i32 to index
      %get3A_3636 = arith.constant 96 : index
      %get3A_3637 = tpu.vector_load %arg16[%get3A_3635, %get3A_3636] {strides = array<i32>} : memref<64x128xf32, #tpu.memory_space<vmem>>, vector<16xf32>,
      %sub3A_3638 = arith.subf %get3A_3628, %get3A_3631 : vector<16xf32>
      %add3A_3639 = arith.addf %sub3A_3638, %get3A_3634 : vector<16xf32>
      %mul3A_3640 = arith.mulf %add3A_3639, %add3A_3639 : vector<16xf32>
      %add3A_3641 = arith.addf %add3A_3619, %mul3A_3640 : vector<16xf32>
      %mul3A_3642 = arith.mulf %add3A_3639, %get3A_3637 : vector<16xf32>
      %add3A_3643 = arith.addf %add3A_3621, %mul3A_3642 : vector<16xf32>
      %mul3A_3644 = arith.mulf %get3A_3637, %get3A_3634 : vector<16xf32>
      %add3A_3645 = arith.addf %add3A_3623, %mul3A_3644 : vector<16xf32>
      %mul3A_3646 = arith.mulf %get3A_3637, %get3A_3637 : vector<16xf32>
      %add3A_3647 = arith.addf %add3A_3625, %mul3A_3646 : vector<16xf32>
      %get3A_3648 = arith.index_cast %add3A_3561 : i32 to index
      %get3A_3649 = arith.constant 48 : index
      %get3A_3650 = tpu.vector_load %arg12[%get3A_3648, %get3A_3649] {strides = array<i32>} : memref<64x64xf32, #tpu.memory_space<vmem>>, vector<16xf32>,
      %get3A_3651 = arith.index_cast %add3A_3567 : i32 to index
      %get3A_3652 = arith.constant 48 : index
      %get3A_3653 = tpu.vector_load %arg14[%get3A_3651, %get3A_3652] {strides = array<i32>} : memref<64x64xf32, #tpu.memory_space<vmem>>, vector<16xf32>,
      %get3A_3654 = arith.index_cast %add3A_3573 : i32 to index
      %get3A_3655 = arith.constant 48 : index
      %get3A_3656 = tpu.vector_load %arg16[%get3A_3654, %get3A_3655] {strides = array<i32>} : memref<64x128xf32, #tpu.memory_space<vmem>>, vector<16xf32>,
      %get3A_3657 = arith.index_cast %add3A_3573 : i32 to index
      %get3A_3658 = arith.constant 112 : index
      %get3A_3659 = tpu.vector_load %arg16[%get3A_3657, %get3A_3658] {strides = array<i32>} : memref<64x128xf32, #tpu.memory_space<vmem>>, vector<16xf32>,
      %sub3A_3660 = arith.subf %get3A_3650, %get3A_3653 : vector<16xf32>
      %add3A_3661 = arith.addf %sub3A_3660, %get3A_3656 : vector<16xf32>
      %mul3A_3662 = arith.mulf %add3A_3661, %add3A_3661 : vector<16xf32>
      %add3A_3663 = arith.addf %add3A_3641, %mul3A_3662 : vector<16xf32>
      %mul3A_3664 = arith.mulf %add3A_3661, %get3A_3659 : vector<16xf32>
      %add3A_3665 = arith.addf %add3A_3643, %mul3A_3664 : vector<16xf32>
      %mul3A_3666 = arith.mulf %get3A_3659, %get3A_3656 : vector<16xf32>
      %add3A_3667 = arith.addf %add3A_3645, %mul3A_3666 : vector<16xf32>
      %mul3A_3668 = arith.mulf %get3A_3659, %get3A_3659 : vector<16xf32>
      %add3A_3669 = arith.addf %add3A_3647, %mul3A_3668 : vector<16xf32>
      %reduce_sum3A_3670 = arith.constant true
      %reduce_sum3A_3671 = vector.broadcast %reduce_sum3A_3670 : i1 to vector<16xi1>
      %reduce_sum3A_3672 = tpu.scan <sum>, %add3A_3663 masked %reduce_sum3A_3671 : vector<16xf32>, vector<16xi1> -> vector<16xf32>
      %reduce_sum3A_3673 = vector.extract %reduce_sum3A_3672[15] : f32 from vector<16xf32>
      %reduce_sum3A_3674 = arith.constant true
      %reduce_sum3A_3675 = vector.broadcast %reduce_sum3A_3674 : i1 to vector<16xi1>
      %reduce_sum3A_3676 = tpu.scan <sum>, %add3A_3665 masked %reduce_sum3A_3675 : vector<16xf32>, vector<16xi1> -> vector<16xf32>
      %reduce_sum3A_3677 = vector.extract %reduce_sum3A_3676[15] : f32 from vector<16xf32>
      %reduce_sum3A_3678 = arith.constant true
      %reduce_sum3A_3679 = vector.broadcast %reduce_sum3A_3678 : i1 to vector<16xi1>
      %reduce_sum3A_3680 = tpu.scan <sum>, %add3A_3667 masked %reduce_sum3A_3679 : vector<16xf32>, vector<16xi1> -> vector<16xf32>
      %reduce_sum3A_3681 = vector.extract %reduce_sum3A_3680[15] : f32 from vector<16xf32>
      %reduce_sum3A_3682 = arith.constant true
      %reduce_sum3A_3683 = vector.broadcast %reduce_sum3A_3682 : i1 to vector<16xi1>
      %reduce_sum3A_3684 = tpu.scan <sum>, %add3A_3669 masked %reduce_sum3A_3683 : vector<16xf32>, vector<16xi1> -> vector<16xf32>
      %reduce_sum3A_3685 = vector.extract %reduce_sum3A_3684[15] : f32 from vector<16xf32>
      %sub3A_3686 = arith.subf %reduce_sum3A_3677, %reduce_sum3A_3681 : f32
      %mul3A_3687 = arith.mulf %scan3A_478, %sub3A_3686 : f32
      %mul3A_3688 = arith.mulf %mul3A_3687, %reduce_sum3A_3677 : f32
      %sub3A_3689 = arith.subf %reduce_sum3A_3673, %mul3A_3688 : f32
      %mul3A_3690 = arith.mulf %sub3A_3686, %sub3A_3686 : f32
      %mul3A_3691 = arith.mulf %mul3A_3690, %reduce_sum3A_3685 : f32
      %add3A_3692 = arith.addf %sub3A_3689, %mul3A_3691 : f32
      %eq3A_3693 = arith.constant 15 : i32
      %eq3A_3694 = vector.broadcast %eq3A_3693 : i32 to vector<16xi32>
      %eq3A_3695 = arith.cmpi eq, %iota3A, %eq3A_3694 : vector<16xi32>
      %broadcast_in_dim3A_3696 = vector.broadcast %add3A_3692 : f32 to vector<16xf32>
      %select_n3A_3697 = arith.select %eq3A_3695, %broadcast_in_dim3A_3696, %select_n3A_3555 : vector<16xi1>, vector<16xf32>
      %swap3A_3698 = arith.index_cast %mul3A_518 : i32 to index
      %swap3A_3699 = tpu.vector_load %arg17[%swap3A_3698] {strides = array<i32>} : memref<512xf32, #tpu.memory_space<vmem>>, vector<16xf32>,
      tpu.vector_store %arg17[%swap3A_3698], %select_n3A_3697 {strides = array<i32>} : memref<512xf32, #tpu.memory_space<vmem>>, vector<16xf32>,
      %scan3A_3700 = arith.constant 0 : i32
      scf.yield %scan3A_3700 : i32
    }
    %scan3A_485 = arith.constant 32 : i32
    %dma_wait3A_486 = arith.constant 0 : i32
    %dma_wait3A_487 = arith.constant 0 : i32
    %dma_wait3A_488 = tpu.memref_slice %arg5[%dma_wait3A_486, %dma_wait3A_487] : memref<1000000x64xf32, #tpu.memory_space<hbm>> -> memref<64x64xf32, #tpu.memory_space<hbm>>
    %dma_wait3A_489 = arith.constant 0 : i32
    %dma_wait3A_490 = arith.constant 0 : i32
    %dma_wait3A_491 = tpu.memref_slice %arg5[%dma_wait3A_489, %dma_wait3A_490] : memref<1000000x64xf32, #tpu.memory_space<hbm>> -> memref<64x64xf32, #tpu.memory_space<hbm>>
    tpu.wait_dma2 semaphore(%arg18 : memref<!tpu.dma_semaphore, #tpu.memory_space<semaphore_mem>>) src(%dma_wait3A_491 : memref<64x64xf32, #tpu.memory_space<hbm>>) dst(%arg11 : memref<64x64xf32, #tpu.memory_space<vmem>>)
    %dma_wait3A_492 = arith.constant 0 : i32
    %dma_wait3A_493 = arith.constant 0 : i32
    %dma_wait3A_494 = tpu.memref_slice %arg5[%dma_wait3A_492, %dma_wait3A_493] : memref<1000000x64xf32, #tpu.memory_space<hbm>> -> memref<64x64xf32, #tpu.memory_space<hbm>>
    %dma_wait3A_495 = arith.constant 0 : i32
    %dma_wait3A_496 = arith.constant 0 : i32
    %dma_wait3A_497 = tpu.memref_slice %arg5[%dma_wait3A_495, %dma_wait3A_496] : memref<1000000x64xf32, #tpu.memory_space<hbm>> -> memref<64x64xf32, #tpu.memory_space<hbm>>
    tpu.wait_dma2 semaphore(%arg18 : memref<!tpu.dma_semaphore, #tpu.memory_space<semaphore_mem>>) src(%dma_wait3A_497 : memref<64x64xf32, #tpu.memory_space<hbm>>) dst(%arg13 : memref<64x64xf32, #tpu.memory_space<vmem>>)
    %dma_wait3A_498 = arith.constant 0 : i32
    %dma_wait3A_499 = arith.constant 0 : i32
    %dma_wait3A_500 = tpu.memref_slice %arg6[%dma_wait3A_498, %dma_wait3A_499] : memref<1000x128xf32, #tpu.memory_space<hbm>> -> memref<64x128xf32, #tpu.memory_space<hbm>>
    %dma_wait3A_501 = arith.constant 0 : i32
    %dma_wait3A_502 = arith.constant 0 : i32
    %dma_wait3A_503 = tpu.memref_slice %arg6[%dma_wait3A_501, %dma_wait3A_502] : memref<1000x128xf32, #tpu.memory_space<hbm>> -> memref<64x128xf32, #tpu.memory_space<hbm>>
    tpu.wait_dma2 semaphore(%arg18 : memref<!tpu.dma_semaphore, #tpu.memory_space<semaphore_mem>>) src(%dma_wait3A_503 : memref<64x128xf32, #tpu.memory_space<hbm>>) dst(%arg15 : memref<64x128xf32, #tpu.memory_space<vmem>>)
    %scan3A_504 = arith.constant 0 : i32
    %scan3A_505 = arith.constant 0 : i32
    %scan3A_506 = arith.constant 32 : i32
    %scan3A_507 = arith.addi %scan3A_505, %scan3A_506 : i32
    %scan3A_508 = arith.constant 1 : i32
    %scan3A_509 = scf.for %scan3A_511 = %scan3A_505 to %scan3A_507 step %scan3A_508 iter_args(%scan3A_512 = %scan3A_504) -> (i32)  : i32 {
      %mul3A_513 = arith.constant 16 : i32
      %mul3A_514 = arith.muli %scan3A_511, %mul3A_513 : i32
      %get3A_515 = arith.index_cast %mul3A_514 : i32 to index
      %get3A_516 = tpu.vector_load %arg17[%get3A_515] {strides = array<i32>} : memref<512xf32, #tpu.memory_space<vmem>>, vector<16xf32>,
      %max3A_517 = arith.constant 1.000000e-30 : f32
      %max3A_518 = vector.broadcast %max3A_517 : f32 to vector<16xf32>
      %max3A_519 = arith.maximumf %get3A_516, %max3A_518 : vector<16xf32>
      %bitcast3A = vector.bitcast %max3A_519 : vector<16xf32> to vector<16xi32>
      %shift_right_arithmetic3A_520 = arith.constant 1 : i32
      %shift_right_arithmetic3A_521 = vector.broadcast %shift_right_arithmetic3A_520 : i32 to vector<16xi32>
      %shift_right_arithmetic3A_522 = arith.shrsi %bitcast3A, %shift_right_arithmetic3A_521 : vector<16xi32>
      %sub3A = arith.constant 1597463007 : i32
      %sub3A_523 = vector.broadcast %sub3A : i32 to vector<16xi32>
      %sub3A_524 = arith.subi %sub3A_523, %shift_right_arithmetic3A_522 : vector<16xi32>
      %bitcast3A_525 = vector.bitcast %sub3A_524 : vector<16xi32> to vector<16xf32>
      %mul3A_526 = arith.constant 5.000000e-01 : f32
      %mul3A_527 = vector.broadcast %mul3A_526 : f32 to vector<16xf32>
      %mul3A_528 = arith.mulf %mul3A_527, %max3A_519 : vector<16xf32>
      %mul3A_529 = arith.mulf %mul3A_528, %bitcast3A_525 : vector<16xf32>
      %mul3A_530 = arith.mulf %mul3A_529, %bitcast3A_525 : vector<16xf32>
      %sub3A_531 = arith.constant 1.500000e+00 : f32
      %sub3A_532 = vector.broadcast %sub3A_531 : f32 to vector<16xf32>
      %sub3A_533 = arith.subf %sub3A_532, %mul3A_530 : vector<16xf32>
      %mul3A_534 = arith.mulf %bitcast3A_525, %sub3A_533 : vector<16xf32>
      %mul3A_535 = arith.constant 5.000000e-01 : f32
      %mul3A_536 = vector.broadcast %mul3A_535 : f32 to vector<16xf32>
      %mul3A_537 = arith.mulf %mul3A_536, %max3A_519 : vector<16xf32>
      %mul3A_538 = arith.mulf %mul3A_537, %mul3A_534 : vector<16xf32>
      %mul3A_539 = arith.mulf %mul3A_538, %mul3A_534 : vector<16xf32>
      %sub3A_540 = arith.constant 1.500000e+00 : f32
      %sub3A_541 = vector.broadcast %sub3A_540 : f32 to vector<16xf32>
      %sub3A_542 = arith.subf %sub3A_541, %mul3A_539 : vector<16xf32>
      %mul3A_543 = arith.mulf %mul3A_534, %sub3A_542 : vector<16xf32>
      %mul3A_544 = arith.constant 5.000000e-01 : f32
      %mul3A_545 = vector.broadcast %mul3A_544 : f32 to vector<16xf32>
      %mul3A_546 = arith.mulf %mul3A_545, %max3A_519 : vector<16xf32>
      %mul3A_547 = arith.mulf %mul3A_546, %mul3A_543 : vector<16xf32>
      %mul3A_548 = arith.mulf %mul3A_547, %mul3A_543 : vector<16xf32>
      %sub3A_549 = arith.constant 1.500000e+00 : f32
      %sub3A_550 = vector.broadcast %sub3A_549 : f32 to vector<16xf32>
      %sub3A_551 = arith.subf %sub3A_550, %mul3A_548 : vector<16xf32>
      %mul3A_552 = arith.mulf %mul3A_543, %sub3A_551 : vector<16xf32>
      %mul3A_553 = arith.mulf %max3A_519, %mul3A_552 : vector<16xf32>
      %mul3A_554 = arith.constant 16 : i32
      %mul3A_555 = arith.muli %scan3A_511, %mul3A_554 : i32
      %swap3A_556 = arith.index_cast %mul3A_555 : i32 to index
      %swap3A_557 = tpu.vector_load %arg17[%swap3A_556] {strides = array<i32>} : memref<512xf32, #tpu.memory_space<vmem>>, vector<16xf32>,
      tpu.vector_store %arg17[%swap3A_556], %mul3A_553 {strides = array<i32>} : memref<512xf32, #tpu.memory_space<vmem>>, vector<16xf32>,
      %scan3A_558 = arith.constant 0 : i32
      scf.yield %scan3A_558 : i32
    }
    %scan3A_510 = arith.constant 32 : i32
    "tpu.region"() ({
      %run_scoped3A = tpu.sem_alloc : memref<!tpu.dma_semaphore, #tpu.memory_space<semaphore_mem>>
      %dma_start3A_511 = tpu.memref_slice %arg7[%multiple_of3A] : memref<16384xf32, #tpu.memory_space<hbm>> -> memref<512xf32, #tpu.memory_space<hbm>>
      %dma_start3A_512 = tpu.memref_slice %arg7[%multiple_of3A] : memref<16384xf32, #tpu.memory_space<hbm>> -> memref<512xf32, #tpu.memory_space<hbm>>
      tpu.enqueue_dma source(%arg17 : memref<512xf32, #tpu.memory_space<vmem>>) target(%dma_start3A_512 : memref<512xf32, #tpu.memory_space<hbm>>) target_semaphore(%run_scoped3A : memref<!tpu.dma_semaphore, #tpu.memory_space<semaphore_mem>>)
      %dma_wait3A_513 = tpu.memref_slice %arg7[%multiple_of3A] : memref<16384xf32, #tpu.memory_space<hbm>> -> memref<512xf32, #tpu.memory_space<hbm>>
      %dma_wait3A_514 = tpu.memref_slice %arg7[%multiple_of3A] : memref<16384xf32, #tpu.memory_space<hbm>> -> memref<512xf32, #tpu.memory_space<hbm>>
      tpu.wait_dma2 semaphore(%run_scoped3A : memref<!tpu.dma_semaphore, #tpu.memory_space<semaphore_mem>>) src(%arg17 : memref<512xf32, #tpu.memory_space<vmem>>) dst(%dma_wait3A_514 : memref<512xf32, #tpu.memory_space<hbm>>)
      tpu.yield
    }) : () -> ()
    return
  }
}

</mosaic_0001>

<sc_bundles>
// kernel: kernel.3.cloned.1.call-start
scs
__scs_entry_jumppad:
0x0: {  	(pc) =	sbr.rel $0x88, $3  }
0x1: {  	(tag) =	ssettag $0x0;
	lr =	simm.s32 $0x1  }
0x2: {  	[smem:$0x3F9B] =	sst lr;
	_ =	strace $0xD0000000  }
0x3: {  	_ = 	snop  }
0x4: {  	_ = 	snop  }
0x5: {  	_ = 	snop  }
0x6: {  	_ = 	snop  }
0x7: {  	_ = 	snop  }
__scs_overlays_trampoline_lowered:
0x8: {  	[smem:$0x3FAA] =	sst s0  }
0x9: {  	[smem:$0x3FAB] =	sst s1  }
0xa: {  	[smem:$0x3FAC] =	sst s2  }
0xb: {  	[smem:$0x3FAD] =	sst s3  }
0xc: {  	[smem:$0x3FAE] =	sst s4  }
0xd: {  	[smem:$0x3FAF] =	sst s5  }
0xe: {  	[smem:$0x3FB0] =	sst s6  }
0xf: {  	[smem:$0x3FB1] =	sst s7  }
0x10: {  	[smem:$0x3FB2] =	sst s8  }
0x11: {  	[smem:$0x3FB3] =	sst s9;
	s0 =	simm.s32 @!p0 $0x0  }
0x12: {  	s1 =	sld [smem:$0x3F99];
	s0 =	simm.s32 @p0 $0x1  }
0x13: {  	[smem:$0x3FB4] =	sst s0;
	s0 =	simm.s32 @!p1 $0x0  }
0x14: {  	s2 =	sld [smem:$0x3F98];
	s0 =	simm.s32 @p1 $0x1  }
0x15: {  	[smem:$0x3FB5] =	sst s0;
	s0 =	simm.s32 @!p2 $0x0  }
0x16: {  	s3 =	sld [smem:$0x3FDB];
	s0 =	simm.s32 @p2 $0x1  }
0x17: {  	s4 =	simm.s32 $0x1BF5;
	[smem:$0x3FB7] =	sst s0  }
0x18: {  	s0 =	sld [smem:$0x3F9A];
	_ =	swait.ge [sflag:s4], $0x0  }
0x19: {  	s7 =	sld [smem:$0x3F9B]  }
0x1a: {  	s8 =	sadd.s32 $0xFFFFE003, lr  }
0x1b: {  	s9 =	sadd.s32 $0xFFFFFEF7, lr;
	s5 =	simm.s32 $0xFFFFFFFF;
	p2 =	slt.u32 s8, $0xFFFFF086  }
0x1c: {  	p1 =	slt.u32 s9, $0xF7A;
	s5 =	simm.s32 @!p2 $0x0  }
0x1d: {  	s5 =	simm.s32 @p1 $0x1;
	p0 =	seq.s32 s7, s2  }
0x1e: {  	s7 =	smul.u32 @!p0 $0xF7A, s2;
	p2 =	seq.s32 @!p0 s5, $0x0  }
0x1f: {  	s9 =	smul.u32 $0xF7A, s1;
	s8 =	simm.s32 @!p0 $0x1BF5;
	p2 =	por !p2, p0  }
0x20: {  	[sflag:s8] =	ssyncset.s32 @!p0 $0xFFFFF086;
	s6 =	sadd.s32 @!p0 s3, s7;
	s7 =	simm.s32 @!p0 $0x108  }
0x21: {  	s3 =	sadd.s32 s3, s9;
	s6 =	sadd.s32 @!p0 $0x88, s6;
	s7 =	simm.s32 @p2 $0x1082  }
0x22: {  	[simem:s7], [sflag:s8] =	dma.local @!p0 [hbm:s6], $0xF7A  }
0x23: {  	s9 =	sor.u32 $0xD0000000, s2;
	s6 =	simm.s32 $0x108;
	_ =	swait.ge @!p0 [sflag:s8], $0x0  }
0x24: {  	s3 =	sadd.s32 $0x88, s3;
	s6 =	simm.s32 @!p1 $0x1082;
	[sflag:s4] =	ssyncset.s32 $0xFFFFF086  }
0x25: {  	[simem:s6], [sflag:s4] =	dma.local [hbm:s3], $0xF7A  }
0x26: {  	[smem:$0x3F9B] =	sst s1;
	(tag) =	ssettag s2;
	_ =	strace s9  }
0x27: {  	s1 =	sld [smem:$0x3FAB]  }
0x28: {  	s2 =	sld [smem:$0x3FAC]  }
0x29: {  	s4 =	sld [smem:$0x3FAE]  }
0x2a: {  	p0 =	seq.s32 s5, $0x0;
	s5 =	sld [smem:$0x3FAF]  }
0x2b: {  	s6 =	sld [smem:$0x3FB0]  }
0x2c: {  	s7 =	sld [smem:$0x3FB1]  }
0x2d: {  	s3 =	simm.s32 $0x108;
	s8 =	sld [smem:$0x3FB2]  }
0x2e: {  	s3 =	simm.s32 @!p0 $0x1082;
	s9 =	sld [smem:$0x3FB3]  }
0x2f: {  	lr =	sadd.s32 s0, s3;
	s0 =	sld [smem:$0x3FAA]  }
0x30: {  	s3 =	sld [smem:$0x3FAD]  }
0x31: {  	[smem:$0x3FB6] =	sst s10  }
0x32: {  	s10 =	sld [smem:$0x3FB4];
	_ =	sdelay $0x3  }
0x33: {  	p0 =	seq.s32 s10, $0x1;
	s10 =	sld [smem:$0x3FB6];
	_ =	sdelay $0x3  }
0x34: {  	[smem:$0x3FB6] =	sst s10  }
0x35: {  	s10 =	sld [smem:$0x3FB5];
	_ =	sdelay $0x3  }
0x36: {  	p1 =	seq.s32 s10, $0x1;
	s10 =	sld [smem:$0x3FB6];
	_ =	sdelay $0x3  }
0x37: {  	[smem:$0x3FB6] =	sst s10  }
0x38: {  	s10 =	sld [smem:$0x3FB7]  }
0x39: {  	_ = 	snop;
	(pc) =	sbr.ind lr, $3  }
0x3a: {  	_ = 	snop  }
0x3b: {  	_ = 	snop  }
0x3c: {  	p2 =	seq.s32 s10, $0x1;
	s10 =	sld [smem:$0x3FB6]  }
0x3d: {  	_ =	shalt  }
0x3e: {  	_ =	shalt  }
0x3f: {  	_ =	shalt  }
0x40: {  	_ =	shalt  }
0x41: {  	_ =	shalt  }
0x42: {  	_ =	shalt  }
0x43: {  	_ =	shalt  }
0x44: {  	_ =	shalt  }
0x45: {  	_ =	shalt  }
0x46: {  	_ =	shalt  }
0x47: {  	_ =	shalt  }
0x48: {  	_ =	shalt  }
0x49: {  	_ =	shalt  }
0x4a: {  	_ =	shalt  }
0x4b: {  	_ =	shalt  }
0x4c: {  	_ =	shalt  }
0x4d: {  	_ =	shalt  }
0x4e: {  	_ =	shalt  }
0x4f: {  	_ =	shalt  }
0x50: {  	_ =	shalt  }
0x51: {  	_ =	shalt  }
0x52: {  	_ =	shalt  }
0x53: {  	_ =	shalt  }
0x54: {  	_ =	shalt  }
0x55: {  	_ =	shalt  }
0x56: {  	_ =	shalt  }
0x57: {  	_ =	shalt  }
0x58: {  	_ =	shalt  }
0x59: {  	_ =	shalt  }
0x5a: {  	_ =	shalt  }
0x5b: {  	_ =	shalt  }
0x5c: {  	_ =	shalt  }
0x5d: {  	_ =	shalt  }
0x5e: {  	_ =	shalt  }
0x5f: {  	_ =	shalt  }
0x60: {  	_ =	shalt  }
0x61: {  	_ =	shalt  }
0x62: {  	_ =	shalt  }
0x63: {  	_ =	shalt  }
0x64: {  	_ =	shalt  }
0x65: {  	_ =	shalt  }
0x66: {  	_ =	shalt  }
0x67: {  	_ =	shalt  }
0x68: {  	_ =	shalt  }
0x69: {  	_ =	shalt  }
0x6a: {  	_ =	shalt  }
0x6b: {  	_ =	shalt  }
0x6c: {  	_ =	shalt  }
0x6d: {  	_ =	shalt  }
0x6e: {  	_ =	shalt  }
0x6f: {  	_ =	shalt  }
0x70: {  	_ =	shalt  }
0x71: {  	_ =	shalt  }
0x72: {  	_ =	shalt  }
0x73: {  	_ =	shalt  }
0x74: {  	_ =	shalt  }
0x75: {  	_ =	shalt  }
0x76: {  	_ =	shalt  }
0x77: {  	_ =	shalt  }
0x78: {  	_ =	shalt  }
0x79: {  	_ =	shalt  }
0x7a: {  	_ =	shalt  }
0x7b: {  	_ =	shalt  }
0x7c: {  	_ =	shalt  }
0x7d: {  	_ =	shalt  }
0x7e: {  	_ =	shalt  }
0x7f: {  	_ =	shalt  }
0x80: {  	_ =	shalt  }
0x81: {  	_ =	shalt  }
0x82: {  	_ =	shalt  }
0x83: {  	_ =	shalt  }
0x84: {  	_ =	shalt  }
0x85: {  	_ =	shalt  }
0x86: {  	_ =	shalt  }
0x87: {  	_ =	shalt  }
.Lfunc_end0:
.L_simem_size_0:
called_computation_lowered:
.L_overlay_start_0:
0x88: {  	s2 =	sld [smem:$0x3FD9]  }
0x89: {  	s3 =	sld [smem:$0x3FFE];
	_ =	sdelay $0x1  }
0x8a: {  	s1 =	srdreg.scid  }
0x8b: {  	s0 =	sand.u32 $0x1, s1  }
0x8c: {  	s17 =	sshll.u32 s0, $0xA;
	s2 =	sadd.s32 s3, s2  }
0x8d: {  	s2 =	sadd.s32 s2, s17  }
0x8e: {  	[smem:$0x3FC2] =	sst s2  }
0x8f: {  	_ = 	snop  }
0x90: {  	s2 =	sld [smem:$0x3FC9]  }
0x91: {  	s18 =	sld [smem:$0x3FC8]  }
0x92: {  	s4 =	sld [smem:$0x3FC7]  }
0x93: {  	s5 =	sld [smem:$0x3FD0];
	(tm) =	ssettm $0x1  }
0x94: {  	s6 =	sld [smem:$0x3FFB];
	_ =	sdelay $0x3  }
0x95: {  	_ =	strace s6  }
0x96: {  	s6 =	sld [smem:$0x3FFC];
	_ =	sdelay $0x3  }
0x97: {  	_ =	strace s6  }
0x98: {  	s6 =	sld [smem:$0x3FFD];
	_ =	sdelay $0x3  }
0x99: {  	_ =	strace s6  }
0x9a: {  	_ =	strace $0x8FFFFFFF  }
0x9b: {  	s19 =	sld [smem:$0x3FDB];
	_ =	sdelay $0x1  }
0x9c: {  	s7 =	simm.s32 $_scs_section_size  }
0x9d: {  	s8 =	simm.s32 $_size__tile_overlayer_lowered;
	s9 =	simm.s32 $_tile_overlayer_lowered  }
0x9e: {  	s22 =	simm.s32 $0x1BFF;
	s21 =	sshll.u32 s9, $0x1;
	s6 =	sadd.s32 s7, s19  }
0x9f: {  	s10 =	simm.s32 $0x0;
	s20 =	sshll.u32 s8, $0x1;
	s8 =	sadd.s32 s21, s6  }
0xa0: {  	[timem:s10], [sflag:s22] =	dma.local [hbm:s8], s20  }
0xa1: {  	_ =	swait.ge [sflag:s22], s20  }
0xa2: {  	s7 =	ssub.s32 $0x0, s20;
	[sflag:s22] =	ssyncset.done $0x0  }
0xa3: {  	[sflag:s22] =	ssyncadd.s32 s7;
	_ =	sdelay $0x1  }
0xa4: {  	s23 =	simm.s32 $0x1B8B  }
0xa5: {  	_ =	swait.ge [sflag:s23], $0x1  }
0xa6: {  	[sflag:s23] =	ssyncset.done $0x0  }
0xa7: {  	s25 =	simm.s32 $0x1B8E;
	s24 =	sld [smem:$0x3FFE];
	[sflag:s23] =	ssyncadd.s32 $0xFFFFFFFF  }
0xa8: {  	s26 =	simm.s32 $execute0_lowered;
	[smem:$0x3FD2] =	sst s25  }
0xa9: {  	s8 =	sshll.u32 s26, $0x1;
	_ =	strace $0x80000046;
	[dreg:$0x1] =	wrdreg $0xFFFFFFFF  }
0xaa: {  	s28 =	simm.s32 $_size_execute0_lowered;
	s6 =	sadd.s32 s6, s8;
	[dreg:$0x0] =	wrdreg $0x0  }
0xab: {  	s8 =	sshll.u32 s28, $0x1;
	[dreg:$0x2] =	wrdreg s6  }
0xac: {  	[dreg:$0x3] =	wrdreg s8  }
0xad: {  	[dreg:$0x4] =	wrdreg $0xC0  }
0xae: {  	_ =	task [dreg:s10], $0x5FFFF  }
0xaf: {  	[dreg:$0x1] =	wrdreg $0xFFFFFFFF  }
0xb0: {  	[dreg:$0x0] =	wrdreg $0x60  }
0xb1: {  	[dreg:$0x2] =	wrdreg s2  }
0xb2: {  	[dreg:$0x3] =	wrdreg s4  }
0xb3: {  	[dreg:$0x4] =	wrdreg s18  }
0xb4: {  	[dreg:$0x5] =	wrdreg s24  }
0xb5: {  	[dreg:$0x6] =	wrdreg s5  }
0xb6: {  	[dreg:$0x7] =	wrdreg $0x9  }
0xb7: {  	_ =	task.clear_ibuf [dreg:s10], $0x8FFFF;
	_ =	strace $0x90000046  }
0xb8: {  	s29 =	simm.s32 $0x9;
	_ =	strace $0x80000048  }
0xb9: {  	_ =	swait.ge [sflag:s29], $0x1  }
0xba: {  	[sflag:s29] =	ssyncadd.s32 $0xFFFFFFFF  }
0xbb: {  	_ =	strace $0x90000048  }
0xbc: {  	_ =	sfence  }
0xbd: {  	s30 =	sld [smem:$0x0];
	_ =	sdelay $0x2  }
0xbe: {  	s31 =	sshll.u32 s1, $0xD;
	s1 =	sshrl.u32 s1, $0x2  }
0xbf: {  	s3 =	sand.u32 $0x4000, s31;
	s1 =	sadd.s32 s1, s30  }
0xc0: {  	s0 =	sor.u32 s3, s0;
	s1 =	sshll.u32 s1, $0x11  }
0xc1: {  	s0 =	sor.u32 s1, s0  }
0xc2: {  	s0 =	sadd.s32 $0x8F2B, s0  }
0xc3: {  	[sflag:s0] =	ssyncadd.remote.s32 $0x1  }
0xc4: {  	_ =	sfence.sel $0xFFFF  }
0xc5: {  	[dreg:$0x0] =	wrdreg $0xFFFFFFFF;
	(pc) =	sbr.abs _section_cstart, $3  }
0xc6: {  	[dreg:$0x1] =	wrdreg $0xFFFFFFFF  }
0xc7: {  	_ =	task.clear_ibuf [dreg:s10], $0x2FFFF;
	_ =	strace $0x9FFFFFFF  }
0xc8: {  	(tm) =	ssettm $0x7FFFFFFF  }
0xc9: {  	_ =	shalt  }
tec
execute0_lowered:
.L_overlay_start_1:
0x0: {  	(tag) =	ssettag $0x1  }
0x1: {  	s0 =	rddreg [dreg:$0x0]  }
0x2: {  	s2 =	rddreg [dreg:$0x1]  }
0x3: {  	s5 =	rddreg [dreg:$0x2]  }
0x4: {  	s4 =	rddreg [dreg:$0x3]  }
0x5: {  	s11 =	rddreg [dreg:$0x4];
	s1 =	simm.s32 $0x0  }
0x6: {  	s20 =	simm.s32 $0x2780;
	[smem:$0x7FF] =	sst s1  }
0x7: {  	s22 =	simm.s32 $0x6780;
	_ =	strace $0x80000047;
	[dreg:$0x6] =	wrdreg s20  }
0x8: {  	s23 =	simm.s32 $0xA780;
	[dreg:$0x7] =	wrdreg s22  }
0x9: {  	s3 =	srdreg.scid;
	s24 =	simm.s32 $0x2B80;
	[dreg:$0x8] =	wrdreg s23  }
0xa: {  	s19 =	stileid.u32;
	s25 =	simm.s32 $0x6B80;
	[dreg:$0x9] =	wrdreg s24  }
0xb: {  	s26 =	simm.s32 $0xAB80;
	s12 =	simm.s32 $0x7380;
	[dreg:$0xa] =	wrdreg s25  }
0xc: {  	s13 =	simm.s32 $0xB380;
	s14 =	simm.s32 $0x3780;
	[dreg:$0xb] =	wrdreg s26  }
0xd: {  	s15 =	simm.s32 $0x7780;
	s16 =	simm.s32 $0xB780;
	[dreg:$0x10] =	wrdreg s12  }
0xe: {  	s17 =	simm.s32 $0x3B80;
	s18 =	simm.s32 $0x7B80;
	[dreg:$0x11] =	wrdreg s13  }
0xf: {  	s28 =	simm.s32 $0x9F80;
	s29 =	simm.s32 $0x2380;
	[dreg:$0x12] =	wrdreg s14  }
0x10: {  	s30 =	simm.s32 $0x6380;
	s31 =	simm.s32 $0xA380;
	[dreg:$0x13] =	wrdreg s15  }
0x11: {  	s7 =	sand.u32 $0x1, s3;
	s3 =	sadd.s32 $0x8800, s4;
	[dreg:$0x14] =	wrdreg s16  }
0x12: {  	s21 =	sadd.s32 $0x800, s4;
	s10 =	sshll.u32 s19, $0x7;
	[dreg:$0x15] =	wrdreg s17  }
0x13: {  	s19 =	simm.s32 $0xBB80;
	s8 =	ssub.s32 $0x2, s7;
	[dreg:$0x16] =	wrdreg s18  }
0x14: {  	s7 =	sshll.u32 s7, $0x6;
	s12 =	simm.s32 $0xF80;
	[dreg:$0x17] =	wrdreg s19  }
0x15: {  	s20 =	simm.s32 $0x3F80;
	s13 =	simm.s32 $0x4F80;
	s22 =	simm.s32 $0x7F80  }
0x16: {  	s14 =	simm.s32 $0x8F80;
	s23 =	simm.s32 $0xBF80;
	s15 =	simm.s32 $0x1380  }
0x17: {  	s24 =	simm.s32 $0x4380;
	s16 =	simm.s32 $0x5380;
	[dreg:$0x18] =	wrdreg s20  }
0x18: {  	s25 =	simm.s32 $0x8380;
	s17 =	simm.s32 $0x9380;
	[dreg:$0x19] =	wrdreg s22  }
0x19: {  	s26 =	simm.s32 $0xC380;
	s18 =	simm.s32 $0x1780;
	[dreg:$0x1a] =	wrdreg s23  }
0x1a: {  	s19 =	simm.s32 $0x9780;
	s9 =	sshrl.u32 s8, $0x1;
	[dreg:$0x1b] =	wrdreg s24  }
0x1b: {  	s7 =	sor.u32 s7, s10;
	s10 =	simm.s32 $0xAF80;
	[dreg:$0x1c] =	wrdreg s25  }
0x1c: {  	[dreg:$0x1d] =	wrdreg s26;
	s20 =	simm.s32 $0x5780;
	s22 =	simm.s32 $0x1B80  }
0x1d: {  	s23 =	simm.s32 $0x5B80;
	s0 =	sadd.s32 s0, s7;
	[dreg:$0xe] =	wrdreg s10  }
0x1e: {  	s24 =	simm.s32 $0x9B80;
	s2 =	sadd.s32 s2, s7;
	[dreg:$0x1e] =	wrdreg s0  }
0x1f: {  	s25 =	simm.s32 $0x1F80;
	s4 =	sadd.s32 s5, s7;
	[dreg:$0x1f] =	wrdreg s2  }
0x20: {  	s26 =	simm.s32 $0x5F80;
	s6 =	sadd.s32 s11, s7;
	[smem:$0x7FB] =	sst s4  }
0x21: {  	v0 =	vimm.s32 $0x0;
	s8 =	ssub.s32 s8, s9;
	s5 =	simm.s32 $0x2F80;
	[smem:$0x7FC] =	sst s6  }
0x22: {  	vm0 =	vcmask $0x300;
	vm1 =	vcmask $0x704;
	vm2 =	vcmask $0xB08;
	s7 =	simm.s32 $0x6F80;
	s11 =	simm.s32 $0x3380;
	[dreg:$0xc] =	wrdreg s5  }
0x23: {  	vm3 =	vcmask $0xF0C;
	vm4 =	vcmask $0x1310;
	vm5 =	vcmask $0x1714;
	s10 =	simm.s32 $0x4B80;
	s9 =	smax.u32 s8, $0x1;
	[dreg:$0xd] =	wrdreg s7  }
0x24: {  	vm6 =	vcmask $0x1B18;
	vm7 =	vcmask $0x1F1C;
	vm8 =	vcmask $0x2320;
	[dreg:$0xf] =	wrdreg s11;
	s4 =	simm.s32 $0x780;
	s6 =	simm.s32 $0x4780  }
0x25: {  	vm9 =	vcmask $0x2724;
	vm10 =	vcmask $0x2B28;
	vm11 =	vcmask $0x2F2C;
	s7 =	simm.s32 $0x8780;
	s8 =	simm.s32 $0xB80;
	s11 =	simm.s32 $0x8B80  }
0x26: {  	vm12 =	vcmask $0x3330;
	vm13 =	vcmask $0x3734;
	vm14 =	vcmask $0x3B38;
	s5 =	simm.s32 $0x1;
	[smem:$0x7FD] =	sst s9;
	s9 =	simm.s32 $0x0  }
.LBB2_1:
0x27: {  	[smem:$0x7FA] =	sst s9  }
0x28: {  	s0 =	rddreg [dreg:$0x1e]  }
0x29: {  	[tilespmem:s1], [sflag:$0x3] =	stream.linear.gather [hbm4b:s0+s1], $0x200, $0x38;
	[tilespmem:$0xC980] =	vst v63  }
0x2a: {  	s9 =	rddreg [dreg:$0x1f];
	s2 =	simm.s32 $0x280  }
0x2b: {  	[tilespmem:s2], [sflag:$0x3] =	stream.linear.gather [hbm4b:s9+s1], $0x200, $0x38;
	[tilespmem:$0xC980] =	vst v63  }
0x2c: {  	s2 =	sld [smem:$0x7FB];
	_ =	sdelay $0x1  }
0x2d: {  	s9 =	simm.s32 $0x500  }
0x2e: {  	[tilespmem:s9], [sflag:$0x3] =	stream.linear.gather [hbm4b:s2+s1], $0x200, $0x38;
	[tilespmem:$0xC980] =	vst v63  }
0x2f: {  	[tilespmem:$0x200] =	vst v0  }
0x30: {  	[tilespmem:$0x480] =	vst v0  }
0x31: {  	s9 =	simm.s32 $0x3;
	[tilespmem:$0x700] =	vst v0  }
0x32: {  	_ =	swait.ge [sflag:s9], $0x200  }
0x33: {  	[sflag:s9] =	ssyncset.done $0x0  }
0x34: {  	[sflag:s9] =	ssyncadd.s32 $0xFFFFFE00  }
0x35: {  	_ =	swait.ge [sflag:s9], $0x200  }
0x36: {  	[sflag:s9] =	ssyncset.done $0x0  }
0x37: {  	[sflag:s9] =	ssyncadd.s32 $0xFFFFFE00  }
0x38: {  	_ =	swait.ge [sflag:s9], $0x200  }
0x39: {  	[sflag:s9] =	ssyncset.done $0x0  }
0x3a: {  	[sflag:s9] =	ssyncadd.s32 $0xFFFFFE00  }
0x3b: {  	v1 =	vld [tilespmem:$0x0];
	_ =	sdelay $0x1  }
0x3c: {  	v2 =	vld [tilespmem:$0x280];
	_ =	sdelay $0x1  }
0x3d: {  	v3 =	vld [tilespmem:$0x500]  }
0x3e: {  	vm15 =	vgt.s32 v1, $0x0  }
0x3f: {  	v1 =	vnsel vm15, $0x0, v1  }
0x40: {  	vm15 =	vgt.s32 v2, $0x0;
	v1 =	vmin.u32 v1, $0xF423F  }
0x41: {  	v2 =	vnsel vm15, $0x0, v2;
	v1 =	vshll.u32 v1, $0x4  }
0x42: {  	vm15 =	vgt.s32 v3, $0x0;
	v2 =	vmin.u32 v2, $0xF423F;
	(v2sf) =	vpush v1, $0x0  }
0x43: {  	v3 =	vnsel vm15, $0x0, v3;
	v2 =	vshll.u32 v2, $0x4  }
0x44: {  	v3 =	vmin.u32 v3, $0x3E7;
	(v2sf) =	vpush v2, $0x0  }
0x45: {  	v3 =	vshll.u32 v3, $0x4  }
0x46: {  	(v2sf) =	vpush v3, $0x0;
	_ =	sdelay $0x2  }
0x47: {  	(v2sf) =	vpush v1, $0x1;
	_ =	sdelay $0x7  }
0x48: {  	s2 =	spop (v2sf);
	(v2sf) =	vpush v2, $0x1;
	_ =	sdelay $0x1  }
0x49: {  	s9 =	spop (v2sf);
	(v2sf) =	vpush v3, $0x1;
	_ =	sdelay $0x1  }
0x4a: {  	s0 =	sand.u32 $0xFFFF80, s2;
	s2 =	spop (v2sf);
	(v2sf) =	vpush v1, $0x2  }
0x4b: {  	s0 =	sadd.s32 s3, s0  }
0x4c: {  	[tilespmem:s4], [sflag:$0x1] =	stream.linear.gather [hbm4b:s0+s1], $0x400, $0x38;
	[tilespmem:$0xC980] =	vst v63  }
0x4d: {  	s0 =	sand.u32 $0xFFFF80, s9;
	s9 =	spop (v2sf);
	(v2sf) =	vpush v2, $0x2;
	_ =	sdelay $0x2  }
0x4e: {  	s0 =	sadd.s32 s3, s0  }
0x4f: {  	[tilespmem:s6], [sflag:$0x1] =	stream.linear.gather [hbm4b:s0+s1], $0x400, $0x38;
	[tilespmem:$0xC980] =	vst v63  }
0x50: {  	s0 =	sand.u32 $0x3F80, s2  }
0x51: {  	s0 =	sadd.s32 s21, s0  }
0x52: {  	[tilespmem:s7], [sflag:$0x1] =	stream.linear.gather [hbm4b:s0+s1], $0x400, $0x38;
	[tilespmem:$0xC980] =	vst v63  }
0x53: {  	s2 =	spop (v2sf);
	(v2sf) =	vpush v3, $0x2  }
0x54: {  	s0 =	sand.u32 $0xFFFF80, s9  }
0x55: {  	s0 =	sadd.s32 s3, s0;
	s9 =	spop (v2sf);
	(v2sf) =	vpush v1, $0x3  }
0x56: {  	[tilespmem:s8], [sflag:$0x1] =	stream.linear.gather [hbm4b:s0+s1], $0x400, $0x38;
	[tilespmem:$0xC980] =	vst v63  }
0x57: {  	s0 =	sand.u32 $0xFFFF80, s2;
	s2 =	spop (v2sf);
	(v2sf) =	vpush v2, $0x3  }
0x58: {  	s0 =	sadd.s32 s3, s0  }
0x59: {  	[tilespmem:s10], [sflag:$0x1] =	stream.linear.gather [hbm4b:s0+s1], $0x400, $0x38;
	[tilespmem:$0xC980] =	vst v63  }
0x5a: {  	s0 =	sand.u32 $0x3F80, s9;
	s9 =	spop (v2sf);
	(v2sf) =	vpush v3, $0x3;
	_ =	sdelay $0x2  }
0x5b: {  	s0 =	sadd.s32 s21, s0  }
0x5c: {  	[tilespmem:s11], [sflag:$0x1] =	stream.linear.gather [hbm4b:s0+s1], $0x400, $0x38;
	[tilespmem:$0xC980] =	vst v63  }
0x5d: {  	s0 =	sand.u32 $0xFFFF80, s2  }
0x5e: {  	s0 =	sadd.s32 s3, s0  }
0x5f: {  	[tilespmem:s12], [sflag:$0x1] =	stream.linear.gather [hbm4b:s0+s1], $0x400, $0x38;
	[tilespmem:$0xC980] =	vst v63  }
0x60: {  	s2 =	spop (v2sf);
	(v2sf) =	vpush v1, $0x4  }
0x61: {  	s0 =	sand.u32 $0xFFFF80, s9  }
0x62: {  	s0 =	sadd.s32 s3, s0;
	s9 =	spop (v2sf);
	(v2sf) =	vpush v2, $0x4  }
0x63: {  	[tilespmem:s13], [sflag:$0x1] =	stream.linear.gather [hbm4b:s0+s1], $0x400, $0x38;
	[tilespmem:$0xC980] =	vst v63  }
0x64: {  	s0 =	sand.u32 $0x3F80, s2;
	s2 =	spop (v2sf);
	(v2sf) =	vpush v3, $0x4  }
0x65: {  	s0 =	sadd.s32 s21, s0  }
0x66: {  	[tilespmem:s14], [sflag:$0x1] =	stream.linear.gather [hbm4b:s0+s1], $0x400, $0x38;
	[tilespmem:$0xC980] =	vst v63  }
0x67: {  	s0 =	sand.u32 $0xFFFF80, s9;
	s9 =	spop (v2sf);
	(v2sf) =	vpush v1, $0x5;
	_ =	sdelay $0x2  }
0x68: {  	s0 =	sadd.s32 s3, s0  }
0x69: {  	[tilespmem:s15], [sflag:$0x1] =	stream.linear.gather [hbm4b:s0+s1], $0x400, $0x38;
	[tilespmem:$0xC980] =	vst v63  }
0x6a: {  	s0 =	sand.u32 $0xFFFF80, s2  }
0x6b: {  	s0 =	sadd.s32 s3, s0  }
0x6c: {  	[tilespmem:s16], [sflag:$0x1] =	stream.linear.gather [hbm4b:s0+s1], $0x400, $0x38;
	[tilespmem:$0xC980] =	vst v63  }
0x6d: {  	s2 =	spop (v2sf);
	(v2sf) =	vpush v2, $0x5  }
0x6e: {  	s0 =	sand.u32 $0x3F80, s9  }
0x6f: {  	s0 =	sadd.s32 s21, s0;
	s9 =	spop (v2sf);
	(v2sf) =	vpush v3, $0x5  }
0x70: {  	[tilespmem:s17], [sflag:$0x1] =	stream.linear.gather [hbm4b:s0+s1], $0x400, $0x38;
	[tilespmem:$0xC980] =	vst v63  }
0x71: {  	s0 =	sand.u32 $0xFFFF80, s2;
	s2 =	spop (v2sf);
	(v2sf) =	vpush v1, $0x6  }
0x72: {  	s0 =	sadd.s32 s3, s0  }
0x73: {  	[tilespmem:s18], [sflag:$0x1] =	stream.linear.gather [hbm4b:s0+s1], $0x400, $0x38;
	[tilespmem:$0xC980] =	vst v63  }
0x74: {  	s0 =	sand.u32 $0xFFFF80, s9;
	s9 =	spop (v2sf);
	(v2sf) =	vpush v2, $0x6;
	_ =	sdelay $0x1  }
0x75: {  	s0 =	sadd.s32 s3, s0  }
0x76: {  	[tilespmem:s20], [sflag:$0x1] =	stream.linear.gather [hbm4b:s0+s1], $0x400, $0x38;
	[tilespmem:$0xC980] =	vst v63  }
0x77: {  	s0 =	sand.u32 $0x3F80, s2  }
0x78: {  	s0 =	sadd.s32 s21, s0  }
0x79: {  	[tilespmem:s19], [sflag:$0x1] =	stream.linear.gather [hbm4b:s0+s1], $0x400, $0x38;
	[tilespmem:$0xC980] =	vst v63  }
0x7a: {  	s0 =	sand.u32 $0xFFFF80, s9  }
0x7b: {  	s0 =	sadd.s32 s3, s0;
	s2 =	spop (v2sf);
	(v2sf) =	vpush v3, $0x6  }
0x7c: {  	[tilespmem:s22], [sflag:$0x1] =	stream.linear.gather [hbm4b:s0+s1], $0x400, $0x38;
	[tilespmem:$0xC980] =	vst v63  }
0x7d: {  	s9 =	spop (v2sf);
	(v2sf) =	vpush v1, $0x7  }
0x7e: {  	s0 =	sand.u32 $0xFFFF80, s2  }
0x7f: {  	s0 =	sadd.s32 s3, s0;
	s2 =	spop (v2sf)  }
0x80: {  	(v2sf) =	vpush v2, $0x7;
	[tilespmem:s23], [sflag:$0x1] =	stream.linear.gather [hbm4b:s0+s1], $0x400, $0x38;
	[tilespmem:$0xC980] =	vst v63  }
0x81: {  	s0 =	sand.u32 $0x3F80, s9  }
0x82: {  	s9 =	spop (v2sf);
	s0 =	sadd.s32 s21, s0  }
0x83: {  	(v2sf) =	vpush v3, $0x7;
	[tilespmem:s24], [sflag:$0x1] =	stream.linear.gather [hbm4b:s0+s1], $0x400, $0x38;
	[tilespmem:$0xC980] =	vst v63  }
0x84: {  	s0 =	sand.u32 $0xFFFF80, s2  }
0x85: {  	s0 =	sadd.s32 s3, s0  }
0x86: {  	[tilespmem:s25], [sflag:$0x1] =	stream.linear.gather [hbm4b:s0+s1], $0x400, $0x38;
	[tilespmem:$0xC980] =	vst v63  }
0x87: {  	s0 =	sand.u32 $0xFFFF80, s9  }
0x88: {  	s0 =	sadd.s32 s3, s0  }
0x89: {  	[tilespmem:s26], [sflag:$0x1] =	stream.linear.gather [hbm4b:s0+s1], $0x400, $0x38;
	[tilespmem:$0xC980] =	vst v63  }
0x8a: {  	s2 =	spop (v2sf)  }
0x8b: {  	s0 =	sand.u32 $0x3F80, s2  }
0x8c: {  	s9 =	spop (v2sf);
	s0 =	sadd.s32 s21, s0  }
0x8d: {  	[tilespmem:s28], [sflag:$0x1] =	stream.linear.gather [hbm4b:s0+s1], $0x400, $0x38;
	[tilespmem:$0xC980] =	vst v63  }
0x8e: {  	s0 =	sand.u32 $0xFFFF80, s9  }
0x8f: {  	s2 =	spop (v2sf);
	s0 =	sadd.s32 s3, s0  }
0x90: {  	[tilespmem:s29], [sflag:$0x1] =	stream.linear.gather [hbm4b:s0+s1], $0x400, $0x38;
	[tilespmem:$0xC980] =	vst v63  }
0x91: {  	s0 =	sand.u32 $0xFFFF80, s2  }
0x92: {  	s9 =	spop (v2sf);
	s0 =	sadd.s32 s3, s0  }
0x93: {  	[tilespmem:s30], [sflag:$0x1] =	stream.linear.gather [hbm4b:s0+s1], $0x400, $0x38;
	[tilespmem:$0xC980] =	vst v63  }
0x94: {  	s0 =	sand.u32 $0x3F80, s9  }
0x95: {  	s0 =	sadd.s32 s21, s0  }
0x96: {  	[tilespmem:s31], [sflag:$0x1] =	stream.linear.gather [hbm4b:s0+s1], $0x400, $0x38;
	[tilespmem:$0xC980] =	vst v63  }
0x97: {  	s0 =	simm.s32 $0x0  }
.LBB2_2:
0x98: {  	s9 =	sshra.s32 s0, $0x2  }
0x99: {  	v1 =	vld [tilespmem:s9+$0x8];
	_ =	sdelay $0x3  }
0x9a: {  	v2 =	vld [tilespmem:s9+$0x288]  }
0x9b: {  	vm15 =	vgt.s32 v1, $0x0  }
0x9c: {  	v1 =	vnsel vm15, $0x0, v1  }
0x9d: {  	v1 =	vmin.u32 v1, $0xF423F  }
0x9e: {  	v3 =	vld [tilespmem:s9+$0x508];
	v4 =	vshll.u32 v1, $0x4  }
0x9f: {  	vm15 =	vgt.s32 v2, $0x0;
	(v2sf) =	vpush v4, $0x0  }
0xa0: {  	v1 =	vnsel vm15, $0x0, v2  }
0xa1: {  	v1 =	vmin.u32 v1, $0xF423F  }
0xa2: {  	v5 =	vshll.u32 v1, $0x4  }
0xa3: {  	vm15 =	vgt.s32 v3, $0x0;
	(v2sf) =	vpush v5, $0x0  }
0xa4: {  	v1 =	vnsel vm15, $0x0, v3  }
0xa5: {  	v1 =	vmin.u32 v1, $0x3E7  }
0xa6: {  	v6 =	vshll.u32 v1, $0x4  }
0xa7: {  	(v2sf) =	vpush v6, $0x0;
	_ =	sdelay $0x3  }
0xa8: {  	(v2sf) =	vpush v4, $0x1;
	_ =	sdelay $0x2  }
0xa9: {  	[smem:$0x7F8] =	sst s0;
	s0 =	spop (v2sf)  }
0xaa: {  	v2 =	vld [tilespmem:s9+$0x280];
	(v2sf) =	vpush v5, $0x1;
	s0 =	sand.u32 $0xFFFF80, s0  }
0xab: {  	s2 =	rddreg [dreg:$0x6];
	v3 =	vld [tilespmem:s9+$0x500];
	s0 =	sadd.s32 s3, s0  }
0xac: {  	v1 =	vld [tilespmem:s9+$0x0];
	[tilespmem:s2], [sflag:$0x2] =	stream.linear.gather [hbm4b:s0+s1], $0x400, $0x38  }
0xad: {  	s0 =	spop (v2sf)  }
0xae: {  	(v2sf) =	vpush v6, $0x1;
	s0 =	sand.u32 $0xFFFF80, s0  }
0xaf: {  	s2 =	rddreg [dreg:$0x7];
	s0 =	sadd.s32 s3, s0  }
0xb0: {  	[tilespmem:s2], [sflag:$0x2] =	stream.linear.gather [hbm4b:s0+s1], $0x400, $0x38;
	[tilespmem:$0xC980] =	vst v63  }
0xb1: {  	s0 =	spop (v2sf)  }
0xb2: {  	(v2sf) =	vpush v4, $0x2;
	s0 =	sand.u32 $0x3F80, s0  }
0xb3: {  	s2 =	rddreg [dreg:$0x8];
	s0 =	sadd.s32 s21, s0  }
0xb4: {  	[tilespmem:s2], [sflag:$0x2] =	stream.linear.gather [hbm4b:s0+s1], $0x400, $0x38;
	[tilespmem:$0xC980] =	vst v63  }
0xb5: {  	s0 =	spop (v2sf)  }
0xb6: {  	(v2sf) =	vpush v5, $0x2;
	s0 =	sand.u32 $0xFFFF80, s0  }
0xb7: {  	s2 =	rddreg [dreg:$0x9];
	s0 =	sadd.s32 s3, s0  }
0xb8: {  	[tilespmem:s2], [sflag:$0x2] =	stream.linear.gather [hbm4b:s0+s1], $0x400, $0x38;
	[tilespmem:$0xC980] =	vst v63  }
0xb9: {  	s0 =	spop (v2sf)  }
0xba: {  	(v2sf) =	vpush v6, $0x2;
	s0 =	sand.u32 $0xFFFF80, s0  }
0xbb: {  	s2 =	rddreg [dreg:$0xa];
	s0 =	sadd.s32 s3, s0  }
0xbc: {  	[tilespmem:s2], [sflag:$0x2] =	stream.linear.gather [hbm4b:s0+s1], $0x400, $0x38;
	[tilespmem:$0xC980] =	vst v63  }
0xbd: {  	s0 =	spop (v2sf)  }
0xbe: {  	(v2sf) =	vpush v4, $0x3;
	s0 =	sand.u32 $0x3F80, s0  }
0xbf: {  	s2 =	rddreg [dreg:$0xb];
	s0 =	sadd.s32 s21, s0  }
0xc0: {  	[tilespmem:s2], [sflag:$0x2] =	stream.linear.gather [hbm4b:s0+s1], $0x400, $0x38;
	[tilespmem:$0xC980] =	vst v63  }
0xc1: {  	s0 =	spop (v2sf)  }
0xc2: {  	(v2sf) =	vpush v5, $0x3;
	s0 =	sand.u32 $0xFFFF80, s0  }
0xc3: {  	s2 =	rddreg [dreg:$0xc];
	s0 =	sadd.s32 s3, s0  }
0xc4: {  	[tilespmem:s2], [sflag:$0x2] =	stream.linear.gather [hbm4b:s0+s1], $0x400, $0x38;
	[tilespmem:$0xC980] =	vst v63  }
0xc5: {  	s0 =	spop (v2sf)  }
0xc6: {  	(v2sf) =	vpush v6, $0x3;
	s0 =	sand.u32 $0xFFFF80, s0  }
0xc7: {  	s2 =	rddreg [dreg:$0xd];
	s0 =	sadd.s32 s3, s0  }
0xc8: {  	[tilespmem:s2], [sflag:$0x2] =	stream.linear.gather [hbm4b:s0+s1], $0x400, $0x38;
	[tilespmem:$0xC980] =	vst v63  }
0xc9: {  	s0 =	spop (v2sf)  }
0xca: {  	(v2sf) =	vpush v4, $0x4;
	s0 =	sand.u32 $0x3F80, s0  }
0xcb: {  	s2 =	rddreg [dreg:$0xe];
	s0 =	sadd.s32 s21, s0  }
0xcc: {  	[tilespmem:s2], [sflag:$0x2] =	stream.linear.gather [hbm4b:s0+s1], $0x400, $0x38;
	[tilespmem:$0xC980] =	vst v63  }
0xcd: {  	s0 =	spop (v2sf)  }
0xce: {  	(v2sf) =	vpush v5, $0x4;
	s0 =	sand.u32 $0xFFFF80, s0  }
0xcf: {  	s2 =	rddreg [dreg:$0xf];
	s0 =	sadd.s32 s3, s0  }
0xd0: {  	[tilespmem:s2], [sflag:$0x2] =	stream.linear.gather [hbm4b:s0+s1], $0x400, $0x38;
	[tilespmem:$0xC980] =	vst v63  }
0xd1: {  	s0 =	spop (v2sf)  }
0xd2: {  	(v2sf) =	vpush v6, $0x4;
	s0 =	sand.u32 $0xFFFF80, s0  }
0xd3: {  	s2 =	rddreg [dreg:$0x10];
	s0 =	sadd.s32 s3, s0  }
0xd4: {  	[tilespmem:s2], [sflag:$0x2] =	stream.linear.gather [hbm4b:s0+s1], $0x400, $0x38;
	[tilespmem:$0xC980] =	vst v63  }
0xd5: {  	s0 =	spop (v2sf)  }
0xd6: {  	(v2sf) =	vpush v4, $0x5;
	s0 =	sand.u32 $0x3F80, s0  }
0xd7: {  	s2 =	rddreg [dreg:$0x11];
	s0 =	sadd.s32 s21, s0  }
0xd8: {  	[tilespmem:s2], [sflag:$0x2] =	stream.linear.gather [hbm4b:s0+s1], $0x400, $0x38;
	[tilespmem:$0xC980] =	vst v63  }
0xd9: {  	s0 =	spop (v2sf)  }
0xda: {  	(v2sf) =	vpush v5, $0x5;
	s0 =	sand.u32 $0xFFFF80, s0  }
0xdb: {  	s2 =	rddreg [dreg:$0x12];
	s0 =	sadd.s32 s3, s0  }
0xdc: {  	[tilespmem:s2], [sflag:$0x2] =	stream.linear.gather [hbm4b:s0+s1], $0x400, $0x38;
	[tilespmem:$0xC980] =	vst v63  }
0xdd: {  	s0 =	spop (v2sf)  }
0xde: {  	(v2sf) =	vpush v6, $0x5;
	s0 =	sand.u32 $0xFFFF80, s0  }
0xdf: {  	s2 =	rddreg [dreg:$0x13];
	s0 =	sadd.s32 s3, s0  }
0xe0: {  	[tilespmem:s2], [sflag:$0x2] =	stream.linear.gather [hbm4b:s0+s1], $0x400, $0x38;
	[tilespmem:$0xC980] =	vst v63  }
0xe1: {  	s0 =	spop (v2sf)  }
0xe2: {  	(v2sf) =	vpush v4, $0x6;
	s0 =	sand.u32 $0x3F80, s0  }
0xe3: {  	s2 =	rddreg [dreg:$0x14];
	s0 =	sadd.s32 s21, s0  }
0xe4: {  	[tilespmem:s2], [sflag:$0x2] =	stream.linear.gather [hbm4b:s0+s1], $0x400, $0x38;
	[tilespmem:$0xC980] =	vst v63  }
0xe5: {  	s0 =	spop (v2sf)  }
0xe6: {  	(v2sf) =	vpush v5, $0x6;
	s0 =	sand.u32 $0xFFFF80, s0  }
0xe7: {  	s2 =	rddreg [dreg:$0x15];
	s0 =	sadd.s32 s3, s0  }
0xe8: {  	[tilespmem:s2], [sflag:$0x2] =	stream.linear.gather [hbm4b:s0+s1], $0x400, $0x38;
	[tilespmem:$0xC980] =	vst v63  }
0xe9: {  	s0 =	spop (v2sf)  }
0xea: {  	(v2sf) =	vpush v6, $0x6;
	s0 =	sand.u32 $0xFFFF80, s0  }
0xeb: {  	s2 =	rddreg [dreg:$0x16];
	s0 =	sadd.s32 s3, s0  }
0xec: {  	[tilespmem:s2], [sflag:$0x2] =	stream.linear.gather [hbm4b:s0+s1], $0x400, $0x38;
	[tilespmem:$0xC980] =	vst v63  }
0xed: {  	s0 =	spop (v2sf)  }
0xee: {  	(v2sf) =	vpush v4, $0x7;
	s0 =	sand.u32 $0x3F80, s0  }
0xef: {  	s2 =	rddreg [dreg:$0x17];
	s0 =	sadd.s32 s21, s0  }
0xf0: {  	[tilespmem:s2], [sflag:$0x2] =	stream.linear.gather [hbm4b:s0+s1], $0x400, $0x38;
	[tilespmem:$0xC980] =	vst v63  }
0xf1: {  	s0 =	spop (v2sf)  }
0xf2: {  	(v2sf) =	vpush v5, $0x7;
	s0 =	sand.u32 $0xFFFF80, s0  }
0xf3: {  	s2 =	rddreg [dreg:$0x18];
	s0 =	sadd.s32 s3, s0  }
0xf4: {  	[tilespmem:s2], [sflag:$0x2] =	stream.linear.gather [hbm4b:s0+s1], $0x400, $0x38;
	[tilespmem:$0xC980] =	vst v63  }
0xf5: {  	s0 =	spop (v2sf)  }
0xf6: {  	(v2sf) =	vpush v6, $0x7;
	s0 =	sand.u32 $0xFFFF80, s0  }
0xf7: {  	s2 =	rddreg [dreg:$0x19];
	s0 =	sadd.s32 s3, s0  }
0xf8: {  	[tilespmem:s2], [sflag:$0x2] =	stream.linear.gather [hbm4b:s0+s1], $0x400, $0x38;
	[tilespmem:$0xC980] =	vst v63  }
0xf9: {  	s0 =	spop (v2sf)  }
0xfa: {  	s0 =	sand.u32 $0x3F80, s0  }
0xfb: {  	s2 =	rddreg [dreg:$0x1a];
	s0 =	sadd.s32 s21, s0  }
0xfc: {  	[tilespmem:s2], [sflag:$0x2] =	stream.linear.gather [hbm4b:s0+s1], $0x400, $0x38;
	[tilespmem:$0xC980] =	vst v63  }
0xfd: {  	s0 =	spop (v2sf)  }
0xfe: {  	s0 =	sand.u32 $0xFFFF80, s0  }
0xff: {  	s2 =	rddreg [dreg:$0x1b];
	s0 =	sadd.s32 s3, s0  }
0x100: {  	[tilespmem:s2], [sflag:$0x2] =	stream.linear.gather [hbm4b:s0+s1], $0x400, $0x38;
	[tilespmem:$0xC980] =	vst v63  }
0x101: {  	s0 =	spop (v2sf)  }
0x102: {  	s0 =	sand.u32 $0xFFFF80, s0  }
0x103: {  	s2 =	rddreg [dreg:$0x1c];
	s0 =	sadd.s32 s3, s0  }
0x104: {  	[tilespmem:s2], [sflag:$0x2] =	stream.linear.gather [hbm4b:s0+s1], $0x400, $0x38;
	[tilespmem:$0xC980] =	vst v63  }
0x105: {  	s0 =	spop (v2sf)  }
0x106: {  	s0 =	sand.u32 $0x3F80, s0  }
0x107: {  	s2 =	rddreg [dreg:$0x1d];
	s0 =	sadd.s32 s21, s0  }
0x108: {  	[tilespmem:s2], [sflag:$0x2] =	stream.linear.gather [hbm4b:s0+s1], $0x400, $0x38;
	[tilespmem:$0xC980] =	vst v63  }
0x109: {  	_ =	swait.ge [sflag:s5], $0x2000  }
0x10a: {  	[sflag:s5] =	ssyncset.done $0x0  }
0x10b: {  	[sflag:s5] =	ssyncadd.s32 $0xFFFFE000  }
0x10c: {  	_ =	swait.ge [sflag:s5], $0x2000  }
0x10d: {  	[sflag:s5] =	ssyncset.done $0x0  }
0x10e: {  	[sflag:s5] =	ssyncadd.s32 $0xFFFFE000  }
0x10f: {  	v1 =	vshll.u32 v1, $0x7;
	_ =	swait.ge [sflag:s5], $0x2000  }
0x110: {  	(v2sf) =	vpush v1, $0x0;
	_ =	sdelay $0x2  }
0x111: {  	v2 =	vshll.u32 v2, $0x7  }
0x112: {  	(v2sf) =	vpush v2, $0x0;
	_ =	sdelay $0x2  }
0x113: {  	v3 =	vshll.u32 v3, $0x7  }
0x114: {  	(v2sf) =	vpush v3, $0x0;
	_ =	sdelay $0x6  }
0x115: {  	[sflag:s5] =	ssyncset.done $0x0;
	s2 =	spop (v2sf)  }
0x116: {  	[sflag:s5] =	ssyncadd.s32 $0xFFFFE000;
	s0 =	sand.u32 $0x380, s2  }
0x117: {  	v53 =	vld [tilespmem:s0+$0x780]  }
0x118: {  	v8 =	vld [tilespmem:s0+$0x790]  }
0x119: {  	s5 =	spop (v2sf);
	v12 =	vld [tilespmem:s0+$0x7A0]  }
0x11a: {  	s2 =	sand.u32 $0x380, s5;
	v14 =	vld [tilespmem:s0+$0x7B0]  }
0x11b: {  	v54 =	vld [tilespmem:s2+$0x4780]  }
0x11c: {  	v9 =	vld [tilespmem:s2+$0x4790]  }
0x11d: {  	s5 =	spop (v2sf);
	v56 =	vld [tilespmem:s2+$0x47A0]  }
0x11e: {  	s5 =	sand.u32 $0x380, s5;
	v57 =	vld [tilespmem:s2+$0x47B0]  }
0x11f: {  	v55 =	vld [tilespmem:s5+$0x8780]  }
0x120: {  	v7 =	vld [tilespmem:s5+$0x87C0]  }
0x121: {  	v10 =	vld [tilespmem:s5+$0x8790]  }
0x122: {  	v13 =	vld [tilespmem:s5+$0x87A0]  }
0x123: {  	v17 =	vld [tilespmem:s5+$0x87E0]  }
0x124: {  	v11 =	vld [tilespmem:s5+$0x87D0]  }
0x125: {  	v16 =	vld [tilespmem:s5+$0x87B0];
	v4 =	vsub.f32 v53, v54  }
0x126: {  	v8 =	vsub.f32 v8, v9;
	v5 =	vsub.f32 v12, v56  }
0x127: {  	v9 =	vsub.f32 v14, v57;
	v6 =	vmul.f32 v7, v55;
	v4 =	vadd.f32 v55, v4  }
0x128: {  	v61 =	vmul.f32 v17, v13;
	v63 =	vmul.f32 v17, v17;
	v8 =	vadd.f32 v10, v8  }
0x129: {  	v5 =	vadd.f32 v13, v5;
	v10 =	vmul.f32 v11, v10;
	v15 =	vmul.f32 v7, v4  }
0x12a: {  	v59 =	vld [tilespmem:s5+$0x87F0];
	v9 =	vadd.f32 v16, v9;
	v4 =	vmul.f32 v4, v4;
	v58 =	vmul.f32 v8, v8  }
0x12b: {  	v6 =	vadd.f32 $0.0e+00, v6;
	v8 =	vmul.f32 v11, v8;
	v15 =	vadd.f32 $0.0e+00, v15  }
0x12c: {  	v7 =	vmul.f32 v7, v7;
	v60 =	vmul.f32 v5, v5;
	v4 =	vadd.f32 v58, v4  }
0x12d: {  	v11 =	vmul.f32 v11, v11;
	v5 =	vmul.f32 v17, v5;
	v8 =	vadd.f32 v8, v15  }
0x12e: {  	v62 =	vmul.f32 v9, v9;
	v6 =	vadd.f32 v10, v6;
	v4 =	vadd.f32 v60, v4  }
0x12f: {  	v9 =	vmul.f32 v59, v9;
	v7 =	vadd.f32 v11, v7;
	v5 =	vadd.f32 v5, v8  }
0x130: {  	v12 =	vmul.f32 v59, v16;
	v6 =	vadd.f32 v61, v6;
	v4 =	vadd.f32 v62, v4  }
0x131: {  	v13 =	vmul.f32 v59, v59;
	v7 =	vadd.f32 v63, v7;
	v5 =	vadd.f32 v9, v5  }
0x132: {  	v6 =	vadd.f32 v12, v6;
	(xrf2) =	vadd.scan.msk.f32 $0xffff, v4  }
0x133: {  	v14 =	vadd.f32 v13, v7;
	(xrf2) =	vadd.scan.msk.f32 $0xffff, v5  }
0x134: {  	(xrf2) =	vadd.scan.msk.f32 $0xffff, v6  }
0x135: {  	(xrf2) =	vadd.scan.msk.f32 $0xffff, v14;
	_ =	sdelay $0x6  }
0x136: {  	v15, _, _ =	vpop (xrf2)  }
0x137: {  	(v2sf) =	vpush v15, $0xF;
	v16, _, _ =	vpop (xrf2)  }
0x138: {  	(v2sf) =	vpush v16, $0xF;
	v17, _, _ =	vpop (xrf2)  }
0x139: {  	(v2sf) =	vpush v17, $0xF;
	v18, _, _ =	vpop (xrf2)  }
0x13a: {  	(v2sf) =	vpush v18, $0xF  }
0x13b: {  	(v2sf) =	vpush v1, $0x1;
	_ =	sdelay $0x3  }
0x13c: {  	(v2sf) =	vpush v2, $0x1;
	_ =	sdelay $0x3  }
0x13d: {  	(v2sf) =	vpush v3, $0x1;
	_ =	sdelay $0x2  }
0x13e: {  	s2 =	spop (v2sf)  }
0x13f: {  	s5 =	spop (v2sf)  }
0x140: {  	[smem:$0x7CC] =	sst s2;
	s2 =	spop (v2sf)  }
0x141: {  	[smem:$0x7C8] =	sst s5;
	s5 =	spop (v2sf)  }
0x142: {  	[smem:$0x7C9] =	sst s2;
	s2 =	spop (v2sf)  }
0x143: {  	s0 =	sand.u32 $0x380, s2  }
0x144: {  	v19 =	vld [tilespmem:s0+$0xB80]  }
0x145: {  	v23 =	vld [tilespmem:s0+$0xB90]  }
0x146: {  	[smem:$0x7D2] =	sst s5;
	s5 =	spop (v2sf);
	v27 =	vld [tilespmem:s0+$0xBA0]  }
0x147: {  	s2 =	sand.u32 $0x380, s5;
	v30 =	vld [tilespmem:s0+$0xBB0]  }
0x148: {  	v20 =	vld [tilespmem:s2+$0x4B80]  }
0x149: {  	v24 =	vld [tilespmem:s2+$0x4B90]  }
0x14a: {  	s5 =	spop (v2sf);
	v28 =	vld [tilespmem:s2+$0x4BA0]  }
0x14b: {  	s5 =	sand.u32 $0x380, s5;
	v31 =	vld [tilespmem:s2+$0x4BB0]  }
0x14c: {  	v21 =	vld [tilespmem:s5+$0x8B80]  }
0x14d: {  	v22 =	vld [tilespmem:s5+$0x8BC0]  }
0x14e: {  	v25 =	vld [tilespmem:s5+$0x8B90]  }
0x14f: {  	v26 =	vld [tilespmem:s5+$0x8BD0]  }
0x150: {  	v29 =	vld [tilespmem:s5+$0x8BA0]  }
0x151: {  	v34 =	vld [tilespmem:s5+$0x8BE0]  }
0x152: {  	v4 =	vsub.f32 v19, v20  }
0x153: {  	v33 =	vld [tilespmem:s5+$0x8BB0];
	v8 =	vsub.f32 v23, v24;
	v5 =	vsub.f32 v27, v28  }
0x154: {  	v6 =	vmul.f32 v22, v21;
	v7 =	vmul.f32 v22, v22;
	v4 =	vadd.f32 v21, v4  }
0x155: {  	v10 =	vmul.f32 v26, v25;
	v11 =	vmul.f32 v26, v26;
	v8 =	vadd.f32 v25, v8  }
0x156: {  	v9 =	vsub.f32 v30, v31;
	v38 =	vmul.f32 v34, v29;
	v32 =	vmul.f32 v22, v4  }
0x157: {  	v36 =	vld [tilespmem:s5+$0x8BF0];
	v5 =	vadd.f32 v29, v5;
	v4 =	vmul.f32 v4, v4;
	v35 =	vmul.f32 v8, v8  }
0x158: {  	v9 =	vadd.f32 v33, v9;
	v8 =	vmul.f32 v26, v8;
	v15 =	vadd.f32 $0.0e+00, v32  }
0x159: {  	v6 =	vadd.f32 $0.0e+00, v6;
	v37 =	vmul.f32 v5, v5;
	v4 =	vadd.f32 v35, v4  }
0x15a: {  	v40 =	vmul.f32 v34, v34;
	v5 =	vmul.f32 v34, v5;
	v8 =	vadd.f32 v8, v15  }
0x15b: {  	v39 =	vmul.f32 v9, v9;
	v6 =	vadd.f32 v10, v6;
	v4 =	vadd.f32 v37, v4  }
0x15c: {  	v7 =	vadd.f32 v11, v7;
	v9 =	vmul.f32 v36, v9;
	v5 =	vadd.f32 v5, v8  }
0x15d: {  	v41 =	vmul.f32 v36, v33;
	v6 =	vadd.f32 v38, v6;
	v4 =	vadd.f32 v39, v4  }
0x15e: {  	v42 =	vmul.f32 v36, v36;
	v7 =	vadd.f32 v40, v7;
	v5 =	vadd.f32 v9, v5  }
0x15f: {  	v6 =	vadd.f32 v41, v6;
	(xrf2) =	vadd.scan.msk.f32 $0xffff, v4  }
0x160: {  	v43 =	vadd.f32 v42, v7;
	(xrf2) =	vadd.scan.msk.f32 $0xffff, v5  }
0x161: {  	(xrf2) =	vadd.scan.msk.f32 $0xffff, v6  }
0x162: {  	(xrf2) =	vadd.scan.msk.f32 $0xffff, v43;
	_ =	sdelay $0x6  }
0x163: {  	v44, _, _ =	vpop (xrf2)  }
0x164: {  	(v2sf) =	vpush v44, $0xF;
	v45, _, _ =	vpop (xrf2)  }
0x165: {  	(v2sf) =	vpush v45, $0xF;
	v46, _, _ =	vpop (xrf2)  }
0x166: {  	(v2sf) =	vpush v46, $0xF;
	v47, _, _ =	vpop (xrf2)  }
0x167: {  	(v2sf) =	vpush v47, $0xF  }
0x168: {  	(v2sf) =	vpush v1, $0x2;
	_ =	sdelay $0x3  }
0x169: {  	(v2sf) =	vpush v2, $0x2;
	_ =	sdelay $0x3  }
0x16a: {  	(v2sf) =	vpush v3, $0x2;
	_ =	sdelay $0x2  }
0x16b: {  	s2 =	spop (v2sf)  }
0x16c: {  	s5 =	spop (v2sf)  }
0x16d: {  	[smem:$0x7CD] =	sst s2;
	s2 =	spop (v2sf)  }
0x16e: {  	[smem:$0x7CA] =	sst s5;
	s5 =	spop (v2sf)  }
0x16f: {  	[smem:$0x7CB] =	sst s2;
	s2 =	spop (v2sf)  }
0x170: {  	s0 =	sand.u32 $0x380, s2  }
0x171: {  	v48 =	vld [tilespmem:s0+$0xF80]  }
0x172: {  	v52 =	vld [tilespmem:s0+$0xF90]  }
0x173: {  	[smem:$0x7D3] =	sst s5;
	s5 =	spop (v2sf);
	v56 =	vld [tilespmem:s0+$0xFA0]  }
0x174: {  	s2 =	sand.u32 $0x380, s5;
	v59 =	vld [tilespmem:s0+$0xFB0]  }
0x175: {  	v49 =	vld [tilespmem:s2+$0x4F80]  }
0x176: {  	v53 =	vld [tilespmem:s2+$0x4F90]  }
0x177: {  	s5 =	spop (v2sf);
	v57 =	vld [tilespmem:s2+$0x4FA0]  }
0x178: {  	s5 =	sand.u32 $0x380, s5;
	v60 =	vld [tilespmem:s2+$0x4FB0]  }
0x179: {  	v50 =	vld [tilespmem:s5+$0x8F80]  }
0x17a: {  	v51 =	vld [tilespmem:s5+$0x8FC0]  }
0x17b: {  	v54 =	vld [tilespmem:s5+$0x8F90]  }
0x17c: {  	v55 =	vld [tilespmem:s5+$0x8FD0]  }
0x17d: {  	v58 =	vld [tilespmem:s5+$0x8FA0]  }
0x17e: {  	v63 =	vld [tilespmem:s5+$0x8FE0]  }
0x17f: {  	v4 =	vsub.f32 v48, v49  }
0x180: {  	v62 =	vld [tilespmem:s5+$0x8FB0];
	v8 =	vsub.f32 v52, v53;
	v5 =	vsub.f32 v56, v57  }
0x181: {  	v6 =	vmul.f32 v51, v50;
	v7 =	vmul.f32 v51, v51;
	v4 =	vadd.f32 v50, v4  }
0x182: {  	v10 =	vmul.f32 v55, v54;
	v11 =	vmul.f32 v55, v55;
	v8 =	vadd.f32 v54, v8  }
0x183: {  	v9 =	vsub.f32 v59, v60;
	v21 =	vmul.f32 v63, v58;
	v61 =	vmul.f32 v51, v4  }
0x184: {  	v19 =	vld [tilespmem:s5+$0x8FF0];
	v5 =	vadd.f32 v58, v5;
	v4 =	vmul.f32 v4, v4;
	v18 =	vmul.f32 v8, v8  }
0x185: {  	v9 =	vadd.f32 v62, v9;
	v8 =	vmul.f32 v55, v8;
	v15 =	vadd.f32 $0.0e+00, v61  }
0x186: {  	v6 =	vadd.f32 $0.0e+00, v6;
	v20 =	vmul.f32 v5, v5;
	v4 =	vadd.f32 v18, v4  }
0x187: {  	v23 =	vmul.f32 v63, v63;
	v5 =	vmul.f32 v63, v5;
	v8 =	vadd.f32 v8, v15  }
0x188: {  	v22 =	vmul.f32 v9, v9;
	v6 =	vadd.f32 v10, v6;
	v4 =	vadd.f32 v20, v4  }
0x189: {  	v7 =	vadd.f32 v11, v7;
	v9 =	vmul.f32 v19, v9;
	v5 =	vadd.f32 v5, v8  }
0x18a: {  	v24 =	vmul.f32 v19, v62;
	v6 =	vadd.f32 v21, v6;
	v4 =	vadd.f32 v22, v4  }
0x18b: {  	v25 =	vmul.f32 v19, v19;
	v7 =	vadd.f32 v23, v7;
	v5 =	vadd.f32 v9, v5  }
0x18c: {  	v6 =	vadd.f32 v24, v6;
	(xrf2) =	vadd.scan.msk.f32 $0xffff, v4  }
0x18d: {  	v26 =	vadd.f32 v25, v7;
	(xrf2) =	vadd.scan.msk.f32 $0xffff, v5  }
0x18e: {  	(xrf2) =	vadd.scan.msk.f32 $0xffff, v6  }
0x18f: {  	(xrf2) =	vadd.scan.msk.f32 $0xffff, v26;
	_ =	sdelay $0x6  }
0x190: {  	v27, _, _ =	vpop (xrf2)  }
0x191: {  	(v2sf) =	vpush v27, $0xF;
	v28, _, _ =	vpop (xrf2)  }
0x192: {  	(v2sf) =	vpush v28, $0xF;
	v29, _, _ =	vpop (xrf2)  }
0x193: {  	(v2sf) =	vpush v29, $0xF;
	v30, _, _ =	vpop (xrf2)  }
0x194: {  	(v2sf) =	vpush v30, $0xF  }
0x195: {  	(v2sf) =	vpush v1, $0x3;
	_ =	sdelay $0x3  }
0x196: {  	(v2sf) =	vpush v2, $0x3;
	_ =	sdelay $0x3  }
0x197: {  	(v2sf) =	vpush v3, $0x3;
	_ =	sdelay $0x2  }
0x198: {  	s2 =	spop (v2sf)  }
0x199: {  	s5 =	spop (v2sf)  }
0x19a: {  	[smem:$0x7D4] =	sst s2;
	s2 =	spop (v2sf)  }
0x19b: {  	[smem:$0x7CE] =	sst s5;
	s5 =	spop (v2sf)  }
0x19c: {  	[smem:$0x7CF] =	sst s2;
	s2 =	spop (v2sf)  }
0x19d: {  	s0 =	sand.u32 $0x380, s2  }
0x19e: {  	v31 =	vld [tilespmem:s0+$0x1380]  }
0x19f: {  	v35 =	vld [tilespmem:s0+$0x1390]  }
0x1a0: {  	[smem:$0x7DA] =	sst s5;
	s5 =	spop (v2sf);
	v39 =	vld [tilespmem:s0+$0x13A0]  }
0x1a1: {  	s2 =	sand.u32 $0x380, s5;
	v42 =	vld [tilespmem:s0+$0x13B0]  }
0x1a2: {  	v32 =	vld [tilespmem:s2+$0x5380]  }
0x1a3: {  	v36 =	vld [tilespmem:s2+$0x5390]  }
0x1a4: {  	s5 =	spop (v2sf);
	v40 =	vld [tilespmem:s2+$0x53A0]  }
0x1a5: {  	s5 =	sand.u32 $0x380, s5;
	v43 =	vld [tilespmem:s2+$0x53B0]  }
0x1a6: {  	v33 =	vld [tilespmem:s5+$0x9380]  }
0x1a7: {  	v34 =	vld [tilespmem:s5+$0x93C0]  }
0x1a8: {  	v37 =	vld [tilespmem:s5+$0x9390]  }
0x1a9: {  	v38 =	vld [tilespmem:s5+$0x93D0]  }
0x1aa: {  	v41 =	vld [tilespmem:s5+$0x93A0]  }
0x1ab: {  	v46 =	vld [tilespmem:s5+$0x93E0]  }
0x1ac: {  	v4 =	vsub.f32 v31, v32  }
0x1ad: {  	v45 =	vld [tilespmem:s5+$0x93B0];
	v8 =	vsub.f32 v35, v36;
	v5 =	vsub.f32 v39, v40  }
0x1ae: {  	v6 =	vmul.f32 v34, v33;
	v7 =	vmul.f32 v34, v34;
	v4 =	vadd.f32 v33, v4  }
0x1af: {  	v10 =	vmul.f32 v38, v37;
	v11 =	vmul.f32 v38, v38;
	v8 =	vadd.f32 v37, v8  }
0x1b0: {  	v9 =	vsub.f32 v42, v43;
	v50 =	vmul.f32 v46, v41;
	v44 =	vmul.f32 v34, v4  }
0x1b1: {  	v48 =	vld [tilespmem:s5+$0x93F0];
	v5 =	vadd.f32 v41, v5;
	v4 =	vmul.f32 v4, v4;
	v47 =	vmul.f32 v8, v8  }
0x1b2: {  	v9 =	vadd.f32 v45, v9;
	v8 =	vmul.f32 v38, v8;
	v15 =	vadd.f32 $0.0e+00, v44  }
0x1b3: {  	v6 =	vadd.f32 $0.0e+00, v6;
	v49 =	vmul.f32 v5, v5;
	v4 =	vadd.f32 v47, v4  }
0x1b4: {  	v52 =	vmul.f32 v46, v46;
	v5 =	vmul.f32 v46, v5;
	v8 =	vadd.f32 v8, v15  }
0x1b5: {  	v51 =	vmul.f32 v9, v9;
	v6 =	vadd.f32 v10, v6;
	v4 =	vadd.f32 v49, v4  }
0x1b6: {  	v7 =	vadd.f32 v11, v7;
	v9 =	vmul.f32 v48, v9;
	v5 =	vadd.f32 v5, v8  }
0x1b7: {  	v53 =	vmul.f32 v48, v45;
	v6 =	vadd.f32 v50, v6;
	v4 =	vadd.f32 v51, v4  }
0x1b8: {  	v54 =	vmul.f32 v48, v48;
	v7 =	vadd.f32 v52, v7;
	v5 =	vadd.f32 v9, v5  }
0x1b9: {  	v6 =	vadd.f32 v53, v6;
	(xrf2) =	vadd.scan.msk.f32 $0xffff, v4  }
0x1ba: {  	v55 =	vadd.f32 v54, v7;
	(xrf2) =	vadd.scan.msk.f32 $0xffff, v5  }
0x1bb: {  	(xrf2) =	vadd.scan.msk.f32 $0xffff, v6  }
0x1bc: {  	(xrf2) =	vadd.scan.msk.f32 $0xffff, v55;
	_ =	sdelay $0x6  }
0x1bd: {  	v56, _, _ =	vpop (xrf2)  }
0x1be: {  	(v2sf) =	vpush v56, $0xF;
	v57, _, _ =	vpop (xrf2)  }
0x1bf: {  	(v2sf) =	vpush v57, $0xF;
	v58, _, _ =	vpop (xrf2)  }
0x1c0: {  	(v2sf) =	vpush v58, $0xF;
	v59, _, _ =	vpop (xrf2)  }
0x1c1: {  	(v2sf) =	vpush v59, $0xF  }
0x1c2: {  	(v2sf) =	vpush v1, $0x4;
	_ =	sdelay $0x3  }
0x1c3: {  	(v2sf) =	vpush v2, $0x4;
	_ =	sdelay $0x3  }
0x1c4: {  	(v2sf) =	vpush v3, $0x4;
	_ =	sdelay $0x2  }
0x1c5: {  	s2 =	spop (v2sf)  }
0x1c6: {  	s5 =	spop (v2sf)  }
0x1c7: {  	[smem:$0x7D5] =	sst s2;
	s2 =	spop (v2sf)  }
0x1c8: {  	[smem:$0x7D0] =	sst s5;
	s5 =	spop (v2sf)  }
0x1c9: {  	[smem:$0x7D1] =	sst s2;
	s2 =	spop (v2sf)  }
0x1ca: {  	s0 =	sand.u32 $0x380, s2  }
0x1cb: {  	v60 =	vld [tilespmem:s0+$0x1780]  }
0x1cc: {  	v20 =	vld [tilespmem:s0+$0x1790]  }
0x1cd: {  	[smem:$0x7DB] =	sst s5;
	s5 =	spop (v2sf);
	v24 =	vld [tilespmem:s0+$0x17A0]  }
0x1ce: {  	s2 =	sand.u32 $0x380, s5;
	v27 =	vld [tilespmem:s0+$0x17B0]  }
0x1cf: {  	v61 =	vld [tilespmem:s2+$0x5780]  }
0x1d0: {  	v21 =	vld [tilespmem:s2+$0x5790]  }
0x1d1: {  	s5 =	spop (v2sf);
	v25 =	vld [tilespmem:s2+$0x57A0]  }
0x1d2: {  	s5 =	sand.u32 $0x380, s5;
	v28 =	vld [tilespmem:s2+$0x57B0]  }
0x1d3: {  	v62 =	vld [tilespmem:s5+$0x9780]  }
0x1d4: {  	v22 =	vld [tilespmem:s5+$0x9790]  }
0x1d5: {  	v63 =	vld [tilespmem:s5+$0x97C0]  }
0x1d6: {  	v26 =	vld [tilespmem:s5+$0x97A0];
	v4 =	vsub.f32 v60, v61  }
0x1d7: {  	v23 =	vld [tilespmem:s5+$0x97D0];
	v8 =	vsub.f32 v20, v21  }
0x1d8: {  	v30 =	vld [tilespmem:s5+$0x97B0];
	v4 =	vadd.f32 v62, v4  }
0x1d9: {  	v31 =	vld [tilespmem:s5+$0x97E0];
	v5 =	vsub.f32 v24, v25;
	v8 =	vadd.f32 v22, v8  }
0x1da: {  	v9 =	vsub.f32 v27, v28;
	v29 =	vmul.f32 v63, v4  }
0x1db: {  	v33 =	vld [tilespmem:s5+$0x97F0];
	v5 =	vadd.f32 v26, v5;
	v4 =	vmul.f32 v4, v4;
	v32 =	vmul.f32 v8, v8  }
0x1dc: {  	v8 =	vmul.f32 v23, v8;
	v15 =	vadd.f32 $0.0e+00, v29  }
0x1dd: {  	v9 =	vadd.f32 v30, v9;
	v34 =	vmul.f32 v5, v5;
	v4 =	vadd.f32 v32, v4  }
0x1de: {  	v6 =	vmul.f32 v63, v62;
	v5 =	vmul.f32 v31, v5;
	v8 =	vadd.f32 v8, v15  }
0x1df: {  	v10 =	vmul.f32 v23, v22;
	v36 =	vmul.f32 v9, v9;
	v4 =	vadd.f32 v34, v4  }
0x1e0: {  	v6 =	vadd.f32 $0.0e+00, v6;
	v9 =	vmul.f32 v33, v9;
	v5 =	vadd.f32 v5, v8  }
0x1e1: {  	v4 =	vadd.f32 v36, v4  }
0x1e2: {  	v35 =	vmul.f32 v31, v26;
	v6 =	vadd.f32 v10, v6;
	v5 =	vadd.f32 v9, v5  }
0x1e3: {  	v7 =	vmul.f32 v63, v63;
	(xrf2) =	vadd.scan.msk.f32 $0xffff, v4  }
0x1e4: {  	v11 =	vmul.f32 v23, v23;
	v38 =	vmul.f32 v33, v30;
	v6 =	vadd.f32 v35, v6;
	(xrf2) =	vadd.scan.msk.f32 $0xffff, v5;
	_ =	sdelay $0x1  }
0x1e5: {  	v37 =	vmul.f32 v31, v31;
	v7 =	vadd.f32 v11, v7;
	v6 =	vadd.f32 v38, v6;
	_ =	sdelay $0x1  }
0x1e6: {  	v39 =	vmul.f32 v33, v33;
	v7 =	vadd.f32 v37, v7;
	(xrf2) =	vadd.scan.msk.f32 $0xffff, v6;
	_ =	sdelay $0x1  }
0x1e7: {  	v40 =	vadd.f32 v39, v7;
	_ =	sdelay $0x1  }
0x1e8: {  	(xrf2) =	vadd.scan.msk.f32 $0xffff, v40  }
0x1e9: {  	v41, _, _ =	vpop (xrf2)  }
0x1ea: {  	(v2sf) =	vpush v41, $0xF;
	v42, _, _ =	vpop (xrf2)  }
0x1eb: {  	(v2sf) =	vpush v42, $0xF;
	_ =	sdelay $0x2  }
0x1ec: {  	v43, _, _ =	vpop (xrf2)  }
0x1ed: {  	(v2sf) =	vpush v43, $0xF;
	_ =	sdelay $0x2  }
0x1ee: {  	v44, _, _ =	vpop (xrf2)  }
0x1ef: {  	(v2sf) =	vpush v44, $0xF;
	_ =	sdelay $0x5  }
0x1f0: {  	s2 =	spop (v2sf)  }
0x1f1: {  	s5 =	spop (v2sf);
	(v2sf) =	vpush v1, $0x5;
	_ =	sdelay $0x3  }
0x1f2: {  	[smem:$0x7DC] =	sst s2;
	s2 =	spop (v2sf);
	(v2sf) =	vpush v2, $0x5  }
0x1f3: {  	_ =	sdelay $0x2  }
0x1f4: {  	[smem:$0x7D6] =	sst s5;
	s5 =	spop (v2sf);
	(v2sf) =	vpush v3, $0x5  }
0x1f5: {  	_ =	sdelay $0x5  }
0x1f6: {  	[smem:$0x7D7] =	sst s2;
	s2 =	spop (v2sf)  }
0x1f7: {  	s0 =	sand.u32 $0x380, s2  }
0x1f8: {  	v45 =	vld [tilespmem:s0+$0x1B80]  }
0x1f9: {  	v49 =	vld [tilespmem:s0+$0x1B90]  }
0x1fa: {  	[smem:$0x7E2] =	sst s5;
	s5 =	spop (v2sf);
	v53 =	vld [tilespmem:s0+$0x1BA0]  }
0x1fb: {  	s2 =	sand.u32 $0x380, s5;
	v56 =	vld [tilespmem:s0+$0x1BB0]  }
0x1fc: {  	v46 =	vld [tilespmem:s2+$0x5B80]  }
0x1fd: {  	v50 =	vld [tilespmem:s2+$0x5B90]  }
0x1fe: {  	s5 =	spop (v2sf);
	v54 =	vld [tilespmem:s2+$0x5BA0]  }
0x1ff: {  	s5 =	sand.u32 $0x380, s5;
	v57 =	vld [tilespmem:s2+$0x5BB0]  }
0x200: {  	v47 =	vld [tilespmem:s5+$0x9B80]  }
0x201: {  	v48 =	vld [tilespmem:s5+$0x9BC0]  }
0x202: {  	v51 =	vld [tilespmem:s5+$0x9B90]  }
0x203: {  	v52 =	vld [tilespmem:s5+$0x9BD0]  }
0x204: {  	v55 =	vld [tilespmem:s5+$0x9BA0]  }
0x205: {  	v60 =	vld [tilespmem:s5+$0x9BE0]  }
0x206: {  	v4 =	vsub.f32 v45, v46  }
0x207: {  	v59 =	vld [tilespmem:s5+$0x9BB0];
	v8 =	vsub.f32 v49, v50;
	v5 =	vsub.f32 v53, v54  }
0x208: {  	v6 =	vmul.f32 v48, v47;
	v7 =	vmul.f32 v48, v48;
	v4 =	vadd.f32 v47, v4  }
0x209: {  	v10 =	vmul.f32 v52, v51;
	v11 =	vmul.f32 v52, v52;
	v8 =	vadd.f32 v51, v8  }
0x20a: {  	v9 =	vsub.f32 v56, v57;
	v12 =	vmul.f32 v60, v55;
	v58 =	vmul.f32 v48, v4  }
0x20b: {  	v62 =	vld [tilespmem:s5+$0x9BF0];
	v5 =	vadd.f32 v55, v5;
	v4 =	vmul.f32 v4, v4;
	v61 =	vmul.f32 v8, v8  }
0x20c: {  	v9 =	vadd.f32 v59, v9;
	v8 =	vmul.f32 v52, v8;
	v15 =	vadd.f32 $0.0e+00, v58  }
0x20d: {  	v6 =	vadd.f32 $0.0e+00, v6;
	v63 =	vmul.f32 v5, v5;
	v4 =	vadd.f32 v61, v4  }
0x20e: {  	v7 =	vadd.f32 v11, v7;
	v5 =	vmul.f32 v60, v5;
	v8 =	vadd.f32 v8, v15  }
0x20f: {  	v13 =	vmul.f32 v9, v9;
	v6 =	vadd.f32 v10, v6;
	v4 =	vadd.f32 v63, v4  }
0x210: {  	v9 =	vmul.f32 v62, v9;
	v15 =	vmul.f32 v60, v60;
	v5 =	vadd.f32 v5, v8  }
0x211: {  	v17 =	vmul.f32 v62, v59;
	v6 =	vadd.f32 v12, v6;
	v4 =	vadd.f32 v13, v4  }
0x212: {  	v18 =	vmul.f32 v62, v62;
	v7 =	vadd.f32 v15, v7;
	v5 =	vadd.f32 v9, v5  }
0x213: {  	v6 =	vadd.f32 v17, v6;
	(xrf2) =	vadd.scan.msk.f32 $0xffff, v4  }
0x214: {  	v19 =	vadd.f32 v18, v7;
	(xrf2) =	vadd.scan.msk.f32 $0xffff, v5  }
0x215: {  	(xrf2) =	vadd.scan.msk.f32 $0xffff, v6  }
0x216: {  	(xrf2) =	vadd.scan.msk.f32 $0xffff, v19;
	_ =	sdelay $0x6  }
0x217: {  	v20, _, _ =	vpop (xrf2)  }
0x218: {  	(v2sf) =	vpush v20, $0xF;
	v21, _, _ =	vpop (xrf2)  }
0x219: {  	(v2sf) =	vpush v21, $0xF;
	v22, _, _ =	vpop (xrf2)  }
0x21a: {  	(v2sf) =	vpush v22, $0xF;
	v23, _, _ =	vpop (xrf2)  }
0x21b: {  	(v2sf) =	vpush v23, $0xF  }
0x21c: {  	(v2sf) =	vpush v1, $0x6;
	_ =	sdelay $0x3  }
0x21d: {  	(v2sf) =	vpush v2, $0x6;
	_ =	sdelay $0x3  }
0x21e: {  	(v2sf) =	vpush v3, $0x6;
	_ =	sdelay $0x2  }
0x21f: {  	s2 =	spop (v2sf)  }
0x220: {  	s5 =	spop (v2sf)  }
0x221: {  	[smem:$0x7DD] =	sst s2;
	s2 =	spop (v2sf)  }
0x222: {  	[smem:$0x7D8] =	sst s5;
	s5 =	spop (v2sf)  }
0x223: {  	[smem:$0x7D9] =	sst s2;
	s2 =	spop (v2sf)  }
0x224: {  	s0 =	sand.u32 $0x380, s2  }
0x225: {  	v24 =	vld [tilespmem:s0+$0x1F80]  }
0x226: {  	v25 =	vld [tilespmem:s0+$0x1F90]  }
0x227: {  	[smem:$0x7E3] =	sst s5;
	s5 =	spop (v2sf);
	v26 =	vld [tilespmem:s0+$0x1FA0]  }
0x228: {  	v27 =	vld [tilespmem:s0+$0x1FB0];
	s0 =	sand.u32 $0x380, s5  }
0x229: {  	v28 =	vld [tilespmem:s0+$0x5F80]  }
0x22a: {  	v31 =	vld [tilespmem:s0+$0x5F90]  }
0x22b: {  	s5 =	spop (v2sf);
	v33 =	vld [tilespmem:s0+$0x5FA0]  }
0x22c: {  	s2 =	sand.u32 $0x380, s5;
	v34 =	vld [tilespmem:s0+$0x5FB0]  }
0x22d: {  	v29 =	vld [tilespmem:s2+$0x9F80]  }
0x22e: {  	v30 =	vld [tilespmem:s2+$0x9FC0]  }
0x22f: {  	v32 =	vld [tilespmem:s2+$0x9F90]  }
0x230: {  	v35 =	vld [tilespmem:s2+$0x9FD0]  }
0x231: {  	v36 =	vld [tilespmem:s2+$0x9FA0]  }
0x232: {  	v39 =	vld [tilespmem:s2+$0x9FE0]  }
0x233: {  	v4 =	vsub.f32 v24, v28  }
0x234: {  	v38 =	vld [tilespmem:s2+$0x9FB0];
	v5 =	vsub.f32 v25, v31;
	v6 =	vsub.f32 v26, v33  }
0x235: {  	v9 =	vmul.f32 v30, v29;
	v41 =	vmul.f32 v30, v30;
	v4 =	vadd.f32 v29, v4  }
0x236: {  	v44 =	vmul.f32 v35, v32;
	v45 =	vmul.f32 v35, v35;
	v5 =	vadd.f32 v32, v5  }
0x237: {  	v7 =	vsub.f32 v27, v34;
	v47 =	vmul.f32 v39, v36;
	v37 =	vmul.f32 v30, v4  }
0x238: {  	v43 =	vld [tilespmem:s2+$0x9FF0];
	v6 =	vadd.f32 v36, v6;
	v4 =	vmul.f32 v4, v4;
	v42 =	vmul.f32 v5, v5  }
0x239: {  	v7 =	vadd.f32 v38, v7;
	v5 =	vmul.f32 v35, v5;
	v15 =	vadd.f32 $0.0e+00, v37  }
0x23a: {  	v40 =	vadd.f32 $0.0e+00, v9;
	v46 =	vmul.f32 v6, v6;
	v4 =	vadd.f32 v42, v4  }
0x23b: {  	v49 =	vmul.f32 v39, v39;
	v6 =	vmul.f32 v39, v6;
	v5 =	vadd.f32 v5, v15  }
0x23c: {  	v48 =	vmul.f32 v7, v7;
	v8 =	vadd.f32 v44, v40;
	v4 =	vadd.f32 v46, v4  }
0x23d: {  	v9 =	vadd.f32 v45, v41;
	v7 =	vmul.f32 v43, v7;
	v5 =	vadd.f32 v6, v5  }
0x23e: {  	v50 =	vmul.f32 v43, v38;
	v8 =	vadd.f32 v47, v8;
	v4 =	vadd.f32 v48, v4  }
0x23f: {  	v51 =	vmul.f32 v43, v43;
	v6 =	vadd.f32 v49, v9;
	v5 =	vadd.f32 v7, v5  }
0x240: {  	v8 =	vadd.f32 v50, v8;
	(xrf2) =	vadd.scan.msk.f32 $0xffff, v4  }
0x241: {  	v52 =	vadd.f32 v51, v6;
	(xrf2) =	vadd.scan.msk.f32 $0xffff, v5  }
0x242: {  	(xrf2) =	vadd.scan.msk.f32 $0xffff, v8  }
0x243: {  	(xrf2) =	vadd.scan.msk.f32 $0xffff, v52;
	_ =	sdelay $0x6  }
0x244: {  	v53, _, _ =	vpop (xrf2)  }
0x245: {  	(v2sf) =	vpush v53, $0xF;
	v54, _, _ =	vpop (xrf2)  }
0x246: {  	(v2sf) =	vpush v54, $0xF;
	v55, _, _ =	vpop (xrf2)  }
0x247: {  	(v2sf) =	vpush v55, $0xF;
	v56, _, _ =	vpop (xrf2)  }
0x248: {  	(v2sf) =	vpush v56, $0xF  }
0x249: {  	(v2sf) =	vpush v1, $0x7;
	_ =	sdelay $0x3  }
0x24a: {  	(v2sf) =	vpush v2, $0x7;
	_ =	sdelay $0x3  }
0x24b: {  	(v2sf) =	vpush v3, $0x7;
	_ =	sdelay $0x2  }
0x24c: {  	s0 =	spop (v2sf)  }
0x24d: {  	s5 =	spop (v2sf)  }
0x24e: {  	s2 =	spop (v2sf)  }
0x24f: {  	[smem:$0x7DE] =	sst s5;
	s5 =	spop (v2sf)  }
0x250: {  	[smem:$0x7DF] =	sst s2;
	s2 =	spop (v2sf)  }
0x251: {  	[smem:$0x7E6] =	sst s0;
	s0 =	sand.u32 $0x380, s2  }
0x252: {  	v57 =	vld [tilespmem:s0+$0x2380]  }
0x253: {  	v58 =	vld [tilespmem:s0+$0x2390]  }
0x254: {  	[smem:$0x7E7] =	sst s5;
	s5 =	spop (v2sf);
	v59 =	vld [tilespmem:s0+$0x23A0]  }
0x255: {  	v60 =	vld [tilespmem:s0+$0x23B0];
	s0 =	sand.u32 $0x380, s5  }
0x256: {  	v61 =	vld [tilespmem:s0+$0x6380]  }
0x257: {  	v19 =	vld [tilespmem:s0+$0x6390]  }
0x258: {  	s5 =	spop (v2sf);
	v21 =	vld [tilespmem:s0+$0x63A0]  }
0x259: {  	s2 =	sand.u32 $0x380, s5;
	v22 =	vld [tilespmem:s0+$0x63B0]  }
0x25a: {  	v62 =	vld [tilespmem:s2+$0xA380]  }
0x25b: {  	v63 =	vld [tilespmem:s2+$0xA3C0]  }
0x25c: {  	v20 =	vld [tilespmem:s2+$0xA390]  }
0x25d: {  	v23 =	vld [tilespmem:s2+$0xA3D0]  }
0x25e: {  	v24 =	vld [tilespmem:s2+$0xA3A0]  }
0x25f: {  	v27 =	vld [tilespmem:s2+$0xA3E0]  }
0x260: {  	v4 =	vsub.f32 v57, v61  }
0x261: {  	v26 =	vld [tilespmem:s2+$0xA3B0];
	v5 =	vsub.f32 v58, v19;
	v6 =	vsub.f32 v59, v21  }
0x262: {  	v9 =	vmul.f32 v63, v62;
	v10 =	vmul.f32 v63, v63;
	v4 =	vadd.f32 v62, v4  }
0x263: {  	v31 =	vmul.f32 v23, v20;
	v32 =	vmul.f32 v23, v23;
	v5 =	vadd.f32 v20, v5  }
0x264: {  	v7 =	vsub.f32 v60, v22;
	v35 =	vmul.f32 v27, v24;
	v25 =	vmul.f32 v63, v4  }
0x265: {  	v30 =	vld [tilespmem:s2+$0xA3F0];
	v6 =	vadd.f32 v24, v6;
	v4 =	vmul.f32 v4, v4;
	v29 =	vmul.f32 v5, v5  }
0x266: {  	v7 =	vadd.f32 v26, v7;
	v5 =	vmul.f32 v23, v5;
	v15 =	vadd.f32 $0.0e+00, v25  }
0x267: {  	v28 =	vadd.f32 $0.0e+00, v9;
	v33 =	vmul.f32 v6, v6;
	v4 =	vadd.f32 v29, v4  }
0x268: {  	v37 =	vmul.f32 v27, v27;
	v6 =	vmul.f32 v27, v6;
	v5 =	vadd.f32 v5, v15  }
0x269: {  	v36 =	vmul.f32 v7, v7;
	v8 =	vadd.f32 v31, v28;
	v4 =	vadd.f32 v33, v4  }
0x26a: {  	v34 =	vadd.f32 v32, v10;
	v7 =	vmul.f32 v30, v7;
	v5 =	vadd.f32 v6, v5  }
0x26b: {  	v38 =	vmul.f32 v30, v26;
	v8 =	vadd.f32 v35, v8;
	v4 =	vadd.f32 v36, v4  }
0x26c: {  	v39 =	vmul.f32 v30, v30;
	v6 =	vadd.f32 v37, v34;
	v5 =	vadd.f32 v7, v5  }
0x26d: {  	v8 =	vadd.f32 v38, v8;
	(xrf2) =	vadd.scan.msk.f32 $0xffff, v4  }
0x26e: {  	v40 =	vadd.f32 v39, v6;
	(xrf2) =	vadd.scan.msk.f32 $0xffff, v5  }
0x26f: {  	(xrf2) =	vadd.scan.msk.f32 $0xffff, v8  }
0x270: {  	(xrf2) =	vadd.scan.msk.f32 $0xffff, v40;
	_ =	sdelay $0x2  }
0x271: {  	v41 =	vld [tilespmem:s9+$0x10];
	_ =	sdelay $0x3  }
0x272: {  	v43 =	vld [tilespmem:s9+$0x290];
	v42, _, _ =	vpop (xrf2)  }
0x273: {  	vm15 =	vgt.s32 v41, $0x0;
	(v2sf) =	vpush v42, $0xF;
	v44, _, _ =	vpop (xrf2)  }
0x274: {  	v47 =	vld [tilespmem:s9+$0x510];
	v4 =	vnsel vm15, $0x0, v41;
	(v2sf) =	vpush v44, $0xF;
	v45, _, _ =	vpop (xrf2)  }
0x275: {  	v4 =	vmin.u32 v4, $0xF423F;
	(v2sf) =	vpush v45, $0xF;
	v46, _, _ =	vpop (xrf2)  }
0x276: {  	v4 =	vshll.u32 v4, $0x4;
	(v2sf) =	vpush v46, $0xF  }
0x277: {  	vm15 =	vgt.s32 v43, $0x0;
	(v2sf) =	vpush v4, $0x0  }
0x278: {  	v6 =	vnsel vm15, $0x0, v43  }
0x279: {  	vm15 =	vgt.s32 v47, $0x0;
	v6 =	vmin.u32 v6, $0xF423F  }
0x27a: {  	v5 =	vnsel vm15, $0x0, v47;
	v6 =	vshll.u32 v6, $0x4  }
0x27b: {  	v5 =	vmin.u32 v5, $0x3E7;
	(v2sf) =	vpush v6, $0x0  }
0x27c: {  	v5 =	vshll.u32 v5, $0x4  }
0x27d: {  	(v2sf) =	vpush v5, $0x0;
	_ =	sdelay $0x4  }
0x27e: {  	[smem:$0x7F9] =	sst s9;
	s9 =	spop (v2sf);
	(v2sf) =	vpush v4, $0x1  }
0x27f: {  	s2 =	spop (v2sf)  }
0x280: {  	s5 =	spop (v2sf)  }
0x281: {  	[smem:$0x7E8] =	sst s9;
	s9 =	spop (v2sf)  }
0x282: {  	[smem:$0x7E0] =	sst s2;
	(v2sf) =	vpush v6, $0x1;
	s2 =	spop (v2sf)  }
0x283: {  	(v2sf) =	vpush v5, $0x1;
	s0 =	sand.u32 $0xFFFF80, s2  }
0x284: {  	s0 =	sadd.s32 s3, s0  }
0x285: {  	[tilespmem:s4], [sflag:$0x1] =	stream.linear.gather [hbm4b:s0+s1], $0x400, $0x38;
	[tilespmem:$0xC980] =	vst v63  }
0x286: {  	s4 =	spop (v2sf)  }
0x287: {  	(v2sf) =	vpush v4, $0x2;
	s0 =	sand.u32 $0xFFFF80, s4  }
0x288: {  	[smem:$0x7E1] =	sst s5;
	s5 =	spop (v2sf);
	s0 =	sadd.s32 s3, s0  }
0x289: {  	(v2sf) =	vpush v6, $0x2;
	[tilespmem:s6], [sflag:$0x1] =	stream.linear.gather [hbm4b:s0+s1], $0x400, $0x38;
	[tilespmem:$0xC980] =	vst v63  }
0x28a: {  	s0 =	sand.u32 $0x3F80, s5  }
0x28b: {  	s0 =	sadd.s32 s21, s0  }
0x28c: {  	[tilespmem:s7], [sflag:$0x1] =	stream.linear.gather [hbm4b:s0+s1], $0x400, $0x38;
	[tilespmem:$0xC980] =	vst v63  }
0x28d: {  	(v2sf) =	vpush v5, $0x2;
	s6 =	spop (v2sf)  }
0x28e: {  	s0 =	sand.u32 $0xFFFF80, s6  }
0x28f: {  	s0 =	sadd.s32 s3, s0  }
0x290: {  	[tilespmem:s8], [sflag:$0x1] =	stream.linear.gather [hbm4b:s0+s1], $0x400, $0x38;
	[tilespmem:$0xC980] =	vst v63  }
0x291: {  	s7 =	spop (v2sf)  }
0x292: {  	s8 =	spop (v2sf);
	(v2sf) =	vpush v4, $0x3;
	_ =	sdelay $0x2  }
0x293: {  	s0 =	sand.u32 $0xFFFF80, s7  }
0x294: {  	[smem:$0x7E9] =	sst s9;
	s0 =	sadd.s32 s3, s0;
	s9 =	spop (v2sf);
	(v2sf) =	vpush v6, $0x3  }
0x295: {  	[tilespmem:s10], [sflag:$0x1] =	stream.linear.gather [hbm4b:s0+s1], $0x400, $0x38;
	[tilespmem:$0xC980] =	vst v63  }
0x296: {  	s10 =	spop (v2sf);
	(v2sf) =	vpush v5, $0x3  }
0x297: {  	s0 =	sand.u32 $0x3F80, s8  }
0x298: {  	s0 =	sadd.s32 s21, s0  }
0x299: {  	[tilespmem:s11], [sflag:$0x1] =	stream.linear.gather [hbm4b:s0+s1], $0x400, $0x38;
	[tilespmem:$0xC980] =	vst v63  }
0x29a: {  	s11 =	spop (v2sf);
	(v2sf) =	vpush v4, $0x4;
	_ =	sdelay $0x1  }
0x29b: {  	s0 =	sand.u32 $0xFFFF80, s9  }
0x29c: {  	s0 =	sadd.s32 s3, s0  }
0x29d: {  	[tilespmem:s12], [sflag:$0x1] =	stream.linear.gather [hbm4b:s0+s1], $0x400, $0x38;
	[tilespmem:$0xC980] =	vst v63  }
0x29e: {  	s0 =	sand.u32 $0xFFFF80, s10;
	s12 =	spop (v2sf);
	(v2sf) =	vpush v6, $0x4  }
0x29f: {  	s0 =	sadd.s32 s3, s0  }
0x2a0: {  	[tilespmem:s13], [sflag:$0x1] =	stream.linear.gather [hbm4b:s0+s1], $0x400, $0x38;
	[tilespmem:$0xC980] =	vst v63  }
0x2a1: {  	s0 =	sand.u32 $0x3F80, s11  }
0x2a2: {  	s0 =	sadd.s32 s21, s0;
	s13 =	spop (v2sf);
	(v2sf) =	vpush v5, $0x4  }
0x2a3: {  	[tilespmem:s14], [sflag:$0x1] =	stream.linear.gather [hbm4b:s0+s1], $0x400, $0x38;
	[tilespmem:$0xC980] =	vst v63  }
0x2a4: {  	s0 =	sand.u32 $0xFFFF80, s12;
	s14 =	spop (v2sf);
	(v2sf) =	vpush v4, $0x5  }
0x2a5: {  	s0 =	sadd.s32 s3, s0  }
0x2a6: {  	[tilespmem:s15], [sflag:$0x1] =	stream.linear.gather [hbm4b:s0+s1], $0x400, $0x38;
	[tilespmem:$0xC980] =	vst v63  }
0x2a7: {  	s0 =	sand.u32 $0xFFFF80, s13  }
0x2a8: {  	s0 =	sadd.s32 s3, s0;
	s15 =	spop (v2sf);
	(v2sf) =	vpush v6, $0x5  }
0x2a9: {  	[tilespmem:s16], [sflag:$0x1] =	stream.linear.gather [hbm4b:s0+s1], $0x400, $0x38;
	[tilespmem:$0xC980] =	vst v63  }
0x2aa: {  	s0 =	sand.u32 $0x3F80, s14  }
0x2ab: {  	s0 =	sadd.s32 s21, s0  }
0x2ac: {  	[tilespmem:s17], [sflag:$0x1] =	stream.linear.gather [hbm4b:s0+s1], $0x400, $0x38;
	[tilespmem:$0xC980] =	vst v63  }
0x2ad: {  	s0 =	sand.u32 $0xFFFF80, s15;
	s16 =	spop (v2sf);
	(v2sf) =	vpush v5, $0x5  }
0x2ae: {  	s0 =	sadd.s32 s3, s0  }
0x2af: {  	[tilespmem:s18], [sflag:$0x1] =	stream.linear.gather [hbm4b:s0+s1], $0x400, $0x38;
	[tilespmem:$0xC980] =	vst v63  }
0x2b0: {  	s0 =	sand.u32 $0xFFFF80, s16  }
0x2b1: {  	s0 =	sadd.s32 s3, s0;
	s17 =	spop (v2sf);
	(v2sf) =	vpush v4, $0x6  }
0x2b2: {  	[tilespmem:s20], [sflag:$0x1] =	stream.linear.gather [hbm4b:s0+s1], $0x400, $0x38;
	[tilespmem:$0xC980] =	vst v63  }
0x2b3: {  	s18 =	spop (v2sf);
	(v2sf) =	vpush v6, $0x6  }
0x2b4: {  	s0 =	sand.u32 $0x3F80, s17  }
0x2b5: {  	s0 =	sadd.s32 s21, s0  }
0x2b6: {  	[tilespmem:s19], [sflag:$0x1] =	stream.linear.gather [hbm4b:s0+s1], $0x400, $0x38;
	[tilespmem:$0xC980] =	vst v63  }
0x2b7: {  	s19 =	spop (v2sf);
	(v2sf) =	vpush v5, $0x6;
	_ =	sdelay $0x1  }
0x2b8: {  	s0 =	sand.u32 $0xFFFF80, s18  }
0x2b9: {  	s0 =	sadd.s32 s3, s0  }
0x2ba: {  	[tilespmem:s22], [sflag:$0x1] =	stream.linear.gather [hbm4b:s0+s1], $0x400, $0x38;
	[tilespmem:$0xC980] =	vst v63  }
0x2bb: {  	s0 =	sand.u32 $0xFFFF80, s19;
	s20 =	spop (v2sf);
	(v2sf) =	vpush v4, $0x7  }
0x2bc: {  	s0 =	sadd.s32 s3, s0  }
0x2bd: {  	[tilespmem:s23], [sflag:$0x1] =	stream.linear.gather [hbm4b:s0+s1], $0x400, $0x38;
	[tilespmem:$0xC980] =	vst v63  }
0x2be: {  	s0 =	sand.u32 $0x3F80, s20  }
0x2bf: {  	s0 =	sadd.s32 s21, s0;
	s22 =	spop (v2sf);
	(v2sf) =	vpush v6, $0x7  }
0x2c0: {  	[tilespmem:s24], [sflag:$0x1] =	stream.linear.gather [hbm4b:s0+s1], $0x400, $0x38;
	[tilespmem:$0xC980] =	vst v63  }
0x2c1: {  	s0 =	sand.u32 $0xFFFF80, s22;
	s23 =	spop (v2sf);
	(v2sf) =	vpush v5, $0x7  }
0x2c2: {  	s0 =	sadd.s32 s3, s0  }
0x2c3: {  	[tilespmem:s25], [sflag:$0x1] =	stream.linear.gather [hbm4b:s0+s1], $0x400, $0x38;
	[tilespmem:$0xC980] =	vst v63  }
0x2c4: {  	s0 =	sand.u32 $0xFFFF80, s23  }
0x2c5: {  	s24 =	spop (v2sf);
	s0 =	sadd.s32 s3, s0  }
0x2c6: {  	[tilespmem:s26], [sflag:$0x1] =	stream.linear.gather [hbm4b:s0+s1], $0x400, $0x38;
	[tilespmem:$0xC980] =	vst v63  }
0x2c7: {  	s0 =	sand.u32 $0x3F80, s24  }
0x2c8: {  	s0 =	sadd.s32 s21, s0  }
0x2c9: {  	[tilespmem:s28], [sflag:$0x1] =	stream.linear.gather [hbm4b:s0+s1], $0x400, $0x38;
	[tilespmem:$0xC980] =	vst v63  }
0x2ca: {  	s25 =	spop (v2sf)  }
0x2cb: {  	s0 =	sand.u32 $0xFFFF80, s25  }
0x2cc: {  	s0 =	sadd.s32 s3, s0  }
0x2cd: {  	[tilespmem:s29], [sflag:$0x1] =	stream.linear.gather [hbm4b:s0+s1], $0x400, $0x38;
	[tilespmem:$0xC980] =	vst v63  }
0x2ce: {  	s26 =	spop (v2sf)  }
0x2cf: {  	s0 =	sand.u32 $0xFFFF80, s26  }
0x2d0: {  	s2 =	spop (v2sf);
	s0 =	sadd.s32 s3, s0  }
0x2d1: {  	[tilespmem:s30], [sflag:$0x1] =	stream.linear.gather [hbm4b:s0+s1], $0x400, $0x38;
	[tilespmem:$0xC980] =	vst v63  }
0x2d2: {  	s0 =	sand.u32 $0x3F80, s2  }
0x2d3: {  	s4 =	simm.s32 $0x2;
	s0 =	sadd.s32 s21, s0  }
0x2d4: {  	[tilespmem:s31], [sflag:$0x1] =	stream.linear.gather [hbm4b:s0+s1], $0x400, $0x38;
	[tilespmem:$0xC980] =	vst v63  }
0x2d5: {  	_ =	swait.ge [sflag:s4], $0x2000  }
0x2d6: {  	[sflag:s4] =	ssyncset.done $0x0  }
0x2d7: {  	[sflag:s4] =	ssyncadd.s32 $0xFFFFE000  }
0x2d8: {  	_ =	swait.ge [sflag:s4], $0x2000  }
0x2d9: {  	[sflag:s4] =	ssyncset.done $0x0  }
0x2da: {  	[sflag:s4] =	ssyncadd.s32 $0xFFFFE000  }
0x2db: {  	_ =	swait.ge [sflag:s4], $0x2000  }
0x2dc: {  	(v2sf) =	vpush v1, $0x8;
	_ =	sdelay $0x3  }
0x2dd: {  	(v2sf) =	vpush v2, $0x8;
	_ =	sdelay $0x3  }
0x2de: {  	(v2sf) =	vpush v3, $0x8;
	_ =	sdelay $0x6  }
0x2df: {  	[sflag:s4] =	ssyncset.done $0x0;
	s5 =	spop (v2sf)  }
0x2e0: {  	[sflag:s4] =	ssyncadd.s32 $0xFFFFE000;
	s0 =	sand.u32 $0x380, s5  }
0x2e1: {  	v48 =	vld [tilespmem:s0+$0x2780]  }
0x2e2: {  	v49 =	vld [tilespmem:s0+$0x2790]  }
0x2e3: {  	s6 =	spop (v2sf);
	v50 =	vld [tilespmem:s0+$0x27A0]  }
0x2e4: {  	v51 =	vld [tilespmem:s0+$0x27B0];
	s7 =	sand.u32 $0x380, s6  }
0x2e5: {  	v52 =	vld [tilespmem:s7+$0x6780]  }
0x2e6: {  	v55 =	vld [tilespmem:s7+$0x6790]  }
0x2e7: {  	s8 =	spop (v2sf);
	v57 =	vld [tilespmem:s7+$0x67A0]  }
0x2e8: {  	s2 =	sand.u32 $0x380, s8;
	v58 =	vld [tilespmem:s7+$0x67B0]  }
0x2e9: {  	v53 =	vld [tilespmem:s2+$0xA780]  }
0x2ea: {  	v54 =	vld [tilespmem:s2+$0xA7C0]  }
0x2eb: {  	v56 =	vld [tilespmem:s2+$0xA790]  }
0x2ec: {  	v59 =	vld [tilespmem:s2+$0xA7D0]  }
0x2ed: {  	v60 =	vld [tilespmem:s2+$0xA7A0]  }
0x2ee: {  	v63 =	vld [tilespmem:s2+$0xA7E0]  }
0x2ef: {  	v4 =	vsub.f32 v48, v52  }
0x2f0: {  	v62 =	vld [tilespmem:s2+$0xA7B0];
	v5 =	vsub.f32 v49, v55;
	v6 =	vsub.f32 v50, v57  }
0x2f1: {  	v9 =	vmul.f32 v54, v53;
	v10 =	vmul.f32 v54, v54;
	v4 =	vadd.f32 v53, v4  }
0x2f2: {  	v23 =	vmul.f32 v59, v56;
	v24 =	vmul.f32 v59, v59;
	v5 =	vadd.f32 v56, v5  }
0x2f3: {  	v7 =	vsub.f32 v51, v58;
	v27 =	vmul.f32 v63, v60;
	v61 =	vmul.f32 v54, v4  }
0x2f4: {  	v22 =	vld [tilespmem:s2+$0xA7F0];
	v6 =	vadd.f32 v60, v6;
	v4 =	vmul.f32 v4, v4;
	v21 =	vmul.f32 v5, v5  }
0x2f5: {  	v7 =	vadd.f32 v62, v7;
	v5 =	vmul.f32 v59, v5;
	v15 =	vadd.f32 $0.0e+00, v61  }
0x2f6: {  	v20 =	vadd.f32 $0.0e+00, v9;
	v25 =	vmul.f32 v6, v6;
	v4 =	vadd.f32 v21, v4  }
0x2f7: {  	v29 =	vmul.f32 v63, v63;
	v6 =	vmul.f32 v63, v6;
	v5 =	vadd.f32 v5, v15  }
0x2f8: {  	v28 =	vmul.f32 v7, v7;
	v8 =	vadd.f32 v23, v20;
	v4 =	vadd.f32 v25, v4  }
0x2f9: {  	v26 =	vadd.f32 v24, v10;
	v7 =	vmul.f32 v22, v7;
	v5 =	vadd.f32 v6, v5  }
0x2fa: {  	v30 =	vmul.f32 v22, v62;
	v8 =	vadd.f32 v27, v8;
	v4 =	vadd.f32 v28, v4  }
0x2fb: {  	v31 =	vmul.f32 v22, v22;
	v6 =	vadd.f32 v29, v26;
	v5 =	vadd.f32 v7, v5  }
0x2fc: {  	v8 =	vadd.f32 v30, v8;
	(xrf2) =	vadd.scan.msk.f32 $0xffff, v4  }
0x2fd: {  	v32 =	vadd.f32 v31, v6;
	(xrf2) =	vadd.scan.msk.f32 $0xffff, v5  }
0x2fe: {  	(xrf2) =	vadd.scan.msk.f32 $0xffff, v8  }
0x2ff: {  	(xrf2) =	vadd.scan.msk.f32 $0xffff, v32;
	_ =	sdelay $0x6  }
0x300: {  	v33, _, _ =	vpop (xrf2)  }
0x301: {  	(v2sf) =	vpush v33, $0xF;
	v34, _, _ =	vpop (xrf2)  }
0x302: {  	(v2sf) =	vpush v34, $0xF;
	v35, _, _ =	vpop (xrf2)  }
0x303: {  	(v2sf) =	vpush v35, $0xF;
	v36, _, _ =	vpop (xrf2)  }
0x304: {  	(v2sf) =	vpush v36, $0xF  }
0x305: {  	(v2sf) =	vpush v1, $0x9;
	_ =	sdelay $0x3  }
0x306: {  	(v2sf) =	vpush v2, $0x9;
	_ =	sdelay $0x3  }
0x307: {  	(v2sf) =	vpush v3, $0x9;
	_ =	sdelay $0x2  }
0x308: {  	s9 =	spop (v2sf)  }
0x309: {  	s10 =	spop (v2sf)  }
0x30a: {  	s11 =	spop (v2sf)  }
0x30b: {  	s12 =	spop (v2sf)  }
0x30c: {  	s13 =	spop (v2sf)  }
0x30d: {  	s0 =	sand.u32 $0x380, s13  }
0x30e: {  	v37 =	vld [tilespmem:s0+$0x2B80]  }
0x30f: {  	v38 =	vld [tilespmem:s0+$0x2B90]  }
0x310: {  	s14 =	spop (v2sf);
	v39 =	vld [tilespmem:s0+$0x2BA0]  }
0x311: {  	v40 =	vld [tilespmem:s0+$0x2BB0];
	s15 =	sand.u32 $0x380, s14  }
0x312: {  	v41 =	vld [tilespmem:s15+$0x6B80]  }
0x313: {  	v44 =	vld [tilespmem:s15+$0x6B90]  }
0x314: {  	s16 =	spop (v2sf);
	v46 =	vld [tilespmem:s15+$0x6BA0]  }
0x315: {  	s2 =	sand.u32 $0x380, s16;
	v47 =	vld [tilespmem:s15+$0x6BB0]  }
0x316: {  	v42 =	vld [tilespmem:s2+$0xAB80]  }
0x317: {  	v43 =	vld [tilespmem:s2+$0xABC0]  }
0x318: {  	v45 =	vld [tilespmem:s2+$0xAB90]  }
0x319: {  	v48 =	vld [tilespmem:s2+$0xABD0]  }
0x31a: {  	v49 =	vld [tilespmem:s2+$0xABA0]  }
0x31b: {  	v52 =	vld [tilespmem:s2+$0xABE0]  }
0x31c: {  	v4 =	vsub.f32 v37, v41  }
0x31d: {  	v51 =	vld [tilespmem:s2+$0xABB0];
	v5 =	vsub.f32 v38, v44;
	v6 =	vsub.f32 v39, v46  }
0x31e: {  	v9 =	vmul.f32 v43, v42;
	v10 =	vmul.f32 v43, v43;
	v4 =	vadd.f32 v42, v4  }
0x31f: {  	v56 =	vmul.f32 v48, v45;
	v57 =	vmul.f32 v48, v48;
	v5 =	vadd.f32 v45, v5  }
0x320: {  	v7 =	vsub.f32 v40, v47;
	v60 =	vmul.f32 v52, v49;
	v50 =	vmul.f32 v43, v4  }
0x321: {  	v55 =	vld [tilespmem:s2+$0xABF0];
	v6 =	vadd.f32 v49, v6;
	v4 =	vmul.f32 v4, v4;
	v54 =	vmul.f32 v5, v5  }
0x322: {  	v7 =	vadd.f32 v51, v7;
	v5 =	vmul.f32 v48, v5;
	v15 =	vadd.f32 $0.0e+00, v50  }
0x323: {  	v53 =	vadd.f32 $0.0e+00, v9;
	v58 =	vmul.f32 v6, v6;
	v4 =	vadd.f32 v54, v4  }
0x324: {  	v62 =	vmul.f32 v52, v52;
	v6 =	vmul.f32 v52, v6;
	v5 =	vadd.f32 v5, v15  }
0x325: {  	v61 =	vmul.f32 v7, v7;
	v8 =	vadd.f32 v56, v53;
	v4 =	vadd.f32 v58, v4  }
0x326: {  	v59 =	vadd.f32 v57, v10;
	v7 =	vmul.f32 v55, v7;
	v5 =	vadd.f32 v6, v5  }
0x327: {  	v63 =	vmul.f32 v55, v51;
	v8 =	vadd.f32 v60, v8;
	v4 =	vadd.f32 v61, v4  }
0x328: {  	v12 =	vmul.f32 v55, v55;
	v6 =	vadd.f32 v62, v59;
	v5 =	vadd.f32 v7, v5  }
0x329: {  	v8 =	vadd.f32 v63, v8;
	(xrf2) =	vadd.scan.msk.f32 $0xffff, v4  }
0x32a: {  	v13 =	vadd.f32 v12, v6;
	(xrf2) =	vadd.scan.msk.f32 $0xffff, v5  }
0x32b: {  	(xrf2) =	vadd.scan.msk.f32 $0xffff, v8  }
0x32c: {  	(xrf2) =	vadd.scan.msk.f32 $0xffff, v13;
	_ =	sdelay $0x6  }
0x32d: {  	v14, _, _ =	vpop (xrf2)  }
0x32e: {  	(v2sf) =	vpush v14, $0xF;
	v15, _, _ =	vpop (xrf2)  }
0x32f: {  	(v2sf) =	vpush v15, $0xF;
	v16, _, _ =	vpop (xrf2)  }
0x330: {  	(v2sf) =	vpush v16, $0xF;
	v17, _, _ =	vpop (xrf2)  }
0x331: {  	(v2sf) =	vpush v17, $0xF  }
0x332: {  	(v2sf) =	vpush v1, $0xA;
	_ =	sdelay $0x3  }
0x333: {  	(v2sf) =	vpush v2, $0xA;
	_ =	sdelay $0x3  }
0x334: {  	(v2sf) =	vpush v3, $0xA;
	_ =	sdelay $0x2  }
0x335: {  	s17 =	spop (v2sf)  }
0x336: {  	s13 =	spop (v2sf)  }
0x337: {  	s18 =	spop (v2sf)  }
0x338: {  	s19 =	spop (v2sf)  }
0x339: {  	s20 =	spop (v2sf)  }
0x33a: {  	s0 =	sand.u32 $0x380, s20  }
0x33b: {  	v18 =	vld [tilespmem:s0+$0x2F80]  }
0x33c: {  	v19 =	vld [tilespmem:s0+$0x2F90]  }
0x33d: {  	s22 =	spop (v2sf);
	v20 =	vld [tilespmem:s0+$0x2FA0]  }
0x33e: {  	v21 =	vld [tilespmem:s0+$0x2FB0];
	s23 =	sand.u32 $0x380, s22  }
0x33f: {  	v22 =	vld [tilespmem:s23+$0x6F80]  }
0x340: {  	v25 =	vld [tilespmem:s23+$0x6F90]  }
0x341: {  	s24 =	spop (v2sf);
	v27 =	vld [tilespmem:s23+$0x6FA0]  }
0x342: {  	s2 =	sand.u32 $0x380, s24;
	v28 =	vld [tilespmem:s23+$0x6FB0]  }
0x343: {  	v23 =	vld [tilespmem:s2+$0xAF80]  }
0x344: {  	v24 =	vld [tilespmem:s2+$0xAFC0]  }
0x345: {  	v26 =	vld [tilespmem:s2+$0xAF90]  }
0x346: {  	v29 =	vld [tilespmem:s2+$0xAFD0]  }
0x347: {  	v30 =	vld [tilespmem:s2+$0xAFA0]  }
0x348: {  	v33 =	vld [tilespmem:s2+$0xAFE0]  }
0x349: {  	v4 =	vsub.f32 v18, v22  }
0x34a: {  	v32 =	vld [tilespmem:s2+$0xAFB0];
	v5 =	vsub.f32 v19, v25;
	v6 =	vsub.f32 v20, v27  }
0x34b: {  	v9 =	vmul.f32 v24, v23;
	v10 =	vmul.f32 v24, v24;
	v4 =	vadd.f32 v23, v4  }
0x34c: {  	v37 =	vmul.f32 v29, v26;
	v38 =	vmul.f32 v29, v29;
	v5 =	vadd.f32 v26, v5  }
0x34d: {  	v7 =	vsub.f32 v21, v28;
	v41 =	vmul.f32 v33, v30;
	v31 =	vmul.f32 v24, v4  }
0x34e: {  	v36 =	vld [tilespmem:s2+$0xAFF0];
	v6 =	vadd.f32 v30, v6;
	v4 =	vmul.f32 v4, v4;
	v35 =	vmul.f32 v5, v5  }
0x34f: {  	v7 =	vadd.f32 v32, v7;
	v5 =	vmul.f32 v29, v5;
	v15 =	vadd.f32 $0.0e+00, v31  }
0x350: {  	v34 =	vadd.f32 $0.0e+00, v9;
	v39 =	vmul.f32 v6, v6;
	v4 =	vadd.f32 v35, v4  }
0x351: {  	v43 =	vmul.f32 v33, v33;
	v6 =	vmul.f32 v33, v6;
	v5 =	vadd.f32 v5, v15  }
0x352: {  	v42 =	vmul.f32 v7, v7;
	v8 =	vadd.f32 v37, v34;
	v4 =	vadd.f32 v39, v4  }
0x353: {  	v40 =	vadd.f32 v38, v10;
	v7 =	vmul.f32 v36, v7;
	v5 =	vadd.f32 v6, v5  }
0x354: {  	v44 =	vmul.f32 v36, v32;
	v8 =	vadd.f32 v41, v8;
	v4 =	vadd.f32 v42, v4  }
0x355: {  	v45 =	vmul.f32 v36, v36;
	v6 =	vadd.f32 v43, v40;
	v5 =	vadd.f32 v7, v5  }
0x356: {  	v8 =	vadd.f32 v44, v8;
	(xrf2) =	vadd.scan.msk.f32 $0xffff, v4  }
0x357: {  	v46 =	vadd.f32 v45, v6;
	(xrf2) =	vadd.scan.msk.f32 $0xffff, v5  }
0x358: {  	(xrf2) =	vadd.scan.msk.f32 $0xffff, v8  }
0x359: {  	(xrf2) =	vadd.scan.msk.f32 $0xffff, v46;
	_ =	sdelay $0x6  }
0x35a: {  	v47, _, _ =	vpop (xrf2)  }
0x35b: {  	(v2sf) =	vpush v47, $0xF;
	v48, _, _ =	vpop (xrf2)  }
0x35c: {  	(v2sf) =	vpush v48, $0xF;
	v49, _, _ =	vpop (xrf2)  }
0x35d: {  	(v2sf) =	vpush v49, $0xF;
	v50, _, _ =	vpop (xrf2)  }
0x35e: {  	(v2sf) =	vpush v50, $0xF  }
0x35f: {  	(v2sf) =	vpush v1, $0xB;
	_ =	sdelay $0x3  }
0x360: {  	(v2sf) =	vpush v2, $0xB;
	_ =	sdelay $0x3  }
0x361: {  	(v2sf) =	vpush v3, $0xB;
	_ =	sdelay $0x2  }
0x362: {  	s25 =	spop (v2sf)  }
0x363: {  	[smem:$0x7EF] =	sst s19;
	s19 =	spop (v2sf)  }
0x364: {  	s26 =	spop (v2sf)  }
0x365: {  	s2 =	spop (v2sf)  }
0x366: {  	s4 =	spop (v2sf)  }
0x367: {  	s0 =	sand.u32 $0x380, s4  }
0x368: {  	v51 =	vld [tilespmem:s0+$0x3380]  }
0x369: {  	v52 =	vld [tilespmem:s0+$0x3390]  }
0x36a: {  	s5 =	spop (v2sf);
	v53 =	vld [tilespmem:s0+$0x33A0]  }
0x36b: {  	v54 =	vld [tilespmem:s0+$0x33B0];
	s6 =	sand.u32 $0x380, s5  }
0x36c: {  	v55 =	vld [tilespmem:s6+$0x7380]  }
0x36d: {  	v58 =	vld [tilespmem:s6+$0x7390]  }
0x36e: {  	s7 =	spop (v2sf);
	v60 =	vld [tilespmem:s6+$0x73A0]  }
0x36f: {  	[smem:$0x7F2] =	sst s2;
	s2 =	sand.u32 $0x380, s7;
	v61 =	vld [tilespmem:s6+$0x73B0]  }
0x370: {  	v56 =	vld [tilespmem:s2+$0xB380]  }
0x371: {  	v57 =	vld [tilespmem:s2+$0xB3C0]  }
0x372: {  	v59 =	vld [tilespmem:s2+$0xB390]  }
0x373: {  	v62 =	vld [tilespmem:s2+$0xB3D0]  }
0x374: {  	v63 =	vld [tilespmem:s2+$0xB3A0]  }
0x375: {  	v22 =	vld [tilespmem:s2+$0xB3E0]  }
0x376: {  	v4 =	vsub.f32 v51, v55  }
0x377: {  	v21 =	vld [tilespmem:s2+$0xB3B0];
	v5 =	vsub.f32 v52, v58;
	v6 =	vsub.f32 v53, v60  }
0x378: {  	v9 =	vmul.f32 v57, v56;
	v10 =	vmul.f32 v57, v57;
	v4 =	vadd.f32 v56, v4  }
0x379: {  	v26 =	vmul.f32 v62, v59;
	v27 =	vmul.f32 v62, v62;
	v5 =	vadd.f32 v59, v5  }
0x37a: {  	v7 =	vsub.f32 v54, v61;
	v30 =	vmul.f32 v22, v63;
	v20 =	vmul.f32 v57, v4  }
0x37b: {  	v25 =	vld [tilespmem:s2+$0xB3F0];
	v6 =	vadd.f32 v63, v6;
	v4 =	vmul.f32 v4, v4;
	v24 =	vmul.f32 v5, v5  }
0x37c: {  	v7 =	vadd.f32 v21, v7;
	v5 =	vmul.f32 v62, v5;
	v15 =	vadd.f32 $0.0e+00, v20  }
0x37d: {  	v23 =	vadd.f32 $0.0e+00, v9;
	v28 =	vmul.f32 v6, v6;
	v4 =	vadd.f32 v24, v4  }
0x37e: {  	v32 =	vmul.f32 v22, v22;
	v6 =	vmul.f32 v22, v6;
	v5 =	vadd.f32 v5, v15  }
0x37f: {  	v31 =	vmul.f32 v7, v7;
	v8 =	vadd.f32 v26, v23;
	v4 =	vadd.f32 v28, v4  }
0x380: {  	v29 =	vadd.f32 v27, v10;
	v7 =	vmul.f32 v25, v7;
	v5 =	vadd.f32 v6, v5  }
0x381: {  	v33 =	vmul.f32 v25, v21;
	v8 =	vadd.f32 v30, v8;
	v4 =	vadd.f32 v31, v4  }
0x382: {  	v34 =	vmul.f32 v25, v25;
	v6 =	vadd.f32 v32, v29;
	v5 =	vadd.f32 v7, v5  }
0x383: {  	v8 =	vadd.f32 v33, v8;
	(xrf2) =	vadd.scan.msk.f32 $0xffff, v4  }
0x384: {  	v35 =	vadd.f32 v34, v6;
	(xrf2) =	vadd.scan.msk.f32 $0xffff, v5  }
0x385: {  	(xrf2) =	vadd.scan.msk.f32 $0xffff, v8  }
0x386: {  	(xrf2) =	vadd.scan.msk.f32 $0xffff, v35;
	_ =	sdelay $0x6  }
0x387: {  	v36, _, _ =	vpop (xrf2)  }
0x388: {  	(v2sf) =	vpush v36, $0xF;
	v37, _, _ =	vpop (xrf2)  }
0x389: {  	(v2sf) =	vpush v37, $0xF;
	v38, _, _ =	vpop (xrf2)  }
0x38a: {  	(v2sf) =	vpush v38, $0xF;
	v39, _, _ =	vpop (xrf2)  }
0x38b: {  	(v2sf) =	vpush v39, $0xF  }
0x38c: {  	(v2sf) =	vpush v1, $0xC;
	_ =	sdelay $0x3  }
0x38d: {  	(v2sf) =	vpush v2, $0xC;
	_ =	sdelay $0x3  }
0x38e: {  	(v2sf) =	vpush v3, $0xC;
	_ =	sdelay $0x2  }
0x38f: {  	s8 =	spop (v2sf)  }
0x390: {  	s7 =	spop (v2sf)  }
0x391: {  	[smem:$0x7EA] =	sst s9;
	s9 =	spop (v2sf)  }
0x392: {  	[smem:$0x7E4] =	sst s10;
	s10 =	spop (v2sf)  }
0x393: {  	[smem:$0x7E5] =	sst s11;
	s11 =	spop (v2sf)  }
0x394: {  	s0 =	sand.u32 $0x380, s11  }
0x395: {  	v40 =	vld [tilespmem:s0+$0x3780]  }
0x396: {  	v41 =	vld [tilespmem:s0+$0x3790]  }
0x397: {  	[smem:$0x7EC] =	sst s12;
	s12 =	spop (v2sf);
	v42 =	vld [tilespmem:s0+$0x37A0]  }
0x398: {  	v43 =	vld [tilespmem:s0+$0x37B0];
	s14 =	sand.u32 $0x380, s12  }
0x399: {  	v44 =	vld [tilespmem:s14+$0x7780]  }
0x39a: {  	v47 =	vld [tilespmem:s14+$0x7790]  }
0x39b: {  	s15 =	spop (v2sf);
	v49 =	vld [tilespmem:s14+$0x77A0]  }
0x39c: {  	s2 =	sand.u32 $0x380, s15;
	v50 =	vld [tilespmem:s14+$0x77B0]  }
0x39d: {  	v45 =	vld [tilespmem:s2+$0xB780]  }
0x39e: {  	v46 =	vld [tilespmem:s2+$0xB7C0]  }
0x39f: {  	v48 =	vld [tilespmem:s2+$0xB790]  }
0x3a0: {  	v51 =	vld [tilespmem:s2+$0xB7D0]  }
0x3a1: {  	v52 =	vld [tilespmem:s2+$0xB7A0]  }
0x3a2: {  	v55 =	vld [tilespmem:s2+$0xB7E0]  }
0x3a3: {  	v4 =	vsub.f32 v40, v44  }
0x3a4: {  	v54 =	vld [tilespmem:s2+$0xB7B0];
	v5 =	vsub.f32 v41, v47;
	v6 =	vsub.f32 v42, v49  }
0x3a5: {  	v9 =	vmul.f32 v46, v45;
	v10 =	vmul.f32 v46, v46;
	v4 =	vadd.f32 v45, v4  }
0x3a6: {  	v59 =	vmul.f32 v51, v48;
	v60 =	vmul.f32 v51, v51;
	v5 =	vadd.f32 v48, v5  }
0x3a7: {  	v7 =	vsub.f32 v43, v50;
	v63 =	vmul.f32 v55, v52;
	v53 =	vmul.f32 v46, v4  }
0x3a8: {  	v58 =	vld [tilespmem:s2+$0xB7F0];
	v6 =	vadd.f32 v52, v6;
	v4 =	vmul.f32 v4, v4;
	v57 =	vmul.f32 v5, v5  }
0x3a9: {  	v7 =	vadd.f32 v54, v7;
	v5 =	vmul.f32 v51, v5;
	v15 =	vadd.f32 $0.0e+00, v53  }
0x3aa: {  	v56 =	vadd.f32 $0.0e+00, v9;
	v61 =	vmul.f32 v6, v6;
	v4 =	vadd.f32 v57, v4  }
0x3ab: {  	v14 =	vmul.f32 v55, v55;
	v6 =	vmul.f32 v55, v6;
	v5 =	vadd.f32 v5, v15  }
0x3ac: {  	v12 =	vmul.f32 v7, v7;
	v8 =	vadd.f32 v59, v56;
	v4 =	vadd.f32 v61, v4  }
0x3ad: {  	v62 =	vadd.f32 v60, v10;
	v7 =	vmul.f32 v58, v7;
	v5 =	vadd.f32 v6, v5  }
0x3ae: {  	v8 =	vadd.f32 v63, v8;
	v15 =	vmul.f32 v58, v54;
	v4 =	vadd.f32 v12, v4  }
0x3af: {  	v16 =	vmul.f32 v58, v58;
	v6 =	vadd.f32 v14, v62;
	v5 =	vadd.f32 v7, v5  }
0x3b0: {  	v8 =	vadd.f32 v15, v8;
	(xrf2) =	vadd.scan.msk.f32 $0xffff, v4  }
0x3b1: {  	v17 =	vadd.f32 v16, v6;
	(xrf2) =	vadd.scan.msk.f32 $0xffff, v5  }
0x3b2: {  	(xrf2) =	vadd.scan.msk.f32 $0xffff, v8  }
0x3b3: {  	(xrf2) =	vadd.scan.msk.f32 $0xffff, v17;
	_ =	sdelay $0x6  }
0x3b4: {  	v18, _, _ =	vpop (xrf2)  }
0x3b5: {  	(v2sf) =	vpush v18, $0xF;
	v19, _, _ =	vpop (xrf2)  }
0x3b6: {  	(v2sf) =	vpush v19, $0xF;
	v20, _, _ =	vpop (xrf2)  }
0x3b7: {  	(v2sf) =	vpush v20, $0xF;
	v21, _, _ =	vpop (xrf2)  }
0x3b8: {  	(v2sf) =	vpush v21, $0xF  }
0x3b9: {  	(v2sf) =	vpush v1, $0xD;
	_ =	sdelay $0x3  }
0x3ba: {  	(v2sf) =	vpush v2, $0xD;
	_ =	sdelay $0x3  }
0x3bb: {  	(v2sf) =	vpush v3, $0xD;
	_ =	sdelay $0x2  }
0x3bc: {  	s16 =	spop (v2sf)  }
0x3bd: {  	[smem:$0x7F7] =	sst s16;
	s16 =	spop (v2sf)  }
0x3be: {  	[smem:$0x7EE] =	sst s17;
	s17 =	spop (v2sf)  }
0x3bf: {  	[smem:$0x7EB] =	sst s18;
	s18 =	spop (v2sf)  }
0x3c0: {  	s20 =	spop (v2sf)  }
0x3c1: {  	s2 =	sand.u32 $0x380, s20  }
0x3c2: {  	v22 =	vld [tilespmem:s2+$0x3B80]  }
0x3c3: {  	v23 =	vld [tilespmem:s2+$0x3B90]  }
0x3c4: {  	s22 =	spop (v2sf);
	v24 =	vld [tilespmem:s2+$0x3BA0]  }
0x3c5: {  	v25 =	vld [tilespmem:s2+$0x3BB0];
	s23 =	sand.u32 $0x380, s22  }
0x3c6: {  	v26 =	vld [tilespmem:s23+$0x7B80]  }
0x3c7: {  	v29 =	vld [tilespmem:s23+$0x7B90]  }
0x3c8: {  	s24 =	spop (v2sf);
	v31 =	vld [tilespmem:s23+$0x7BA0]  }
0x3c9: {  	s5 =	sand.u32 $0x380, s24;
	v32 =	vld [tilespmem:s23+$0x7BB0]  }
0x3ca: {  	v27 =	vld [tilespmem:s5+$0xBB80]  }
0x3cb: {  	v28 =	vld [tilespmem:s5+$0xBBC0]  }
0x3cc: {  	v30 =	vld [tilespmem:s5+$0xBB90]  }
0x3cd: {  	v33 =	vld [tilespmem:s5+$0xBBD0]  }
0x3ce: {  	v34 =	vld [tilespmem:s5+$0xBBA0]  }
0x3cf: {  	v37 =	vld [tilespmem:s5+$0xBBE0]  }
0x3d0: {  	v4 =	vsub.f32 v22, v26  }
0x3d1: {  	v36 =	vld [tilespmem:s5+$0xBBB0];
	v5 =	vsub.f32 v23, v29;
	v6 =	vsub.f32 v24, v31  }
0x3d2: {  	v9 =	vmul.f32 v28, v27;
	v10 =	vmul.f32 v28, v28;
	v4 =	vadd.f32 v27, v4  }
0x3d3: {  	v41 =	vmul.f32 v33, v30;
	v42 =	vmul.f32 v33, v33;
	v5 =	vadd.f32 v30, v5  }
0x3d4: {  	v7 =	vsub.f32 v25, v32;
	v45 =	vmul.f32 v37, v34;
	v35 =	vmul.f32 v28, v4  }
0x3d5: {  	v40 =	vld [tilespmem:s5+$0xBBF0];
	v6 =	vadd.f32 v34, v6;
	v4 =	vmul.f32 v4, v4;
	v39 =	vmul.f32 v5, v5  }
0x3d6: {  	v7 =	vadd.f32 v36, v7;
	v5 =	vmul.f32 v33, v5;
	v15 =	vadd.f32 $0.0e+00, v35  }
0x3d7: {  	v38 =	vadd.f32 $0.0e+00, v9;
	v43 =	vmul.f32 v6, v6;
	v4 =	vadd.f32 v39, v4  }
0x3d8: {  	v47 =	vmul.f32 v37, v37;
	v6 =	vmul.f32 v37, v6;
	v5 =	vadd.f32 v5, v15  }
0x3d9: {  	v46 =	vmul.f32 v7, v7;
	v8 =	vadd.f32 v41, v38;
	v4 =	vadd.f32 v43, v4  }
0x3da: {  	v44 =	vadd.f32 v42, v10;
	v7 =	vmul.f32 v40, v7;
	v5 =	vadd.f32 v6, v5  }
0x3db: {  	v48 =	vmul.f32 v40, v36;
	v8 =	vadd.f32 v45, v8;
	v4 =	vadd.f32 v46, v4  }
0x3dc: {  	v49 =	vmul.f32 v40, v40;
	v6 =	vadd.f32 v47, v44;
	v5 =	vadd.f32 v7, v5  }
0x3dd: {  	v8 =	vadd.f32 v48, v8;
	(xrf2) =	vadd.scan.msk.f32 $0xffff, v4  }
0x3de: {  	v50 =	vadd.f32 v49, v6;
	(xrf2) =	vadd.scan.msk.f32 $0xffff, v5  }
0x3df: {  	(xrf2) =	vadd.scan.msk.f32 $0xffff, v8  }
0x3e0: {  	(xrf2) =	vadd.scan.msk.f32 $0xffff, v50;
	_ =	sdelay $0x6  }
0x3e1: {  	v51, _, _ =	vpop (xrf2)  }
0x3e2: {  	(v2sf) =	vpush v51, $0xF;
	v52, _, _ =	vpop (xrf2)  }
0x3e3: {  	(v2sf) =	vpush v52, $0xF;
	v53, _, _ =	vpop (xrf2)  }
0x3e4: {  	(v2sf) =	vpush v53, $0xF;
	v54, _, _ =	vpop (xrf2)  }
0x3e5: {  	(v2sf) =	vpush v54, $0xF  }
0x3e6: {  	(v2sf) =	vpush v1, $0xE;
	_ =	sdelay $0x3  }
0x3e7: {  	(v2sf) =	vpush v2, $0xE;
	_ =	sdelay $0x3  }
0x3e8: {  	(v2sf) =	vpush v3, $0xE;
	_ =	sdelay $0x2  }
0x3e9: {  	[smem:$0x7F1] =	sst s9;
	s9 =	spop (v2sf)  }
0x3ea: {  	s28 =	spop (v2sf)  }
0x3eb: {  	s2 =	spop (v2sf)  }
0x3ec: {  	s23 =	spop (v2sf)  }
0x3ed: {  	[smem:$0x7F0] =	sst s25;
	s25 =	spop (v2sf)  }
0x3ee: {  	s5 =	sand.u32 $0x380, s25  }
0x3ef: {  	v55 =	vld [tilespmem:s5+$0x3F80]  }
0x3f0: {  	v58 =	vld [tilespmem:s5+$0x3F90]  }
0x3f1: {  	[smem:$0x7ED] =	sst s26;
	s26 =	spop (v2sf);
	v61 =	vld [tilespmem:s5+$0x3FA0]  }
0x3f2: {  	[smem:$0x7F6] =	sst s8;
	s8 =	sand.u32 $0x380, s26;
	v62 =	vld [tilespmem:s5+$0x3FB0]  }
0x3f3: {  	v56 =	vld [tilespmem:s8+$0x7F80]  }
0x3f4: {  	v59 =	vld [tilespmem:s8+$0x7F90]  }
0x3f5: {  	s0 =	spop (v2sf);
	v20 =	vld [tilespmem:s8+$0x7FA0]  }
0x3f6: {  	[smem:$0x7F3] =	sst s17;
	s17 =	sand.u32 $0x380, s0;
	v21 =	vld [tilespmem:s8+$0x7FB0]  }
0x3f7: {  	v57 =	vld [tilespmem:s17+$0xBF80]  }
0x3f8: {  	v60 =	vld [tilespmem:s17+$0xBF90]  }
0x3f9: {  	v63 =	vld [tilespmem:s17+$0xBFC0]  }
0x3fa: {  	v22 =	vld [tilespmem:s17+$0xBFD0]  }
0x3fb: {  	v23 =	vld [tilespmem:s17+$0xBFA0]  }
0x3fc: {  	v27 =	vld [tilespmem:s17+$0xBFE0];
	v4 =	vsub.f32 v55, v56  }
0x3fd: {  	v26 =	vld [tilespmem:s17+$0xBFB0];
	v19 =	vsub.f32 v58, v59;
	v7 =	vsub.f32 v61, v20  }
0x3fe: {  	v6 =	vmul.f32 v63, v57;
	v12 =	vmul.f32 v63, v63;
	v4 =	vadd.f32 v57, v4  }
0x3ff: {  	v9 =	vmul.f32 v22, v60;
	v13 =	vmul.f32 v22, v22;
	v5 =	vadd.f32 v60, v19  }
0x400: {  	v8 =	vsub.f32 v62, v21;
	v24 =	vmul.f32 v4, v4;
	v4 =	vmul.f32 v63, v4  }
0x401: {  	v28 =	vld [tilespmem:s17+$0xBFF0];
	v31 =	vmul.f32 v27, v23;
	v7 =	vadd.f32 v23, v7;
	v25 =	vmul.f32 v5, v5  }
0x402: {  	v8 =	vadd.f32 v26, v8;
	v5 =	vmul.f32 v22, v5;
	v4 =	vadd.f32 $0.0e+00, v4  }
0x403: {  	v6 =	vadd.f32 $0.0e+00, v6;
	v29 =	vmul.f32 v7, v7;
	v15 =	vadd.f32 v25, v24  }
0x404: {  	v33 =	vmul.f32 v27, v27;
	v7 =	vmul.f32 v27, v7;
	v4 =	vadd.f32 v5, v4  }
0x405: {  	v32 =	vmul.f32 v8, v8;
	v6 =	vadd.f32 v9, v6;
	v5 =	vadd.f32 v29, v15  }
0x406: {  	v30 =	vadd.f32 v13, v12;
	v8 =	vmul.f32 v28, v8;
	v4 =	vadd.f32 v7, v4  }
0x407: {  	v34 =	vmul.f32 v28, v26;
	v6 =	vadd.f32 v31, v6;
	v5 =	vadd.f32 v32, v5  }
0x408: {  	v35 =	vmul.f32 v28, v28;
	v7 =	vadd.f32 v33, v30;
	v4 =	vadd.f32 v8, v4  }
0x409: {  	v6 =	vadd.f32 v34, v6;
	(xrf2) =	vadd.scan.msk.f32 $0xffff, v5  }
0x40a: {  	v36 =	vadd.f32 v35, v7;
	(xrf2) =	vadd.scan.msk.f32 $0xffff, v4  }
0x40b: {  	(xrf2) =	vadd.scan.msk.f32 $0xffff, v6  }
0x40c: {  	(xrf2) =	vadd.scan.msk.f32 $0xffff, v36;
	_ =	sdelay $0x6  }
0x40d: {  	v37, _, _ =	vpop (xrf2)  }
0x40e: {  	(v2sf) =	vpush v37, $0xF;
	v38, _, _ =	vpop (xrf2)  }
0x40f: {  	(v2sf) =	vpush v38, $0xF;
	v39, _, _ =	vpop (xrf2)  }
0x410: {  	(v2sf) =	vpush v39, $0xF;
	v40, _, _ =	vpop (xrf2)  }
0x411: {  	(v2sf) =	vpush v40, $0xF  }
0x412: {  	(v2sf) =	vpush v1, $0xF;
	_ =	sdelay $0x3  }
0x413: {  	(v2sf) =	vpush v2, $0xF;
	_ =	sdelay $0x3  }
0x414: {  	(v2sf) =	vpush v3, $0xF;
	_ =	sdelay $0x2  }
0x415: {  	s5 =	spop (v2sf)  }
0x416: {  	s12 =	sld [smem:$0x7C8];
	s24 =	spop (v2sf)  }
0x417: {  	s14 =	sld [smem:$0x7C9];
	s26 =	spop (v2sf)  }
0x418: {  	s31 =	sld [smem:$0x7E0];
	s22 =	spop (v2sf)  }
0x419: {  	[smem:$0x7F4] =	sst s10;
	s4 =	spop (v2sf)  }
0x41a: {  	s15 =	ssub.f32 s12, s14;
	s8 =	sand.u32 $0x380, s4  }
0x41b: {  	[smem:$0x7F5] =	sst s18;
	v1 =	vld [tilespmem:s8+$0x4380]  }
0x41c: {  	s18 =	sld [smem:$0x7CA];
	v2 =	vld [tilespmem:s8+$0x4390]  }
0x41d: {  	s25 =	sld [smem:$0x7CB];
	s6 =	spop (v2sf);
	v3 =	vld [tilespmem:s8+$0x43A0]  }
0x41e: {  	s14 =	sld [smem:$0x7CD];
	v41 =	vld [tilespmem:s8+$0x43B0];
	s10 =	sand.u32 $0x380, s6  }
0x41f: {  	s4 =	sld [smem:$0x7CE];
	v42 =	vld [tilespmem:s10+$0x8380]  }
0x420: {  	s6 =	ssub.f32 s18, s25;
	v45 =	vld [tilespmem:s10+$0x8390]  }
0x421: {  	s11 =	spop (v2sf);
	s25 =	sld [smem:$0x7D1];
	v47 =	vld [tilespmem:s10+$0x83A0]  }
0x422: {  	s17 =	sand.u32 $0x380, s11;
	v48 =	vld [tilespmem:s10+$0x83B0];
	s10 =	sadd.f32 s15, s15  }
0x423: {  	s8 =	smul.f32 s15, s15;
	s15 =	sld [smem:$0x7CF];
	v43 =	vld [tilespmem:s17+$0xC380]  }
0x424: {  	v44 =	vld [tilespmem:s17+$0xC3C0];
	s29 =	sadd.f32 s6, s6  }
0x425: {  	v46 =	vld [tilespmem:s17+$0xC390];
	s20 =	smul.f32 s10, s12;
	s12 =	sld [smem:$0x7CC]  }
0x426: {  	v49 =	vld [tilespmem:s17+$0xC3A0];
	s10 =	sld [smem:$0x7D2]  }
0x427: {  	v50 =	vld [tilespmem:s17+$0xC3D0];
	s11 =	smul.f32 s29, s18;
	s30 =	ssub.f32 s4, s15  }
0x428: {  	v52 =	vld [tilespmem:s17+$0xC3B0];
	s18 =	smul.f32 s6, s6;
	s6 =	sld [smem:$0x7D0]  }
0x429: {  	v53 =	vld [tilespmem:s17+$0xC3E0];
	s20 =	ssub.f32 s12, s20  }
0x42a: {  	v55 =	vld [tilespmem:s17+$0xC3F0];
	s17 =	ssub.f32 s14, s11  }
0x42b: {  	s29 =	sadd.f32 s30, s30  }
0x42c: {  	s8 =	smul.f32 s8, s10;
	s11 =	sld [smem:$0x7D3]  }
0x42d: {  	s14 =	ssub.f32 s6, s25  }
0x42e: {  	s8 =	sadd.f32 s20, s8  }
0x42f: {  	s20 =	sld [smem:$0x7D5]  }
0x430: {  	s15 =	smul.f32 s29, s4;
	s4 =	sld [smem:$0x7D6]  }
0x431: {  	s18 =	smul.f32 s18, s11;
	s12 =	sadd.f32 s14, s14  }
0x432: {  	s11 =	sld [smem:$0x7D9]  }
0x433: {  	s29 =	sadd.f32 s17, s18  }
0x434: {  	s18 =	sld [smem:$0x7D4]  }
0x435: {  	s10 =	smul.f32 s12, s6;
	s6 =	sld [smem:$0x7D7]  }
0x436: {  	s12 =	sld [smem:$0x7DA]  }
0x437: {  	s10 =	ssub.f32 s20, s10  }
0x438: {  	s17 =	ssub.f32 s18, s15  }
0x439: {  	s25 =	smul.f32 s30, s30;
	s20 =	ssub.f32 s4, s6  }
0x43a: {  	s6 =	sld [smem:$0x7D8]  }
0x43b: {  	s18 =	smul.f32 s25, s12;
	s15 =	sld [smem:$0x7DB]  }
0x43c: {  	s30 =	sadd.f32 s20, s20  }
0x43d: {  	s18 =	sadd.f32 s17, s18  }
0x43e: {  	s14 =	smul.f32 s14, s14;
	s17 =	sld [smem:$0x7DD]  }
0x43f: {  	v1 =	vsub.f32 v1, v42;
	s11 =	ssub.f32 s6, s11  }
0x440: {  	v2 =	vsub.f32 v2, v45;
	s14 =	smul.f32 s14, s15;
	s15 =	sld [smem:$0x7DC]  }
0x441: {  	v1 =	vadd.f32 v43, v1;
	s12 =	smul.f32 s30, s4;
	s25 =	sadd.f32 s11, s11  }
0x442: {  	v3 =	vsub.f32 v3, v47;
	v6 =	vmul.f32 v44, v43;
	v2 =	vadd.f32 v46, v2;
	s30 =	sadd.f32 s10, s14  }
0x443: {  	v4 =	vsub.f32 v41, v48;
	v9 =	vmul.f32 v50, v46;
	v51 =	vmul.f32 v44, v1;
	s10 =	ssub.f32 s15, s12  }
0x444: {  	v3 =	vadd.f32 v49, v3;
	v1 =	vmul.f32 v1, v1;
	v56 =	vmul.f32 v2, v2;
	s12 =	sld [smem:$0x7DE]  }
0x445: {  	v4 =	vadd.f32 v52, v4;
	v2 =	vmul.f32 v50, v2;
	v54 =	vadd.f32 $0.0e+00, v51;
	s15 =	sld [smem:$0x7DF];
	s0 =	smul.f32 s25, s6  }
0x446: {  	v6 =	vadd.f32 $0.0e+00, v6;
	v57 =	vmul.f32 v3, v3;
	v1 =	vadd.f32 v56, v1;
	s25 =	smul.f32 s20, s20;
	s20 =	sld [smem:$0x7E2]  }
0x447: {  	v59 =	vmul.f32 v53, v49;
	v3 =	vmul.f32 v53, v3;
	v2 =	vadd.f32 v2, v54;
	s0 =	ssub.f32 s17, s0  }
0x448: {  	v60 =	vmul.f32 v4, v4;
	v58 =	vadd.f32 v9, v6;
	v1 =	vadd.f32 v57, v1;
	s4 =	ssub.f32 s12, s15  }
0x449: {  	v2 =	vadd.f32 v3, v2;
	v3 =	vmul.f32 v55, v4;
	s17 =	sld [smem:$0x7E1]  }
0x44a: {  	v62 =	vmul.f32 v55, v52;
	v61 =	vadd.f32 v59, v58;
	v1 =	vadd.f32 v60, v1;
	s14 =	smul.f32 s25, s20;
	s25 =	sld [smem:$0x7E3]  }
0x44b: {  	v2 =	vadd.f32 v3, v2;
	s20 =	sadd.f32 s4, s4  }
0x44c: {  	v63 =	vmul.f32 v50, v50;
	v3 =	vadd.f32 v62, v61;
	(xrf2) =	vadd.scan.msk.f32 $0xffff, v1;
	v1 =	vmul.f32 v44, v44;
	s15 =	ssub.f32 s31, s17  }
0x44d: {  	(xrf2) =	vadd.scan.msk.f32 $0xffff, v2;
	s17 =	sadd.f32 s10, s14  }
0x44e: {  	s11 =	smul.f32 s11, s11;
	v1 =	vadd.f32 v63, v1;
	v2 =	vmul.f32 v53, v53;
	(xrf2) =	vadd.scan.msk.f32 $0xffff, v3;
	s14 =	sld [smem:$0x7E6]  }
0x44f: {  	s10 =	smul.f32 s20, s12;
	s12 =	sld [smem:$0x7E4]  }
0x450: {  	v1 =	vadd.f32 v2, v1;
	v2 =	vmul.f32 v55, v55;
	s11 =	smul.f32 s11, s25;
	s25 =	sld [smem:$0x7E8]  }
0x451: {  	s6 =	sadd.f32 s15, s15  }
0x452: {  	v1 =	vadd.f32 v2, v1;
	s20 =	sadd.f32 s0, s11  }
0x453: {  	s11 =	sld [smem:$0x7E5]  }
0x454: {  	s10 =	ssub.f32 s14, s10;
	s14 =	smul.f32 s15, s15  }
0x455: {  	(xrf2) =	vadd.scan.msk.f32 $0xffff, v1;
	s15 =	sld [smem:$0x7E7];
	s0 =	smul.f32 s6, s31  }
0x456: {  	v1, _, _ =	vpop (xrf2);
	s11 =	ssub.f32 s12, s11  }
0x457: {  	s4 =	smul.f32 s4, s4;
	(v2sf) =	vpush v1, $0xF;
	v2, _, _ =	vpop (xrf2);
	s0 =	ssub.f32 s25, s0  }
0x458: {  	v1, _, _ =	vpop (xrf2);
	(v2sf) =	vpush v2, $0xF;
	s25 =	sld [smem:$0x7E9]  }
0x459: {  	(v2sf) =	vpush v1, $0xF;
	s4 =	smul.f32 s4, s15;
	s15 =	sadd.f32 s11, s11  }
0x45a: {  	_ = 	snop  }
0x45b: {  	s12 =	smul.f32 s15, s12;
	s15 =	sld [smem:$0x7EA]  }
0x45c: {  	s14 =	smul.f32 s14, s25;
	s25 =	sld [smem:$0x7EB]  }
0x45d: {  	s4 =	sadd.f32 s10, s4  }
0x45e: {  	s10 =	ssub.f32 s15, s12  }
0x45f: {  	v1, _, _ =	vpop (xrf2);
	s12 =	ssub.f32 s13, s25  }
0x460: {  	(v2sf) =	vpush v1, $0xF;
	s25 =	sld [smem:$0x7EC]  }
0x461: {  	s11 =	smul.f32 s11, s11  }
0x462: {  	s31 =	sadd.f32 s12, s12  }
0x463: {  	s0 =	sadd.f32 s0, s14;
	s11 =	smul.f32 s11, s25  }
0x464: {  	s31 =	smul.f32 s31, s13;
	s13 =	sld [smem:$0x7EE]  }
0x465: {  	s14 =	smul.f32 s12, s12;
	s12 =	sld [smem:$0x7ED]  }
0x466: {  	s15 =	spop (v2sf);
	s10 =	sadd.f32 s10, s11  }
0x467: {  	s25 =	spop (v2sf);
	s31 =	ssub.f32 s13, s31  }
0x468: {  	s13 =	sld [smem:$0x7EF];
	s6 =	spop (v2sf)  }
0x469: {  	s11 =	ssub.f32 s25, s6  }
0x46a: {  	s6 =	ssub.f32 s19, s12  }
0x46b: {  	s14 =	smul.f32 s14, s13;
	s12 =	sadd.f32 s11, s11  }
0x46c: {  	s13 =	sadd.f32 s6, s6;
	s11 =	smul.f32 s11, s11  }
0x46d: {  	s12 =	smul.f32 s12, s25  }
0x46e: {  	s13 =	smul.f32 s13, s19  }
0x46f: {  	s19 =	spop (v2sf);
	s25 =	sld [smem:$0x7F0]  }
0x470: {  	s11 =	smul.f32 s11, s19;
	s19 =	sld [smem:$0x7F2]  }
0x471: {  	s12 =	ssub.f32 s15, s12  }
0x472: {  	s15 =	sld [smem:$0x7F1]  }
0x473: {  	s13 =	ssub.f32 s25, s13  }
0x474: {  	s6 =	smul.f32 s6, s6;
	s25 =	sld [smem:$0x7F3]  }
0x475: {  	s11 =	sadd.f32 s12, s11  }
0x476: {  	s6 =	smul.f32 s6, s19;
	s12 =	ssub.f32 s7, s15  }
0x477: {  	s15 =	ssub.f32 s16, s25  }
0x478: {  	s6 =	sadd.f32 s13, s6  }
0x479: {  	s13 =	sld [smem:$0x7F4]  }
0x47a: {  	s19 =	sadd.f32 s12, s12  }
0x47b: {  	s12 =	smul.f32 s12, s12  }
0x47c: {  	s7 =	smul.f32 s19, s7;
	s19 =	sadd.f32 s15, s15  }
0x47d: {  	v1 =	vmov s11;
	s11 =	smul.f32 s12, s13  }
0x47e: {  	v1 =	vsel vm0, s8, v1;
	s8 =	smul.f32 s19, s16;
	s19 =	sld [smem:$0x7F5]  }
0x47f: {  	s2 =	ssub.f32 s28, s2;
	s12 =	smul.f32 s15, s15  }
0x480: {  	s14 =	sadd.f32 s31, s14  }
0x481: {  	v1 =	vsel vm1, s29, v1;
	s12 =	smul.f32 s12, s19;
	s19 =	sld [smem:$0x7F6]  }
0x482: {  	v1 =	vsel vm2, s18, v1;
	s13 =	ssub.f32 s24, s26  }
0x483: {  	s15 =	sadd.f32 s2, s2;
	v1 =	vsel vm3, s30, v1  }
0x484: {  	v1 =	vsel vm4, s17, v1;
	s7 =	ssub.f32 s19, s7  }
0x485: {  	v1 =	vsel vm5, s20, v1;
	s19 =	sld [smem:$0x7F7]  }
0x486: {  	s16 =	sadd.f32 s13, s13;
	s15 =	smul.f32 s15, s28;
	v1 =	vsel vm6, s4, v1  }
0x487: {  	v1 =	vsel vm7, s0, v1;
	s4 =	sadd.f32 s7, s11;
	s7 =	smul.f32 s2, s2  }
0x488: {  	v1 =	vsel vm8, s10, v1;
	s8 =	ssub.f32 s19, s8  }
0x489: {  	s31 =	simm.s32 $0xA380;
	s9 =	ssub.f32 s9, s15;
	v1 =	vsel vm9, s14, v1;
	s0 =	smul.f32 s7, s23  }
0x48a: {  	s25 =	simm.s32 $0x1F80;
	s29 =	simm.s32 $0x2380;
	v1 =	vsel vm10, s6, v1;
	s2 =	sadd.f32 s8, s12  }
0x48b: {  	s18 =	simm.s32 $0x1780;
	s16 =	smul.f32 s16, s24;
	v1 =	vsel vm11, s4, v1;
	s0 =	sadd.f32 s9, s0  }
0x48c: {  	s26 =	simm.s32 $0x5F80;
	s30 =	simm.s32 $0x6380;
	s8 =	smul.f32 s13, s13;
	v1 =	vsel vm12, s2, v1  }
0x48d: {  	s17 =	simm.s32 $0x9380;
	s28 =	simm.s32 $0x9F80;
	v1 =	vsel vm13, s0, v1;
	s0 =	sld [smem:$0x7F8]  }
0x48e: {  	s20 =	simm.s32 $0x5780;
	s5 =	ssub.f32 s5, s16;
	s7 =	smul.f32 s8, s22  }
0x48f: {  	s24 =	simm.s32 $0x9B80;
	s15 =	simm.s32 $0x1380;
	s10 =	simm.s32 $0x4B80  }
0x490: {  	s16 =	simm.s32 $0x5380;
	s9 =	sadd.f32 s5, s7;
	p0 =	sne.s32 s0, $0x7C0  }
.Ltmp0:
0x491: {  	s14 =	simm.s32 $0x8F80;
	s6 =	simm.s32 $0x4780;
	(pc) =	sbr.rel @p0 .LBB2_2-.Ltmp0, $4  }
0x492: {  	s11 =	simm.s32 $0x8B80;
	s19 =	simm.s32 $0x9780;
	v1 =	vsel vm14, s9, v1;
	s9 =	sld [smem:$0x7F9]  }
0x493: {  	s23 =	simm.s32 $0x5B80;
	s4 =	simm.s32 $0x780;
	s12 =	simm.s32 $0xF80  }
0x494: {  	s13 =	simm.s32 $0x4F80;
	s22 =	simm.s32 $0x1B80;
	s8 =	simm.s32 $0xB80  }
0x495: {  	s5 =	simm.s32 $0x1;
	s7 =	simm.s32 $0x8780;
	s0 =	sadd.s32 $0x40, s0;
	[tilespmem:s9+$0xC780] =	vst v1  }
0x496: {  	_ =	swait.ge [sflag:s5], $0x2000  }
0x497: {  	[sflag:s5] =	ssyncset.done $0x0  }
0x498: {  	[sflag:s5] =	ssyncadd.s32 $0xFFFFE000  }
0x499: {  	_ =	swait.ge [sflag:s5], $0x2000  }
0x49a: {  	[sflag:s5] =	ssyncset.done $0x0  }
0x49b: {  	[sflag:s5] =	ssyncadd.s32 $0xFFFFE000  }
0x49c: {  	_ =	swait.ge [sflag:s5], $0x2000  }
0x49d: {  	[sflag:s5] =	ssyncset.done $0x0  }
0x49e: {  	s0 =	simm.s32 $0x0;
	s2 =	simm.s32 $0x40;
	[sflag:s5] =	ssyncadd.s32 $0xFFFFE000  }
.LBB2_4:
0x49f: {  	p0 =	sne.s32 s2, $0x7C0;
	v1 =	vld [tilespmem:s0+$0xC780];
	_ =	sdelay $0x4  }
0x4a0: {  	v1 =	vmax.f32 v1, $1.000000000e-30  }
0x4a1: {  	v2 =	vshra.s32 v1, $0x1;
	v3 =	vmul.f32 $5.000000000e-01, v1  }
0x4a2: {  	v2 =	vsub.s32 $0x5F3759DF, v2  }
0x4a3: {  	v4 =	vmul.f32 v2, v3;
	_ =	sdelay $0x1  }
0x4a4: {  	v4 =	vmul.f32 v2, v4;
	_ =	sdelay $0x1  }
0x4a5: {  	v4 =	vsub.f32 $1.500000000e+00, v4;
	_ =	sdelay $0x1  }
0x4a6: {  	v2 =	vmul.f32 v2, v4;
	_ =	sdelay $0x1  }
0x4a7: {  	v4 =	vmul.f32 v2, v3;
	_ =	sdelay $0x1  }
0x4a8: {  	v4 =	vmul.f32 v4, v2;
	_ =	sdelay $0x1  }
0x4a9: {  	v4 =	vsub.f32 $1.500000000e+00, v4;
	_ =	sdelay $0x1  }
0x4aa: {  	v2 =	vmul.f32 v4, v2;
	_ =	sdelay $0x1  }
0x4ab: {  	v3 =	vmul.f32 v2, v3;
	_ =	sdelay $0x1  }
0x4ac: {  	v3 =	vmul.f32 v3, v2;
	_ =	sdelay $0x1  }
0x4ad: {  	v3 =	vsub.f32 $1.500000000e+00, v3;
	_ =	sdelay $0x1  }
.Ltmp1:
0x4ae: {  	v2 =	vmul.f32 v3, v2;
	(pc) =	sbr.rel @p0 .LBB2_4-.Ltmp1, $3  }
0x4af: {  	_ = 	snop  }
0x4b0: {  	v1 =	vmul.f32 v2, v1;
	_ =	sdelay $0x1  }
0x4b1: {  	[tilespmem:s0+$0xC780] =	vst v1;
	s0 =	sshra.s32 s2, $0x2;
	s2 =	sadd.s32 $0x40, s2  }
0x4b2: {  	v1 =	vld [tilespmem:s0+$0xC780];
	_ =	sdelay $0x4  }
0x4b3: {  	v1 =	vmax.f32 v1, $1.000000000e-30  }
0x4b4: {  	v2 =	vshra.s32 v1, $0x1;
	v3 =	vmul.f32 $5.000000000e-01, v1  }
0x4b5: {  	v2 =	vsub.s32 $0x5F3759DF, v2  }
0x4b6: {  	v4 =	vmul.f32 v2, v3;
	_ =	sdelay $0x1  }
0x4b7: {  	v4 =	vmul.f32 v2, v4;
	_ =	sdelay $0x1  }
0x4b8: {  	v4 =	vsub.f32 $1.500000000e+00, v4;
	_ =	sdelay $0x1  }
0x4b9: {  	v2 =	vmul.f32 v2, v4;
	_ =	sdelay $0x1  }
0x4ba: {  	v4 =	vmul.f32 v2, v3;
	_ =	sdelay $0x1  }
0x4bb: {  	v4 =	vmul.f32 v4, v2;
	_ =	sdelay $0x1  }
0x4bc: {  	v4 =	vsub.f32 $1.500000000e+00, v4;
	_ =	sdelay $0x1  }
0x4bd: {  	v2 =	vmul.f32 v4, v2;
	_ =	sdelay $0x1  }
0x4be: {  	v3 =	vmul.f32 v2, v3;
	_ =	sdelay $0x1  }
0x4bf: {  	v3 =	vmul.f32 v3, v2;
	_ =	sdelay $0x1  }
0x4c0: {  	v3 =	vsub.f32 $1.500000000e+00, v3;
	_ =	sdelay $0x1  }
0x4c1: {  	v2 =	vmul.f32 v3, v2;
	_ =	sdelay $0x1  }
0x4c2: {  	s9 =	sld [smem:$0x7FC];
	v1 =	vmul.f32 v2, v1;
	_ =	sdelay $0x1  }
0x4c3: {  	s2 =	simm.s32 $0xC780;
	[tilespmem:s0+$0xC780] =	vst v1  }
0x4c4: {  	[hbm4b:s9+s1] =	stream.linear.scatter [tilespmem:s2], [sflag:$0x4], $0x200, $0x38;
	[tilespmem:$0xC980] =	vst v63  }
0x4c5: {  	s2 =	simm.s32 $0x4  }
0x4c6: {  	_ =	swait.ge [sflag:s2], $0x200  }
0x4c7: {  	s9 =	sld [smem:$0x7FA]  }
0x4c8: {  	s0 =	sld [smem:$0x7FD];
	_ =	sdelay $0x1  }
0x4c9: {  	s9 =	sadd.s32 $0x1, s9  }
0x4ca: {  	p0 =	sne.s32 s9, s0  }
.Ltmp2:
0x4cb: {  	_ = 	snop;
	(pc) =	sbr.rel @p0 .LBB2_1-.Ltmp2, $3  }
0x4cc: {  	_ =	sdelay $0x1  }
0x4cd: {  	[sflag:s2] =	ssyncset.done $0x0  }
0x4ce: {  	[sflag:s2] =	ssyncadd.s32 $0xFFFFFE00  }
0x4cf: {  	_ =	sfence.sel $0x180000  }
0x4d0: {  	[bflag:$0x0] =	sbarrier.arrive $0xFFFF  }
0x4d1: {  	_ =	strace $0x90000047  }
0x4d2: {  	s0 =	stileid.u32;
	[bflag:$0x2] =	sbarrier.arrive $0xFFFF  }
0x4d3: {  	p0 =	sne.s32 s0, $0x0;
	s0 =	rddreg [dreg:$0x5]  }
0x4d4: {  	s0 =	sadd.s32 @!p0 $0x100000, s0  }
0x4d5: {  	[sflag:s0] =	ssyncadd.tile.s32 @!p0 $0x1;
	_ =	shalt  }
.Lfunc_end2:
_tile_overlayer_lowered:
.L_overlay_start_2:
0x4d6: {  	(tag) =	ssettag $0x2  }
0x4d7: {  	s0 =	rddreg [dreg:$0x0];
	s2 =	stileid.u32  }
0x4d8: {  	s1 =	rddreg [dreg:$0x1];
	p0 =	sne.s32 s2, $0x0  }
0x4d9: {  	s3 =	rddreg [dreg:$0x2];
	[bflag:$0x3] =	sbarrier.arrive $0xFFFF;
	s2 =	simm.s32 @!p0 $0x1C04  }
0x4da: {  	[timem:s3], [sflag:s2] =	dma.local @!p0 [hbm:s0], s1  }
0x4db: {  	s0 =	simm.s32 @!p0 $0x4  }
0x4dc: {  	_ =	swait.ge @!p0 [sflag:s0], s1  }
0x4dd: {  	s1 =	ssub.s32 @!p0 $0x0, s1;
	[sflag:s0] =	ssyncset.done @!p0 $0x0  }
0x4de: {  	[sflag:s0] =	ssyncadd.s32 @!p0 s1  }
0x4df: {  	[bflag:$0x3] =	sbarrier.arrive $0xFFFF  }
0x4e0: {  	_ =	shalt  }

</sc_bundles>
